<compile_context>
chip_gen: v7x
topology: tpu7x:2x2x1
jax: 0.10.2.dev20260603
libtpu: 0.0.44.dev20260713+nightly
codegen_flags: <defaults>
</compile_context>

<pallas_src>
import functools

import jax
import jax.numpy as jnp
from jax import lax
from jax.experimental import pallas as pl
from jax.experimental.pallas import tpu as pltpu
from jax.experimental.pallas import tpu_sc as plsc

SEQ = 12
WIN = 5
KSZ = 5
EMB = 16
NT = SEQ - WIN + 1
D = NT * EMB
NW = 32
C = 64
CN = 1024
E_LANES = 16

_mesh = lambda: plsc.VectorSubcoreMesh(core_axis_name="c", subcore_axis_name="s")


def _prep_body(x_ref, wc_ref, cb_ref, wl_ref, wr_ref, lb_ref, rb_ref,
               xl_ref, xr_ref):
    xb = x_ref[...]
    xc = jnp.dot(xb, wc_ref[...], preferred_element_type=jnp.float32)
    xs = 1.0 / (1.0 + jnp.exp(-(xc + cb_ref[...])))
    xl_ref[...] = (
        jnp.dot(xs, wl_ref[...], preferred_element_type=jnp.float32)
        + lb_ref[...])
    xr_ref[...] = (
        jnp.dot(xs, wr_ref[...], preferred_element_type=jnp.float32)
        + rb_ref[...])


def _prep_tables(xp, wc, cb, wl, wr, lb, rb, n_pad):
    R = 512
    grid = n_pad // R
    full = lambda s: pl.BlockSpec(s, lambda i: (0, 0))
    return pl.pallas_call(
        _prep_body,
        grid=(grid,),
        in_specs=[
            pl.BlockSpec((R, SEQ), lambda i: (i, 0)),
            full((SEQ, SEQ)), full((1, 1)),
            full((SEQ, D)), full((SEQ, D)),
            full((1, D)), full((1, D)),
        ],
        out_specs=[
            pl.BlockSpec((R, D), lambda i: (i, 0)),
            pl.BlockSpec((R, D), lambda i: (i, 0)),
        ],
        out_shape=[
            jax.ShapeDtypeStruct((n_pad, D), jnp.float32),
            jax.ShapeDtypeStruct((n_pad, D), jnp.float32),
        ],
    )(xp, wc, cb, wl, wr, lb, rb)


def _edge_pass(xl, xr, srcp, dstp, att2, n_real, e_pad, e_real):
    ept = e_pad // NW
    n_chunks = ept // C
    seg = n_real * NT

    @functools.partial(
        pl.kernel,
        mesh=_mesh(),
        out_type=[
            jax.ShapeDtypeStruct((e_pad, NT), jnp.float32),
            jax.ShapeDtypeStruct((NW, seg), jnp.float32),
        ],
        scratch_types=[
            pltpu.VMEM((seg,), jnp.float32),
            pltpu.VMEM((C, D), jnp.float32),
            pltpu.VMEM((C, D), jnp.float32),
            pltpu.VMEM((C, D), jnp.float32),
            pltpu.VMEM((C, D), jnp.float32),
            pltpu.VMEM((C,), jnp.int32),
            pltpu.VMEM((C,), jnp.int32),
            pltpu.VMEM((C,), jnp.int32),
            pltpu.VMEM((C,), jnp.int32),
            pltpu.VMEM((48,), jnp.float32),
            pltpu.VMEM((C * NT,), jnp.float32),
            pltpu.VMEM((2 * C, NT), jnp.float32),
            pltpu.SemaphoreType.DMA,
            pltpu.SemaphoreType.DMA,
            pltpu.SemaphoreType.DMA,
            pltpu.SemaphoreType.DMA,
        ],
        compiler_params=pltpu.CompilerParams(
            needs_layout_passes=False, disable_bounds_checks=True),
    )
    def k1(xl_hbm, xr_hbm, src_hbm, dst_hbm, att_hbm, ex_hbm, sp_hbm,
           s_acc, xl_b0, xl_b1, xr_b0, xr_b1, src_v0, src_v1,
           dst_v0, dst_v1, att_v, al_buf, ex_buf,
           semA0, semA1, semB0, semB1):
        wid = lax.axis_index("s") * 2 + lax.axis_index("c")
        xl_bufs = (xl_b0, xl_b1)
        xr_bufs = (xr_b0, xr_b1)
        src_vs = (src_v0, src_v1)
        dst_vs = (dst_v0, dst_v1)
        semAs = (semA0, semA1)
        semBs = (semB0, semB1)

        def zbody(i, carry):
            for u in range(8):
                s_acc[pl.ds(i * 128 + u * 16, 16)] = jnp.zeros(
                    (16,), jnp.float32)
            return carry
        lax.fori_loop(0, seg // 128, zbody, 0)

        pltpu.sync_copy(att_hbm, att_v)
        ebase = wid * ept

        def issue(c, b):
            base = ebase + c * C
            pltpu.sync_copy(src_hbm.at[pl.ds(base, C)], src_vs[b])
            pltpu.sync_copy(dst_hbm.at[pl.ds(base, C)], dst_vs[b])
            pltpu.async_copy(xl_hbm.at[src_vs[b]], xl_bufs[b], semAs[b])
            pltpu.async_copy(xr_hbm.at[dst_vs[b]], xr_bufs[b], semBs[b])

        for b in range(2):
            issue(b, b)

        def chunk_pair(c2, carry):
            for b in range(2):
                c = c2 * 2 + b
                base = ebase + c * C
                xl_buf, xr_buf = xl_bufs[b], xr_bufs[b]
                pltpu.make_async_copy(
                    xl_hbm.at[src_vs[b]], xl_buf, semAs[b]).wait()
                pltpu.make_async_copy(
                    xr_hbm.at[dst_vs[b]], xr_buf, semBs[b]).wait()
                _chunk_compute(base, b * C, xl_buf, xr_buf, src_vs[b],
                               att_v, al_buf, ex_buf, s_acc, e_real)

                @pl.when(c + 2 < n_chunks)
                def _():
                    issue(c + 2, b)
            pairbase = ebase + c2 * (2 * C)
            pltpu.sync_copy(ex_buf, ex_hbm.at[pl.ds(pairbase, 2 * C)])
            return carry
        lax.fori_loop(0, n_chunks // 2, chunk_pair, 0)
        pltpu.sync_copy(s_acc, sp_hbm.at[wid])

    def _chunk_compute(base, rowoff, xl_buf, xr_buf, src_v, att_v,
                       al_buf, ex_buf, s_acc, e_real_):
        lanes = lax.iota(jnp.int32, 16)
        attA = att_v[pl.ds(8, 16)]
        attB = att_v[pl.ds(24, 16)]
        last = lanes == 15

        @plsc.parallel_loop(0, C, unroll=2)
        def edge_body(e):
            for t in range(NT):
                av = xl_buf[e, pl.ds(t * EMB, EMB)]
                bv = xr_buf[e, pl.ds(t * EMB, EMB)]
                h = av + bv
                r = attA * h + attB * jnp.abs(h)
                s = plsc.cumsum(r)
                pos = lanes * 0 + (e * NT + t)
                plsc.store_scatter(al_buf, [pos], s, mask=last)

        def expb(i, c2):
            ex_v = jnp.exp(al_buf[pl.ds(i * 16, 16)])
            p = i * 16 + lanes
            er = lax.shift_right_logical(p, 3)
            tc = lax.bitwise_and(p, 7)
            plsc.store_scatter(ex_buf, [rowoff + er, tc], ex_v)
            return c2
        lax.fori_loop(0, C * NT // 16, expb, 0)

        @plsc.parallel_loop(0, C // 16)
        def scat_body(g):
            low = lanes < 8
            t8 = lax.bitwise_and(lanes, 7)
            for p in range(8):
                e0 = g * 16 + 2 * p
                rowsel = e0 + lax.shift_right_logical(lanes, 3)
                srcpair = plsc.load_gather(src_v, [rowsel])
                exv = plsc.load_gather(ex_buf, [rowoff + rowsel, t8])
                s0 = plsc.load_gather(
                    src_v, [jnp.full((16,), 0, jnp.int32) + e0])
                s1 = plsc.load_gather(
                    src_v, [jnp.full((16,), 1, jnp.int32) + e0])
                dup = s0 == s1
                valid = (base + rowsel) < e_real_
                sidx = srcpair * NT + t8
                plsc.addupdate_scatter(
                    s_acc, [sidx], exv,
                    mask=valid & (low | jnp.logical_not(dup)))
                plsc.addupdate_scatter(
                    s_acc, [sidx], exv,
                    mask=valid & jnp.logical_not(low) & dup)

    return k1(xl, xr, srcp, dstp, att2)


def _reduce_body(sp_ref, s_ref):
    s_ref[...] = jnp.sum(sp_ref[...], axis=0)


def _reduce_partials(sp, seg):
    rows = seg // 128
    sp3 = sp.reshape(NW, rows, 128)
    out = pl.pallas_call(
        _reduce_body,
        out_shape=jax.ShapeDtypeStruct((rows, 128), jnp.float32),
    )(sp3)
    return out.reshape(-1)


def _normalize(ex_flat, s_flat, srcp, n_real, e_pad):
    ept = e_pad // NW
    n_chunks = ept // CN
    seg = n_real * NT

    @functools.partial(
        pl.kernel,
        mesh=_mesh(),
        out_type=jax.ShapeDtypeStruct((e_pad * NT,), jnp.float32),
        scratch_types=[
            pltpu.VMEM((seg,), jnp.float32),
            pltpu.VMEM((CN * NT,), jnp.float32),
            pltpu.VMEM((CN * NT,), jnp.float32),
            pltpu.VMEM((CN,), jnp.int32),
        ],
        compiler_params=pltpu.CompilerParams(
            needs_layout_passes=False, disable_bounds_checks=True),
    )
    def k2(ex_hbm, s_hbm, src_hbm, out_hbm, s_vmem, ex_buf, out_buf, src_v):
        wid = lax.axis_index("s") * 2 + lax.axis_index("c")
        pltpu.sync_copy(s_hbm, s_vmem)
        ebase = wid * ept

        def chunk_body(c, carry):
            base = ebase + c * CN
            pltpu.sync_copy(src_hbm.at[pl.ds(base, CN)], src_v)
            pltpu.sync_copy(ex_hbm.at[pl.ds(base * NT, CN * NT)], ex_buf)

            def vbody(i, vcarry):
                p = i * 16 + lax.iota(jnp.int32, 16)
                e = lax.shift_right_logical(p, 3)
                t = lax.bitwise_and(p, 7)
                sv = plsc.load_gather(src_v, [e])
                sval = plsc.load_gather(s_vmem, [sv * NT + t])
                exv = ex_buf[pl.ds(i * 16, 16)]
                out_buf[pl.ds(i * 16, 16)] = exv / sval
                return vcarry
            lax.fori_loop(0, CN * NT // 16, vbody, 0)
            pltpu.sync_copy(out_buf, out_hbm.at[pl.ds(base * NT, CN * NT)])
            return carry
        lax.fori_loop(0, n_chunks, chunk_body, 0)

    return k2(ex_flat, s_flat, srcp)


def kernel(x, edge_index, cnn_w, cnn_b, lin_l_w, lin_l_b, lin_r_w, lin_r_b, att):
    n = x.shape[0]
    e = edge_index.shape[1]
    n_pad = ((n + 511) // 512) * 512
    e_pad = ((e + NW * CN - 1) // (NW * CN)) * (NW * CN)

    xp = jnp.pad(x.astype(jnp.float32), ((0, n_pad - n), (0, 0)))
    wc = sum(cnn_w[dd] * jnp.eye(SEQ, k=2 - dd, dtype=jnp.float32)
             for dd in range(KSZ))
    lwT = lin_l_w.T.astype(jnp.float32)
    rwT = lin_r_w.T.astype(jnp.float32)
    wl = jnp.zeros((SEQ, D), jnp.float32)
    wr = jnp.zeros((SEQ, D), jnp.float32)
    for t in range(NT):
        wl = wl.at[t:t + WIN, t * EMB:(t + 1) * EMB].set(lwT)
        wr = wr.at[t:t + WIN, t * EMB:(t + 1) * EMB].set(rwT)
    cb = cnn_b.reshape(1, 1).astype(jnp.float32)
    lb = jnp.tile(lin_l_b, NT).reshape(1, D).astype(jnp.float32)
    rb = jnp.tile(lin_r_b, NT).reshape(1, D).astype(jnp.float32)

    xl, xr = _prep_tables(xp, wc, cb, wl, wr, lb, rb, n_pad)

    src = edge_index[0].astype(jnp.int32)
    dst = edge_index[1].astype(jnp.int32)
    pad = jnp.zeros((e_pad - e,), jnp.int32)
    srcp = jnp.concatenate([src, pad])
    dstp = jnp.concatenate([dst, pad])
    att2 = jnp.concatenate(
        [jnp.zeros((8,), jnp.float32), 0.6 * att[0], 0.4 * att[0],
         jnp.zeros((8,), jnp.float32)]).astype(jnp.float32)

    ex, sp = _edge_pass(xl, xr, srcp, dstp, att2, n, e_pad, e)
    s_flat = _reduce_partials(sp, n * NT)
    out_flat = _normalize(ex.reshape(-1), s_flat, srcp, n, e_pad)
    return out_flat.reshape(e_pad, NT)[:e]

# --- scband reference (transcript-rebuilt; emitter-appended) ---
"""Pipeline reference for scband-temporal-graph-41240275976718 (READ-ONLY COPY).

The authoritative reference and input builder live on the scoring server;
editing this copy changes nothing except your own understanding.
"""

import jax, jax.numpy as jnp
import numpy as np

N = 10000
E = 160000
SEQ = 12
WIN = 5
KSZ = 5
EMB = 16


def setup_inputs(seed: int = 0):
    key = jax.random.key(seed)
    ks = jax.random.split(key, 8)
    x = jax.random.normal(ks[0], (N, SEQ), dtype=jnp.float32)
    src = jax.random.randint(ks[1], (E,), 0, N)
    off = jax.random.randint(ks[2], (E,), 1, N)
    dst = (src + off) % N  # guaranteed no self-loops so shapes stay static
    edge_index = jnp.stack([src, dst], axis=0)
    cnn_w = jax.random.normal(ks[3], (KSZ,), dtype=jnp.float32) * 0.3
    cnn_b = jnp.zeros((), dtype=jnp.float32)
    lim = float(np.sqrt(1.0 / WIN))
    lin_l_w = jax.random.uniform(ks[4], (EMB, WIN), minval=-lim, maxval=lim, dtype=jnp.float32)
    lin_l_b = jnp.zeros((EMB,), dtype=jnp.float32)
    lin_r_w = jax.random.uniform(ks[5], (EMB, WIN), minval=-lim, maxval=lim, dtype=jnp.float32)
    lin_r_b = jnp.zeros((EMB,), dtype=jnp.float32)
    ga = float(np.sqrt(6.0 / (1 + EMB)))
    att = jax.random.uniform(ks[6], (1, EMB), minval=-ga, maxval=ga, dtype=jnp.float32)
    return {"x": x, "edge_index": edge_index, "cnn_w": cnn_w, "cnn_b": cnn_b,
            "lin_l_w": lin_l_w, "lin_l_b": lin_l_b, "lin_r_w": lin_r_w,
            "lin_r_b": lin_r_b, "att": att}


def reference(x, edge_index, cnn_w, cnn_b, lin_l_w, lin_l_b, lin_r_w, lin_r_b, att):
    # remove_self_loops
    mask = edge_index[0] != edge_index[1]
    ei = edge_index
    # Conv1d(1,1,k,padding='same') + sigmoid
    xc = jax.lax.conv_general_dilated(x[:, None, :], cnn_w[None, None, :], (1,), 'SAME')[:, 0, :] + cnn_b
    xs = jax.nn.sigmoid(xc)
    # unfold(dim=1, size=win, step=1)
    n_temp = xs.shape[1] - WIN + 1
    widx = jnp.arange(n_temp)[:, None] + jnp.arange(WIN)[None, :]
    xb = xs[:, widx].reshape(-1, WIN)  # [N*n_temp, win]
    # temporal edge indices: node v at temporal step t -> v*n_temp + t
    t = jnp.arange(n_temp)
    l = (ei[0][:, None] * n_temp + t[None, :]).reshape(-1)
    r = (ei[1][:, None] * n_temp + t[None, :]).reshape(-1)
    em = jnp.broadcast_to(mask[:, None], (mask.shape[0], n_temp)).reshape(-1)
    x_l = xb @ lin_l_w.T + lin_l_b
    x_r = xb @ lin_r_w.T + lin_r_b
    h = jax.nn.leaky_relu(x_l[l] + x_r[r], negative_slope=0.2)
    alpha = jnp.sum(h * att, axis=-1)
    alpha = jnp.where(em, alpha, -jnp.inf)
    # PyG-style segment softmax over destination index l
    num_seg = xb.shape[0]
    m = jax.lax.stop_gradient(jax.ops.segment_max(alpha, l, num_segments=num_seg))
    ex = jnp.where(em, jnp.exp(alpha - m[l]), 0.0)
    s = jax.ops.segment_sum(ex, l, num_segments=num_seg)
    out = jnp.where(em, ex / (s[l] + 1e-16), 0.0)
    return out.reshape(-1, n_temp)

if __name__ == "__main__":
    import jax
    _d = setup_inputs()
    print(jax.jit(kernel)(*tuple(_d.values())))

</pallas_src>

<mosaic_0001>
#map = affine_map<(d0, d1) -> (0, 0)>
#map1 = affine_map<(d0, d1) -> (0)>
module attributes {stable_mosaic.version = 14 : i64} {
  func.func @k1(%arg0: i32, %arg1: i32, %arg2: memref<10240x128xf32, #tpu.memory_space<hbm>>, %arg3: memref<10240x128xf32, #tpu.memory_space<hbm>>, %arg4: memref<163840xi32, #tpu.memory_space<hbm>>, %arg5: memref<163840xi32, #tpu.memory_space<hbm>>, %arg6: memref<48xf32, #tpu.memory_space<hbm>>, %arg7: memref<163840x8xf32, #tpu.memory_space<hbm>>, %arg8: memref<32x80000xf32, #tpu.memory_space<hbm>>, %arg9: memref<80000xf32, #tpu.memory_space<vmem>>, %arg10: memref<64x128xf32, #tpu.memory_space<vmem>>, %arg11: memref<64x128xf32, #tpu.memory_space<vmem>>, %arg12: memref<64x128xf32, #tpu.memory_space<vmem>>, %arg13: memref<64x128xf32, #tpu.memory_space<vmem>>, %arg14: memref<64xi32, #tpu.memory_space<vmem>>, %arg15: memref<64xi32, #tpu.memory_space<vmem>>, %arg16: memref<64xi32, #tpu.memory_space<vmem>>, %arg17: memref<64xi32, #tpu.memory_space<vmem>>, %arg18: memref<48xf32, #tpu.memory_space<vmem>>, %arg19: memref<512xf32, #tpu.memory_space<vmem>>, %arg20: memref<128x8xf32, #tpu.memory_space<vmem>>, %arg21: memref<!tpu.dma_semaphore, #tpu.memory_space<semaphore_mem>>, %arg22: memref<!tpu.dma_semaphore, #tpu.memory_space<semaphore_mem>>, %arg23: memref<!tpu.dma_semaphore, #tpu.memory_space<semaphore_mem>>, %arg24: memref<!tpu.dma_semaphore, #tpu.memory_space<semaphore_mem>>) attributes {dimension_semantics = [#tpu.dimension_semantics<core_parallel>, #tpu.dimension_semantics<subcore_parallel>], iteration_bounds = array<i64: 2, 16>, scalar_prefetch = 0 : i64, scratch_operands = 16 : i64, tpu.core_type = #tpu.core_type<sc_vector_subcore>, window_params = [{transform_indices = #map}, {transform_indices = #map}, {transform_indices = #map1}, {transform_indices = #map1}, {transform_indices = #map1}, {transform_indices = #map}, {transform_indices = #map}]} {
    %mul3A = arith.constant 2 : i32
    %mul3A_0 = arith.muli %arg1, %mul3A : i32
    %add3A = arith.addi %mul3A_0, %arg0 : i32
    %scan3A = arith.constant 0 : i32
    %scan3A_1 = arith.constant 0 : i32
    %scan3A_2 = arith.constant 625 : i32
    %scan3A_3 = arith.addi %scan3A_1, %scan3A_2 : i32
    %scan3A_4 = arith.constant 1 : i32
    scf.for %scan3A_29 = %scan3A_1 to %scan3A_3 step %scan3A_4  : i32 {
      %broadcast_in_dim3A = arith.constant 0.000000e+00 : f32
      %broadcast_in_dim3A_30 = vector.broadcast %broadcast_in_dim3A : f32 to vector<16xf32>
      %mul3A_31 = arith.constant 128 : i32
      %mul3A_32 = arith.muli %scan3A_29, %mul3A_31 : i32
      %add3A_33 = arith.constant 0 : i32
      %add3A_34 = arith.addi %mul3A_32, %add3A_33 : i32
      %swap3A = arith.index_cast %add3A_34 : i32 to index
      %swap3A_35 = tpu.vector_load %arg9[%swap3A] {strides = array<i32>} : memref<80000xf32, #tpu.memory_space<vmem>>, vector<16xf32>,
      tpu.vector_store %arg9[%swap3A], %broadcast_in_dim3A_30 {strides = array<i32>} : memref<80000xf32, #tpu.memory_space<vmem>>, vector<16xf32>,
      %broadcast_in_dim3A_36 = arith.constant 0.000000e+00 : f32
      %broadcast_in_dim3A_37 = vector.broadcast %broadcast_in_dim3A_36 : f32 to vector<16xf32>
      %mul3A_38 = arith.constant 128 : i32
      %mul3A_39 = arith.muli %scan3A_29, %mul3A_38 : i32
      %add3A_40 = arith.constant 16 : i32
      %add3A_41 = arith.addi %mul3A_39, %add3A_40 : i32
      %swap3A_42 = arith.index_cast %add3A_41 : i32 to index
      %swap3A_43 = tpu.vector_load %arg9[%swap3A_42] {strides = array<i32>} : memref<80000xf32, #tpu.memory_space<vmem>>, vector<16xf32>,
      tpu.vector_store %arg9[%swap3A_42], %broadcast_in_dim3A_37 {strides = array<i32>} : memref<80000xf32, #tpu.memory_space<vmem>>, vector<16xf32>,
      %broadcast_in_dim3A_44 = arith.constant 0.000000e+00 : f32
      %broadcast_in_dim3A_45 = vector.broadcast %broadcast_in_dim3A_44 : f32 to vector<16xf32>
      %mul3A_46 = arith.constant 128 : i32
      %mul3A_47 = arith.muli %scan3A_29, %mul3A_46 : i32
      %add3A_48 = arith.constant 32 : i32
      %add3A_49 = arith.addi %mul3A_47, %add3A_48 : i32
      %swap3A_50 = arith.index_cast %add3A_49 : i32 to index
      %swap3A_51 = tpu.vector_load %arg9[%swap3A_50] {strides = array<i32>} : memref<80000xf32, #tpu.memory_space<vmem>>, vector<16xf32>,
      tpu.vector_store %arg9[%swap3A_50], %broadcast_in_dim3A_45 {strides = array<i32>} : memref<80000xf32, #tpu.memory_space<vmem>>, vector<16xf32>,
      %broadcast_in_dim3A_52 = arith.constant 0.000000e+00 : f32
      %broadcast_in_dim3A_53 = vector.broadcast %broadcast_in_dim3A_52 : f32 to vector<16xf32>
      %mul3A_54 = arith.constant 128 : i32
      %mul3A_55 = arith.muli %scan3A_29, %mul3A_54 : i32
      %add3A_56 = arith.constant 48 : i32
      %add3A_57 = arith.addi %mul3A_55, %add3A_56 : i32
      %swap3A_58 = arith.index_cast %add3A_57 : i32 to index
      %swap3A_59 = tpu.vector_load %arg9[%swap3A_58] {strides = array<i32>} : memref<80000xf32, #tpu.memory_space<vmem>>, vector<16xf32>,
      tpu.vector_store %arg9[%swap3A_58], %broadcast_in_dim3A_53 {strides = array<i32>} : memref<80000xf32, #tpu.memory_space<vmem>>, vector<16xf32>,
      %broadcast_in_dim3A_60 = arith.constant 0.000000e+00 : f32
      %broadcast_in_dim3A_61 = vector.broadcast %broadcast_in_dim3A_60 : f32 to vector<16xf32>
      %mul3A_62 = arith.constant 128 : i32
      %mul3A_63 = arith.muli %scan3A_29, %mul3A_62 : i32
      %add3A_64 = arith.constant 64 : i32
      %add3A_65 = arith.addi %mul3A_63, %add3A_64 : i32
      %swap3A_66 = arith.index_cast %add3A_65 : i32 to index
      %swap3A_67 = tpu.vector_load %arg9[%swap3A_66] {strides = array<i32>} : memref<80000xf32, #tpu.memory_space<vmem>>, vector<16xf32>,
      tpu.vector_store %arg9[%swap3A_66], %broadcast_in_dim3A_61 {strides = array<i32>} : memref<80000xf32, #tpu.memory_space<vmem>>, vector<16xf32>,
      %broadcast_in_dim3A_68 = arith.constant 0.000000e+00 : f32
      %broadcast_in_dim3A_69 = vector.broadcast %broadcast_in_dim3A_68 : f32 to vector<16xf32>
      %mul3A_70 = arith.constant 128 : i32
      %mul3A_71 = arith.muli %scan3A_29, %mul3A_70 : i32
      %add3A_72 = arith.constant 80 : i32
      %add3A_73 = arith.addi %mul3A_71, %add3A_72 : i32
      %swap3A_74 = arith.index_cast %add3A_73 : i32 to index
      %swap3A_75 = tpu.vector_load %arg9[%swap3A_74] {strides = array<i32>} : memref<80000xf32, #tpu.memory_space<vmem>>, vector<16xf32>,
      tpu.vector_store %arg9[%swap3A_74], %broadcast_in_dim3A_69 {strides = array<i32>} : memref<80000xf32, #tpu.memory_space<vmem>>, vector<16xf32>,
      %broadcast_in_dim3A_76 = arith.constant 0.000000e+00 : f32
      %broadcast_in_dim3A_77 = vector.broadcast %broadcast_in_dim3A_76 : f32 to vector<16xf32>
      %mul3A_78 = arith.constant 128 : i32
      %mul3A_79 = arith.muli %scan3A_29, %mul3A_78 : i32
      %add3A_80 = arith.constant 96 : i32
      %add3A_81 = arith.addi %mul3A_79, %add3A_80 : i32
      %swap3A_82 = arith.index_cast %add3A_81 : i32 to index
      %swap3A_83 = tpu.vector_load %arg9[%swap3A_82] {strides = array<i32>} : memref<80000xf32, #tpu.memory_space<vmem>>, vector<16xf32>,
      tpu.vector_store %arg9[%swap3A_82], %broadcast_in_dim3A_77 {strides = array<i32>} : memref<80000xf32, #tpu.memory_space<vmem>>, vector<16xf32>,
      %broadcast_in_dim3A_84 = arith.constant 0.000000e+00 : f32
      %broadcast_in_dim3A_85 = vector.broadcast %broadcast_in_dim3A_84 : f32 to vector<16xf32>
      %mul3A_86 = arith.constant 128 : i32
      %mul3A_87 = arith.muli %scan3A_29, %mul3A_86 : i32
      %add3A_88 = arith.constant 112 : i32
      %add3A_89 = arith.addi %mul3A_87, %add3A_88 : i32
      %swap3A_90 = arith.index_cast %add3A_89 : i32 to index
      %swap3A_91 = tpu.vector_load %arg9[%swap3A_90] {strides = array<i32>} : memref<80000xf32, #tpu.memory_space<vmem>>, vector<16xf32>,
      tpu.vector_store %arg9[%swap3A_90], %broadcast_in_dim3A_85 {strides = array<i32>} : memref<80000xf32, #tpu.memory_space<vmem>>, vector<16xf32>,
    }
    %scan3A_5 = arith.constant 625 : i32
    "tpu.region"() ({
      %run_scoped3A = tpu.sem_alloc : memref<!tpu.dma_semaphore, #tpu.memory_space<semaphore_mem>>
      tpu.enqueue_dma source(%arg6 : memref<48xf32, #tpu.memory_space<hbm>>) target(%arg18 : memref<48xf32, #tpu.memory_space<vmem>>) target_semaphore(%run_scoped3A : memref<!tpu.dma_semaphore, #tpu.memory_space<semaphore_mem>>)
      tpu.wait_dma2 semaphore(%run_scoped3A : memref<!tpu.dma_semaphore, #tpu.memory_space<semaphore_mem>>) src(%arg6 : memref<48xf32, #tpu.memory_space<hbm>>) dst(%arg18 : memref<48xf32, #tpu.memory_space<vmem>>)
      tpu.yield
    }) : () -> ()
    %mul3A_6 = arith.constant 5120 : i32
    %mul3A_7 = arith.muli %add3A, %mul3A_6 : i32
    %add3A_8 = arith.constant 0 : i32
    %add3A_9 = arith.addi %mul3A_7, %add3A_8 : i32
    "tpu.region"() ({
      %run_scoped3A = tpu.sem_alloc : memref<!tpu.dma_semaphore, #tpu.memory_space<semaphore_mem>>
      %dma_start3A_29 = tpu.memref_slice %arg4[%add3A_9] : memref<163840xi32, #tpu.memory_space<hbm>> -> memref<64xi32, #tpu.memory_space<hbm>>
      %dma_start3A_30 = tpu.memref_slice %arg4[%add3A_9] : memref<163840xi32, #tpu.memory_space<hbm>> -> memref<64xi32, #tpu.memory_space<hbm>>
      tpu.enqueue_dma source(%dma_start3A_30 : memref<64xi32, #tpu.memory_space<hbm>>) target(%arg14 : memref<64xi32, #tpu.memory_space<vmem>>) target_semaphore(%run_scoped3A : memref<!tpu.dma_semaphore, #tpu.memory_space<semaphore_mem>>)
      %dma_wait3A = tpu.memref_slice %arg4[%add3A_9] : memref<163840xi32, #tpu.memory_space<hbm>> -> memref<64xi32, #tpu.memory_space<hbm>>
      %dma_wait3A_31 = tpu.memref_slice %arg4[%add3A_9] : memref<163840xi32, #tpu.memory_space<hbm>> -> memref<64xi32, #tpu.memory_space<hbm>>
      tpu.wait_dma2 semaphore(%run_scoped3A : memref<!tpu.dma_semaphore, #tpu.memory_space<semaphore_mem>>) src(%dma_wait3A_31 : memref<64xi32, #tpu.memory_space<hbm>>) dst(%arg14 : memref<64xi32, #tpu.memory_space<vmem>>)
      tpu.yield
    }) : () -> ()
    "tpu.region"() ({
      %run_scoped3A = tpu.sem_alloc : memref<!tpu.dma_semaphore, #tpu.memory_space<semaphore_mem>>
      %dma_start3A_29 = tpu.memref_slice %arg5[%add3A_9] : memref<163840xi32, #tpu.memory_space<hbm>> -> memref<64xi32, #tpu.memory_space<hbm>>
      %dma_start3A_30 = tpu.memref_slice %arg5[%add3A_9] : memref<163840xi32, #tpu.memory_space<hbm>> -> memref<64xi32, #tpu.memory_space<hbm>>
      tpu.enqueue_dma source(%dma_start3A_30 : memref<64xi32, #tpu.memory_space<hbm>>) target(%arg16 : memref<64xi32, #tpu.memory_space<vmem>>) target_semaphore(%run_scoped3A : memref<!tpu.dma_semaphore, #tpu.memory_space<semaphore_mem>>)
      %dma_wait3A = tpu.memref_slice %arg5[%add3A_9] : memref<163840xi32, #tpu.memory_space<hbm>> -> memref<64xi32, #tpu.memory_space<hbm>>
      %dma_wait3A_31 = tpu.memref_slice %arg5[%add3A_9] : memref<163840xi32, #tpu.memory_space<hbm>> -> memref<64xi32, #tpu.memory_space<hbm>>
      tpu.wait_dma2 semaphore(%run_scoped3A : memref<!tpu.dma_semaphore, #tpu.memory_space<semaphore_mem>>) src(%dma_wait3A_31 : memref<64xi32, #tpu.memory_space<hbm>>) dst(%arg16 : memref<64xi32, #tpu.memory_space<vmem>>)
      tpu.yield
    }) : () -> ()
    %dma_start3A = arith.constant 0 : i32
    %dma_start3A_10 = arith.constant 0 : i32
    %dma_start3A_11 = tpu.memref_slice %arg2[%dma_start3A, %dma_start3A_10] : memref<10240x128xf32, #tpu.memory_space<hbm>> -> memref<10240x128xf32, #tpu.memory_space<hbm>>
    tpu.enqueue_indirect_dma source(%dma_start3A_11 : memref<10240x128xf32, #tpu.memory_space<hbm>>) target(%arg10 : memref<64x128xf32, #tpu.memory_space<vmem>>) offsets(%arg14 : memref<64xi32, #tpu.memory_space<vmem>>) semaphore(%arg21 : memref<!tpu.dma_semaphore, #tpu.memory_space<semaphore_mem>>)
    %dma_start3A_12 = arith.constant 0 : i32
    %dma_start3A_13 = arith.constant 0 : i32
    %dma_start3A_14 = tpu.memref_slice %arg3[%dma_start3A_12, %dma_start3A_13] : memref<10240x128xf32, #tpu.memory_space<hbm>> -> memref<10240x128xf32, #tpu.memory_space<hbm>>
    tpu.enqueue_indirect_dma source(%dma_start3A_14 : memref<10240x128xf32, #tpu.memory_space<hbm>>) target(%arg12 : memref<64x128xf32, #tpu.memory_space<vmem>>) offsets(%arg16 : memref<64xi32, #tpu.memory_space<vmem>>) semaphore(%arg23 : memref<!tpu.dma_semaphore, #tpu.memory_space<semaphore_mem>>)
    %add3A_15 = arith.constant 64 : i32
    %add3A_16 = arith.addi %mul3A_7, %add3A_15 : i32
    "tpu.region"() ({
      %run_scoped3A = tpu.sem_alloc : memref<!tpu.dma_semaphore, #tpu.memory_space<semaphore_mem>>
      %dma_start3A_29 = tpu.memref_slice %arg4[%add3A_16] : memref<163840xi32, #tpu.memory_space<hbm>> -> memref<64xi32, #tpu.memory_space<hbm>>
      %dma_start3A_30 = tpu.memref_slice %arg4[%add3A_16] : memref<163840xi32, #tpu.memory_space<hbm>> -> memref<64xi32, #tpu.memory_space<hbm>>
      tpu.enqueue_dma source(%dma_start3A_30 : memref<64xi32, #tpu.memory_space<hbm>>) target(%arg15 : memref<64xi32, #tpu.memory_space<vmem>>) target_semaphore(%run_scoped3A : memref<!tpu.dma_semaphore, #tpu.memory_space<semaphore_mem>>)
      %dma_wait3A = tpu.memref_slice %arg4[%add3A_16] : memref<163840xi32, #tpu.memory_space<hbm>> -> memref<64xi32, #tpu.memory_space<hbm>>
      %dma_wait3A_31 = tpu.memref_slice %arg4[%add3A_16] : memref<163840xi32, #tpu.memory_space<hbm>> -> memref<64xi32, #tpu.memory_space<hbm>>
      tpu.wait_dma2 semaphore(%run_scoped3A : memref<!tpu.dma_semaphore, #tpu.memory_space<semaphore_mem>>) src(%dma_wait3A_31 : memref<64xi32, #tpu.memory_space<hbm>>) dst(%arg15 : memref<64xi32, #tpu.memory_space<vmem>>)
      tpu.yield
    }) : () -> ()
    "tpu.region"() ({
      %run_scoped3A = tpu.sem_alloc : memref<!tpu.dma_semaphore, #tpu.memory_space<semaphore_mem>>
      %dma_start3A_29 = tpu.memref_slice %arg5[%add3A_16] : memref<163840xi32, #tpu.memory_space<hbm>> -> memref<64xi32, #tpu.memory_space<hbm>>
      %dma_start3A_30 = tpu.memref_slice %arg5[%add3A_16] : memref<163840xi32, #tpu.memory_space<hbm>> -> memref<64xi32, #tpu.memory_space<hbm>>
      tpu.enqueue_dma source(%dma_start3A_30 : memref<64xi32, #tpu.memory_space<hbm>>) target(%arg17 : memref<64xi32, #tpu.memory_space<vmem>>) target_semaphore(%run_scoped3A : memref<!tpu.dma_semaphore, #tpu.memory_space<semaphore_mem>>)
      %dma_wait3A = tpu.memref_slice %arg5[%add3A_16] : memref<163840xi32, #tpu.memory_space<hbm>> -> memref<64xi32, #tpu.memory_space<hbm>>
      %dma_wait3A_31 = tpu.memref_slice %arg5[%add3A_16] : memref<163840xi32, #tpu.memory_space<hbm>> -> memref<64xi32, #tpu.memory_space<hbm>>
      tpu.wait_dma2 semaphore(%run_scoped3A : memref<!tpu.dma_semaphore, #tpu.memory_space<semaphore_mem>>) src(%dma_wait3A_31 : memref<64xi32, #tpu.memory_space<hbm>>) dst(%arg17 : memref<64xi32, #tpu.memory_space<vmem>>)
      tpu.yield
    }) : () -> ()
    %dma_start3A_17 = arith.constant 0 : i32
    %dma_start3A_18 = arith.constant 0 : i32
    %dma_start3A_19 = tpu.memref_slice %arg2[%dma_start3A_17, %dma_start3A_18] : memref<10240x128xf32, #tpu.memory_space<hbm>> -> memref<10240x128xf32, #tpu.memory_space<hbm>>
    tpu.enqueue_indirect_dma source(%dma_start3A_19 : memref<10240x128xf32, #tpu.memory_space<hbm>>) target(%arg11 : memref<64x128xf32, #tpu.memory_space<vmem>>) offsets(%arg15 : memref<64xi32, #tpu.memory_space<vmem>>) semaphore(%arg22 : memref<!tpu.dma_semaphore, #tpu.memory_space<semaphore_mem>>)
    %dma_start3A_20 = arith.constant 0 : i32
    %dma_start3A_21 = arith.constant 0 : i32
    %dma_start3A_22 = tpu.memref_slice %arg3[%dma_start3A_20, %dma_start3A_21] : memref<10240x128xf32, #tpu.memory_space<hbm>> -> memref<10240x128xf32, #tpu.memory_space<hbm>>
    tpu.enqueue_indirect_dma source(%dma_start3A_22 : memref<10240x128xf32, #tpu.memory_space<hbm>>) target(%arg13 : memref<64x128xf32, #tpu.memory_space<vmem>>) offsets(%arg17 : memref<64xi32, #tpu.memory_space<vmem>>) semaphore(%arg24 : memref<!tpu.dma_semaphore, #tpu.memory_space<semaphore_mem>>)
    %scan3A_23 = arith.constant 0 : i32
    %scan3A_24 = arith.constant 0 : i32
    %scan3A_25 = arith.constant 40 : i32
    %scan3A_26 = arith.addi %scan3A_24, %scan3A_25 : i32
    %scan3A_27 = arith.constant 1 : i32
    scf.for %scan3A_29 = %scan3A_24 to %scan3A_26 step %scan3A_27  : i32 {
      %mul3A_30 = arith.constant 2 : i32
      %mul3A_31 = arith.muli %scan3A_29, %mul3A_30 : i32
      %add3A_32 = arith.constant 0 : i32
      %add3A_33 = arith.addi %mul3A_31, %add3A_32 : i32
      %mul3A_34 = arith.constant 64 : i32
      %mul3A_35 = arith.muli %add3A_33, %mul3A_34 : i32
      %add3A_36 = arith.addi %mul3A_7, %mul3A_35 : i32
      %dma_wait3A = arith.constant 0 : i32
      %dma_wait3A_37 = arith.constant 0 : i32
      %dma_wait3A_38 = tpu.memref_slice %arg2[%dma_wait3A, %dma_wait3A_37] : memref<10240x128xf32, #tpu.memory_space<hbm>> -> memref<10240x128xf32, #tpu.memory_space<hbm>>
      tpu.wait_indirect_dma semaphore(%arg21 : memref<!tpu.dma_semaphore, #tpu.memory_space<semaphore_mem>>) src(%dma_wait3A_38 : memref<10240x128xf32, #tpu.memory_space<hbm>>) dst(%arg10 : memref<64x128xf32, #tpu.memory_space<vmem>>)
      %dma_wait3A_39 = arith.constant 0 : i32
      %dma_wait3A_40 = arith.constant 0 : i32
      %dma_wait3A_41 = tpu.memref_slice %arg3[%dma_wait3A_39, %dma_wait3A_40] : memref<10240x128xf32, #tpu.memory_space<hbm>> -> memref<10240x128xf32, #tpu.memory_space<hbm>>
      tpu.wait_indirect_dma semaphore(%arg23 : memref<!tpu.dma_semaphore, #tpu.memory_space<semaphore_mem>>) src(%dma_wait3A_41 : memref<10240x128xf32, #tpu.memory_space<hbm>>) dst(%arg12 : memref<64x128xf32, #tpu.memory_space<vmem>>)
      %iota3A = tpu.iota {dimensions = array<i32: 0>} : vector<16xi32>
      %get3A = arith.constant 8 : index
      %get3A_42 = tpu.vector_load %arg18[%get3A] {strides = array<i32>} : memref<48xf32, #tpu.memory_space<vmem>>, vector<16xf32>,
      %get3A_43 = arith.constant 24 : index
      %get3A_44 = tpu.vector_load %arg18[%get3A_43] {strides = array<i32>} : memref<48xf32, #tpu.memory_space<vmem>>, vector<16xf32>,
      %eq3A = arith.constant 15 : i32
      %eq3A_45 = vector.broadcast %eq3A : i32 to vector<16xi32>
      %eq3A_46 = arith.cmpi eq, %iota3A, %eq3A_45 : vector<16xi32>
      %parallel_loop3A = arith.constant 0 : i32
      %parallel_loop3A_47 = arith.constant 64 : i32
      %parallel_loop3A_48 = arith.constant 1 : i32
      scf.for %parallel_loop3A_105 = %parallel_loop3A to %parallel_loop3A_47 step %parallel_loop3A_48  : i32 {
        %parallel_loop3A_106 = arith.index_cast %parallel_loop3A_105 : i32 to index
        %parallel_loop3A_107 = arith.constant 0 : index
        %parallel_loop3A_108 = tpu.vector_load %arg10[%parallel_loop3A_106, %parallel_loop3A_107] {strides = array<i32>} : memref<64x128xf32, #tpu.memory_space<vmem>>, vector<16xf32>,
        %parallel_loop3A_109 = arith.index_cast %parallel_loop3A_105 : i32 to index
        %parallel_loop3A_110 = arith.constant 0 : index
        %parallel_loop3A_111 = tpu.vector_load %arg12[%parallel_loop3A_109, %parallel_loop3A_110] {strides = array<i32>} : memref<64x128xf32, #tpu.memory_space<vmem>>, vector<16xf32>,
        %parallel_loop3A_112 = arith.addf %parallel_loop3A_108, %parallel_loop3A_111 : vector<16xf32>
        %parallel_loop3A_113 = arith.mulf %get3A_42, %parallel_loop3A_112 : vector<16xf32>
        %parallel_loop3A_114 = math.absf %parallel_loop3A_112 : vector<16xf32>
        %parallel_loop3A_115 = arith.mulf %get3A_44, %parallel_loop3A_114 : vector<16xf32>
        %parallel_loop3A_116 = arith.addf %parallel_loop3A_113, %parallel_loop3A_115 : vector<16xf32>
        %parallel_loop3A_117 = arith.constant true
        %parallel_loop3A_118 = vector.broadcast %parallel_loop3A_117 : i1 to vector<16xi1>
        %parallel_loop3A_119 = tpu.scan <sum>, %parallel_loop3A_116 masked %parallel_loop3A_118 : vector<16xf32>, vector<16xi1> -> vector<16xf32>
        %parallel_loop3A_120 = arith.constant 0 : i32
        %parallel_loop3A_121 = vector.broadcast %parallel_loop3A_120 : i32 to vector<16xi32>
        %parallel_loop3A_122 = arith.muli %iota3A, %parallel_loop3A_121 : vector<16xi32>
        %parallel_loop3A_123 = arith.constant 8 : i32
        %parallel_loop3A_124 = arith.muli %parallel_loop3A_105, %parallel_loop3A_123 : i32
        %parallel_loop3A_125 = arith.constant 0 : i32
        %parallel_loop3A_126 = arith.addi %parallel_loop3A_124, %parallel_loop3A_125 : i32
        %parallel_loop3A_127 = vector.broadcast %parallel_loop3A_126 : i32 to vector<16xi32>
        %parallel_loop3A_128 = arith.addi %parallel_loop3A_122, %parallel_loop3A_127 : vector<16xi32>
        tpu.vector_store_idx %arg19[%parallel_loop3A_128], %parallel_loop3A_119 masked %eq3A_46 : memref<512xf32, #tpu.memory_space<vmem>>[vector<16xi32>], vector<16xf32>, vector<16xi1>
        %parallel_loop3A_129 = arith.index_cast %parallel_loop3A_105 : i32 to index
        %parallel_loop3A_130 = arith.constant 16 : index
        %parallel_loop3A_131 = tpu.vector_load %arg10[%parallel_loop3A_129, %parallel_loop3A_130] {strides = array<i32>} : memref<64x128xf32, #tpu.memory_space<vmem>>, vector<16xf32>,
        %parallel_loop3A_132 = arith.index_cast %parallel_loop3A_105 : i32 to index
        %parallel_loop3A_133 = arith.constant 16 : index
        %parallel_loop3A_134 = tpu.vector_load %arg12[%parallel_loop3A_132, %parallel_loop3A_133] {strides = array<i32>} : memref<64x128xf32, #tpu.memory_space<vmem>>, vector<16xf32>,
        %parallel_loop3A_135 = arith.addf %parallel_loop3A_131, %parallel_loop3A_134 : vector<16xf32>
        %parallel_loop3A_136 = arith.mulf %get3A_42, %parallel_loop3A_135 : vector<16xf32>
        %parallel_loop3A_137 = math.absf %parallel_loop3A_135 : vector<16xf32>
        %parallel_loop3A_138 = arith.mulf %get3A_44, %parallel_loop3A_137 : vector<16xf32>
        %parallel_loop3A_139 = arith.addf %parallel_loop3A_136, %parallel_loop3A_138 : vector<16xf32>
        %parallel_loop3A_140 = arith.constant true
        %parallel_loop3A_141 = vector.broadcast %parallel_loop3A_140 : i1 to vector<16xi1>
        %parallel_loop3A_142 = tpu.scan <sum>, %parallel_loop3A_139 masked %parallel_loop3A_141 : vector<16xf32>, vector<16xi1> -> vector<16xf32>
        %parallel_loop3A_143 = arith.constant 0 : i32
        %parallel_loop3A_144 = vector.broadcast %parallel_loop3A_143 : i32 to vector<16xi32>
        %parallel_loop3A_145 = arith.muli %iota3A, %parallel_loop3A_144 : vector<16xi32>
        %parallel_loop3A_146 = arith.constant 8 : i32
        %parallel_loop3A_147 = arith.muli %parallel_loop3A_105, %parallel_loop3A_146 : i32
        %parallel_loop3A_148 = arith.constant 1 : i32
        %parallel_loop3A_149 = arith.addi %parallel_loop3A_147, %parallel_loop3A_148 : i32
        %parallel_loop3A_150 = vector.broadcast %parallel_loop3A_149 : i32 to vector<16xi32>
        %parallel_loop3A_151 = arith.addi %parallel_loop3A_145, %parallel_loop3A_150 : vector<16xi32>
        tpu.vector_store_idx %arg19[%parallel_loop3A_151], %parallel_loop3A_142 masked %eq3A_46 : memref<512xf32, #tpu.memory_space<vmem>>[vector<16xi32>], vector<16xf32>, vector<16xi1>
        %parallel_loop3A_152 = arith.index_cast %parallel_loop3A_105 : i32 to index
        %parallel_loop3A_153 = arith.constant 32 : index
        %parallel_loop3A_154 = tpu.vector_load %arg10[%parallel_loop3A_152, %parallel_loop3A_153] {strides = array<i32>} : memref<64x128xf32, #tpu.memory_space<vmem>>, vector<16xf32>,
        %parallel_loop3A_155 = arith.index_cast %parallel_loop3A_105 : i32 to index
        %parallel_loop3A_156 = arith.constant 32 : index
        %parallel_loop3A_157 = tpu.vector_load %arg12[%parallel_loop3A_155, %parallel_loop3A_156] {strides = array<i32>} : memref<64x128xf32, #tpu.memory_space<vmem>>, vector<16xf32>,
        %parallel_loop3A_158 = arith.addf %parallel_loop3A_154, %parallel_loop3A_157 : vector<16xf32>
        %parallel_loop3A_159 = arith.mulf %get3A_42, %parallel_loop3A_158 : vector<16xf32>
        %parallel_loop3A_160 = math.absf %parallel_loop3A_158 : vector<16xf32>
        %parallel_loop3A_161 = arith.mulf %get3A_44, %parallel_loop3A_160 : vector<16xf32>
        %parallel_loop3A_162 = arith.addf %parallel_loop3A_159, %parallel_loop3A_161 : vector<16xf32>
        %parallel_loop3A_163 = arith.constant true
        %parallel_loop3A_164 = vector.broadcast %parallel_loop3A_163 : i1 to vector<16xi1>
        %parallel_loop3A_165 = tpu.scan <sum>, %parallel_loop3A_162 masked %parallel_loop3A_164 : vector<16xf32>, vector<16xi1> -> vector<16xf32>
        %parallel_loop3A_166 = arith.constant 0 : i32
        %parallel_loop3A_167 = vector.broadcast %parallel_loop3A_166 : i32 to vector<16xi32>
        %parallel_loop3A_168 = arith.muli %iota3A, %parallel_loop3A_167 : vector<16xi32>
        %parallel_loop3A_169 = arith.constant 8 : i32
        %parallel_loop3A_170 = arith.muli %parallel_loop3A_105, %parallel_loop3A_169 : i32
        %parallel_loop3A_171 = arith.constant 2 : i32
        %parallel_loop3A_172 = arith.addi %parallel_loop3A_170, %parallel_loop3A_171 : i32
        %parallel_loop3A_173 = vector.broadcast %parallel_loop3A_172 : i32 to vector<16xi32>
        %parallel_loop3A_174 = arith.addi %parallel_loop3A_168, %parallel_loop3A_173 : vector<16xi32>
        tpu.vector_store_idx %arg19[%parallel_loop3A_174], %parallel_loop3A_165 masked %eq3A_46 : memref<512xf32, #tpu.memory_space<vmem>>[vector<16xi32>], vector<16xf32>, vector<16xi1>
        %parallel_loop3A_175 = arith.index_cast %parallel_loop3A_105 : i32 to index
        %parallel_loop3A_176 = arith.constant 48 : index
        %parallel_loop3A_177 = tpu.vector_load %arg10[%parallel_loop3A_175, %parallel_loop3A_176] {strides = array<i32>} : memref<64x128xf32, #tpu.memory_space<vmem>>, vector<16xf32>,
        %parallel_loop3A_178 = arith.index_cast %parallel_loop3A_105 : i32 to index
        %parallel_loop3A_179 = arith.constant 48 : index
        %parallel_loop3A_180 = tpu.vector_load %arg12[%parallel_loop3A_178, %parallel_loop3A_179] {strides = array<i32>} : memref<64x128xf32, #tpu.memory_space<vmem>>, vector<16xf32>,
        %parallel_loop3A_181 = arith.addf %parallel_loop3A_177, %parallel_loop3A_180 : vector<16xf32>
        %parallel_loop3A_182 = arith.mulf %get3A_42, %parallel_loop3A_181 : vector<16xf32>
        %parallel_loop3A_183 = math.absf %parallel_loop3A_181 : vector<16xf32>
        %parallel_loop3A_184 = arith.mulf %get3A_44, %parallel_loop3A_183 : vector<16xf32>
        %parallel_loop3A_185 = arith.addf %parallel_loop3A_182, %parallel_loop3A_184 : vector<16xf32>
        %parallel_loop3A_186 = arith.constant true
        %parallel_loop3A_187 = vector.broadcast %parallel_loop3A_186 : i1 to vector<16xi1>
        %parallel_loop3A_188 = tpu.scan <sum>, %parallel_loop3A_185 masked %parallel_loop3A_187 : vector<16xf32>, vector<16xi1> -> vector<16xf32>
        %parallel_loop3A_189 = arith.constant 0 : i32
        %parallel_loop3A_190 = vector.broadcast %parallel_loop3A_189 : i32 to vector<16xi32>
        %parallel_loop3A_191 = arith.muli %iota3A, %parallel_loop3A_190 : vector<16xi32>
        %parallel_loop3A_192 = arith.constant 8 : i32
        %parallel_loop3A_193 = arith.muli %parallel_loop3A_105, %parallel_loop3A_192 : i32
        %parallel_loop3A_194 = arith.constant 3 : i32
        %parallel_loop3A_195 = arith.addi %parallel_loop3A_193, %parallel_loop3A_194 : i32
        %parallel_loop3A_196 = vector.broadcast %parallel_loop3A_195 : i32 to vector<16xi32>
        %parallel_loop3A_197 = arith.addi %parallel_loop3A_191, %parallel_loop3A_196 : vector<16xi32>
        tpu.vector_store_idx %arg19[%parallel_loop3A_197], %parallel_loop3A_188 masked %eq3A_46 : memref<512xf32, #tpu.memory_space<vmem>>[vector<16xi32>], vector<16xf32>, vector<16xi1>
        %parallel_loop3A_198 = arith.index_cast %parallel_loop3A_105 : i32 to index
        %parallel_loop3A_199 = arith.constant 64 : index
        %parallel_loop3A_200 = tpu.vector_load %arg10[%parallel_loop3A_198, %parallel_loop3A_199] {strides = array<i32>} : memref<64x128xf32, #tpu.memory_space<vmem>>, vector<16xf32>,
        %parallel_loop3A_201 = arith.index_cast %parallel_loop3A_105 : i32 to index
        %parallel_loop3A_202 = arith.constant 64 : index
        %parallel_loop3A_203 = tpu.vector_load %arg12[%parallel_loop3A_201, %parallel_loop3A_202] {strides = array<i32>} : memref<64x128xf32, #tpu.memory_space<vmem>>, vector<16xf32>,
        %parallel_loop3A_204 = arith.addf %parallel_loop3A_200, %parallel_loop3A_203 : vector<16xf32>
        %parallel_loop3A_205 = arith.mulf %get3A_42, %parallel_loop3A_204 : vector<16xf32>
        %parallel_loop3A_206 = math.absf %parallel_loop3A_204 : vector<16xf32>
        %parallel_loop3A_207 = arith.mulf %get3A_44, %parallel_loop3A_206 : vector<16xf32>
        %parallel_loop3A_208 = arith.addf %parallel_loop3A_205, %parallel_loop3A_207 : vector<16xf32>
        %parallel_loop3A_209 = arith.constant true
        %parallel_loop3A_210 = vector.broadcast %parallel_loop3A_209 : i1 to vector<16xi1>
        %parallel_loop3A_211 = tpu.scan <sum>, %parallel_loop3A_208 masked %parallel_loop3A_210 : vector<16xf32>, vector<16xi1> -> vector<16xf32>
        %parallel_loop3A_212 = arith.constant 0 : i32
        %parallel_loop3A_213 = vector.broadcast %parallel_loop3A_212 : i32 to vector<16xi32>
        %parallel_loop3A_214 = arith.muli %iota3A, %parallel_loop3A_213 : vector<16xi32>
        %parallel_loop3A_215 = arith.constant 8 : i32
        %parallel_loop3A_216 = arith.muli %parallel_loop3A_105, %parallel_loop3A_215 : i32
        %parallel_loop3A_217 = arith.constant 4 : i32
        %parallel_loop3A_218 = arith.addi %parallel_loop3A_216, %parallel_loop3A_217 : i32
        %parallel_loop3A_219 = vector.broadcast %parallel_loop3A_218 : i32 to vector<16xi32>
        %parallel_loop3A_220 = arith.addi %parallel_loop3A_214, %parallel_loop3A_219 : vector<16xi32>
        tpu.vector_store_idx %arg19[%parallel_loop3A_220], %parallel_loop3A_211 masked %eq3A_46 : memref<512xf32, #tpu.memory_space<vmem>>[vector<16xi32>], vector<16xf32>, vector<16xi1>
        %parallel_loop3A_221 = arith.index_cast %parallel_loop3A_105 : i32 to index
        %parallel_loop3A_222 = arith.constant 80 : index
        %parallel_loop3A_223 = tpu.vector_load %arg10[%parallel_loop3A_221, %parallel_loop3A_222] {strides = array<i32>} : memref<64x128xf32, #tpu.memory_space<vmem>>, vector<16xf32>,
        %parallel_loop3A_224 = arith.index_cast %parallel_loop3A_105 : i32 to index
        %parallel_loop3A_225 = arith.constant 80 : index
        %parallel_loop3A_226 = tpu.vector_load %arg12[%parallel_loop3A_224, %parallel_loop3A_225] {strides = array<i32>} : memref<64x128xf32, #tpu.memory_space<vmem>>, vector<16xf32>,
        %parallel_loop3A_227 = arith.addf %parallel_loop3A_223, %parallel_loop3A_226 : vector<16xf32>
        %parallel_loop3A_228 = arith.mulf %get3A_42, %parallel_loop3A_227 : vector<16xf32>
        %parallel_loop3A_229 = math.absf %parallel_loop3A_227 : vector<16xf32>
        %parallel_loop3A_230 = arith.mulf %get3A_44, %parallel_loop3A_229 : vector<16xf32>
        %parallel_loop3A_231 = arith.addf %parallel_loop3A_228, %parallel_loop3A_230 : vector<16xf32>
        %parallel_loop3A_232 = arith.constant true
        %parallel_loop3A_233 = vector.broadcast %parallel_loop3A_232 : i1 to vector<16xi1>
        %parallel_loop3A_234 = tpu.scan <sum>, %parallel_loop3A_231 masked %parallel_loop3A_233 : vector<16xf32>, vector<16xi1> -> vector<16xf32>
        %parallel_loop3A_235 = arith.constant 0 : i32
        %parallel_loop3A_236 = vector.broadcast %parallel_loop3A_235 : i32 to vector<16xi32>
        %parallel_loop3A_237 = arith.muli %iota3A, %parallel_loop3A_236 : vector<16xi32>
        %parallel_loop3A_238 = arith.constant 8 : i32
        %parallel_loop3A_239 = arith.muli %parallel_loop3A_105, %parallel_loop3A_238 : i32
        %parallel_loop3A_240 = arith.constant 5 : i32
        %parallel_loop3A_241 = arith.addi %parallel_loop3A_239, %parallel_loop3A_240 : i32
        %parallel_loop3A_242 = vector.broadcast %parallel_loop3A_241 : i32 to vector<16xi32>
        %parallel_loop3A_243 = arith.addi %parallel_loop3A_237, %parallel_loop3A_242 : vector<16xi32>
        tpu.vector_store_idx %arg19[%parallel_loop3A_243], %parallel_loop3A_234 masked %eq3A_46 : memref<512xf32, #tpu.memory_space<vmem>>[vector<16xi32>], vector<16xf32>, vector<16xi1>
        %parallel_loop3A_244 = arith.index_cast %parallel_loop3A_105 : i32 to index
        %parallel_loop3A_245 = arith.constant 96 : index
        %parallel_loop3A_246 = tpu.vector_load %arg10[%parallel_loop3A_244, %parallel_loop3A_245] {strides = array<i32>} : memref<64x128xf32, #tpu.memory_space<vmem>>, vector<16xf32>,
        %parallel_loop3A_247 = arith.index_cast %parallel_loop3A_105 : i32 to index
        %parallel_loop3A_248 = arith.constant 96 : index
        %parallel_loop3A_249 = tpu.vector_load %arg12[%parallel_loop3A_247, %parallel_loop3A_248] {strides = array<i32>} : memref<64x128xf32, #tpu.memory_space<vmem>>, vector<16xf32>,
        %parallel_loop3A_250 = arith.addf %parallel_loop3A_246, %parallel_loop3A_249 : vector<16xf32>
        %parallel_loop3A_251 = arith.mulf %get3A_42, %parallel_loop3A_250 : vector<16xf32>
        %parallel_loop3A_252 = math.absf %parallel_loop3A_250 : vector<16xf32>
        %parallel_loop3A_253 = arith.mulf %get3A_44, %parallel_loop3A_252 : vector<16xf32>
        %parallel_loop3A_254 = arith.addf %parallel_loop3A_251, %parallel_loop3A_253 : vector<16xf32>
        %parallel_loop3A_255 = arith.constant true
        %parallel_loop3A_256 = vector.broadcast %parallel_loop3A_255 : i1 to vector<16xi1>
        %parallel_loop3A_257 = tpu.scan <sum>, %parallel_loop3A_254 masked %parallel_loop3A_256 : vector<16xf32>, vector<16xi1> -> vector<16xf32>
        %parallel_loop3A_258 = arith.constant 0 : i32
        %parallel_loop3A_259 = vector.broadcast %parallel_loop3A_258 : i32 to vector<16xi32>
        %parallel_loop3A_260 = arith.muli %iota3A, %parallel_loop3A_259 : vector<16xi32>
        %parallel_loop3A_261 = arith.constant 8 : i32
        %parallel_loop3A_262 = arith.muli %parallel_loop3A_105, %parallel_loop3A_261 : i32
        %parallel_loop3A_263 = arith.constant 6 : i32
        %parallel_loop3A_264 = arith.addi %parallel_loop3A_262, %parallel_loop3A_263 : i32
        %parallel_loop3A_265 = vector.broadcast %parallel_loop3A_264 : i32 to vector<16xi32>
        %parallel_loop3A_266 = arith.addi %parallel_loop3A_260, %parallel_loop3A_265 : vector<16xi32>
        tpu.vector_store_idx %arg19[%parallel_loop3A_266], %parallel_loop3A_257 masked %eq3A_46 : memref<512xf32, #tpu.memory_space<vmem>>[vector<16xi32>], vector<16xf32>, vector<16xi1>
        %parallel_loop3A_267 = arith.index_cast %parallel_loop3A_105 : i32 to index
        %parallel_loop3A_268 = arith.constant 112 : index
        %parallel_loop3A_269 = tpu.vector_load %arg10[%parallel_loop3A_267, %parallel_loop3A_268] {strides = array<i32>} : memref<64x128xf32, #tpu.memory_space<vmem>>, vector<16xf32>,
        %parallel_loop3A_270 = arith.index_cast %parallel_loop3A_105 : i32 to index
        %parallel_loop3A_271 = arith.constant 112 : index
        %parallel_loop3A_272 = tpu.vector_load %arg12[%parallel_loop3A_270, %parallel_loop3A_271] {strides = array<i32>} : memref<64x128xf32, #tpu.memory_space<vmem>>, vector<16xf32>,
        %parallel_loop3A_273 = arith.addf %parallel_loop3A_269, %parallel_loop3A_272 : vector<16xf32>
        %parallel_loop3A_274 = arith.mulf %get3A_42, %parallel_loop3A_273 : vector<16xf32>
        %parallel_loop3A_275 = math.absf %parallel_loop3A_273 : vector<16xf32>
        %parallel_loop3A_276 = arith.mulf %get3A_44, %parallel_loop3A_275 : vector<16xf32>
        %parallel_loop3A_277 = arith.addf %parallel_loop3A_274, %parallel_loop3A_276 : vector<16xf32>
        %parallel_loop3A_278 = arith.constant true
        %parallel_loop3A_279 = vector.broadcast %parallel_loop3A_278 : i1 to vector<16xi1>
        %parallel_loop3A_280 = tpu.scan <sum>, %parallel_loop3A_277 masked %parallel_loop3A_279 : vector<16xf32>, vector<16xi1> -> vector<16xf32>
        %parallel_loop3A_281 = arith.constant 0 : i32
        %parallel_loop3A_282 = vector.broadcast %parallel_loop3A_281 : i32 to vector<16xi32>
        %parallel_loop3A_283 = arith.muli %iota3A, %parallel_loop3A_282 : vector<16xi32>
        %parallel_loop3A_284 = arith.constant 8 : i32
        %parallel_loop3A_285 = arith.muli %parallel_loop3A_105, %parallel_loop3A_284 : i32
        %parallel_loop3A_286 = arith.constant 7 : i32
        %parallel_loop3A_287 = arith.addi %parallel_loop3A_285, %parallel_loop3A_286 : i32
        %parallel_loop3A_288 = vector.broadcast %parallel_loop3A_287 : i32 to vector<16xi32>
        %parallel_loop3A_289 = arith.addi %parallel_loop3A_283, %parallel_loop3A_288 : vector<16xi32>
        tpu.vector_store_idx %arg19[%parallel_loop3A_289], %parallel_loop3A_280 masked %eq3A_46 : memref<512xf32, #tpu.memory_space<vmem>>[vector<16xi32>], vector<16xf32>, vector<16xi1>
      } {sc.loop_unroll_factor = 2 : i64, sc.parallel_access}
      %scan3A_49 = arith.constant 0 : i32
      %scan3A_50 = arith.constant 0 : i32
      %scan3A_51 = arith.constant 32 : i32
      %scan3A_52 = arith.addi %scan3A_50, %scan3A_51 : i32
      %scan3A_53 = arith.constant 1 : i32
      scf.for %scan3A_105 = %scan3A_50 to %scan3A_52 step %scan3A_53  : i32 {
        %mul3A_106 = arith.constant 16 : i32
        %mul3A_107 = arith.muli %scan3A_105, %mul3A_106 : i32
        %get3A_108 = arith.index_cast %mul3A_107 : i32 to index
        %get3A_109 = tpu.vector_load %arg19[%get3A_108] {strides = array<i32>} : memref<512xf32, #tpu.memory_space<vmem>>, vector<16xf32>,
        %exp3A = math.exp %get3A_109 : vector<16xf32>
        %mul3A_110 = arith.constant 16 : i32
        %mul3A_111 = arith.muli %scan3A_105, %mul3A_110 : i32
        %add3A_112 = vector.broadcast %mul3A_111 : i32 to vector<16xi32>
        %add3A_113 = arith.addi %add3A_112, %iota3A : vector<16xi32>
        %shift_right_logical3A = arith.constant 3 : i32
        %shift_right_logical3A_114 = vector.broadcast %shift_right_logical3A : i32 to vector<16xi32>
        %shift_right_logical3A_115 = arith.shrui %add3A_113, %shift_right_logical3A_114 : vector<16xi32>
        %and3A = arith.constant 7 : i32
        %and3A_116 = vector.broadcast %and3A : i32 to vector<16xi32>
        %and3A_117 = arith.andi %add3A_113, %and3A_116 : vector<16xi32>
        %add3A_118 = arith.constant 0 : i32
        %add3A_119 = vector.broadcast %add3A_118 : i32 to vector<16xi32>
        %add3A_120 = arith.addi %add3A_119, %shift_right_logical3A_115 : vector<16xi32>
        tpu.vector_store_idx %arg20[%add3A_120, %and3A_117], %exp3A : memref<128x8xf32, #tpu.memory_space<vmem>>[vector<16xi32>, vector<16xi32>], vector<16xf32>,
      }
      %scan3A_54 = arith.constant 32 : i32
      %parallel_loop3A_55 = arith.constant 0 : i32
      %parallel_loop3A_56 = arith.constant 4 : i32
      %parallel_loop3A_57 = arith.constant 1 : i32
      scf.for %parallel_loop3A_105 = %parallel_loop3A_55 to %parallel_loop3A_56 step %parallel_loop3A_57  : i32 {
        %parallel_loop3A_106 = arith.constant 8 : i32
        %parallel_loop3A_107 = vector.broadcast %parallel_loop3A_106 : i32 to vector<16xi32>
        %parallel_loop3A_108 = arith.cmpi slt, %iota3A, %parallel_loop3A_107 : vector<16xi32>
        %parallel_loop3A_109 = arith.constant 7 : i32
        %parallel_loop3A_110 = vector.broadcast %parallel_loop3A_109 : i32 to vector<16xi32>
        %parallel_loop3A_111 = arith.andi %iota3A, %parallel_loop3A_110 : vector<16xi32>
        %parallel_loop3A_112 = arith.constant 16 : i32
        %parallel_loop3A_113 = arith.muli %parallel_loop3A_105, %parallel_loop3A_112 : i32
        %parallel_loop3A_114 = arith.constant 0 : i32
        %parallel_loop3A_115 = arith.addi %parallel_loop3A_113, %parallel_loop3A_114 : i32
        %parallel_loop3A_116 = arith.constant 3 : i32
        %parallel_loop3A_117 = vector.broadcast %parallel_loop3A_116 : i32 to vector<16xi32>
        %parallel_loop3A_118 = arith.shrui %iota3A, %parallel_loop3A_117 : vector<16xi32>
        %parallel_loop3A_119 = vector.broadcast %parallel_loop3A_115 : i32 to vector<16xi32>
        %parallel_loop3A_120 = arith.addi %parallel_loop3A_119, %parallel_loop3A_118 : vector<16xi32>
        %parallel_loop3A_121 = tpu.vector_load_idx %arg14[%parallel_loop3A_120] : memref<64xi32, #tpu.memory_space<vmem>>[vector<16xi32>], vector<16xi32>,
        %parallel_loop3A_122 = arith.constant 0 : i32
        %parallel_loop3A_123 = vector.broadcast %parallel_loop3A_122 : i32 to vector<16xi32>
        %parallel_loop3A_124 = arith.addi %parallel_loop3A_123, %parallel_loop3A_120 : vector<16xi32>
        %parallel_loop3A_125 = tpu.vector_load_idx %arg20[%parallel_loop3A_124, %parallel_loop3A_111] : memref<128x8xf32, #tpu.memory_space<vmem>>[vector<16xi32>, vector<16xi32>], vector<16xf32>,
        %parallel_loop3A_126 = arith.constant 0 : i32
        %parallel_loop3A_127 = vector.broadcast %parallel_loop3A_126 : i32 to vector<16xi32>
        %parallel_loop3A_128 = vector.broadcast %parallel_loop3A_115 : i32 to vector<16xi32>
        %parallel_loop3A_129 = arith.addi %parallel_loop3A_127, %parallel_loop3A_128 : vector<16xi32>
        %parallel_loop3A_130 = tpu.vector_load_idx %arg14[%parallel_loop3A_129] : memref<64xi32, #tpu.memory_space<vmem>>[vector<16xi32>], vector<16xi32>,
        %parallel_loop3A_131 = arith.constant 1 : i32
        %parallel_loop3A_132 = vector.broadcast %parallel_loop3A_131 : i32 to vector<16xi32>
        %parallel_loop3A_133 = vector.broadcast %parallel_loop3A_115 : i32 to vector<16xi32>
        %parallel_loop3A_134 = arith.addi %parallel_loop3A_132, %parallel_loop3A_133 : vector<16xi32>
        %parallel_loop3A_135 = tpu.vector_load_idx %arg14[%parallel_loop3A_134] : memref<64xi32, #tpu.memory_space<vmem>>[vector<16xi32>], vector<16xi32>,
        %parallel_loop3A_136 = arith.cmpi eq, %parallel_loop3A_130, %parallel_loop3A_135 : vector<16xi32>
        %parallel_loop3A_137 = vector.broadcast %add3A_36 : i32 to vector<16xi32>
        %parallel_loop3A_138 = arith.addi %parallel_loop3A_137, %parallel_loop3A_120 : vector<16xi32>
        %parallel_loop3A_139 = arith.constant 160000 : i32
        %parallel_loop3A_140 = vector.broadcast %parallel_loop3A_139 : i32 to vector<16xi32>
        %parallel_loop3A_141 = arith.cmpi slt, %parallel_loop3A_138, %parallel_loop3A_140 : vector<16xi32>
        %parallel_loop3A_142 = arith.constant 8 : i32
        %parallel_loop3A_143 = vector.broadcast %parallel_loop3A_142 : i32 to vector<16xi32>
        %parallel_loop3A_144 = arith.muli %parallel_loop3A_121, %parallel_loop3A_143 : vector<16xi32>
        %parallel_loop3A_145 = arith.addi %parallel_loop3A_144, %parallel_loop3A_111 : vector<16xi32>
        %parallel_loop3A_146 = arith.constant dense<true> : vector<16xi1>
        %parallel_loop3A_147 = arith.xori %parallel_loop3A_136, %parallel_loop3A_146 : vector<16xi1>
        %parallel_loop3A_148 = arith.ori %parallel_loop3A_108, %parallel_loop3A_147 : vector<16xi1>
        %parallel_loop3A_149 = arith.andi %parallel_loop3A_141, %parallel_loop3A_148 : vector<16xi1>
        tpu.vector_store_idx %arg9[%parallel_loop3A_145], %parallel_loop3A_125 masked %parallel_loop3A_149 {add = true} : memref<80000xf32, #tpu.memory_space<vmem>>[vector<16xi32>], vector<16xf32>, vector<16xi1>
        %parallel_loop3A_150 = arith.constant dense<true> : vector<16xi1>
        %parallel_loop3A_151 = arith.xori %parallel_loop3A_108, %parallel_loop3A_150 : vector<16xi1>
        %parallel_loop3A_152 = arith.andi %parallel_loop3A_141, %parallel_loop3A_151 : vector<16xi1>
        %parallel_loop3A_153 = arith.andi %parallel_loop3A_152, %parallel_loop3A_136 : vector<16xi1>
        tpu.vector_store_idx %arg9[%parallel_loop3A_145], %parallel_loop3A_125 masked %parallel_loop3A_153 {add = true} : memref<80000xf32, #tpu.memory_space<vmem>>[vector<16xi32>], vector<16xf32>, vector<16xi1>
        %parallel_loop3A_154 = arith.constant 16 : i32
        %parallel_loop3A_155 = arith.muli %parallel_loop3A_105, %parallel_loop3A_154 : i32
        %parallel_loop3A_156 = arith.constant 2 : i32
        %parallel_loop3A_157 = arith.addi %parallel_loop3A_155, %parallel_loop3A_156 : i32
        %parallel_loop3A_158 = arith.constant 3 : i32
        %parallel_loop3A_159 = vector.broadcast %parallel_loop3A_158 : i32 to vector<16xi32>
        %parallel_loop3A_160 = arith.shrui %iota3A, %parallel_loop3A_159 : vector<16xi32>
        %parallel_loop3A_161 = vector.broadcast %parallel_loop3A_157 : i32 to vector<16xi32>
        %parallel_loop3A_162 = arith.addi %parallel_loop3A_161, %parallel_loop3A_160 : vector<16xi32>
        %parallel_loop3A_163 = tpu.vector_load_idx %arg14[%parallel_loop3A_162] : memref<64xi32, #tpu.memory_space<vmem>>[vector<16xi32>], vector<16xi32>,
        %parallel_loop3A_164 = arith.constant 0 : i32
        %parallel_loop3A_165 = vector.broadcast %parallel_loop3A_164 : i32 to vector<16xi32>
        %parallel_loop3A_166 = arith.addi %parallel_loop3A_165, %parallel_loop3A_162 : vector<16xi32>
        %parallel_loop3A_167 = tpu.vector_load_idx %arg20[%parallel_loop3A_166, %parallel_loop3A_111] : memref<128x8xf32, #tpu.memory_space<vmem>>[vector<16xi32>, vector<16xi32>], vector<16xf32>,
        %parallel_loop3A_168 = arith.constant 0 : i32
        %parallel_loop3A_169 = vector.broadcast %parallel_loop3A_168 : i32 to vector<16xi32>
        %parallel_loop3A_170 = vector.broadcast %parallel_loop3A_157 : i32 to vector<16xi32>
        %parallel_loop3A_171 = arith.addi %parallel_loop3A_169, %parallel_loop3A_170 : vector<16xi32>
        %parallel_loop3A_172 = tpu.vector_load_idx %arg14[%parallel_loop3A_171] : memref<64xi32, #tpu.memory_space<vmem>>[vector<16xi32>], vector<16xi32>,
        %parallel_loop3A_173 = arith.constant 1 : i32
        %parallel_loop3A_174 = vector.broadcast %parallel_loop3A_173 : i32 to vector<16xi32>
        %parallel_loop3A_175 = vector.broadcast %parallel_loop3A_157 : i32 to vector<16xi32>
        %parallel_loop3A_176 = arith.addi %parallel_loop3A_174, %parallel_loop3A_175 : vector<16xi32>
        %parallel_loop3A_177 = tpu.vector_load_idx %arg14[%parallel_loop3A_176] : memref<64xi32, #tpu.memory_space<vmem>>[vector<16xi32>], vector<16xi32>,
        %parallel_loop3A_178 = arith.cmpi eq, %parallel_loop3A_172, %parallel_loop3A_177 : vector<16xi32>
        %parallel_loop3A_179 = vector.broadcast %add3A_36 : i32 to vector<16xi32>
        %parallel_loop3A_180 = arith.addi %parallel_loop3A_179, %parallel_loop3A_162 : vector<16xi32>
        %parallel_loop3A_181 = arith.constant 160000 : i32
        %parallel_loop3A_182 = vector.broadcast %parallel_loop3A_181 : i32 to vector<16xi32>
        %parallel_loop3A_183 = arith.cmpi slt, %parallel_loop3A_180, %parallel_loop3A_182 : vector<16xi32>
        %parallel_loop3A_184 = arith.constant 8 : i32
        %parallel_loop3A_185 = vector.broadcast %parallel_loop3A_184 : i32 to vector<16xi32>
        %parallel_loop3A_186 = arith.muli %parallel_loop3A_163, %parallel_loop3A_185 : vector<16xi32>
        %parallel_loop3A_187 = arith.addi %parallel_loop3A_186, %parallel_loop3A_111 : vector<16xi32>
        %parallel_loop3A_188 = arith.constant dense<true> : vector<16xi1>
        %parallel_loop3A_189 = arith.xori %parallel_loop3A_178, %parallel_loop3A_188 : vector<16xi1>
        %parallel_loop3A_190 = arith.ori %parallel_loop3A_108, %parallel_loop3A_189 : vector<16xi1>
        %parallel_loop3A_191 = arith.andi %parallel_loop3A_183, %parallel_loop3A_190 : vector<16xi1>
        tpu.vector_store_idx %arg9[%parallel_loop3A_187], %parallel_loop3A_167 masked %parallel_loop3A_191 {add = true} : memref<80000xf32, #tpu.memory_space<vmem>>[vector<16xi32>], vector<16xf32>, vector<16xi1>
        %parallel_loop3A_192 = arith.constant dense<true> : vector<16xi1>
        %parallel_loop3A_193 = arith.xori %parallel_loop3A_108, %parallel_loop3A_192 : vector<16xi1>
        %parallel_loop3A_194 = arith.andi %parallel_loop3A_183, %parallel_loop3A_193 : vector<16xi1>
        %parallel_loop3A_195 = arith.andi %parallel_loop3A_194, %parallel_loop3A_178 : vector<16xi1>
        tpu.vector_store_idx %arg9[%parallel_loop3A_187], %parallel_loop3A_167 masked %parallel_loop3A_195 {add = true} : memref<80000xf32, #tpu.memory_space<vmem>>[vector<16xi32>], vector<16xf32>, vector<16xi1>
        %parallel_loop3A_196 = arith.constant 16 : i32
        %parallel_loop3A_197 = arith.muli %parallel_loop3A_105, %parallel_loop3A_196 : i32
        %parallel_loop3A_198 = arith.constant 4 : i32
        %parallel_loop3A_199 = arith.addi %parallel_loop3A_197, %parallel_loop3A_198 : i32
        %parallel_loop3A_200 = arith.constant 3 : i32
        %parallel_loop3A_201 = vector.broadcast %parallel_loop3A_200 : i32 to vector<16xi32>
        %parallel_loop3A_202 = arith.shrui %iota3A, %parallel_loop3A_201 : vector<16xi32>
        %parallel_loop3A_203 = vector.broadcast %parallel_loop3A_199 : i32 to vector<16xi32>
        %parallel_loop3A_204 = arith.addi %parallel_loop3A_203, %parallel_loop3A_202 : vector<16xi32>
        %parallel_loop3A_205 = tpu.vector_load_idx %arg14[%parallel_loop3A_204] : memref<64xi32, #tpu.memory_space<vmem>>[vector<16xi32>], vector<16xi32>,
        %parallel_loop3A_206 = arith.constant 0 : i32
        %parallel_loop3A_207 = vector.broadcast %parallel_loop3A_206 : i32 to vector<16xi32>
        %parallel_loop3A_208 = arith.addi %parallel_loop3A_207, %parallel_loop3A_204 : vector<16xi32>
        %parallel_loop3A_209 = tpu.vector_load_idx %arg20[%parallel_loop3A_208, %parallel_loop3A_111] : memref<128x8xf32, #tpu.memory_space<vmem>>[vector<16xi32>, vector<16xi32>], vector<16xf32>,
        %parallel_loop3A_210 = arith.constant 0 : i32
        %parallel_loop3A_211 = vector.broadcast %parallel_loop3A_210 : i32 to vector<16xi32>
        %parallel_loop3A_212 = vector.broadcast %parallel_loop3A_199 : i32 to vector<16xi32>
        %parallel_loop3A_213 = arith.addi %parallel_loop3A_211, %parallel_loop3A_212 : vector<16xi32>
        %parallel_loop3A_214 = tpu.vector_load_idx %arg14[%parallel_loop3A_213] : memref<64xi32, #tpu.memory_space<vmem>>[vector<16xi32>], vector<16xi32>,
        %parallel_loop3A_215 = arith.constant 1 : i32
        %parallel_loop3A_216 = vector.broadcast %parallel_loop3A_215 : i32 to vector<16xi32>
        %parallel_loop3A_217 = vector.broadcast %parallel_loop3A_199 : i32 to vector<16xi32>
        %parallel_loop3A_218 = arith.addi %parallel_loop3A_216, %parallel_loop3A_217 : vector<16xi32>
        %parallel_loop3A_219 = tpu.vector_load_idx %arg14[%parallel_loop3A_218] : memref<64xi32, #tpu.memory_space<vmem>>[vector<16xi32>], vector<16xi32>,
        %parallel_loop3A_220 = arith.cmpi eq, %parallel_loop3A_214, %parallel_loop3A_219 : vector<16xi32>
        %parallel_loop3A_221 = vector.broadcast %add3A_36 : i32 to vector<16xi32>
        %parallel_loop3A_222 = arith.addi %parallel_loop3A_221, %parallel_loop3A_204 : vector<16xi32>
        %parallel_loop3A_223 = arith.constant 160000 : i32
        %parallel_loop3A_224 = vector.broadcast %parallel_loop3A_223 : i32 to vector<16xi32>
        %parallel_loop3A_225 = arith.cmpi slt, %parallel_loop3A_222, %parallel_loop3A_224 : vector<16xi32>
        %parallel_loop3A_226 = arith.constant 8 : i32
        %parallel_loop3A_227 = vector.broadcast %parallel_loop3A_226 : i32 to vector<16xi32>
        %parallel_loop3A_228 = arith.muli %parallel_loop3A_205, %parallel_loop3A_227 : vector<16xi32>
        %parallel_loop3A_229 = arith.addi %parallel_loop3A_228, %parallel_loop3A_111 : vector<16xi32>
        %parallel_loop3A_230 = arith.constant dense<true> : vector<16xi1>
        %parallel_loop3A_231 = arith.xori %parallel_loop3A_220, %parallel_loop3A_230 : vector<16xi1>
        %parallel_loop3A_232 = arith.ori %parallel_loop3A_108, %parallel_loop3A_231 : vector<16xi1>
        %parallel_loop3A_233 = arith.andi %parallel_loop3A_225, %parallel_loop3A_232 : vector<16xi1>
        tpu.vector_store_idx %arg9[%parallel_loop3A_229], %parallel_loop3A_209 masked %parallel_loop3A_233 {add = true} : memref<80000xf32, #tpu.memory_space<vmem>>[vector<16xi32>], vector<16xf32>, vector<16xi1>
        %parallel_loop3A_234 = arith.constant dense<true> : vector<16xi1>
        %parallel_loop3A_235 = arith.xori %parallel_loop3A_108, %parallel_loop3A_234 : vector<16xi1>
        %parallel_loop3A_236 = arith.andi %parallel_loop3A_225, %parallel_loop3A_235 : vector<16xi1>
        %parallel_loop3A_237 = arith.andi %parallel_loop3A_236, %parallel_loop3A_220 : vector<16xi1>
        tpu.vector_store_idx %arg9[%parallel_loop3A_229], %parallel_loop3A_209 masked %parallel_loop3A_237 {add = true} : memref<80000xf32, #tpu.memory_space<vmem>>[vector<16xi32>], vector<16xf32>, vector<16xi1>
        %parallel_loop3A_238 = arith.constant 16 : i32
        %parallel_loop3A_239 = arith.muli %parallel_loop3A_105, %parallel_loop3A_238 : i32
        %parallel_loop3A_240 = arith.constant 6 : i32
        %parallel_loop3A_241 = arith.addi %parallel_loop3A_239, %parallel_loop3A_240 : i32
        %parallel_loop3A_242 = arith.constant 3 : i32
        %parallel_loop3A_243 = vector.broadcast %parallel_loop3A_242 : i32 to vector<16xi32>
        %parallel_loop3A_244 = arith.shrui %iota3A, %parallel_loop3A_243 : vector<16xi32>
        %parallel_loop3A_245 = vector.broadcast %parallel_loop3A_241 : i32 to vector<16xi32>
        %parallel_loop3A_246 = arith.addi %parallel_loop3A_245, %parallel_loop3A_244 : vector<16xi32>
        %parallel_loop3A_247 = tpu.vector_load_idx %arg14[%parallel_loop3A_246] : memref<64xi32, #tpu.memory_space<vmem>>[vector<16xi32>], vector<16xi32>,
        %parallel_loop3A_248 = arith.constant 0 : i32
        %parallel_loop3A_249 = vector.broadcast %parallel_loop3A_248 : i32 to vector<16xi32>
        %parallel_loop3A_250 = arith.addi %parallel_loop3A_249, %parallel_loop3A_246 : vector<16xi32>
        %parallel_loop3A_251 = tpu.vector_load_idx %arg20[%parallel_loop3A_250, %parallel_loop3A_111] : memref<128x8xf32, #tpu.memory_space<vmem>>[vector<16xi32>, vector<16xi32>], vector<16xf32>,
        %parallel_loop3A_252 = arith.constant 0 : i32
        %parallel_loop3A_253 = vector.broadcast %parallel_loop3A_252 : i32 to vector<16xi32>
        %parallel_loop3A_254 = vector.broadcast %parallel_loop3A_241 : i32 to vector<16xi32>
        %parallel_loop3A_255 = arith.addi %parallel_loop3A_253, %parallel_loop3A_254 : vector<16xi32>
        %parallel_loop3A_256 = tpu.vector_load_idx %arg14[%parallel_loop3A_255] : memref<64xi32, #tpu.memory_space<vmem>>[vector<16xi32>], vector<16xi32>,
        %parallel_loop3A_257 = arith.constant 1 : i32
        %parallel_loop3A_258 = vector.broadcast %parallel_loop3A_257 : i32 to vector<16xi32>
        %parallel_loop3A_259 = vector.broadcast %parallel_loop3A_241 : i32 to vector<16xi32>
        %parallel_loop3A_260 = arith.addi %parallel_loop3A_258, %parallel_loop3A_259 : vector<16xi32>
        %parallel_loop3A_261 = tpu.vector_load_idx %arg14[%parallel_loop3A_260] : memref<64xi32, #tpu.memory_space<vmem>>[vector<16xi32>], vector<16xi32>,
        %parallel_loop3A_262 = arith.cmpi eq, %parallel_loop3A_256, %parallel_loop3A_261 : vector<16xi32>
        %parallel_loop3A_263 = vector.broadcast %add3A_36 : i32 to vector<16xi32>
        %parallel_loop3A_264 = arith.addi %parallel_loop3A_263, %parallel_loop3A_246 : vector<16xi32>
        %parallel_loop3A_265 = arith.constant 160000 : i32
        %parallel_loop3A_266 = vector.broadcast %parallel_loop3A_265 : i32 to vector<16xi32>
        %parallel_loop3A_267 = arith.cmpi slt, %parallel_loop3A_264, %parallel_loop3A_266 : vector<16xi32>
        %parallel_loop3A_268 = arith.constant 8 : i32
        %parallel_loop3A_269 = vector.broadcast %parallel_loop3A_268 : i32 to vector<16xi32>
        %parallel_loop3A_270 = arith.muli %parallel_loop3A_247, %parallel_loop3A_269 : vector<16xi32>
        %parallel_loop3A_271 = arith.addi %parallel_loop3A_270, %parallel_loop3A_111 : vector<16xi32>
        %parallel_loop3A_272 = arith.constant dense<true> : vector<16xi1>
        %parallel_loop3A_273 = arith.xori %parallel_loop3A_262, %parallel_loop3A_272 : vector<16xi1>
        %parallel_loop3A_274 = arith.ori %parallel_loop3A_108, %parallel_loop3A_273 : vector<16xi1>
        %parallel_loop3A_275 = arith.andi %parallel_loop3A_267, %parallel_loop3A_274 : vector<16xi1>
        tpu.vector_store_idx %arg9[%parallel_loop3A_271], %parallel_loop3A_251 masked %parallel_loop3A_275 {add = true} : memref<80000xf32, #tpu.memory_space<vmem>>[vector<16xi32>], vector<16xf32>, vector<16xi1>
        %parallel_loop3A_276 = arith.constant dense<true> : vector<16xi1>
        %parallel_loop3A_277 = arith.xori %parallel_loop3A_108, %parallel_loop3A_276 : vector<16xi1>
        %parallel_loop3A_278 = arith.andi %parallel_loop3A_267, %parallel_loop3A_277 : vector<16xi1>
        %parallel_loop3A_279 = arith.andi %parallel_loop3A_278, %parallel_loop3A_262 : vector<16xi1>
        tpu.vector_store_idx %arg9[%parallel_loop3A_271], %parallel_loop3A_251 masked %parallel_loop3A_279 {add = true} : memref<80000xf32, #tpu.memory_space<vmem>>[vector<16xi32>], vector<16xf32>, vector<16xi1>
        %parallel_loop3A_280 = arith.constant 16 : i32
        %parallel_loop3A_281 = arith.muli %parallel_loop3A_105, %parallel_loop3A_280 : i32
        %parallel_loop3A_282 = arith.constant 8 : i32
        %parallel_loop3A_283 = arith.addi %parallel_loop3A_281, %parallel_loop3A_282 : i32
        %parallel_loop3A_284 = arith.constant 3 : i32
        %parallel_loop3A_285 = vector.broadcast %parallel_loop3A_284 : i32 to vector<16xi32>
        %parallel_loop3A_286 = arith.shrui %iota3A, %parallel_loop3A_285 : vector<16xi32>
        %parallel_loop3A_287 = vector.broadcast %parallel_loop3A_283 : i32 to vector<16xi32>
        %parallel_loop3A_288 = arith.addi %parallel_loop3A_287, %parallel_loop3A_286 : vector<16xi32>
        %parallel_loop3A_289 = tpu.vector_load_idx %arg14[%parallel_loop3A_288] : memref<64xi32, #tpu.memory_space<vmem>>[vector<16xi32>], vector<16xi32>,
        %parallel_loop3A_290 = arith.constant 0 : i32
        %parallel_loop3A_291 = vector.broadcast %parallel_loop3A_290 : i32 to vector<16xi32>
        %parallel_loop3A_292 = arith.addi %parallel_loop3A_291, %parallel_loop3A_288 : vector<16xi32>
        %parallel_loop3A_293 = tpu.vector_load_idx %arg20[%parallel_loop3A_292, %parallel_loop3A_111] : memref<128x8xf32, #tpu.memory_space<vmem>>[vector<16xi32>, vector<16xi32>], vector<16xf32>,
        %parallel_loop3A_294 = arith.constant 0 : i32
        %parallel_loop3A_295 = vector.broadcast %parallel_loop3A_294 : i32 to vector<16xi32>
        %parallel_loop3A_296 = vector.broadcast %parallel_loop3A_283 : i32 to vector<16xi32>
        %parallel_loop3A_297 = arith.addi %parallel_loop3A_295, %parallel_loop3A_296 : vector<16xi32>
        %parallel_loop3A_298 = tpu.vector_load_idx %arg14[%parallel_loop3A_297] : memref<64xi32, #tpu.memory_space<vmem>>[vector<16xi32>], vector<16xi32>,
        %parallel_loop3A_299 = arith.constant 1 : i32
        %parallel_loop3A_300 = vector.broadcast %parallel_loop3A_299 : i32 to vector<16xi32>
        %parallel_loop3A_301 = vector.broadcast %parallel_loop3A_283 : i32 to vector<16xi32>
        %parallel_loop3A_302 = arith.addi %parallel_loop3A_300, %parallel_loop3A_301 : vector<16xi32>
        %parallel_loop3A_303 = tpu.vector_load_idx %arg14[%parallel_loop3A_302] : memref<64xi32, #tpu.memory_space<vmem>>[vector<16xi32>], vector<16xi32>,
        %parallel_loop3A_304 = arith.cmpi eq, %parallel_loop3A_298, %parallel_loop3A_303 : vector<16xi32>
        %parallel_loop3A_305 = vector.broadcast %add3A_36 : i32 to vector<16xi32>
        %parallel_loop3A_306 = arith.addi %parallel_loop3A_305, %parallel_loop3A_288 : vector<16xi32>
        %parallel_loop3A_307 = arith.constant 160000 : i32
        %parallel_loop3A_308 = vector.broadcast %parallel_loop3A_307 : i32 to vector<16xi32>
        %parallel_loop3A_309 = arith.cmpi slt, %parallel_loop3A_306, %parallel_loop3A_308 : vector<16xi32>
        %parallel_loop3A_310 = arith.constant 8 : i32
        %parallel_loop3A_311 = vector.broadcast %parallel_loop3A_310 : i32 to vector<16xi32>
        %parallel_loop3A_312 = arith.muli %parallel_loop3A_289, %parallel_loop3A_311 : vector<16xi32>
        %parallel_loop3A_313 = arith.addi %parallel_loop3A_312, %parallel_loop3A_111 : vector<16xi32>
        %parallel_loop3A_314 = arith.constant dense<true> : vector<16xi1>
        %parallel_loop3A_315 = arith.xori %parallel_loop3A_304, %parallel_loop3A_314 : vector<16xi1>
        %parallel_loop3A_316 = arith.ori %parallel_loop3A_108, %parallel_loop3A_315 : vector<16xi1>
        %parallel_loop3A_317 = arith.andi %parallel_loop3A_309, %parallel_loop3A_316 : vector<16xi1>
        tpu.vector_store_idx %arg9[%parallel_loop3A_313], %parallel_loop3A_293 masked %parallel_loop3A_317 {add = true} : memref<80000xf32, #tpu.memory_space<vmem>>[vector<16xi32>], vector<16xf32>, vector<16xi1>
        %parallel_loop3A_318 = arith.constant dense<true> : vector<16xi1>
        %parallel_loop3A_319 = arith.xori %parallel_loop3A_108, %parallel_loop3A_318 : vector<16xi1>
        %parallel_loop3A_320 = arith.andi %parallel_loop3A_309, %parallel_loop3A_319 : vector<16xi1>
        %parallel_loop3A_321 = arith.andi %parallel_loop3A_320, %parallel_loop3A_304 : vector<16xi1>
        tpu.vector_store_idx %arg9[%parallel_loop3A_313], %parallel_loop3A_293 masked %parallel_loop3A_321 {add = true} : memref<80000xf32, #tpu.memory_space<vmem>>[vector<16xi32>], vector<16xf32>, vector<16xi1>
        %parallel_loop3A_322 = arith.constant 16 : i32
        %parallel_loop3A_323 = arith.muli %parallel_loop3A_105, %parallel_loop3A_322 : i32
        %parallel_loop3A_324 = arith.constant 10 : i32
        %parallel_loop3A_325 = arith.addi %parallel_loop3A_323, %parallel_loop3A_324 : i32
        %parallel_loop3A_326 = arith.constant 3 : i32
        %parallel_loop3A_327 = vector.broadcast %parallel_loop3A_326 : i32 to vector<16xi32>
        %parallel_loop3A_328 = arith.shrui %iota3A, %parallel_loop3A_327 : vector<16xi32>
        %parallel_loop3A_329 = vector.broadcast %parallel_loop3A_325 : i32 to vector<16xi32>
        %parallel_loop3A_330 = arith.addi %parallel_loop3A_329, %parallel_loop3A_328 : vector<16xi32>
        %parallel_loop3A_331 = tpu.vector_load_idx %arg14[%parallel_loop3A_330] : memref<64xi32, #tpu.memory_space<vmem>>[vector<16xi32>], vector<16xi32>,
        %parallel_loop3A_332 = arith.constant 0 : i32
        %parallel_loop3A_333 = vector.broadcast %parallel_loop3A_332 : i32 to vector<16xi32>
        %parallel_loop3A_334 = arith.addi %parallel_loop3A_333, %parallel_loop3A_330 : vector<16xi32>
        %parallel_loop3A_335 = tpu.vector_load_idx %arg20[%parallel_loop3A_334, %parallel_loop3A_111] : memref<128x8xf32, #tpu.memory_space<vmem>>[vector<16xi32>, vector<16xi32>], vector<16xf32>,
        %parallel_loop3A_336 = arith.constant 0 : i32
        %parallel_loop3A_337 = vector.broadcast %parallel_loop3A_336 : i32 to vector<16xi32>
        %parallel_loop3A_338 = vector.broadcast %parallel_loop3A_325 : i32 to vector<16xi32>
        %parallel_loop3A_339 = arith.addi %parallel_loop3A_337, %parallel_loop3A_338 : vector<16xi32>
        %parallel_loop3A_340 = tpu.vector_load_idx %arg14[%parallel_loop3A_339] : memref<64xi32, #tpu.memory_space<vmem>>[vector<16xi32>], vector<16xi32>,
        %parallel_loop3A_341 = arith.constant 1 : i32
        %parallel_loop3A_342 = vector.broadcast %parallel_loop3A_341 : i32 to vector<16xi32>
        %parallel_loop3A_343 = vector.broadcast %parallel_loop3A_325 : i32 to vector<16xi32>
        %parallel_loop3A_344 = arith.addi %parallel_loop3A_342, %parallel_loop3A_343 : vector<16xi32>
        %parallel_loop3A_345 = tpu.vector_load_idx %arg14[%parallel_loop3A_344] : memref<64xi32, #tpu.memory_space<vmem>>[vector<16xi32>], vector<16xi32>,
        %parallel_loop3A_346 = arith.cmpi eq, %parallel_loop3A_340, %parallel_loop3A_345 : vector<16xi32>
        %parallel_loop3A_347 = vector.broadcast %add3A_36 : i32 to vector<16xi32>
        %parallel_loop3A_348 = arith.addi %parallel_loop3A_347, %parallel_loop3A_330 : vector<16xi32>
        %parallel_loop3A_349 = arith.constant 160000 : i32
        %parallel_loop3A_350 = vector.broadcast %parallel_loop3A_349 : i32 to vector<16xi32>
        %parallel_loop3A_351 = arith.cmpi slt, %parallel_loop3A_348, %parallel_loop3A_350 : vector<16xi32>
        %parallel_loop3A_352 = arith.constant 8 : i32
        %parallel_loop3A_353 = vector.broadcast %parallel_loop3A_352 : i32 to vector<16xi32>
        %parallel_loop3A_354 = arith.muli %parallel_loop3A_331, %parallel_loop3A_353 : vector<16xi32>
        %parallel_loop3A_355 = arith.addi %parallel_loop3A_354, %parallel_loop3A_111 : vector<16xi32>
        %parallel_loop3A_356 = arith.constant dense<true> : vector<16xi1>
        %parallel_loop3A_357 = arith.xori %parallel_loop3A_346, %parallel_loop3A_356 : vector<16xi1>
        %parallel_loop3A_358 = arith.ori %parallel_loop3A_108, %parallel_loop3A_357 : vector<16xi1>
        %parallel_loop3A_359 = arith.andi %parallel_loop3A_351, %parallel_loop3A_358 : vector<16xi1>
        tpu.vector_store_idx %arg9[%parallel_loop3A_355], %parallel_loop3A_335 masked %parallel_loop3A_359 {add = true} : memref<80000xf32, #tpu.memory_space<vmem>>[vector<16xi32>], vector<16xf32>, vector<16xi1>
        %parallel_loop3A_360 = arith.constant dense<true> : vector<16xi1>
        %parallel_loop3A_361 = arith.xori %parallel_loop3A_108, %parallel_loop3A_360 : vector<16xi1>
        %parallel_loop3A_362 = arith.andi %parallel_loop3A_351, %parallel_loop3A_361 : vector<16xi1>
        %parallel_loop3A_363 = arith.andi %parallel_loop3A_362, %parallel_loop3A_346 : vector<16xi1>
        tpu.vector_store_idx %arg9[%parallel_loop3A_355], %parallel_loop3A_335 masked %parallel_loop3A_363 {add = true} : memref<80000xf32, #tpu.memory_space<vmem>>[vector<16xi32>], vector<16xf32>, vector<16xi1>
        %parallel_loop3A_364 = arith.constant 16 : i32
        %parallel_loop3A_365 = arith.muli %parallel_loop3A_105, %parallel_loop3A_364 : i32
        %parallel_loop3A_366 = arith.constant 12 : i32
        %parallel_loop3A_367 = arith.addi %parallel_loop3A_365, %parallel_loop3A_366 : i32
        %parallel_loop3A_368 = arith.constant 3 : i32
        %parallel_loop3A_369 = vector.broadcast %parallel_loop3A_368 : i32 to vector<16xi32>
        %parallel_loop3A_370 = arith.shrui %iota3A, %parallel_loop3A_369 : vector<16xi32>
        %parallel_loop3A_371 = vector.broadcast %parallel_loop3A_367 : i32 to vector<16xi32>
        %parallel_loop3A_372 = arith.addi %parallel_loop3A_371, %parallel_loop3A_370 : vector<16xi32>
        %parallel_loop3A_373 = tpu.vector_load_idx %arg14[%parallel_loop3A_372] : memref<64xi32, #tpu.memory_space<vmem>>[vector<16xi32>], vector<16xi32>,
        %parallel_loop3A_374 = arith.constant 0 : i32
        %parallel_loop3A_375 = vector.broadcast %parallel_loop3A_374 : i32 to vector<16xi32>
        %parallel_loop3A_376 = arith.addi %parallel_loop3A_375, %parallel_loop3A_372 : vector<16xi32>
        %parallel_loop3A_377 = tpu.vector_load_idx %arg20[%parallel_loop3A_376, %parallel_loop3A_111] : memref<128x8xf32, #tpu.memory_space<vmem>>[vector<16xi32>, vector<16xi32>], vector<16xf32>,
        %parallel_loop3A_378 = arith.constant 0 : i32
        %parallel_loop3A_379 = vector.broadcast %parallel_loop3A_378 : i32 to vector<16xi32>
        %parallel_loop3A_380 = vector.broadcast %parallel_loop3A_367 : i32 to vector<16xi32>
        %parallel_loop3A_381 = arith.addi %parallel_loop3A_379, %parallel_loop3A_380 : vector<16xi32>
        %parallel_loop3A_382 = tpu.vector_load_idx %arg14[%parallel_loop3A_381] : memref<64xi32, #tpu.memory_space<vmem>>[vector<16xi32>], vector<16xi32>,
        %parallel_loop3A_383 = arith.constant 1 : i32
        %parallel_loop3A_384 = vector.broadcast %parallel_loop3A_383 : i32 to vector<16xi32>
        %parallel_loop3A_385 = vector.broadcast %parallel_loop3A_367 : i32 to vector<16xi32>
        %parallel_loop3A_386 = arith.addi %parallel_loop3A_384, %parallel_loop3A_385 : vector<16xi32>
        %parallel_loop3A_387 = tpu.vector_load_idx %arg14[%parallel_loop3A_386] : memref<64xi32, #tpu.memory_space<vmem>>[vector<16xi32>], vector<16xi32>,
        %parallel_loop3A_388 = arith.cmpi eq, %parallel_loop3A_382, %parallel_loop3A_387 : vector<16xi32>
        %parallel_loop3A_389 = vector.broadcast %add3A_36 : i32 to vector<16xi32>
        %parallel_loop3A_390 = arith.addi %parallel_loop3A_389, %parallel_loop3A_372 : vector<16xi32>
        %parallel_loop3A_391 = arith.constant 160000 : i32
        %parallel_loop3A_392 = vector.broadcast %parallel_loop3A_391 : i32 to vector<16xi32>
        %parallel_loop3A_393 = arith.cmpi slt, %parallel_loop3A_390, %parallel_loop3A_392 : vector<16xi32>
        %parallel_loop3A_394 = arith.constant 8 : i32
        %parallel_loop3A_395 = vector.broadcast %parallel_loop3A_394 : i32 to vector<16xi32>
        %parallel_loop3A_396 = arith.muli %parallel_loop3A_373, %parallel_loop3A_395 : vector<16xi32>
        %parallel_loop3A_397 = arith.addi %parallel_loop3A_396, %parallel_loop3A_111 : vector<16xi32>
        %parallel_loop3A_398 = arith.constant dense<true> : vector<16xi1>
        %parallel_loop3A_399 = arith.xori %parallel_loop3A_388, %parallel_loop3A_398 : vector<16xi1>
        %parallel_loop3A_400 = arith.ori %parallel_loop3A_108, %parallel_loop3A_399 : vector<16xi1>
        %parallel_loop3A_401 = arith.andi %parallel_loop3A_393, %parallel_loop3A_400 : vector<16xi1>
        tpu.vector_store_idx %arg9[%parallel_loop3A_397], %parallel_loop3A_377 masked %parallel_loop3A_401 {add = true} : memref<80000xf32, #tpu.memory_space<vmem>>[vector<16xi32>], vector<16xf32>, vector<16xi1>
        %parallel_loop3A_402 = arith.constant dense<true> : vector<16xi1>
        %parallel_loop3A_403 = arith.xori %parallel_loop3A_108, %parallel_loop3A_402 : vector<16xi1>
        %parallel_loop3A_404 = arith.andi %parallel_loop3A_393, %parallel_loop3A_403 : vector<16xi1>
        %parallel_loop3A_405 = arith.andi %parallel_loop3A_404, %parallel_loop3A_388 : vector<16xi1>
        tpu.vector_store_idx %arg9[%parallel_loop3A_397], %parallel_loop3A_377 masked %parallel_loop3A_405 {add = true} : memref<80000xf32, #tpu.memory_space<vmem>>[vector<16xi32>], vector<16xf32>, vector<16xi1>
        %parallel_loop3A_406 = arith.constant 16 : i32
        %parallel_loop3A_407 = arith.muli %parallel_loop3A_105, %parallel_loop3A_406 : i32
        %parallel_loop3A_408 = arith.constant 14 : i32
        %parallel_loop3A_409 = arith.addi %parallel_loop3A_407, %parallel_loop3A_408 : i32
        %parallel_loop3A_410 = arith.constant 3 : i32
        %parallel_loop3A_411 = vector.broadcast %parallel_loop3A_410 : i32 to vector<16xi32>
        %parallel_loop3A_412 = arith.shrui %iota3A, %parallel_loop3A_411 : vector<16xi32>
        %parallel_loop3A_413 = vector.broadcast %parallel_loop3A_409 : i32 to vector<16xi32>
        %parallel_loop3A_414 = arith.addi %parallel_loop3A_413, %parallel_loop3A_412 : vector<16xi32>
        %parallel_loop3A_415 = tpu.vector_load_idx %arg14[%parallel_loop3A_414] : memref<64xi32, #tpu.memory_space<vmem>>[vector<16xi32>], vector<16xi32>,
        %parallel_loop3A_416 = arith.constant 0 : i32
        %parallel_loop3A_417 = vector.broadcast %parallel_loop3A_416 : i32 to vector<16xi32>
        %parallel_loop3A_418 = arith.addi %parallel_loop3A_417, %parallel_loop3A_414 : vector<16xi32>
        %parallel_loop3A_419 = tpu.vector_load_idx %arg20[%parallel_loop3A_418, %parallel_loop3A_111] : memref<128x8xf32, #tpu.memory_space<vmem>>[vector<16xi32>, vector<16xi32>], vector<16xf32>,
        %parallel_loop3A_420 = arith.constant 0 : i32
        %parallel_loop3A_421 = vector.broadcast %parallel_loop3A_420 : i32 to vector<16xi32>
        %parallel_loop3A_422 = vector.broadcast %parallel_loop3A_409 : i32 to vector<16xi32>
        %parallel_loop3A_423 = arith.addi %parallel_loop3A_421, %parallel_loop3A_422 : vector<16xi32>
        %parallel_loop3A_424 = tpu.vector_load_idx %arg14[%parallel_loop3A_423] : memref<64xi32, #tpu.memory_space<vmem>>[vector<16xi32>], vector<16xi32>,
        %parallel_loop3A_425 = arith.constant 1 : i32
        %parallel_loop3A_426 = vector.broadcast %parallel_loop3A_425 : i32 to vector<16xi32>
        %parallel_loop3A_427 = vector.broadcast %parallel_loop3A_409 : i32 to vector<16xi32>
        %parallel_loop3A_428 = arith.addi %parallel_loop3A_426, %parallel_loop3A_427 : vector<16xi32>
        %parallel_loop3A_429 = tpu.vector_load_idx %arg14[%parallel_loop3A_428] : memref<64xi32, #tpu.memory_space<vmem>>[vector<16xi32>], vector<16xi32>,
        %parallel_loop3A_430 = arith.cmpi eq, %parallel_loop3A_424, %parallel_loop3A_429 : vector<16xi32>
        %parallel_loop3A_431 = vector.broadcast %add3A_36 : i32 to vector<16xi32>
        %parallel_loop3A_432 = arith.addi %parallel_loop3A_431, %parallel_loop3A_414 : vector<16xi32>
        %parallel_loop3A_433 = arith.constant 160000 : i32
        %parallel_loop3A_434 = vector.broadcast %parallel_loop3A_433 : i32 to vector<16xi32>
        %parallel_loop3A_435 = arith.cmpi slt, %parallel_loop3A_432, %parallel_loop3A_434 : vector<16xi32>
        %parallel_loop3A_436 = arith.constant 8 : i32
        %parallel_loop3A_437 = vector.broadcast %parallel_loop3A_436 : i32 to vector<16xi32>
        %parallel_loop3A_438 = arith.muli %parallel_loop3A_415, %parallel_loop3A_437 : vector<16xi32>
        %parallel_loop3A_439 = arith.addi %parallel_loop3A_438, %parallel_loop3A_111 : vector<16xi32>
        %parallel_loop3A_440 = arith.constant dense<true> : vector<16xi1>
        %parallel_loop3A_441 = arith.xori %parallel_loop3A_430, %parallel_loop3A_440 : vector<16xi1>
        %parallel_loop3A_442 = arith.ori %parallel_loop3A_108, %parallel_loop3A_441 : vector<16xi1>
        %parallel_loop3A_443 = arith.andi %parallel_loop3A_435, %parallel_loop3A_442 : vector<16xi1>
        tpu.vector_store_idx %arg9[%parallel_loop3A_439], %parallel_loop3A_419 masked %parallel_loop3A_443 {add = true} : memref<80000xf32, #tpu.memory_space<vmem>>[vector<16xi32>], vector<16xf32>, vector<16xi1>
        %parallel_loop3A_444 = arith.constant dense<true> : vector<16xi1>
        %parallel_loop3A_445 = arith.xori %parallel_loop3A_108, %parallel_loop3A_444 : vector<16xi1>
        %parallel_loop3A_446 = arith.andi %parallel_loop3A_435, %parallel_loop3A_445 : vector<16xi1>
        %parallel_loop3A_447 = arith.andi %parallel_loop3A_446, %parallel_loop3A_430 : vector<16xi1>
        tpu.vector_store_idx %arg9[%parallel_loop3A_439], %parallel_loop3A_419 masked %parallel_loop3A_447 {add = true} : memref<80000xf32, #tpu.memory_space<vmem>>[vector<16xi32>], vector<16xf32>, vector<16xi1>
      } {sc.loop_unroll_factor = 1 : i64, sc.parallel_access}
      %add3A_58 = arith.constant 2 : i32
      %add3A_59 = arith.addi %add3A_33, %add3A_58 : i32
      %lt3A = arith.constant 80 : i32
      %lt3A_60 = arith.cmpi slt, %add3A_59, %lt3A : i32
      %convert_element_type3A = arith.extui %lt3A_60 : i1 to i32
      %cond3A = arith.constant 0 : i32
      %cond3A_61 = arith.cmpi ne, %convert_element_type3A, %cond3A : i32
      scf.if %cond3A_61 {
        %add3A_105 = arith.constant 2 : i32
        %add3A_106 = arith.addi %add3A_33, %add3A_105 : i32
        %mul3A_107 = arith.constant 64 : i32
        %mul3A_108 = arith.muli %add3A_106, %mul3A_107 : i32
        %add3A_109 = arith.addi %mul3A_7, %mul3A_108 : i32
        "tpu.region"() ({
          %run_scoped3A = tpu.sem_alloc : memref<!tpu.dma_semaphore, #tpu.memory_space<semaphore_mem>>
          %dma_start3A_116 = tpu.memref_slice %arg4[%add3A_109] : memref<163840xi32, #tpu.memory_space<hbm>> -> memref<64xi32, #tpu.memory_space<hbm>>
          %dma_start3A_117 = tpu.memref_slice %arg4[%add3A_109] : memref<163840xi32, #tpu.memory_space<hbm>> -> memref<64xi32, #tpu.memory_space<hbm>>
          tpu.enqueue_dma source(%dma_start3A_117 : memref<64xi32, #tpu.memory_space<hbm>>) target(%arg14 : memref<64xi32, #tpu.memory_space<vmem>>) target_semaphore(%run_scoped3A : memref<!tpu.dma_semaphore, #tpu.memory_space<semaphore_mem>>)
          %dma_wait3A_118 = tpu.memref_slice %arg4[%add3A_109] : memref<163840xi32, #tpu.memory_space<hbm>> -> memref<64xi32, #tpu.memory_space<hbm>>
          %dma_wait3A_119 = tpu.memref_slice %arg4[%add3A_109] : memref<163840xi32, #tpu.memory_space<hbm>> -> memref<64xi32, #tpu.memory_space<hbm>>
          tpu.wait_dma2 semaphore(%run_scoped3A : memref<!tpu.dma_semaphore, #tpu.memory_space<semaphore_mem>>) src(%dma_wait3A_119 : memref<64xi32, #tpu.memory_space<hbm>>) dst(%arg14 : memref<64xi32, #tpu.memory_space<vmem>>)
          tpu.yield
        }) : () -> ()
        "tpu.region"() ({
          %run_scoped3A = tpu.sem_alloc : memref<!tpu.dma_semaphore, #tpu.memory_space<semaphore_mem>>
          %dma_start3A_116 = tpu.memref_slice %arg5[%add3A_109] : memref<163840xi32, #tpu.memory_space<hbm>> -> memref<64xi32, #tpu.memory_space<hbm>>
          %dma_start3A_117 = tpu.memref_slice %arg5[%add3A_109] : memref<163840xi32, #tpu.memory_space<hbm>> -> memref<64xi32, #tpu.memory_space<hbm>>
          tpu.enqueue_dma source(%dma_start3A_117 : memref<64xi32, #tpu.memory_space<hbm>>) target(%arg16 : memref<64xi32, #tpu.memory_space<vmem>>) target_semaphore(%run_scoped3A : memref<!tpu.dma_semaphore, #tpu.memory_space<semaphore_mem>>)
          %dma_wait3A_118 = tpu.memref_slice %arg5[%add3A_109] : memref<163840xi32, #tpu.memory_space<hbm>> -> memref<64xi32, #tpu.memory_space<hbm>>
          %dma_wait3A_119 = tpu.memref_slice %arg5[%add3A_109] : memref<163840xi32, #tpu.memory_space<hbm>> -> memref<64xi32, #tpu.memory_space<hbm>>
          tpu.wait_dma2 semaphore(%run_scoped3A : memref<!tpu.dma_semaphore, #tpu.memory_space<semaphore_mem>>) src(%dma_wait3A_119 : memref<64xi32, #tpu.memory_space<hbm>>) dst(%arg16 : memref<64xi32, #tpu.memory_space<vmem>>)
          tpu.yield
        }) : () -> ()
        %dma_start3A_110 = arith.constant 0 : i32
        %dma_start3A_111 = arith.constant 0 : i32
        %dma_start3A_112 = tpu.memref_slice %arg2[%dma_start3A_110, %dma_start3A_111] : memref<10240x128xf32, #tpu.memory_space<hbm>> -> memref<10240x128xf32, #tpu.memory_space<hbm>>
        tpu.enqueue_indirect_dma source(%dma_start3A_112 : memref<10240x128xf32, #tpu.memory_space<hbm>>) target(%arg10 : memref<64x128xf32, #tpu.memory_space<vmem>>) offsets(%arg14 : memref<64xi32, #tpu.memory_space<vmem>>) semaphore(%arg21 : memref<!tpu.dma_semaphore, #tpu.memory_space<semaphore_mem>>)
        %dma_start3A_113 = arith.constant 0 : i32
        %dma_start3A_114 = arith.constant 0 : i32
        %dma_start3A_115 = tpu.memref_slice %arg3[%dma_start3A_113, %dma_start3A_114] : memref<10240x128xf32, #tpu.memory_space<hbm>> -> memref<10240x128xf32, #tpu.memory_space<hbm>>
        tpu.enqueue_indirect_dma source(%dma_start3A_115 : memref<10240x128xf32, #tpu.memory_space<hbm>>) target(%arg12 : memref<64x128xf32, #tpu.memory_space<vmem>>) offsets(%arg16 : memref<64xi32, #tpu.memory_space<vmem>>) semaphore(%arg23 : memref<!tpu.dma_semaphore, #tpu.memory_space<semaphore_mem>>)
      } else {
      }
      %mul3A_62 = arith.constant 2 : i32
      %mul3A_63 = arith.muli %scan3A_29, %mul3A_62 : i32
      %add3A_64 = arith.constant 1 : i32
      %add3A_65 = arith.addi %mul3A_63, %add3A_64 : i32
      %mul3A_66 = arith.constant 64 : i32
      %mul3A_67 = arith.muli %add3A_65, %mul3A_66 : i32
      %add3A_68 = arith.addi %mul3A_7, %mul3A_67 : i32
      %dma_wait3A_69 = arith.constant 0 : i32
      %dma_wait3A_70 = arith.constant 0 : i32
      %dma_wait3A_71 = tpu.memref_slice %arg2[%dma_wait3A_69, %dma_wait3A_70] : memref<10240x128xf32, #tpu.memory_space<hbm>> -> memref<10240x128xf32, #tpu.memory_space<hbm>>
      tpu.wait_indirect_dma semaphore(%arg22 : memref<!tpu.dma_semaphore, #tpu.memory_space<semaphore_mem>>) src(%dma_wait3A_71 : memref<10240x128xf32, #tpu.memory_space<hbm>>) dst(%arg11 : memref<64x128xf32, #tpu.memory_space<vmem>>)
      %dma_wait3A_72 = arith.constant 0 : i32
      %dma_wait3A_73 = arith.constant 0 : i32
      %dma_wait3A_74 = tpu.memref_slice %arg3[%dma_wait3A_72, %dma_wait3A_73] : memref<10240x128xf32, #tpu.memory_space<hbm>> -> memref<10240x128xf32, #tpu.memory_space<hbm>>
      tpu.wait_indirect_dma semaphore(%arg24 : memref<!tpu.dma_semaphore, #tpu.memory_space<semaphore_mem>>) src(%dma_wait3A_74 : memref<10240x128xf32, #tpu.memory_space<hbm>>) dst(%arg13 : memref<64x128xf32, #tpu.memory_space<vmem>>)
      %iota3A_75 = tpu.iota {dimensions = array<i32: 0>} : vector<16xi32>
      %get3A_76 = arith.constant 8 : index
      %get3A_77 = tpu.vector_load %arg18[%get3A_76] {strides = array<i32>} : memref<48xf32, #tpu.memory_space<vmem>>, vector<16xf32>,
      %get3A_78 = arith.constant 24 : index
      %get3A_79 = tpu.vector_load %arg18[%get3A_78] {strides = array<i32>} : memref<48xf32, #tpu.memory_space<vmem>>, vector<16xf32>,
      %eq3A_80 = arith.constant 15 : i32
      %eq3A_81 = vector.broadcast %eq3A_80 : i32 to vector<16xi32>
      %eq3A_82 = arith.cmpi eq, %iota3A_75, %eq3A_81 : vector<16xi32>
      %parallel_loop3A_83 = arith.constant 0 : i32
      %parallel_loop3A_84 = arith.constant 64 : i32
      %parallel_loop3A_85 = arith.constant 1 : i32
      scf.for %parallel_loop3A_105 = %parallel_loop3A_83 to %parallel_loop3A_84 step %parallel_loop3A_85  : i32 {
        %parallel_loop3A_106 = arith.index_cast %parallel_loop3A_105 : i32 to index
        %parallel_loop3A_107 = arith.constant 0 : index
        %parallel_loop3A_108 = tpu.vector_load %arg11[%parallel_loop3A_106, %parallel_loop3A_107] {strides = array<i32>} : memref<64x128xf32, #tpu.memory_space<vmem>>, vector<16xf32>,
        %parallel_loop3A_109 = arith.index_cast %parallel_loop3A_105 : i32 to index
        %parallel_loop3A_110 = arith.constant 0 : index
        %parallel_loop3A_111 = tpu.vector_load %arg13[%parallel_loop3A_109, %parallel_loop3A_110] {strides = array<i32>} : memref<64x128xf32, #tpu.memory_space<vmem>>, vector<16xf32>,
        %parallel_loop3A_112 = arith.addf %parallel_loop3A_108, %parallel_loop3A_111 : vector<16xf32>
        %parallel_loop3A_113 = arith.mulf %get3A_77, %parallel_loop3A_112 : vector<16xf32>
        %parallel_loop3A_114 = math.absf %parallel_loop3A_112 : vector<16xf32>
        %parallel_loop3A_115 = arith.mulf %get3A_79, %parallel_loop3A_114 : vector<16xf32>
        %parallel_loop3A_116 = arith.addf %parallel_loop3A_113, %parallel_loop3A_115 : vector<16xf32>
        %parallel_loop3A_117 = arith.constant true
        %parallel_loop3A_118 = vector.broadcast %parallel_loop3A_117 : i1 to vector<16xi1>
        %parallel_loop3A_119 = tpu.scan <sum>, %parallel_loop3A_116 masked %parallel_loop3A_118 : vector<16xf32>, vector<16xi1> -> vector<16xf32>
        %parallel_loop3A_120 = arith.constant 0 : i32
        %parallel_loop3A_121 = vector.broadcast %parallel_loop3A_120 : i32 to vector<16xi32>
        %parallel_loop3A_122 = arith.muli %iota3A_75, %parallel_loop3A_121 : vector<16xi32>
        %parallel_loop3A_123 = arith.constant 8 : i32
        %parallel_loop3A_124 = arith.muli %parallel_loop3A_105, %parallel_loop3A_123 : i32
        %parallel_loop3A_125 = arith.constant 0 : i32
        %parallel_loop3A_126 = arith.addi %parallel_loop3A_124, %parallel_loop3A_125 : i32
        %parallel_loop3A_127 = vector.broadcast %parallel_loop3A_126 : i32 to vector<16xi32>
        %parallel_loop3A_128 = arith.addi %parallel_loop3A_122, %parallel_loop3A_127 : vector<16xi32>
        tpu.vector_store_idx %arg19[%parallel_loop3A_128], %parallel_loop3A_119 masked %eq3A_82 : memref<512xf32, #tpu.memory_space<vmem>>[vector<16xi32>], vector<16xf32>, vector<16xi1>
        %parallel_loop3A_129 = arith.index_cast %parallel_loop3A_105 : i32 to index
        %parallel_loop3A_130 = arith.constant 16 : index
        %parallel_loop3A_131 = tpu.vector_load %arg11[%parallel_loop3A_129, %parallel_loop3A_130] {strides = array<i32>} : memref<64x128xf32, #tpu.memory_space<vmem>>, vector<16xf32>,
        %parallel_loop3A_132 = arith.index_cast %parallel_loop3A_105 : i32 to index
        %parallel_loop3A_133 = arith.constant 16 : index
        %parallel_loop3A_134 = tpu.vector_load %arg13[%parallel_loop3A_132, %parallel_loop3A_133] {strides = array<i32>} : memref<64x128xf32, #tpu.memory_space<vmem>>, vector<16xf32>,
        %parallel_loop3A_135 = arith.addf %parallel_loop3A_131, %parallel_loop3A_134 : vector<16xf32>
        %parallel_loop3A_136 = arith.mulf %get3A_77, %parallel_loop3A_135 : vector<16xf32>
        %parallel_loop3A_137 = math.absf %parallel_loop3A_135 : vector<16xf32>
        %parallel_loop3A_138 = arith.mulf %get3A_79, %parallel_loop3A_137 : vector<16xf32>
        %parallel_loop3A_139 = arith.addf %parallel_loop3A_136, %parallel_loop3A_138 : vector<16xf32>
        %parallel_loop3A_140 = arith.constant true
        %parallel_loop3A_141 = vector.broadcast %parallel_loop3A_140 : i1 to vector<16xi1>
        %parallel_loop3A_142 = tpu.scan <sum>, %parallel_loop3A_139 masked %parallel_loop3A_141 : vector<16xf32>, vector<16xi1> -> vector<16xf32>
        %parallel_loop3A_143 = arith.constant 0 : i32
        %parallel_loop3A_144 = vector.broadcast %parallel_loop3A_143 : i32 to vector<16xi32>
        %parallel_loop3A_145 = arith.muli %iota3A_75, %parallel_loop3A_144 : vector<16xi32>
        %parallel_loop3A_146 = arith.constant 8 : i32
        %parallel_loop3A_147 = arith.muli %parallel_loop3A_105, %parallel_loop3A_146 : i32
        %parallel_loop3A_148 = arith.constant 1 : i32
        %parallel_loop3A_149 = arith.addi %parallel_loop3A_147, %parallel_loop3A_148 : i32
        %parallel_loop3A_150 = vector.broadcast %parallel_loop3A_149 : i32 to vector<16xi32>
        %parallel_loop3A_151 = arith.addi %parallel_loop3A_145, %parallel_loop3A_150 : vector<16xi32>
        tpu.vector_store_idx %arg19[%parallel_loop3A_151], %parallel_loop3A_142 masked %eq3A_82 : memref<512xf32, #tpu.memory_space<vmem>>[vector<16xi32>], vector<16xf32>, vector<16xi1>
        %parallel_loop3A_152 = arith.index_cast %parallel_loop3A_105 : i32 to index
        %parallel_loop3A_153 = arith.constant 32 : index
        %parallel_loop3A_154 = tpu.vector_load %arg11[%parallel_loop3A_152, %parallel_loop3A_153] {strides = array<i32>} : memref<64x128xf32, #tpu.memory_space<vmem>>, vector<16xf32>,
        %parallel_loop3A_155 = arith.index_cast %parallel_loop3A_105 : i32 to index
        %parallel_loop3A_156 = arith.constant 32 : index
        %parallel_loop3A_157 = tpu.vector_load %arg13[%parallel_loop3A_155, %parallel_loop3A_156] {strides = array<i32>} : memref<64x128xf32, #tpu.memory_space<vmem>>, vector<16xf32>,
        %parallel_loop3A_158 = arith.addf %parallel_loop3A_154, %parallel_loop3A_157 : vector<16xf32>
        %parallel_loop3A_159 = arith.mulf %get3A_77, %parallel_loop3A_158 : vector<16xf32>
        %parallel_loop3A_160 = math.absf %parallel_loop3A_158 : vector<16xf32>
        %parallel_loop3A_161 = arith.mulf %get3A_79, %parallel_loop3A_160 : vector<16xf32>
        %parallel_loop3A_162 = arith.addf %parallel_loop3A_159, %parallel_loop3A_161 : vector<16xf32>
        %parallel_loop3A_163 = arith.constant true
        %parallel_loop3A_164 = vector.broadcast %parallel_loop3A_163 : i1 to vector<16xi1>
        %parallel_loop3A_165 = tpu.scan <sum>, %parallel_loop3A_162 masked %parallel_loop3A_164 : vector<16xf32>, vector<16xi1> -> vector<16xf32>
        %parallel_loop3A_166 = arith.constant 0 : i32
        %parallel_loop3A_167 = vector.broadcast %parallel_loop3A_166 : i32 to vector<16xi32>
        %parallel_loop3A_168 = arith.muli %iota3A_75, %parallel_loop3A_167 : vector<16xi32>
        %parallel_loop3A_169 = arith.constant 8 : i32
        %parallel_loop3A_170 = arith.muli %parallel_loop3A_105, %parallel_loop3A_169 : i32
        %parallel_loop3A_171 = arith.constant 2 : i32
        %parallel_loop3A_172 = arith.addi %parallel_loop3A_170, %parallel_loop3A_171 : i32
        %parallel_loop3A_173 = vector.broadcast %parallel_loop3A_172 : i32 to vector<16xi32>
        %parallel_loop3A_174 = arith.addi %parallel_loop3A_168, %parallel_loop3A_173 : vector<16xi32>
        tpu.vector_store_idx %arg19[%parallel_loop3A_174], %parallel_loop3A_165 masked %eq3A_82 : memref<512xf32, #tpu.memory_space<vmem>>[vector<16xi32>], vector<16xf32>, vector<16xi1>
        %parallel_loop3A_175 = arith.index_cast %parallel_loop3A_105 : i32 to index
        %parallel_loop3A_176 = arith.constant 48 : index
        %parallel_loop3A_177 = tpu.vector_load %arg11[%parallel_loop3A_175, %parallel_loop3A_176] {strides = array<i32>} : memref<64x128xf32, #tpu.memory_space<vmem>>, vector<16xf32>,
        %parallel_loop3A_178 = arith.index_cast %parallel_loop3A_105 : i32 to index
        %parallel_loop3A_179 = arith.constant 48 : index
        %parallel_loop3A_180 = tpu.vector_load %arg13[%parallel_loop3A_178, %parallel_loop3A_179] {strides = array<i32>} : memref<64x128xf32, #tpu.memory_space<vmem>>, vector<16xf32>,
        %parallel_loop3A_181 = arith.addf %parallel_loop3A_177, %parallel_loop3A_180 : vector<16xf32>
        %parallel_loop3A_182 = arith.mulf %get3A_77, %parallel_loop3A_181 : vector<16xf32>
        %parallel_loop3A_183 = math.absf %parallel_loop3A_181 : vector<16xf32>
        %parallel_loop3A_184 = arith.mulf %get3A_79, %parallel_loop3A_183 : vector<16xf32>
        %parallel_loop3A_185 = arith.addf %parallel_loop3A_182, %parallel_loop3A_184 : vector<16xf32>
        %parallel_loop3A_186 = arith.constant true
        %parallel_loop3A_187 = vector.broadcast %parallel_loop3A_186 : i1 to vector<16xi1>
        %parallel_loop3A_188 = tpu.scan <sum>, %parallel_loop3A_185 masked %parallel_loop3A_187 : vector<16xf32>, vector<16xi1> -> vector<16xf32>
        %parallel_loop3A_189 = arith.constant 0 : i32
        %parallel_loop3A_190 = vector.broadcast %parallel_loop3A_189 : i32 to vector<16xi32>
        %parallel_loop3A_191 = arith.muli %iota3A_75, %parallel_loop3A_190 : vector<16xi32>
        %parallel_loop3A_192 = arith.constant 8 : i32
        %parallel_loop3A_193 = arith.muli %parallel_loop3A_105, %parallel_loop3A_192 : i32
        %parallel_loop3A_194 = arith.constant 3 : i32
        %parallel_loop3A_195 = arith.addi %parallel_loop3A_193, %parallel_loop3A_194 : i32
        %parallel_loop3A_196 = vector.broadcast %parallel_loop3A_195 : i32 to vector<16xi32>
        %parallel_loop3A_197 = arith.addi %parallel_loop3A_191, %parallel_loop3A_196 : vector<16xi32>
        tpu.vector_store_idx %arg19[%parallel_loop3A_197], %parallel_loop3A_188 masked %eq3A_82 : memref<512xf32, #tpu.memory_space<vmem>>[vector<16xi32>], vector<16xf32>, vector<16xi1>
        %parallel_loop3A_198 = arith.index_cast %parallel_loop3A_105 : i32 to index
        %parallel_loop3A_199 = arith.constant 64 : index
        %parallel_loop3A_200 = tpu.vector_load %arg11[%parallel_loop3A_198, %parallel_loop3A_199] {strides = array<i32>} : memref<64x128xf32, #tpu.memory_space<vmem>>, vector<16xf32>,
        %parallel_loop3A_201 = arith.index_cast %parallel_loop3A_105 : i32 to index
        %parallel_loop3A_202 = arith.constant 64 : index
        %parallel_loop3A_203 = tpu.vector_load %arg13[%parallel_loop3A_201, %parallel_loop3A_202] {strides = array<i32>} : memref<64x128xf32, #tpu.memory_space<vmem>>, vector<16xf32>,
        %parallel_loop3A_204 = arith.addf %parallel_loop3A_200, %parallel_loop3A_203 : vector<16xf32>
        %parallel_loop3A_205 = arith.mulf %get3A_77, %parallel_loop3A_204 : vector<16xf32>
        %parallel_loop3A_206 = math.absf %parallel_loop3A_204 : vector<16xf32>
        %parallel_loop3A_207 = arith.mulf %get3A_79, %parallel_loop3A_206 : vector<16xf32>
        %parallel_loop3A_208 = arith.addf %parallel_loop3A_205, %parallel_loop3A_207 : vector<16xf32>
        %parallel_loop3A_209 = arith.constant true
        %parallel_loop3A_210 = vector.broadcast %parallel_loop3A_209 : i1 to vector<16xi1>
        %parallel_loop3A_211 = tpu.scan <sum>, %parallel_loop3A_208 masked %parallel_loop3A_210 : vector<16xf32>, vector<16xi1> -> vector<16xf32>
        %parallel_loop3A_212 = arith.constant 0 : i32
        %parallel_loop3A_213 = vector.broadcast %parallel_loop3A_212 : i32 to vector<16xi32>
        %parallel_loop3A_214 = arith.muli %iota3A_75, %parallel_loop3A_213 : vector<16xi32>
        %parallel_loop3A_215 = arith.constant 8 : i32
        %parallel_loop3A_216 = arith.muli %parallel_loop3A_105, %parallel_loop3A_215 : i32
        %parallel_loop3A_217 = arith.constant 4 : i32
        %parallel_loop3A_218 = arith.addi %parallel_loop3A_216, %parallel_loop3A_217 : i32
        %parallel_loop3A_219 = vector.broadcast %parallel_loop3A_218 : i32 to vector<16xi32>
        %parallel_loop3A_220 = arith.addi %parallel_loop3A_214, %parallel_loop3A_219 : vector<16xi32>
        tpu.vector_store_idx %arg19[%parallel_loop3A_220], %parallel_loop3A_211 masked %eq3A_82 : memref<512xf32, #tpu.memory_space<vmem>>[vector<16xi32>], vector<16xf32>, vector<16xi1>
        %parallel_loop3A_221 = arith.index_cast %parallel_loop3A_105 : i32 to index
        %parallel_loop3A_222 = arith.constant 80 : index
        %parallel_loop3A_223 = tpu.vector_load %arg11[%parallel_loop3A_221, %parallel_loop3A_222] {strides = array<i32>} : memref<64x128xf32, #tpu.memory_space<vmem>>, vector<16xf32>,
        %parallel_loop3A_224 = arith.index_cast %parallel_loop3A_105 : i32 to index
        %parallel_loop3A_225 = arith.constant 80 : index
        %parallel_loop3A_226 = tpu.vector_load %arg13[%parallel_loop3A_224, %parallel_loop3A_225] {strides = array<i32>} : memref<64x128xf32, #tpu.memory_space<vmem>>, vector<16xf32>,
        %parallel_loop3A_227 = arith.addf %parallel_loop3A_223, %parallel_loop3A_226 : vector<16xf32>
        %parallel_loop3A_228 = arith.mulf %get3A_77, %parallel_loop3A_227 : vector<16xf32>
        %parallel_loop3A_229 = math.absf %parallel_loop3A_227 : vector<16xf32>
        %parallel_loop3A_230 = arith.mulf %get3A_79, %parallel_loop3A_229 : vector<16xf32>
        %parallel_loop3A_231 = arith.addf %parallel_loop3A_228, %parallel_loop3A_230 : vector<16xf32>
        %parallel_loop3A_232 = arith.constant true
        %parallel_loop3A_233 = vector.broadcast %parallel_loop3A_232 : i1 to vector<16xi1>
        %parallel_loop3A_234 = tpu.scan <sum>, %parallel_loop3A_231 masked %parallel_loop3A_233 : vector<16xf32>, vector<16xi1> -> vector<16xf32>
        %parallel_loop3A_235 = arith.constant 0 : i32
        %parallel_loop3A_236 = vector.broadcast %parallel_loop3A_235 : i32 to vector<16xi32>
        %parallel_loop3A_237 = arith.muli %iota3A_75, %parallel_loop3A_236 : vector<16xi32>
        %parallel_loop3A_238 = arith.constant 8 : i32
        %parallel_loop3A_239 = arith.muli %parallel_loop3A_105, %parallel_loop3A_238 : i32
        %parallel_loop3A_240 = arith.constant 5 : i32
        %parallel_loop3A_241 = arith.addi %parallel_loop3A_239, %parallel_loop3A_240 : i32
        %parallel_loop3A_242 = vector.broadcast %parallel_loop3A_241 : i32 to vector<16xi32>
        %parallel_loop3A_243 = arith.addi %parallel_loop3A_237, %parallel_loop3A_242 : vector<16xi32>
        tpu.vector_store_idx %arg19[%parallel_loop3A_243], %parallel_loop3A_234 masked %eq3A_82 : memref<512xf32, #tpu.memory_space<vmem>>[vector<16xi32>], vector<16xf32>, vector<16xi1>
        %parallel_loop3A_244 = arith.index_cast %parallel_loop3A_105 : i32 to index
        %parallel_loop3A_245 = arith.constant 96 : index
        %parallel_loop3A_246 = tpu.vector_load %arg11[%parallel_loop3A_244, %parallel_loop3A_245] {strides = array<i32>} : memref<64x128xf32, #tpu.memory_space<vmem>>, vector<16xf32>,
        %parallel_loop3A_247 = arith.index_cast %parallel_loop3A_105 : i32 to index
        %parallel_loop3A_248 = arith.constant 96 : index
        %parallel_loop3A_249 = tpu.vector_load %arg13[%parallel_loop3A_247, %parallel_loop3A_248] {strides = array<i32>} : memref<64x128xf32, #tpu.memory_space<vmem>>, vector<16xf32>,
        %parallel_loop3A_250 = arith.addf %parallel_loop3A_246, %parallel_loop3A_249 : vector<16xf32>
        %parallel_loop3A_251 = arith.mulf %get3A_77, %parallel_loop3A_250 : vector<16xf32>
        %parallel_loop3A_252 = math.absf %parallel_loop3A_250 : vector<16xf32>
        %parallel_loop3A_253 = arith.mulf %get3A_79, %parallel_loop3A_252 : vector<16xf32>
        %parallel_loop3A_254 = arith.addf %parallel_loop3A_251, %parallel_loop3A_253 : vector<16xf32>
        %parallel_loop3A_255 = arith.constant true
        %parallel_loop3A_256 = vector.broadcast %parallel_loop3A_255 : i1 to vector<16xi1>
        %parallel_loop3A_257 = tpu.scan <sum>, %parallel_loop3A_254 masked %parallel_loop3A_256 : vector<16xf32>, vector<16xi1> -> vector<16xf32>
        %parallel_loop3A_258 = arith.constant 0 : i32
        %parallel_loop3A_259 = vector.broadcast %parallel_loop3A_258 : i32 to vector<16xi32>
        %parallel_loop3A_260 = arith.muli %iota3A_75, %parallel_loop3A_259 : vector<16xi32>
        %parallel_loop3A_261 = arith.constant 8 : i32
        %parallel_loop3A_262 = arith.muli %parallel_loop3A_105, %parallel_loop3A_261 : i32
        %parallel_loop3A_263 = arith.constant 6 : i32
        %parallel_loop3A_264 = arith.addi %parallel_loop3A_262, %parallel_loop3A_263 : i32
        %parallel_loop3A_265 = vector.broadcast %parallel_loop3A_264 : i32 to vector<16xi32>
        %parallel_loop3A_266 = arith.addi %parallel_loop3A_260, %parallel_loop3A_265 : vector<16xi32>
        tpu.vector_store_idx %arg19[%parallel_loop3A_266], %parallel_loop3A_257 masked %eq3A_82 : memref<512xf32, #tpu.memory_space<vmem>>[vector<16xi32>], vector<16xf32>, vector<16xi1>
        %parallel_loop3A_267 = arith.index_cast %parallel_loop3A_105 : i32 to index
        %parallel_loop3A_268 = arith.constant 112 : index
        %parallel_loop3A_269 = tpu.vector_load %arg11[%parallel_loop3A_267, %parallel_loop3A_268] {strides = array<i32>} : memref<64x128xf32, #tpu.memory_space<vmem>>, vector<16xf32>,
        %parallel_loop3A_270 = arith.index_cast %parallel_loop3A_105 : i32 to index
        %parallel_loop3A_271 = arith.constant 112 : index
        %parallel_loop3A_272 = tpu.vector_load %arg13[%parallel_loop3A_270, %parallel_loop3A_271] {strides = array<i32>} : memref<64x128xf32, #tpu.memory_space<vmem>>, vector<16xf32>,
        %parallel_loop3A_273 = arith.addf %parallel_loop3A_269, %parallel_loop3A_272 : vector<16xf32>
        %parallel_loop3A_274 = arith.mulf %get3A_77, %parallel_loop3A_273 : vector<16xf32>
        %parallel_loop3A_275 = math.absf %parallel_loop3A_273 : vector<16xf32>
        %parallel_loop3A_276 = arith.mulf %get3A_79, %parallel_loop3A_275 : vector<16xf32>
        %parallel_loop3A_277 = arith.addf %parallel_loop3A_274, %parallel_loop3A_276 : vector<16xf32>
        %parallel_loop3A_278 = arith.constant true
        %parallel_loop3A_279 = vector.broadcast %parallel_loop3A_278 : i1 to vector<16xi1>
        %parallel_loop3A_280 = tpu.scan <sum>, %parallel_loop3A_277 masked %parallel_loop3A_279 : vector<16xf32>, vector<16xi1> -> vector<16xf32>
        %parallel_loop3A_281 = arith.constant 0 : i32
        %parallel_loop3A_282 = vector.broadcast %parallel_loop3A_281 : i32 to vector<16xi32>
        %parallel_loop3A_283 = arith.muli %iota3A_75, %parallel_loop3A_282 : vector<16xi32>
        %parallel_loop3A_284 = arith.constant 8 : i32
        %parallel_loop3A_285 = arith.muli %parallel_loop3A_105, %parallel_loop3A_284 : i32
        %parallel_loop3A_286 = arith.constant 7 : i32
        %parallel_loop3A_287 = arith.addi %parallel_loop3A_285, %parallel_loop3A_286 : i32
        %parallel_loop3A_288 = vector.broadcast %parallel_loop3A_287 : i32 to vector<16xi32>
        %parallel_loop3A_289 = arith.addi %parallel_loop3A_283, %parallel_loop3A_288 : vector<16xi32>
        tpu.vector_store_idx %arg19[%parallel_loop3A_289], %parallel_loop3A_280 masked %eq3A_82 : memref<512xf32, #tpu.memory_space<vmem>>[vector<16xi32>], vector<16xf32>, vector<16xi1>
      } {sc.loop_unroll_factor = 2 : i64, sc.parallel_access}
      %scan3A_86 = arith.constant 0 : i32
      %scan3A_87 = arith.constant 0 : i32
      %scan3A_88 = arith.constant 32 : i32
      %scan3A_89 = arith.addi %scan3A_87, %scan3A_88 : i32
      %scan3A_90 = arith.constant 1 : i32
      scf.for %scan3A_105 = %scan3A_87 to %scan3A_89 step %scan3A_90  : i32 {
        %mul3A_106 = arith.constant 16 : i32
        %mul3A_107 = arith.muli %scan3A_105, %mul3A_106 : i32
        %get3A_108 = arith.index_cast %mul3A_107 : i32 to index
        %get3A_109 = tpu.vector_load %arg19[%get3A_108] {strides = array<i32>} : memref<512xf32, #tpu.memory_space<vmem>>, vector<16xf32>,
        %exp3A = math.exp %get3A_109 : vector<16xf32>
        %mul3A_110 = arith.constant 16 : i32
        %mul3A_111 = arith.muli %scan3A_105, %mul3A_110 : i32
        %add3A_112 = vector.broadcast %mul3A_111 : i32 to vector<16xi32>
        %add3A_113 = arith.addi %add3A_112, %iota3A_75 : vector<16xi32>
        %shift_right_logical3A = arith.constant 3 : i32
        %shift_right_logical3A_114 = vector.broadcast %shift_right_logical3A : i32 to vector<16xi32>
        %shift_right_logical3A_115 = arith.shrui %add3A_113, %shift_right_logical3A_114 : vector<16xi32>
        %and3A = arith.constant 7 : i32
        %and3A_116 = vector.broadcast %and3A : i32 to vector<16xi32>
        %and3A_117 = arith.andi %add3A_113, %and3A_116 : vector<16xi32>
        %add3A_118 = arith.constant 64 : i32
        %add3A_119 = vector.broadcast %add3A_118 : i32 to vector<16xi32>
        %add3A_120 = arith.addi %add3A_119, %shift_right_logical3A_115 : vector<16xi32>
        tpu.vector_store_idx %arg20[%add3A_120, %and3A_117], %exp3A : memref<128x8xf32, #tpu.memory_space<vmem>>[vector<16xi32>, vector<16xi32>], vector<16xf32>,
      }
      %scan3A_91 = arith.constant 32 : i32
      %parallel_loop3A_92 = arith.constant 0 : i32
      %parallel_loop3A_93 = arith.constant 4 : i32
      %parallel_loop3A_94 = arith.constant 1 : i32
      scf.for %parallel_loop3A_105 = %parallel_loop3A_92 to %parallel_loop3A_93 step %parallel_loop3A_94  : i32 {
        %parallel_loop3A_106 = arith.constant 8 : i32
        %parallel_loop3A_107 = vector.broadcast %parallel_loop3A_106 : i32 to vector<16xi32>
        %parallel_loop3A_108 = arith.cmpi slt, %iota3A_75, %parallel_loop3A_107 : vector<16xi32>
        %parallel_loop3A_109 = arith.constant 7 : i32
        %parallel_loop3A_110 = vector.broadcast %parallel_loop3A_109 : i32 to vector<16xi32>
        %parallel_loop3A_111 = arith.andi %iota3A_75, %parallel_loop3A_110 : vector<16xi32>
        %parallel_loop3A_112 = arith.constant 16 : i32
        %parallel_loop3A_113 = arith.muli %parallel_loop3A_105, %parallel_loop3A_112 : i32
        %parallel_loop3A_114 = arith.constant 0 : i32
        %parallel_loop3A_115 = arith.addi %parallel_loop3A_113, %parallel_loop3A_114 : i32
        %parallel_loop3A_116 = arith.constant 3 : i32
        %parallel_loop3A_117 = vector.broadcast %parallel_loop3A_116 : i32 to vector<16xi32>
        %parallel_loop3A_118 = arith.shrui %iota3A_75, %parallel_loop3A_117 : vector<16xi32>
        %parallel_loop3A_119 = vector.broadcast %parallel_loop3A_115 : i32 to vector<16xi32>
        %parallel_loop3A_120 = arith.addi %parallel_loop3A_119, %parallel_loop3A_118 : vector<16xi32>
        %parallel_loop3A_121 = tpu.vector_load_idx %arg15[%parallel_loop3A_120] : memref<64xi32, #tpu.memory_space<vmem>>[vector<16xi32>], vector<16xi32>,
        %parallel_loop3A_122 = arith.constant 64 : i32
        %parallel_loop3A_123 = vector.broadcast %parallel_loop3A_122 : i32 to vector<16xi32>
        %parallel_loop3A_124 = arith.addi %parallel_loop3A_123, %parallel_loop3A_120 : vector<16xi32>
        %parallel_loop3A_125 = tpu.vector_load_idx %arg20[%parallel_loop3A_124, %parallel_loop3A_111] : memref<128x8xf32, #tpu.memory_space<vmem>>[vector<16xi32>, vector<16xi32>], vector<16xf32>,
        %parallel_loop3A_126 = arith.constant 0 : i32
        %parallel_loop3A_127 = vector.broadcast %parallel_loop3A_126 : i32 to vector<16xi32>
        %parallel_loop3A_128 = vector.broadcast %parallel_loop3A_115 : i32 to vector<16xi32>
        %parallel_loop3A_129 = arith.addi %parallel_loop3A_127, %parallel_loop3A_128 : vector<16xi32>
        %parallel_loop3A_130 = tpu.vector_load_idx %arg15[%parallel_loop3A_129] : memref<64xi32, #tpu.memory_space<vmem>>[vector<16xi32>], vector<16xi32>,
        %parallel_loop3A_131 = arith.constant 1 : i32
        %parallel_loop3A_132 = vector.broadcast %parallel_loop3A_131 : i32 to vector<16xi32>
        %parallel_loop3A_133 = vector.broadcast %parallel_loop3A_115 : i32 to vector<16xi32>
        %parallel_loop3A_134 = arith.addi %parallel_loop3A_132, %parallel_loop3A_133 : vector<16xi32>
        %parallel_loop3A_135 = tpu.vector_load_idx %arg15[%parallel_loop3A_134] : memref<64xi32, #tpu.memory_space<vmem>>[vector<16xi32>], vector<16xi32>,
        %parallel_loop3A_136 = arith.cmpi eq, %parallel_loop3A_130, %parallel_loop3A_135 : vector<16xi32>
        %parallel_loop3A_137 = vector.broadcast %add3A_68 : i32 to vector<16xi32>
        %parallel_loop3A_138 = arith.addi %parallel_loop3A_137, %parallel_loop3A_120 : vector<16xi32>
        %parallel_loop3A_139 = arith.constant 160000 : i32
        %parallel_loop3A_140 = vector.broadcast %parallel_loop3A_139 : i32 to vector<16xi32>
        %parallel_loop3A_141 = arith.cmpi slt, %parallel_loop3A_138, %parallel_loop3A_140 : vector<16xi32>
        %parallel_loop3A_142 = arith.constant 8 : i32
        %parallel_loop3A_143 = vector.broadcast %parallel_loop3A_142 : i32 to vector<16xi32>
        %parallel_loop3A_144 = arith.muli %parallel_loop3A_121, %parallel_loop3A_143 : vector<16xi32>
        %parallel_loop3A_145 = arith.addi %parallel_loop3A_144, %parallel_loop3A_111 : vector<16xi32>
        %parallel_loop3A_146 = arith.constant dense<true> : vector<16xi1>
        %parallel_loop3A_147 = arith.xori %parallel_loop3A_136, %parallel_loop3A_146 : vector<16xi1>
        %parallel_loop3A_148 = arith.ori %parallel_loop3A_108, %parallel_loop3A_147 : vector<16xi1>
        %parallel_loop3A_149 = arith.andi %parallel_loop3A_141, %parallel_loop3A_148 : vector<16xi1>
        tpu.vector_store_idx %arg9[%parallel_loop3A_145], %parallel_loop3A_125 masked %parallel_loop3A_149 {add = true} : memref<80000xf32, #tpu.memory_space<vmem>>[vector<16xi32>], vector<16xf32>, vector<16xi1>
        %parallel_loop3A_150 = arith.constant dense<true> : vector<16xi1>
        %parallel_loop3A_151 = arith.xori %parallel_loop3A_108, %parallel_loop3A_150 : vector<16xi1>
        %parallel_loop3A_152 = arith.andi %parallel_loop3A_141, %parallel_loop3A_151 : vector<16xi1>
        %parallel_loop3A_153 = arith.andi %parallel_loop3A_152, %parallel_loop3A_136 : vector<16xi1>
        tpu.vector_store_idx %arg9[%parallel_loop3A_145], %parallel_loop3A_125 masked %parallel_loop3A_153 {add = true} : memref<80000xf32, #tpu.memory_space<vmem>>[vector<16xi32>], vector<16xf32>, vector<16xi1>
        %parallel_loop3A_154 = arith.constant 16 : i32
        %parallel_loop3A_155 = arith.muli %parallel_loop3A_105, %parallel_loop3A_154 : i32
        %parallel_loop3A_156 = arith.constant 2 : i32
        %parallel_loop3A_157 = arith.addi %parallel_loop3A_155, %parallel_loop3A_156 : i32
        %parallel_loop3A_158 = arith.constant 3 : i32
        %parallel_loop3A_159 = vector.broadcast %parallel_loop3A_158 : i32 to vector<16xi32>
        %parallel_loop3A_160 = arith.shrui %iota3A_75, %parallel_loop3A_159 : vector<16xi32>
        %parallel_loop3A_161 = vector.broadcast %parallel_loop3A_157 : i32 to vector<16xi32>
        %parallel_loop3A_162 = arith.addi %parallel_loop3A_161, %parallel_loop3A_160 : vector<16xi32>
        %parallel_loop3A_163 = tpu.vector_load_idx %arg15[%parallel_loop3A_162] : memref<64xi32, #tpu.memory_space<vmem>>[vector<16xi32>], vector<16xi32>,
        %parallel_loop3A_164 = arith.constant 64 : i32
        %parallel_loop3A_165 = vector.broadcast %parallel_loop3A_164 : i32 to vector<16xi32>
        %parallel_loop3A_166 = arith.addi %parallel_loop3A_165, %parallel_loop3A_162 : vector<16xi32>
        %parallel_loop3A_167 = tpu.vector_load_idx %arg20[%parallel_loop3A_166, %parallel_loop3A_111] : memref<128x8xf32, #tpu.memory_space<vmem>>[vector<16xi32>, vector<16xi32>], vector<16xf32>,
        %parallel_loop3A_168 = arith.constant 0 : i32
        %parallel_loop3A_169 = vector.broadcast %parallel_loop3A_168 : i32 to vector<16xi32>
        %parallel_loop3A_170 = vector.broadcast %parallel_loop3A_157 : i32 to vector<16xi32>
        %parallel_loop3A_171 = arith.addi %parallel_loop3A_169, %parallel_loop3A_170 : vector<16xi32>
        %parallel_loop3A_172 = tpu.vector_load_idx %arg15[%parallel_loop3A_171] : memref<64xi32, #tpu.memory_space<vmem>>[vector<16xi32>], vector<16xi32>,
        %parallel_loop3A_173 = arith.constant 1 : i32
        %parallel_loop3A_174 = vector.broadcast %parallel_loop3A_173 : i32 to vector<16xi32>
        %parallel_loop3A_175 = vector.broadcast %parallel_loop3A_157 : i32 to vector<16xi32>
        %parallel_loop3A_176 = arith.addi %parallel_loop3A_174, %parallel_loop3A_175 : vector<16xi32>
        %parallel_loop3A_177 = tpu.vector_load_idx %arg15[%parallel_loop3A_176] : memref<64xi32, #tpu.memory_space<vmem>>[vector<16xi32>], vector<16xi32>,
        %parallel_loop3A_178 = arith.cmpi eq, %parallel_loop3A_172, %parallel_loop3A_177 : vector<16xi32>
        %parallel_loop3A_179 = vector.broadcast %add3A_68 : i32 to vector<16xi32>
        %parallel_loop3A_180 = arith.addi %parallel_loop3A_179, %parallel_loop3A_162 : vector<16xi32>
        %parallel_loop3A_181 = arith.constant 160000 : i32
        %parallel_loop3A_182 = vector.broadcast %parallel_loop3A_181 : i32 to vector<16xi32>
        %parallel_loop3A_183 = arith.cmpi slt, %parallel_loop3A_180, %parallel_loop3A_182 : vector<16xi32>
        %parallel_loop3A_184 = arith.constant 8 : i32
        %parallel_loop3A_185 = vector.broadcast %parallel_loop3A_184 : i32 to vector<16xi32>
        %parallel_loop3A_186 = arith.muli %parallel_loop3A_163, %parallel_loop3A_185 : vector<16xi32>
        %parallel_loop3A_187 = arith.addi %parallel_loop3A_186, %parallel_loop3A_111 : vector<16xi32>
        %parallel_loop3A_188 = arith.constant dense<true> : vector<16xi1>
        %parallel_loop3A_189 = arith.xori %parallel_loop3A_178, %parallel_loop3A_188 : vector<16xi1>
        %parallel_loop3A_190 = arith.ori %parallel_loop3A_108, %parallel_loop3A_189 : vector<16xi1>
        %parallel_loop3A_191 = arith.andi %parallel_loop3A_183, %parallel_loop3A_190 : vector<16xi1>
        tpu.vector_store_idx %arg9[%parallel_loop3A_187], %parallel_loop3A_167 masked %parallel_loop3A_191 {add = true} : memref<80000xf32, #tpu.memory_space<vmem>>[vector<16xi32>], vector<16xf32>, vector<16xi1>
        %parallel_loop3A_192 = arith.constant dense<true> : vector<16xi1>
        %parallel_loop3A_193 = arith.xori %parallel_loop3A_108, %parallel_loop3A_192 : vector<16xi1>
        %parallel_loop3A_194 = arith.andi %parallel_loop3A_183, %parallel_loop3A_193 : vector<16xi1>
        %parallel_loop3A_195 = arith.andi %parallel_loop3A_194, %parallel_loop3A_178 : vector<16xi1>
        tpu.vector_store_idx %arg9[%parallel_loop3A_187], %parallel_loop3A_167 masked %parallel_loop3A_195 {add = true} : memref<80000xf32, #tpu.memory_space<vmem>>[vector<16xi32>], vector<16xf32>, vector<16xi1>
        %parallel_loop3A_196 = arith.constant 16 : i32
        %parallel_loop3A_197 = arith.muli %parallel_loop3A_105, %parallel_loop3A_196 : i32
        %parallel_loop3A_198 = arith.constant 4 : i32
        %parallel_loop3A_199 = arith.addi %parallel_loop3A_197, %parallel_loop3A_198 : i32
        %parallel_loop3A_200 = arith.constant 3 : i32
        %parallel_loop3A_201 = vector.broadcast %parallel_loop3A_200 : i32 to vector<16xi32>
        %parallel_loop3A_202 = arith.shrui %iota3A_75, %parallel_loop3A_201 : vector<16xi32>
        %parallel_loop3A_203 = vector.broadcast %parallel_loop3A_199 : i32 to vector<16xi32>
        %parallel_loop3A_204 = arith.addi %parallel_loop3A_203, %parallel_loop3A_202 : vector<16xi32>
        %parallel_loop3A_205 = tpu.vector_load_idx %arg15[%parallel_loop3A_204] : memref<64xi32, #tpu.memory_space<vmem>>[vector<16xi32>], vector<16xi32>,
        %parallel_loop3A_206 = arith.constant 64 : i32
        %parallel_loop3A_207 = vector.broadcast %parallel_loop3A_206 : i32 to vector<16xi32>
        %parallel_loop3A_208 = arith.addi %parallel_loop3A_207, %parallel_loop3A_204 : vector<16xi32>
        %parallel_loop3A_209 = tpu.vector_load_idx %arg20[%parallel_loop3A_208, %parallel_loop3A_111] : memref<128x8xf32, #tpu.memory_space<vmem>>[vector<16xi32>, vector<16xi32>], vector<16xf32>,
        %parallel_loop3A_210 = arith.constant 0 : i32
        %parallel_loop3A_211 = vector.broadcast %parallel_loop3A_210 : i32 to vector<16xi32>
        %parallel_loop3A_212 = vector.broadcast %parallel_loop3A_199 : i32 to vector<16xi32>
        %parallel_loop3A_213 = arith.addi %parallel_loop3A_211, %parallel_loop3A_212 : vector<16xi32>
        %parallel_loop3A_214 = tpu.vector_load_idx %arg15[%parallel_loop3A_213] : memref<64xi32, #tpu.memory_space<vmem>>[vector<16xi32>], vector<16xi32>,
        %parallel_loop3A_215 = arith.constant 1 : i32
        %parallel_loop3A_216 = vector.broadcast %parallel_loop3A_215 : i32 to vector<16xi32>
        %parallel_loop3A_217 = vector.broadcast %parallel_loop3A_199 : i32 to vector<16xi32>
        %parallel_loop3A_218 = arith.addi %parallel_loop3A_216, %parallel_loop3A_217 : vector<16xi32>
        %parallel_loop3A_219 = tpu.vector_load_idx %arg15[%parallel_loop3A_218] : memref<64xi32, #tpu.memory_space<vmem>>[vector<16xi32>], vector<16xi32>,
        %parallel_loop3A_220 = arith.cmpi eq, %parallel_loop3A_214, %parallel_loop3A_219 : vector<16xi32>
        %parallel_loop3A_221 = vector.broadcast %add3A_68 : i32 to vector<16xi32>
        %parallel_loop3A_222 = arith.addi %parallel_loop3A_221, %parallel_loop3A_204 : vector<16xi32>
        %parallel_loop3A_223 = arith.constant 160000 : i32
        %parallel_loop3A_224 = vector.broadcast %parallel_loop3A_223 : i32 to vector<16xi32>
        %parallel_loop3A_225 = arith.cmpi slt, %parallel_loop3A_222, %parallel_loop3A_224 : vector<16xi32>
        %parallel_loop3A_226 = arith.constant 8 : i32
        %parallel_loop3A_227 = vector.broadcast %parallel_loop3A_226 : i32 to vector<16xi32>
        %parallel_loop3A_228 = arith.muli %parallel_loop3A_205, %parallel_loop3A_227 : vector<16xi32>
        %parallel_loop3A_229 = arith.addi %parallel_loop3A_228, %parallel_loop3A_111 : vector<16xi32>
        %parallel_loop3A_230 = arith.constant dense<true> : vector<16xi1>
        %parallel_loop3A_231 = arith.xori %parallel_loop3A_220, %parallel_loop3A_230 : vector<16xi1>
        %parallel_loop3A_232 = arith.ori %parallel_loop3A_108, %parallel_loop3A_231 : vector<16xi1>
        %parallel_loop3A_233 = arith.andi %parallel_loop3A_225, %parallel_loop3A_232 : vector<16xi1>
        tpu.vector_store_idx %arg9[%parallel_loop3A_229], %parallel_loop3A_209 masked %parallel_loop3A_233 {add = true} : memref<80000xf32, #tpu.memory_space<vmem>>[vector<16xi32>], vector<16xf32>, vector<16xi1>
        %parallel_loop3A_234 = arith.constant dense<true> : vector<16xi1>
        %parallel_loop3A_235 = arith.xori %parallel_loop3A_108, %parallel_loop3A_234 : vector<16xi1>
        %parallel_loop3A_236 = arith.andi %parallel_loop3A_225, %parallel_loop3A_235 : vector<16xi1>
        %parallel_loop3A_237 = arith.andi %parallel_loop3A_236, %parallel_loop3A_220 : vector<16xi1>
        tpu.vector_store_idx %arg9[%parallel_loop3A_229], %parallel_loop3A_209 masked %parallel_loop3A_237 {add = true} : memref<80000xf32, #tpu.memory_space<vmem>>[vector<16xi32>], vector<16xf32>, vector<16xi1>
        %parallel_loop3A_238 = arith.constant 16 : i32
        %parallel_loop3A_239 = arith.muli %parallel_loop3A_105, %parallel_loop3A_238 : i32
        %parallel_loop3A_240 = arith.constant 6 : i32
        %parallel_loop3A_241 = arith.addi %parallel_loop3A_239, %parallel_loop3A_240 : i32
        %parallel_loop3A_242 = arith.constant 3 : i32
        %parallel_loop3A_243 = vector.broadcast %parallel_loop3A_242 : i32 to vector<16xi32>
        %parallel_loop3A_244 = arith.shrui %iota3A_75, %parallel_loop3A_243 : vector<16xi32>
        %parallel_loop3A_245 = vector.broadcast %parallel_loop3A_241 : i32 to vector<16xi32>
        %parallel_loop3A_246 = arith.addi %parallel_loop3A_245, %parallel_loop3A_244 : vector<16xi32>
        %parallel_loop3A_247 = tpu.vector_load_idx %arg15[%parallel_loop3A_246] : memref<64xi32, #tpu.memory_space<vmem>>[vector<16xi32>], vector<16xi32>,
        %parallel_loop3A_248 = arith.constant 64 : i32
        %parallel_loop3A_249 = vector.broadcast %parallel_loop3A_248 : i32 to vector<16xi32>
        %parallel_loop3A_250 = arith.addi %parallel_loop3A_249, %parallel_loop3A_246 : vector<16xi32>
        %parallel_loop3A_251 = tpu.vector_load_idx %arg20[%parallel_loop3A_250, %parallel_loop3A_111] : memref<128x8xf32, #tpu.memory_space<vmem>>[vector<16xi32>, vector<16xi32>], vector<16xf32>,
        %parallel_loop3A_252 = arith.constant 0 : i32
        %parallel_loop3A_253 = vector.broadcast %parallel_loop3A_252 : i32 to vector<16xi32>
        %parallel_loop3A_254 = vector.broadcast %parallel_loop3A_241 : i32 to vector<16xi32>
        %parallel_loop3A_255 = arith.addi %parallel_loop3A_253, %parallel_loop3A_254 : vector<16xi32>
        %parallel_loop3A_256 = tpu.vector_load_idx %arg15[%parallel_loop3A_255] : memref<64xi32, #tpu.memory_space<vmem>>[vector<16xi32>], vector<16xi32>,
        %parallel_loop3A_257 = arith.constant 1 : i32
        %parallel_loop3A_258 = vector.broadcast %parallel_loop3A_257 : i32 to vector<16xi32>
        %parallel_loop3A_259 = vector.broadcast %parallel_loop3A_241 : i32 to vector<16xi32>
        %parallel_loop3A_260 = arith.addi %parallel_loop3A_258, %parallel_loop3A_259 : vector<16xi32>
        %parallel_loop3A_261 = tpu.vector_load_idx %arg15[%parallel_loop3A_260] : memref<64xi32, #tpu.memory_space<vmem>>[vector<16xi32>], vector<16xi32>,
        %parallel_loop3A_262 = arith.cmpi eq, %parallel_loop3A_256, %parallel_loop3A_261 : vector<16xi32>
        %parallel_loop3A_263 = vector.broadcast %add3A_68 : i32 to vector<16xi32>
        %parallel_loop3A_264 = arith.addi %parallel_loop3A_263, %parallel_loop3A_246 : vector<16xi32>
        %parallel_loop3A_265 = arith.constant 160000 : i32
        %parallel_loop3A_266 = vector.broadcast %parallel_loop3A_265 : i32 to vector<16xi32>
        %parallel_loop3A_267 = arith.cmpi slt, %parallel_loop3A_264, %parallel_loop3A_266 : vector<16xi32>
        %parallel_loop3A_268 = arith.constant 8 : i32
        %parallel_loop3A_269 = vector.broadcast %parallel_loop3A_268 : i32 to vector<16xi32>
        %parallel_loop3A_270 = arith.muli %parallel_loop3A_247, %parallel_loop3A_269 : vector<16xi32>
        %parallel_loop3A_271 = arith.addi %parallel_loop3A_270, %parallel_loop3A_111 : vector<16xi32>
        %parallel_loop3A_272 = arith.constant dense<true> : vector<16xi1>
        %parallel_loop3A_273 = arith.xori %parallel_loop3A_262, %parallel_loop3A_272 : vector<16xi1>
        %parallel_loop3A_274 = arith.ori %parallel_loop3A_108, %parallel_loop3A_273 : vector<16xi1>
        %parallel_loop3A_275 = arith.andi %parallel_loop3A_267, %parallel_loop3A_274 : vector<16xi1>
        tpu.vector_store_idx %arg9[%parallel_loop3A_271], %parallel_loop3A_251 masked %parallel_loop3A_275 {add = true} : memref<80000xf32, #tpu.memory_space<vmem>>[vector<16xi32>], vector<16xf32>, vector<16xi1>
        %parallel_loop3A_276 = arith.constant dense<true> : vector<16xi1>
        %parallel_loop3A_277 = arith.xori %parallel_loop3A_108, %parallel_loop3A_276 : vector<16xi1>
        %parallel_loop3A_278 = arith.andi %parallel_loop3A_267, %parallel_loop3A_277 : vector<16xi1>
        %parallel_loop3A_279 = arith.andi %parallel_loop3A_278, %parallel_loop3A_262 : vector<16xi1>
        tpu.vector_store_idx %arg9[%parallel_loop3A_271], %parallel_loop3A_251 masked %parallel_loop3A_279 {add = true} : memref<80000xf32, #tpu.memory_space<vmem>>[vector<16xi32>], vector<16xf32>, vector<16xi1>
        %parallel_loop3A_280 = arith.constant 16 : i32
        %parallel_loop3A_281 = arith.muli %parallel_loop3A_105, %parallel_loop3A_280 : i32
        %parallel_loop3A_282 = arith.constant 8 : i32
        %parallel_loop3A_283 = arith.addi %parallel_loop3A_281, %parallel_loop3A_282 : i32
        %parallel_loop3A_284 = arith.constant 3 : i32
        %parallel_loop3A_285 = vector.broadcast %parallel_loop3A_284 : i32 to vector<16xi32>
        %parallel_loop3A_286 = arith.shrui %iota3A_75, %parallel_loop3A_285 : vector<16xi32>
        %parallel_loop3A_287 = vector.broadcast %parallel_loop3A_283 : i32 to vector<16xi32>
        %parallel_loop3A_288 = arith.addi %parallel_loop3A_287, %parallel_loop3A_286 : vector<16xi32>
        %parallel_loop3A_289 = tpu.vector_load_idx %arg15[%parallel_loop3A_288] : memref<64xi32, #tpu.memory_space<vmem>>[vector<16xi32>], vector<16xi32>,
        %parallel_loop3A_290 = arith.constant 64 : i32
        %parallel_loop3A_291 = vector.broadcast %parallel_loop3A_290 : i32 to vector<16xi32>
        %parallel_loop3A_292 = arith.addi %parallel_loop3A_291, %parallel_loop3A_288 : vector<16xi32>
        %parallel_loop3A_293 = tpu.vector_load_idx %arg20[%parallel_loop3A_292, %parallel_loop3A_111] : memref<128x8xf32, #tpu.memory_space<vmem>>[vector<16xi32>, vector<16xi32>], vector<16xf32>,
        %parallel_loop3A_294 = arith.constant 0 : i32
        %parallel_loop3A_295 = vector.broadcast %parallel_loop3A_294 : i32 to vector<16xi32>
        %parallel_loop3A_296 = vector.broadcast %parallel_loop3A_283 : i32 to vector<16xi32>
        %parallel_loop3A_297 = arith.addi %parallel_loop3A_295, %parallel_loop3A_296 : vector<16xi32>
        %parallel_loop3A_298 = tpu.vector_load_idx %arg15[%parallel_loop3A_297] : memref<64xi32, #tpu.memory_space<vmem>>[vector<16xi32>], vector<16xi32>,
        %parallel_loop3A_299 = arith.constant 1 : i32
        %parallel_loop3A_300 = vector.broadcast %parallel_loop3A_299 : i32 to vector<16xi32>
        %parallel_loop3A_301 = vector.broadcast %parallel_loop3A_283 : i32 to vector<16xi32>
        %parallel_loop3A_302 = arith.addi %parallel_loop3A_300, %parallel_loop3A_301 : vector<16xi32>
        %parallel_loop3A_303 = tpu.vector_load_idx %arg15[%parallel_loop3A_302] : memref<64xi32, #tpu.memory_space<vmem>>[vector<16xi32>], vector<16xi32>,
        %parallel_loop3A_304 = arith.cmpi eq, %parallel_loop3A_298, %parallel_loop3A_303 : vector<16xi32>
        %parallel_loop3A_305 = vector.broadcast %add3A_68 : i32 to vector<16xi32>
        %parallel_loop3A_306 = arith.addi %parallel_loop3A_305, %parallel_loop3A_288 : vector<16xi32>
        %parallel_loop3A_307 = arith.constant 160000 : i32
        %parallel_loop3A_308 = vector.broadcast %parallel_loop3A_307 : i32 to vector<16xi32>
        %parallel_loop3A_309 = arith.cmpi slt, %parallel_loop3A_306, %parallel_loop3A_308 : vector<16xi32>
        %parallel_loop3A_310 = arith.constant 8 : i32
        %parallel_loop3A_311 = vector.broadcast %parallel_loop3A_310 : i32 to vector<16xi32>
        %parallel_loop3A_312 = arith.muli %parallel_loop3A_289, %parallel_loop3A_311 : vector<16xi32>
        %parallel_loop3A_313 = arith.addi %parallel_loop3A_312, %parallel_loop3A_111 : vector<16xi32>
        %parallel_loop3A_314 = arith.constant dense<true> : vector<16xi1>
        %parallel_loop3A_315 = arith.xori %parallel_loop3A_304, %parallel_loop3A_314 : vector<16xi1>
        %parallel_loop3A_316 = arith.ori %parallel_loop3A_108, %parallel_loop3A_315 : vector<16xi1>
        %parallel_loop3A_317 = arith.andi %parallel_loop3A_309, %parallel_loop3A_316 : vector<16xi1>
        tpu.vector_store_idx %arg9[%parallel_loop3A_313], %parallel_loop3A_293 masked %parallel_loop3A_317 {add = true} : memref<80000xf32, #tpu.memory_space<vmem>>[vector<16xi32>], vector<16xf32>, vector<16xi1>
        %parallel_loop3A_318 = arith.constant dense<true> : vector<16xi1>
        %parallel_loop3A_319 = arith.xori %parallel_loop3A_108, %parallel_loop3A_318 : vector<16xi1>
        %parallel_loop3A_320 = arith.andi %parallel_loop3A_309, %parallel_loop3A_319 : vector<16xi1>
        %parallel_loop3A_321 = arith.andi %parallel_loop3A_320, %parallel_loop3A_304 : vector<16xi1>
        tpu.vector_store_idx %arg9[%parallel_loop3A_313], %parallel_loop3A_293 masked %parallel_loop3A_321 {add = true} : memref<80000xf32, #tpu.memory_space<vmem>>[vector<16xi32>], vector<16xf32>, vector<16xi1>
        %parallel_loop3A_322 = arith.constant 16 : i32
        %parallel_loop3A_323 = arith.muli %parallel_loop3A_105, %parallel_loop3A_322 : i32
        %parallel_loop3A_324 = arith.constant 10 : i32
        %parallel_loop3A_325 = arith.addi %parallel_loop3A_323, %parallel_loop3A_324 : i32
        %parallel_loop3A_326 = arith.constant 3 : i32
        %parallel_loop3A_327 = vector.broadcast %parallel_loop3A_326 : i32 to vector<16xi32>
        %parallel_loop3A_328 = arith.shrui %iota3A_75, %parallel_loop3A_327 : vector<16xi32>
        %parallel_loop3A_329 = vector.broadcast %parallel_loop3A_325 : i32 to vector<16xi32>
        %parallel_loop3A_330 = arith.addi %parallel_loop3A_329, %parallel_loop3A_328 : vector<16xi32>
        %parallel_loop3A_331 = tpu.vector_load_idx %arg15[%parallel_loop3A_330] : memref<64xi32, #tpu.memory_space<vmem>>[vector<16xi32>], vector<16xi32>,
        %parallel_loop3A_332 = arith.constant 64 : i32
        %parallel_loop3A_333 = vector.broadcast %parallel_loop3A_332 : i32 to vector<16xi32>
        %parallel_loop3A_334 = arith.addi %parallel_loop3A_333, %parallel_loop3A_330 : vector<16xi32>
        %parallel_loop3A_335 = tpu.vector_load_idx %arg20[%parallel_loop3A_334, %parallel_loop3A_111] : memref<128x8xf32, #tpu.memory_space<vmem>>[vector<16xi32>, vector<16xi32>], vector<16xf32>,
        %parallel_loop3A_336 = arith.constant 0 : i32
        %parallel_loop3A_337 = vector.broadcast %parallel_loop3A_336 : i32 to vector<16xi32>
        %parallel_loop3A_338 = vector.broadcast %parallel_loop3A_325 : i32 to vector<16xi32>
        %parallel_loop3A_339 = arith.addi %parallel_loop3A_337, %parallel_loop3A_338 : vector<16xi32>
        %parallel_loop3A_340 = tpu.vector_load_idx %arg15[%parallel_loop3A_339] : memref<64xi32, #tpu.memory_space<vmem>>[vector<16xi32>], vector<16xi32>,
        %parallel_loop3A_341 = arith.constant 1 : i32
        %parallel_loop3A_342 = vector.broadcast %parallel_loop3A_341 : i32 to vector<16xi32>
        %parallel_loop3A_343 = vector.broadcast %parallel_loop3A_325 : i32 to vector<16xi32>
        %parallel_loop3A_344 = arith.addi %parallel_loop3A_342, %parallel_loop3A_343 : vector<16xi32>
        %parallel_loop3A_345 = tpu.vector_load_idx %arg15[%parallel_loop3A_344] : memref<64xi32, #tpu.memory_space<vmem>>[vector<16xi32>], vector<16xi32>,
        %parallel_loop3A_346 = arith.cmpi eq, %parallel_loop3A_340, %parallel_loop3A_345 : vector<16xi32>
        %parallel_loop3A_347 = vector.broadcast %add3A_68 : i32 to vector<16xi32>
        %parallel_loop3A_348 = arith.addi %parallel_loop3A_347, %parallel_loop3A_330 : vector<16xi32>
        %parallel_loop3A_349 = arith.constant 160000 : i32
        %parallel_loop3A_350 = vector.broadcast %parallel_loop3A_349 : i32 to vector<16xi32>
        %parallel_loop3A_351 = arith.cmpi slt, %parallel_loop3A_348, %parallel_loop3A_350 : vector<16xi32>
        %parallel_loop3A_352 = arith.constant 8 : i32
        %parallel_loop3A_353 = vector.broadcast %parallel_loop3A_352 : i32 to vector<16xi32>
        %parallel_loop3A_354 = arith.muli %parallel_loop3A_331, %parallel_loop3A_353 : vector<16xi32>
        %parallel_loop3A_355 = arith.addi %parallel_loop3A_354, %parallel_loop3A_111 : vector<16xi32>
        %parallel_loop3A_356 = arith.constant dense<true> : vector<16xi1>
        %parallel_loop3A_357 = arith.xori %parallel_loop3A_346, %parallel_loop3A_356 : vector<16xi1>
        %parallel_loop3A_358 = arith.ori %parallel_loop3A_108, %parallel_loop3A_357 : vector<16xi1>
        %parallel_loop3A_359 = arith.andi %parallel_loop3A_351, %parallel_loop3A_358 : vector<16xi1>
        tpu.vector_store_idx %arg9[%parallel_loop3A_355], %parallel_loop3A_335 masked %parallel_loop3A_359 {add = true} : memref<80000xf32, #tpu.memory_space<vmem>>[vector<16xi32>], vector<16xf32>, vector<16xi1>
        %parallel_loop3A_360 = arith.constant dense<true> : vector<16xi1>
        %parallel_loop3A_361 = arith.xori %parallel_loop3A_108, %parallel_loop3A_360 : vector<16xi1>
        %parallel_loop3A_362 = arith.andi %parallel_loop3A_351, %parallel_loop3A_361 : vector<16xi1>
        %parallel_loop3A_363 = arith.andi %parallel_loop3A_362, %parallel_loop3A_346 : vector<16xi1>
        tpu.vector_store_idx %arg9[%parallel_loop3A_355], %parallel_loop3A_335 masked %parallel_loop3A_363 {add = true} : memref<80000xf32, #tpu.memory_space<vmem>>[vector<16xi32>], vector<16xf32>, vector<16xi1>
        %parallel_loop3A_364 = arith.constant 16 : i32
        %parallel_loop3A_365 = arith.muli %parallel_loop3A_105, %parallel_loop3A_364 : i32
        %parallel_loop3A_366 = arith.constant 12 : i32
        %parallel_loop3A_367 = arith.addi %parallel_loop3A_365, %parallel_loop3A_366 : i32
        %parallel_loop3A_368 = arith.constant 3 : i32
        %parallel_loop3A_369 = vector.broadcast %parallel_loop3A_368 : i32 to vector<16xi32>
        %parallel_loop3A_370 = arith.shrui %iota3A_75, %parallel_loop3A_369 : vector<16xi32>
        %parallel_loop3A_371 = vector.broadcast %parallel_loop3A_367 : i32 to vector<16xi32>
        %parallel_loop3A_372 = arith.addi %parallel_loop3A_371, %parallel_loop3A_370 : vector<16xi32>
        %parallel_loop3A_373 = tpu.vector_load_idx %arg15[%parallel_loop3A_372] : memref<64xi32, #tpu.memory_space<vmem>>[vector<16xi32>], vector<16xi32>,
        %parallel_loop3A_374 = arith.constant 64 : i32
        %parallel_loop3A_375 = vector.broadcast %parallel_loop3A_374 : i32 to vector<16xi32>
        %parallel_loop3A_376 = arith.addi %parallel_loop3A_375, %parallel_loop3A_372 : vector<16xi32>
        %parallel_loop3A_377 = tpu.vector_load_idx %arg20[%parallel_loop3A_376, %parallel_loop3A_111] : memref<128x8xf32, #tpu.memory_space<vmem>>[vector<16xi32>, vector<16xi32>], vector<16xf32>,
        %parallel_loop3A_378 = arith.constant 0 : i32
        %parallel_loop3A_379 = vector.broadcast %parallel_loop3A_378 : i32 to vector<16xi32>
        %parallel_loop3A_380 = vector.broadcast %parallel_loop3A_367 : i32 to vector<16xi32>
        %parallel_loop3A_381 = arith.addi %parallel_loop3A_379, %parallel_loop3A_380 : vector<16xi32>
        %parallel_loop3A_382 = tpu.vector_load_idx %arg15[%parallel_loop3A_381] : memref<64xi32, #tpu.memory_space<vmem>>[vector<16xi32>], vector<16xi32>,
        %parallel_loop3A_383 = arith.constant 1 : i32
        %parallel_loop3A_384 = vector.broadcast %parallel_loop3A_383 : i32 to vector<16xi32>
        %parallel_loop3A_385 = vector.broadcast %parallel_loop3A_367 : i32 to vector<16xi32>
        %parallel_loop3A_386 = arith.addi %parallel_loop3A_384, %parallel_loop3A_385 : vector<16xi32>
        %parallel_loop3A_387 = tpu.vector_load_idx %arg15[%parallel_loop3A_386] : memref<64xi32, #tpu.memory_space<vmem>>[vector<16xi32>], vector<16xi32>,
        %parallel_loop3A_388 = arith.cmpi eq, %parallel_loop3A_382, %parallel_loop3A_387 : vector<16xi32>
        %parallel_loop3A_389 = vector.broadcast %add3A_68 : i32 to vector<16xi32>
        %parallel_loop3A_390 = arith.addi %parallel_loop3A_389, %parallel_loop3A_372 : vector<16xi32>
        %parallel_loop3A_391 = arith.constant 160000 : i32
        %parallel_loop3A_392 = vector.broadcast %parallel_loop3A_391 : i32 to vector<16xi32>
        %parallel_loop3A_393 = arith.cmpi slt, %parallel_loop3A_390, %parallel_loop3A_392 : vector<16xi32>
        %parallel_loop3A_394 = arith.constant 8 : i32
        %parallel_loop3A_395 = vector.broadcast %parallel_loop3A_394 : i32 to vector<16xi32>
        %parallel_loop3A_396 = arith.muli %parallel_loop3A_373, %parallel_loop3A_395 : vector<16xi32>
        %parallel_loop3A_397 = arith.addi %parallel_loop3A_396, %parallel_loop3A_111 : vector<16xi32>
        %parallel_loop3A_398 = arith.constant dense<true> : vector<16xi1>
        %parallel_loop3A_399 = arith.xori %parallel_loop3A_388, %parallel_loop3A_398 : vector<16xi1>
        %parallel_loop3A_400 = arith.ori %parallel_loop3A_108, %parallel_loop3A_399 : vector<16xi1>
        %parallel_loop3A_401 = arith.andi %parallel_loop3A_393, %parallel_loop3A_400 : vector<16xi1>
        tpu.vector_store_idx %arg9[%parallel_loop3A_397], %parallel_loop3A_377 masked %parallel_loop3A_401 {add = true} : memref<80000xf32, #tpu.memory_space<vmem>>[vector<16xi32>], vector<16xf32>, vector<16xi1>
        %parallel_loop3A_402 = arith.constant dense<true> : vector<16xi1>
        %parallel_loop3A_403 = arith.xori %parallel_loop3A_108, %parallel_loop3A_402 : vector<16xi1>
        %parallel_loop3A_404 = arith.andi %parallel_loop3A_393, %parallel_loop3A_403 : vector<16xi1>
        %parallel_loop3A_405 = arith.andi %parallel_loop3A_404, %parallel_loop3A_388 : vector<16xi1>
        tpu.vector_store_idx %arg9[%parallel_loop3A_397], %parallel_loop3A_377 masked %parallel_loop3A_405 {add = true} : memref<80000xf32, #tpu.memory_space<vmem>>[vector<16xi32>], vector<16xf32>, vector<16xi1>
        %parallel_loop3A_406 = arith.constant 16 : i32
        %parallel_loop3A_407 = arith.muli %parallel_loop3A_105, %parallel_loop3A_406 : i32
        %parallel_loop3A_408 = arith.constant 14 : i32
        %parallel_loop3A_409 = arith.addi %parallel_loop3A_407, %parallel_loop3A_408 : i32
        %parallel_loop3A_410 = arith.constant 3 : i32
        %parallel_loop3A_411 = vector.broadcast %parallel_loop3A_410 : i32 to vector<16xi32>
        %parallel_loop3A_412 = arith.shrui %iota3A_75, %parallel_loop3A_411 : vector<16xi32>
        %parallel_loop3A_413 = vector.broadcast %parallel_loop3A_409 : i32 to vector<16xi32>
        %parallel_loop3A_414 = arith.addi %parallel_loop3A_413, %parallel_loop3A_412 : vector<16xi32>
        %parallel_loop3A_415 = tpu.vector_load_idx %arg15[%parallel_loop3A_414] : memref<64xi32, #tpu.memory_space<vmem>>[vector<16xi32>], vector<16xi32>,
        %parallel_loop3A_416 = arith.constant 64 : i32
        %parallel_loop3A_417 = vector.broadcast %parallel_loop3A_416 : i32 to vector<16xi32>
        %parallel_loop3A_418 = arith.addi %parallel_loop3A_417, %parallel_loop3A_414 : vector<16xi32>
        %parallel_loop3A_419 = tpu.vector_load_idx %arg20[%parallel_loop3A_418, %parallel_loop3A_111] : memref<128x8xf32, #tpu.memory_space<vmem>>[vector<16xi32>, vector<16xi32>], vector<16xf32>,
        %parallel_loop3A_420 = arith.constant 0 : i32
        %parallel_loop3A_421 = vector.broadcast %parallel_loop3A_420 : i32 to vector<16xi32>
        %parallel_loop3A_422 = vector.broadcast %parallel_loop3A_409 : i32 to vector<16xi32>
        %parallel_loop3A_423 = arith.addi %parallel_loop3A_421, %parallel_loop3A_422 : vector<16xi32>
        %parallel_loop3A_424 = tpu.vector_load_idx %arg15[%parallel_loop3A_423] : memref<64xi32, #tpu.memory_space<vmem>>[vector<16xi32>], vector<16xi32>,
        %parallel_loop3A_425 = arith.constant 1 : i32
        %parallel_loop3A_426 = vector.broadcast %parallel_loop3A_425 : i32 to vector<16xi32>
        %parallel_loop3A_427 = vector.broadcast %parallel_loop3A_409 : i32 to vector<16xi32>
        %parallel_loop3A_428 = arith.addi %parallel_loop3A_426, %parallel_loop3A_427 : vector<16xi32>
        %parallel_loop3A_429 = tpu.vector_load_idx %arg15[%parallel_loop3A_428] : memref<64xi32, #tpu.memory_space<vmem>>[vector<16xi32>], vector<16xi32>,
        %parallel_loop3A_430 = arith.cmpi eq, %parallel_loop3A_424, %parallel_loop3A_429 : vector<16xi32>
        %parallel_loop3A_431 = vector.broadcast %add3A_68 : i32 to vector<16xi32>
        %parallel_loop3A_432 = arith.addi %parallel_loop3A_431, %parallel_loop3A_414 : vector<16xi32>
        %parallel_loop3A_433 = arith.constant 160000 : i32
        %parallel_loop3A_434 = vector.broadcast %parallel_loop3A_433 : i32 to vector<16xi32>
        %parallel_loop3A_435 = arith.cmpi slt, %parallel_loop3A_432, %parallel_loop3A_434 : vector<16xi32>
        %parallel_loop3A_436 = arith.constant 8 : i32
        %parallel_loop3A_437 = vector.broadcast %parallel_loop3A_436 : i32 to vector<16xi32>
        %parallel_loop3A_438 = arith.muli %parallel_loop3A_415, %parallel_loop3A_437 : vector<16xi32>
        %parallel_loop3A_439 = arith.addi %parallel_loop3A_438, %parallel_loop3A_111 : vector<16xi32>
        %parallel_loop3A_440 = arith.constant dense<true> : vector<16xi1>
        %parallel_loop3A_441 = arith.xori %parallel_loop3A_430, %parallel_loop3A_440 : vector<16xi1>
        %parallel_loop3A_442 = arith.ori %parallel_loop3A_108, %parallel_loop3A_441 : vector<16xi1>
        %parallel_loop3A_443 = arith.andi %parallel_loop3A_435, %parallel_loop3A_442 : vector<16xi1>
        tpu.vector_store_idx %arg9[%parallel_loop3A_439], %parallel_loop3A_419 masked %parallel_loop3A_443 {add = true} : memref<80000xf32, #tpu.memory_space<vmem>>[vector<16xi32>], vector<16xf32>, vector<16xi1>
        %parallel_loop3A_444 = arith.constant dense<true> : vector<16xi1>
        %parallel_loop3A_445 = arith.xori %parallel_loop3A_108, %parallel_loop3A_444 : vector<16xi1>
        %parallel_loop3A_446 = arith.andi %parallel_loop3A_435, %parallel_loop3A_445 : vector<16xi1>
        %parallel_loop3A_447 = arith.andi %parallel_loop3A_446, %parallel_loop3A_430 : vector<16xi1>
        tpu.vector_store_idx %arg9[%parallel_loop3A_439], %parallel_loop3A_419 masked %parallel_loop3A_447 {add = true} : memref<80000xf32, #tpu.memory_space<vmem>>[vector<16xi32>], vector<16xf32>, vector<16xi1>
      } {sc.loop_unroll_factor = 1 : i64, sc.parallel_access}
      %add3A_95 = arith.constant 2 : i32
      %add3A_96 = arith.addi %add3A_65, %add3A_95 : i32
      %lt3A_97 = arith.constant 80 : i32
      %lt3A_98 = arith.cmpi slt, %add3A_96, %lt3A_97 : i32
      %convert_element_type3A_99 = arith.extui %lt3A_98 : i1 to i32
      %cond3A_100 = arith.constant 0 : i32
      %cond3A_101 = arith.cmpi ne, %convert_element_type3A_99, %cond3A_100 : i32
      scf.if %cond3A_101 {
        %add3A_105 = arith.constant 2 : i32
        %add3A_106 = arith.addi %add3A_65, %add3A_105 : i32
        %mul3A_107 = arith.constant 64 : i32
        %mul3A_108 = arith.muli %add3A_106, %mul3A_107 : i32
        %add3A_109 = arith.addi %mul3A_7, %mul3A_108 : i32
        "tpu.region"() ({
          %run_scoped3A = tpu.sem_alloc : memref<!tpu.dma_semaphore, #tpu.memory_space<semaphore_mem>>
          %dma_start3A_116 = tpu.memref_slice %arg4[%add3A_109] : memref<163840xi32, #tpu.memory_space<hbm>> -> memref<64xi32, #tpu.memory_space<hbm>>
          %dma_start3A_117 = tpu.memref_slice %arg4[%add3A_109] : memref<163840xi32, #tpu.memory_space<hbm>> -> memref<64xi32, #tpu.memory_space<hbm>>
          tpu.enqueue_dma source(%dma_start3A_117 : memref<64xi32, #tpu.memory_space<hbm>>) target(%arg15 : memref<64xi32, #tpu.memory_space<vmem>>) target_semaphore(%run_scoped3A : memref<!tpu.dma_semaphore, #tpu.memory_space<semaphore_mem>>)
          %dma_wait3A_118 = tpu.memref_slice %arg4[%add3A_109] : memref<163840xi32, #tpu.memory_space<hbm>> -> memref<64xi32, #tpu.memory_space<hbm>>
          %dma_wait3A_119 = tpu.memref_slice %arg4[%add3A_109] : memref<163840xi32, #tpu.memory_space<hbm>> -> memref<64xi32, #tpu.memory_space<hbm>>
          tpu.wait_dma2 semaphore(%run_scoped3A : memref<!tpu.dma_semaphore, #tpu.memory_space<semaphore_mem>>) src(%dma_wait3A_119 : memref<64xi32, #tpu.memory_space<hbm>>) dst(%arg15 : memref<64xi32, #tpu.memory_space<vmem>>)
          tpu.yield
        }) : () -> ()
        "tpu.region"() ({
          %run_scoped3A = tpu.sem_alloc : memref<!tpu.dma_semaphore, #tpu.memory_space<semaphore_mem>>
          %dma_start3A_116 = tpu.memref_slice %arg5[%add3A_109] : memref<163840xi32, #tpu.memory_space<hbm>> -> memref<64xi32, #tpu.memory_space<hbm>>
          %dma_start3A_117 = tpu.memref_slice %arg5[%add3A_109] : memref<163840xi32, #tpu.memory_space<hbm>> -> memref<64xi32, #tpu.memory_space<hbm>>
          tpu.enqueue_dma source(%dma_start3A_117 : memref<64xi32, #tpu.memory_space<hbm>>) target(%arg17 : memref<64xi32, #tpu.memory_space<vmem>>) target_semaphore(%run_scoped3A : memref<!tpu.dma_semaphore, #tpu.memory_space<semaphore_mem>>)
          %dma_wait3A_118 = tpu.memref_slice %arg5[%add3A_109] : memref<163840xi32, #tpu.memory_space<hbm>> -> memref<64xi32, #tpu.memory_space<hbm>>
          %dma_wait3A_119 = tpu.memref_slice %arg5[%add3A_109] : memref<163840xi32, #tpu.memory_space<hbm>> -> memref<64xi32, #tpu.memory_space<hbm>>
          tpu.wait_dma2 semaphore(%run_scoped3A : memref<!tpu.dma_semaphore, #tpu.memory_space<semaphore_mem>>) src(%dma_wait3A_119 : memref<64xi32, #tpu.memory_space<hbm>>) dst(%arg17 : memref<64xi32, #tpu.memory_space<vmem>>)
          tpu.yield
        }) : () -> ()
        %dma_start3A_110 = arith.constant 0 : i32
        %dma_start3A_111 = arith.constant 0 : i32
        %dma_start3A_112 = tpu.memref_slice %arg2[%dma_start3A_110, %dma_start3A_111] : memref<10240x128xf32, #tpu.memory_space<hbm>> -> memref<10240x128xf32, #tpu.memory_space<hbm>>
        tpu.enqueue_indirect_dma source(%dma_start3A_112 : memref<10240x128xf32, #tpu.memory_space<hbm>>) target(%arg11 : memref<64x128xf32, #tpu.memory_space<vmem>>) offsets(%arg15 : memref<64xi32, #tpu.memory_space<vmem>>) semaphore(%arg22 : memref<!tpu.dma_semaphore, #tpu.memory_space<semaphore_mem>>)
        %dma_start3A_113 = arith.constant 0 : i32
        %dma_start3A_114 = arith.constant 0 : i32
        %dma_start3A_115 = tpu.memref_slice %arg3[%dma_start3A_113, %dma_start3A_114] : memref<10240x128xf32, #tpu.memory_space<hbm>> -> memref<10240x128xf32, #tpu.memory_space<hbm>>
        tpu.enqueue_indirect_dma source(%dma_start3A_115 : memref<10240x128xf32, #tpu.memory_space<hbm>>) target(%arg13 : memref<64x128xf32, #tpu.memory_space<vmem>>) offsets(%arg17 : memref<64xi32, #tpu.memory_space<vmem>>) semaphore(%arg24 : memref<!tpu.dma_semaphore, #tpu.memory_space<semaphore_mem>>)
      } else {
      }
      %mul3A_102 = arith.constant 128 : i32
      %mul3A_103 = arith.muli %scan3A_29, %mul3A_102 : i32
      %add3A_104 = arith.addi %mul3A_7, %mul3A_103 : i32
      "tpu.region"() ({
        %run_scoped3A = tpu.sem_alloc : memref<!tpu.dma_semaphore, #tpu.memory_space<semaphore_mem>>
        %dma_start3A_105 = arith.constant 0 : i32
        %dma_start3A_106 = tpu.memref_slice %arg7[%add3A_104, %dma_start3A_105] : memref<163840x8xf32, #tpu.memory_space<hbm>> -> memref<128x8xf32, #tpu.memory_space<hbm>>
        %dma_start3A_107 = arith.constant 0 : i32
        %dma_start3A_108 = tpu.memref_slice %arg7[%add3A_104, %dma_start3A_107] : memref<163840x8xf32, #tpu.memory_space<hbm>> -> memref<128x8xf32, #tpu.memory_space<hbm>>
        tpu.enqueue_dma source(%arg20 : memref<128x8xf32, #tpu.memory_space<vmem>>) target(%dma_start3A_108 : memref<128x8xf32, #tpu.memory_space<hbm>>) target_semaphore(%run_scoped3A : memref<!tpu.dma_semaphore, #tpu.memory_space<semaphore_mem>>)
        %dma_wait3A_109 = arith.constant 0 : i32
        %dma_wait3A_110 = tpu.memref_slice %arg7[%add3A_104, %dma_wait3A_109] : memref<163840x8xf32, #tpu.memory_space<hbm>> -> memref<128x8xf32, #tpu.memory_space<hbm>>
        %dma_wait3A_111 = arith.constant 0 : i32
        %dma_wait3A_112 = tpu.memref_slice %arg7[%add3A_104, %dma_wait3A_111] : memref<163840x8xf32, #tpu.memory_space<hbm>> -> memref<128x8xf32, #tpu.memory_space<hbm>>
        tpu.wait_dma2 semaphore(%run_scoped3A : memref<!tpu.dma_semaphore, #tpu.memory_space<semaphore_mem>>) src(%arg20 : memref<128x8xf32, #tpu.memory_space<vmem>>) dst(%dma_wait3A_112 : memref<128x8xf32, #tpu.memory_space<hbm>>)
        tpu.yield
      }) : () -> ()
    }
    %scan3A_28 = arith.constant 40 : i32
    "tpu.region"() ({
      %run_scoped3A = tpu.sem_alloc : memref<!tpu.dma_semaphore, #tpu.memory_space<semaphore_mem>>
      %dma_start3A_29 = arith.constant 0 : i32
      %dma_start3A_30 = tpu.memref_slice %arg8[%add3A, %dma_start3A_29] : memref<32x80000xf32, #tpu.memory_space<hbm>> -> memref<1x80000xf32, #tpu.memory_space<hbm>>
      %dma_start3A_31 = tpu.memref_squeeze %dma_start3A_30 : memref<1x80000xf32, #tpu.memory_space<hbm>> -> memref<80000xf32, #tpu.memory_space<hbm>>
      %dma_start3A_32 = arith.constant 0 : i32
      %dma_start3A_33 = tpu.memref_slice %arg8[%add3A, %dma_start3A_32] : memref<32x80000xf32, #tpu.memory_space<hbm>> -> memref<1x80000xf32, #tpu.memory_space<hbm>>
      %dma_start3A_34 = tpu.memref_squeeze %dma_start3A_33 : memref<1x80000xf32, #tpu.memory_space<hbm>> -> memref<80000xf32, #tpu.memory_space<hbm>>
      tpu.enqueue_dma source(%arg9 : memref<80000xf32, #tpu.memory_space<vmem>>) target(%dma_start3A_34 : memref<80000xf32, #tpu.memory_space<hbm>>) target_semaphore(%run_scoped3A : memref<!tpu.dma_semaphore, #tpu.memory_space<semaphore_mem>>)
      %dma_wait3A = arith.constant 0 : i32
      %dma_wait3A_35 = tpu.memref_slice %arg8[%add3A, %dma_wait3A] : memref<32x80000xf32, #tpu.memory_space<hbm>> -> memref<1x80000xf32, #tpu.memory_space<hbm>>
      %dma_wait3A_36 = tpu.memref_squeeze %dma_wait3A_35 : memref<1x80000xf32, #tpu.memory_space<hbm>> -> memref<80000xf32, #tpu.memory_space<hbm>>
      %dma_wait3A_37 = arith.constant 0 : i32
      %dma_wait3A_38 = tpu.memref_slice %arg8[%add3A, %dma_wait3A_37] : memref<32x80000xf32, #tpu.memory_space<hbm>> -> memref<1x80000xf32, #tpu.memory_space<hbm>>
      %dma_wait3A_39 = tpu.memref_squeeze %dma_wait3A_38 : memref<1x80000xf32, #tpu.memory_space<hbm>> -> memref<80000xf32, #tpu.memory_space<hbm>>
      tpu.wait_dma2 semaphore(%run_scoped3A : memref<!tpu.dma_semaphore, #tpu.memory_space<semaphore_mem>>) src(%arg9 : memref<80000xf32, #tpu.memory_space<vmem>>) dst(%dma_wait3A_39 : memref<80000xf32, #tpu.memory_space<hbm>>)
      tpu.yield
    }) : () -> ()
    return
  }
}

#map = affine_map<(d0, d1) -> (0)>
module attributes {stable_mosaic.version = 14 : i64} {
  func.func @k2(%arg0: i32, %arg1: i32, %arg2: memref<1310720xf32, #tpu.memory_space<hbm>>, %arg3: memref<80000xf32, #tpu.memory_space<hbm>>, %arg4: memref<163840xi32, #tpu.memory_space<hbm>>, %arg5: memref<1310720xf32, #tpu.memory_space<hbm>>, %arg6: memref<80000xf32, #tpu.memory_space<vmem>>, %arg7: memref<8192xf32, #tpu.memory_space<vmem>>, %arg8: memref<8192xf32, #tpu.memory_space<vmem>>, %arg9: memref<1024xi32, #tpu.memory_space<vmem>>) attributes {dimension_semantics = [#tpu.dimension_semantics<core_parallel>, #tpu.dimension_semantics<subcore_parallel>], iteration_bounds = array<i64: 2, 16>, scalar_prefetch = 0 : i64, scratch_operands = 4 : i64, tpu.core_type = #tpu.core_type<sc_vector_subcore>, window_params = [{transform_indices = #map}, {transform_indices = #map}, {transform_indices = #map}, {transform_indices = #map}]} {
    %mul3A = arith.constant 2 : i32
    %mul3A_0 = arith.muli %arg1, %mul3A : i32
    %add3A = arith.addi %mul3A_0, %arg0 : i32
    "tpu.region"() ({
      %run_scoped3A = tpu.sem_alloc : memref<!tpu.dma_semaphore, #tpu.memory_space<semaphore_mem>>
      tpu.enqueue_dma source(%arg3 : memref<80000xf32, #tpu.memory_space<hbm>>) target(%arg6 : memref<80000xf32, #tpu.memory_space<vmem>>) target_semaphore(%run_scoped3A : memref<!tpu.dma_semaphore, #tpu.memory_space<semaphore_mem>>)
      tpu.wait_dma2 semaphore(%run_scoped3A : memref<!tpu.dma_semaphore, #tpu.memory_space<semaphore_mem>>) src(%arg3 : memref<80000xf32, #tpu.memory_space<hbm>>) dst(%arg6 : memref<80000xf32, #tpu.memory_space<vmem>>)
      tpu.yield
    }) : () -> ()
    %mul3A_1 = arith.constant 5120 : i32
    %mul3A_2 = arith.muli %add3A, %mul3A_1 : i32
    %scan3A = arith.constant 0 : i32
    %scan3A_3 = arith.constant 0 : i32
    %scan3A_4 = arith.constant 5 : i32
    %scan3A_5 = arith.addi %scan3A_3, %scan3A_4 : i32
    %scan3A_6 = arith.constant 1 : i32
    scf.for %scan3A_8 = %scan3A_3 to %scan3A_5 step %scan3A_6  : i32 {
      %mul3A_9 = arith.constant 1024 : i32
      %mul3A_10 = arith.muli %scan3A_8, %mul3A_9 : i32
      %add3A_11 = arith.addi %mul3A_2, %mul3A_10 : i32
      "tpu.region"() ({
        %run_scoped3A = tpu.sem_alloc : memref<!tpu.dma_semaphore, #tpu.memory_space<semaphore_mem>>
        %dma_start3A = tpu.memref_slice %arg4[%add3A_11] : memref<163840xi32, #tpu.memory_space<hbm>> -> memref<1024xi32, #tpu.memory_space<hbm>>
        %dma_start3A_22 = tpu.memref_slice %arg4[%add3A_11] : memref<163840xi32, #tpu.memory_space<hbm>> -> memref<1024xi32, #tpu.memory_space<hbm>>
        tpu.enqueue_dma source(%dma_start3A_22 : memref<1024xi32, #tpu.memory_space<hbm>>) target(%arg9 : memref<1024xi32, #tpu.memory_space<vmem>>) target_semaphore(%run_scoped3A : memref<!tpu.dma_semaphore, #tpu.memory_space<semaphore_mem>>)
        %dma_wait3A = tpu.memref_slice %arg4[%add3A_11] : memref<163840xi32, #tpu.memory_space<hbm>> -> memref<1024xi32, #tpu.memory_space<hbm>>
        %dma_wait3A_23 = tpu.memref_slice %arg4[%add3A_11] : memref<163840xi32, #tpu.memory_space<hbm>> -> memref<1024xi32, #tpu.memory_space<hbm>>
        tpu.wait_dma2 semaphore(%run_scoped3A : memref<!tpu.dma_semaphore, #tpu.memory_space<semaphore_mem>>) src(%dma_wait3A_23 : memref<1024xi32, #tpu.memory_space<hbm>>) dst(%arg9 : memref<1024xi32, #tpu.memory_space<vmem>>)
        tpu.yield
      }) : () -> ()
      %mul3A_12 = arith.constant 8 : i32
      %mul3A_13 = arith.muli %add3A_11, %mul3A_12 : i32
      "tpu.region"() ({
        %run_scoped3A = tpu.sem_alloc : memref<!tpu.dma_semaphore, #tpu.memory_space<semaphore_mem>>
        %dma_start3A = tpu.memref_slice %arg2[%mul3A_13] : memref<1310720xf32, #tpu.memory_space<hbm>> -> memref<8192xf32, #tpu.memory_space<hbm>>
        %dma_start3A_22 = tpu.memref_slice %arg2[%mul3A_13] : memref<1310720xf32, #tpu.memory_space<hbm>> -> memref<8192xf32, #tpu.memory_space<hbm>>
        tpu.enqueue_dma source(%dma_start3A_22 : memref<8192xf32, #tpu.memory_space<hbm>>) target(%arg7 : memref<8192xf32, #tpu.memory_space<vmem>>) target_semaphore(%run_scoped3A : memref<!tpu.dma_semaphore, #tpu.memory_space<semaphore_mem>>)
        %dma_wait3A = tpu.memref_slice %arg2[%mul3A_13] : memref<1310720xf32, #tpu.memory_space<hbm>> -> memref<8192xf32, #tpu.memory_space<hbm>>
        %dma_wait3A_23 = tpu.memref_slice %arg2[%mul3A_13] : memref<1310720xf32, #tpu.memory_space<hbm>> -> memref<8192xf32, #tpu.memory_space<hbm>>
        tpu.wait_dma2 semaphore(%run_scoped3A : memref<!tpu.dma_semaphore, #tpu.memory_space<semaphore_mem>>) src(%dma_wait3A_23 : memref<8192xf32, #tpu.memory_space<hbm>>) dst(%arg7 : memref<8192xf32, #tpu.memory_space<vmem>>)
        tpu.yield
      }) : () -> ()
      %scan3A_14 = arith.constant 0 : i32
      %scan3A_15 = arith.constant 0 : i32
      %scan3A_16 = arith.constant 512 : i32
      %scan3A_17 = arith.addi %scan3A_15, %scan3A_16 : i32
      %scan3A_18 = arith.constant 1 : i32
      scf.for %scan3A_22 = %scan3A_15 to %scan3A_17 step %scan3A_18  : i32 {
        %mul3A_23 = arith.constant 16 : i32
        %mul3A_24 = arith.muli %scan3A_22, %mul3A_23 : i32
        %iota3A = tpu.iota {dimensions = array<i32: 0>} : vector<16xi32>
        %add3A_25 = vector.broadcast %mul3A_24 : i32 to vector<16xi32>
        %add3A_26 = arith.addi %add3A_25, %iota3A : vector<16xi32>
        %shift_right_logical3A = arith.constant 3 : i32
        %shift_right_logical3A_27 = vector.broadcast %shift_right_logical3A : i32 to vector<16xi32>
        %shift_right_logical3A_28 = arith.shrui %add3A_26, %shift_right_logical3A_27 : vector<16xi32>
        %and3A = arith.constant 7 : i32
        %and3A_29 = vector.broadcast %and3A : i32 to vector<16xi32>
        %and3A_30 = arith.andi %add3A_26, %and3A_29 : vector<16xi32>
        %gather3A = tpu.vector_load_idx %arg9[%shift_right_logical3A_28] : memref<1024xi32, #tpu.memory_space<vmem>>[vector<16xi32>], vector<16xi32>,
        %mul3A_31 = arith.constant 8 : i32
        %mul3A_32 = vector.broadcast %mul3A_31 : i32 to vector<16xi32>
        %mul3A_33 = arith.muli %gather3A, %mul3A_32 : vector<16xi32>
        %add3A_34 = arith.addi %mul3A_33, %and3A_30 : vector<16xi32>
        %gather3A_35 = tpu.vector_load_idx %arg6[%add3A_34] : memref<80000xf32, #tpu.memory_space<vmem>>[vector<16xi32>], vector<16xf32>,
        %mul3A_36 = arith.constant 16 : i32
        %mul3A_37 = arith.muli %scan3A_22, %mul3A_36 : i32
        %get3A = arith.index_cast %mul3A_37 : i32 to index
        %get3A_38 = tpu.vector_load %arg7[%get3A] {strides = array<i32>} : memref<8192xf32, #tpu.memory_space<vmem>>, vector<16xf32>,
        %div3A = arith.divf %get3A_38, %gather3A_35 : vector<16xf32>
        %mul3A_39 = arith.constant 16 : i32
        %mul3A_40 = arith.muli %scan3A_22, %mul3A_39 : i32
        %swap3A = arith.index_cast %mul3A_40 : i32 to index
        %swap3A_41 = tpu.vector_load %arg8[%swap3A] {strides = array<i32>} : memref<8192xf32, #tpu.memory_space<vmem>>, vector<16xf32>,
        tpu.vector_store %arg8[%swap3A], %div3A {strides = array<i32>} : memref<8192xf32, #tpu.memory_space<vmem>>, vector<16xf32>,
      }
      %scan3A_19 = arith.constant 512 : i32
      %mul3A_20 = arith.constant 8 : i32
      %mul3A_21 = arith.muli %add3A_11, %mul3A_20 : i32
      "tpu.region"() ({
        %run_scoped3A = tpu.sem_alloc : memref<!tpu.dma_semaphore, #tpu.memory_space<semaphore_mem>>
        %dma_start3A = tpu.memref_slice %arg5[%mul3A_21] : memref<1310720xf32, #tpu.memory_space<hbm>> -> memref<8192xf32, #tpu.memory_space<hbm>>
        %dma_start3A_22 = tpu.memref_slice %arg5[%mul3A_21] : memref<1310720xf32, #tpu.memory_space<hbm>> -> memref<8192xf32, #tpu.memory_space<hbm>>
        tpu.enqueue_dma source(%arg8 : memref<8192xf32, #tpu.memory_space<vmem>>) target(%dma_start3A_22 : memref<8192xf32, #tpu.memory_space<hbm>>) target_semaphore(%run_scoped3A : memref<!tpu.dma_semaphore, #tpu.memory_space<semaphore_mem>>)
        %dma_wait3A = tpu.memref_slice %arg5[%mul3A_21] : memref<1310720xf32, #tpu.memory_space<hbm>> -> memref<8192xf32, #tpu.memory_space<hbm>>
        %dma_wait3A_23 = tpu.memref_slice %arg5[%mul3A_21] : memref<1310720xf32, #tpu.memory_space<hbm>> -> memref<8192xf32, #tpu.memory_space<hbm>>
        tpu.wait_dma2 semaphore(%run_scoped3A : memref<!tpu.dma_semaphore, #tpu.memory_space<semaphore_mem>>) src(%arg8 : memref<8192xf32, #tpu.memory_space<vmem>>) dst(%dma_wait3A_23 : memref<8192xf32, #tpu.memory_space<hbm>>)
        tpu.yield
      }) : () -> ()
    }
    %scan3A_7 = arith.constant 5 : i32
    return
  }
}

module attributes {stable_mosaic.version = 14 : i64} {
  func.func @_prep_body(%arg0: i32, %arg1: memref<512x12xf32, #tpu.memory_space<vmem>>, %arg2: memref<12x12xf32, #tpu.memory_space<vmem>>, %arg3: memref<1x1xf32, #tpu.memory_space<vmem>>, %arg4: memref<12x128xf32, #tpu.memory_space<vmem>>, %arg5: memref<12x128xf32, #tpu.memory_space<vmem>>, %arg6: memref<1x128xf32, #tpu.memory_space<vmem>>, %arg7: memref<1x128xf32, #tpu.memory_space<vmem>>, %arg8: memref<512x128xf32, #tpu.memory_space<vmem>>, %arg9: memref<512x128xf32, #tpu.memory_space<vmem>>) attributes {dimension_semantics = [#tpu.dimension_semantics<arbitrary>], iteration_bounds = array<i64: 20>, scalar_prefetch = 0 : i64, scratch_operands = 0 : i64, tpu.core_type = #tpu.core_type<tc>, window_params = [{transform_indices = @transform_0, window_bounds = array<i64: 512, 12>}, {pipeline_mode = #tpu.pipeline_mode<synchronous>, transform_indices = @transform_1, window_bounds = array<i64: 12, 12>}, {pipeline_mode = #tpu.pipeline_mode<synchronous>, transform_indices = @transform_2, window_bounds = array<i64: 1, 1>}, {pipeline_mode = #tpu.pipeline_mode<synchronous>, transform_indices = @transform_3, window_bounds = array<i64: 12, 128>}, {pipeline_mode = #tpu.pipeline_mode<synchronous>, transform_indices = @transform_4, window_bounds = array<i64: 12, 128>}, {pipeline_mode = #tpu.pipeline_mode<synchronous>, transform_indices = @transform_5, window_bounds = array<i64: 1, 128>}, {pipeline_mode = #tpu.pipeline_mode<synchronous>, transform_indices = @transform_6, window_bounds = array<i64: 1, 128>}, {transform_indices = @transform_7, window_bounds = array<i64: 512, 128>}, {transform_indices = @transform_8, window_bounds = array<i64: 512, 128>}]} {
    %get3A = arith.constant 0 : index
    %get3A_0 = arith.constant 0 : index
    %get3A_1 = vector.load %arg1[%get3A, %get3A_0] : memref<512x12xf32, #tpu.memory_space<vmem>>, vector<512x12xf32>
    %get3A_2 = arith.constant 0 : index
    %get3A_3 = arith.constant 0 : index
    %get3A_4 = vector.load %arg2[%get3A_2, %get3A_3] : memref<12x12xf32, #tpu.memory_space<vmem>>, vector<12x12xf32>
    %dot_general3A = arith.constant dense<0.000000e+00> : vector<512x12xf32>
    %dot_general3A_5 = tpu.matmul %get3A_1, %get3A_4, %dot_general3A {dimension_numbers = #tpu.dot_dimension_numbers<[1], [0], [0], [1], [0, 0, 1, 1], [], []>, transpose_lhs_hint = false} : vector<512x12xf32>, vector<12x12xf32>, vector<512x12xf32> -> vector<512x12xf32>
    %get3A_6 = arith.constant 0 : index
    %get3A_7 = arith.constant 0 : index
    %get3A_8 = vector.load %arg3[%get3A_6, %get3A_7] : memref<1x1xf32, #tpu.memory_space<vmem>>, vector<1x1xf32>
    %add3A = vector.broadcast %get3A_8 : vector<1x1xf32> to vector<512x12xf32>
    %add3A_9 = arith.addf %dot_general3A_5, %add3A : vector<512x12xf32>
    %neg3A = arith.constant 0.000000e+00 : f32
    %neg3A_10 = vector.broadcast %neg3A : f32 to vector<512x12xf32>
    %neg3A_11 = arith.subf %neg3A_10, %add3A_9 : vector<512x12xf32>
    %exp3A = math.exp %neg3A_11 : vector<512x12xf32>
    %add3A_12 = arith.constant 1.000000e+00 : f32
    %add3A_13 = vector.broadcast %add3A_12 : f32 to vector<512x12xf32>
    %add3A_14 = arith.addf %add3A_13, %exp3A : vector<512x12xf32>
    %div3A = arith.constant 1.000000e+00 : f32
    %div3A_15 = vector.broadcast %div3A : f32 to vector<512x12xf32>
    %div3A_16 = arith.divf %div3A_15, %add3A_14 : vector<512x12xf32>
    %get3A_17 = arith.constant 0 : index
    %get3A_18 = arith.constant 0 : index
    %get3A_19 = vector.load %arg4[%get3A_17, %get3A_18] : memref<12x128xf32, #tpu.memory_space<vmem>>, vector<12x128xf32>
    %dot_general3A_20 = arith.constant dense<0.000000e+00> : vector<512x128xf32>
    %dot_general3A_21 = tpu.matmul %div3A_16, %get3A_19, %dot_general3A_20 {dimension_numbers = #tpu.dot_dimension_numbers<[1], [0], [0], [1], [0, 0, 1, 1], [], []>, transpose_lhs_hint = false} : vector<512x12xf32>, vector<12x128xf32>, vector<512x128xf32> -> vector<512x128xf32>
    %get3A_22 = arith.constant 0 : index
    %get3A_23 = arith.constant 0 : index
    %get3A_24 = vector.load %arg6[%get3A_22, %get3A_23] : memref<1x128xf32, #tpu.memory_space<vmem>>, vector<1x128xf32>
    %add3A_25 = vector.broadcast %get3A_24 : vector<1x128xf32> to vector<512x128xf32>
    %add3A_26 = arith.addf %dot_general3A_21, %add3A_25 : vector<512x128xf32>
    %swap3A = arith.constant 0 : index
    %swap3A_27 = arith.constant 0 : index
    %swap3A_28 = vector.load %arg8[%swap3A, %swap3A_27] : memref<512x128xf32, #tpu.memory_space<vmem>>, vector<512x128xf32>
    tpu.vector_store %arg8[%swap3A, %swap3A_27], %add3A_26 {strides = array<i32>} : memref<512x128xf32, #tpu.memory_space<vmem>>, vector<512x128xf32>,
    %get3A_29 = arith.constant 0 : index
    %get3A_30 = arith.constant 0 : index
    %get3A_31 = vector.load %arg5[%get3A_29, %get3A_30] : memref<12x128xf32, #tpu.memory_space<vmem>>, vector<12x128xf32>
    %dot_general3A_32 = arith.constant dense<0.000000e+00> : vector<512x128xf32>
    %dot_general3A_33 = tpu.matmul %div3A_16, %get3A_31, %dot_general3A_32 {dimension_numbers = #tpu.dot_dimension_numbers<[1], [0], [0], [1], [0, 0, 1, 1], [], []>, transpose_lhs_hint = false} : vector<512x12xf32>, vector<12x128xf32>, vector<512x128xf32> -> vector<512x128xf32>
    %get3A_34 = arith.constant 0 : index
    %get3A_35 = arith.constant 0 : index
    %get3A_36 = vector.load %arg7[%get3A_34, %get3A_35] : memref<1x128xf32, #tpu.memory_space<vmem>>, vector<1x128xf32>
    %add3A_37 = vector.broadcast %get3A_36 : vector<1x128xf32> to vector<512x128xf32>
    %add3A_38 = arith.addf %dot_general3A_33, %add3A_37 : vector<512x128xf32>
    %swap3A_39 = arith.constant 0 : index
    %swap3A_40 = arith.constant 0 : index
    %swap3A_41 = vector.load %arg9[%swap3A_39, %swap3A_40] : memref<512x128xf32, #tpu.memory_space<vmem>>, vector<512x128xf32>
    tpu.vector_store %arg9[%swap3A_39, %swap3A_40], %add3A_38 {strides = array<i32>} : memref<512x128xf32, #tpu.memory_space<vmem>>, vector<512x128xf32>,
    return
  }
  func.func @transform_0(%arg0: i32) -> (i32, i32) {
    %c0_i32 = arith.constant 0 : i32
    %c0_i32_0 = arith.constant 0 : i32
    return %arg0, %c0_i32 : i32, i32
  }
  func.func @transform_1(%arg0: i32) -> (i32, i32) {
    %c0_i32 = arith.constant 0 : i32
    %c0_i32_0 = arith.constant 0 : i32
    %c0_i32_1 = arith.constant 0 : i32
    return %c0_i32, %c0_i32_0 : i32, i32
  }
  func.func @transform_2(%arg0: i32) -> (i32, i32) {
    %c0_i32 = arith.constant 0 : i32
    %c0_i32_0 = arith.constant 0 : i32
    %c0_i32_1 = arith.constant 0 : i32
    return %c0_i32, %c0_i32_0 : i32, i32
  }
  func.func @transform_3(%arg0: i32) -> (i32, i32) {
    %c0_i32 = arith.constant 0 : i32
    %c0_i32_0 = arith.constant 0 : i32
    %c0_i32_1 = arith.constant 0 : i32
    return %c0_i32, %c0_i32_0 : i32, i32
  }
  func.func @transform_4(%arg0: i32) -> (i32, i32) {
    %c0_i32 = arith.constant 0 : i32
    %c0_i32_0 = arith.constant 0 : i32
    %c0_i32_1 = arith.constant 0 : i32
    return %c0_i32, %c0_i32_0 : i32, i32
  }
  func.func @transform_5(%arg0: i32) -> (i32, i32) {
    %c0_i32 = arith.constant 0 : i32
    %c0_i32_0 = arith.constant 0 : i32
    %c0_i32_1 = arith.constant 0 : i32
    return %c0_i32, %c0_i32_0 : i32, i32
  }
  func.func @transform_6(%arg0: i32) -> (i32, i32) {
    %c0_i32 = arith.constant 0 : i32
    %c0_i32_0 = arith.constant 0 : i32
    %c0_i32_1 = arith.constant 0 : i32
    return %c0_i32, %c0_i32_0 : i32, i32
  }
  func.func @transform_7(%arg0: i32) -> (i32, i32) {
    %c0_i32 = arith.constant 0 : i32
    %c0_i32_0 = arith.constant 0 : i32
    return %arg0, %c0_i32 : i32, i32
  }
  func.func @transform_8(%arg0: i32) -> (i32, i32) {
    %c0_i32 = arith.constant 0 : i32
    %c0_i32_0 = arith.constant 0 : i32
    return %arg0, %c0_i32 : i32, i32
  }
}

module attributes {stable_mosaic.version = 14 : i64} {
  func.func @_reduce_body(%arg0: memref<32x625x128xf32, #tpu.memory_space<vmem>>, %arg1: memref<625x128xf32, #tpu.memory_space<vmem>>) attributes {dimension_semantics = [], scalar_prefetch = 0 : i64, scratch_operands = 0 : i64, tpu.core_type = #tpu.core_type<tc>} {
    %get3A = arith.constant 0 : index
    %get3A_0 = arith.constant 0 : index
    %get3A_1 = arith.constant 0 : index
    %get3A_2 = vector.load %arg0[%get3A, %get3A_0, %get3A_1] : memref<32x625x128xf32, #tpu.memory_space<vmem>>, vector<32x625x128xf32>
    %reduce_sum3A = arith.constant dense<0.000000e+00> : vector<625x128xf32>
    %reduce_sum3A_3 = vector.multi_reduction <add>, %get3A_2, %reduce_sum3A [0] : vector<32x625x128xf32> to vector<625x128xf32>
    %swap3A = arith.constant 0 : index
    %swap3A_4 = arith.constant 0 : index
    %swap3A_5 = vector.load %arg1[%swap3A, %swap3A_4] : memref<625x128xf32, #tpu.memory_space<vmem>>, vector<625x128xf32>
    tpu.vector_store %arg1[%swap3A, %swap3A_4], %reduce_sum3A_3 {strides = array<i32>} : memref<625x128xf32, #tpu.memory_space<vmem>>, vector<625x128xf32>,
    return
  }
}

</mosaic_0001>

<sc_bundles>
// kernel: kernel.6.cloned.1.call-start
scs
__scs_entry_jumppad:
0x0: {  	(pc) =	sbr.rel $0x88, $3  }
0x1: {  	(tag) =	ssettag $0x0;
	lr =	simm.s32 $0x1  }
0x2: {  	[smem:$0x3F98] =	sst lr;
	_ =	strace $0xD0000000  }
0x3: {  	_ = 	snop  }
0x4: {  	_ = 	snop  }
0x5: {  	_ = 	snop  }
0x6: {  	_ = 	snop  }
0x7: {  	_ = 	snop  }
__scs_overlays_trampoline_lowered:
0x8: {  	[smem:$0x3FA7] =	sst s0  }
0x9: {  	[smem:$0x3FA8] =	sst s1  }
0xa: {  	[smem:$0x3FA9] =	sst s2  }
0xb: {  	[smem:$0x3FAA] =	sst s3  }
0xc: {  	[smem:$0x3FAB] =	sst s4  }
0xd: {  	[smem:$0x3FAC] =	sst s5  }
0xe: {  	[smem:$0x3FAD] =	sst s6  }
0xf: {  	[smem:$0x3FAE] =	sst s7  }
0x10: {  	[smem:$0x3FAF] =	sst s8  }
0x11: {  	[smem:$0x3FB0] =	sst s9;
	s0 =	simm.s32 @!p0 $0x0  }
0x12: {  	s1 =	sld [smem:$0x3F96];
	s0 =	simm.s32 @p0 $0x1  }
0x13: {  	[smem:$0x3FB1] =	sst s0;
	s0 =	simm.s32 @!p1 $0x0  }
0x14: {  	s2 =	sld [smem:$0x3F95];
	s0 =	simm.s32 @p1 $0x1  }
0x15: {  	[smem:$0x3FB2] =	sst s0;
	s0 =	simm.s32 @!p2 $0x0  }
0x16: {  	s3 =	sld [smem:$0x3FDB];
	s0 =	simm.s32 @p2 $0x1  }
0x17: {  	s4 =	simm.s32 $0x1BF5;
	[smem:$0x3FB4] =	sst s0  }
0x18: {  	s0 =	sld [smem:$0x3F97];
	_ =	swait.ge [sflag:s4], $0x0  }
0x19: {  	s7 =	sld [smem:$0x3F98]  }
0x1a: {  	s8 =	sadd.s32 $0xFFFFE003, lr  }
0x1b: {  	s9 =	sadd.s32 $0xFFFFFEF7, lr;
	s5 =	simm.s32 $0xFFFFFFFF;
	p2 =	slt.u32 s8, $0xFFFFF086  }
0x1c: {  	p1 =	slt.u32 s9, $0xF7A;
	s5 =	simm.s32 @!p2 $0x0  }
0x1d: {  	s5 =	simm.s32 @p1 $0x1;
	p0 =	seq.s32 s7, s2  }
0x1e: {  	s7 =	smul.u32 @!p0 $0xF7A, s2;
	p2 =	seq.s32 @!p0 s5, $0x0  }
0x1f: {  	s9 =	smul.u32 $0xF7A, s1;
	s8 =	simm.s32 @!p0 $0x1BF5;
	p2 =	por !p2, p0  }
0x20: {  	[sflag:s8] =	ssyncset.s32 @!p0 $0xFFFFF086;
	s6 =	sadd.s32 @!p0 s3, s7;
	s7 =	simm.s32 @!p0 $0x108  }
0x21: {  	s3 =	sadd.s32 s3, s9;
	s6 =	sadd.s32 @!p0 $0x88, s6;
	s7 =	simm.s32 @p2 $0x1082  }
0x22: {  	[simem:s7], [sflag:s8] =	dma.local @!p0 [hbm:s6], $0xF7A  }
0x23: {  	s9 =	sor.u32 $0xD0000000, s2;
	s6 =	simm.s32 $0x108;
	_ =	swait.ge @!p0 [sflag:s8], $0x0  }
0x24: {  	s3 =	sadd.s32 $0x88, s3;
	s6 =	simm.s32 @!p1 $0x1082;
	[sflag:s4] =	ssyncset.s32 $0xFFFFF086  }
0x25: {  	[simem:s6], [sflag:s4] =	dma.local [hbm:s3], $0xF7A  }
0x26: {  	[smem:$0x3F98] =	sst s1;
	(tag) =	ssettag s2;
	_ =	strace s9  }
0x27: {  	s1 =	sld [smem:$0x3FA8]  }
0x28: {  	s2 =	sld [smem:$0x3FA9]  }
0x29: {  	s4 =	sld [smem:$0x3FAB]  }
0x2a: {  	p0 =	seq.s32 s5, $0x0;
	s5 =	sld [smem:$0x3FAC]  }
0x2b: {  	s6 =	sld [smem:$0x3FAD]  }
0x2c: {  	s7 =	sld [smem:$0x3FAE]  }
0x2d: {  	s3 =	simm.s32 $0x108;
	s8 =	sld [smem:$0x3FAF]  }
0x2e: {  	s3 =	simm.s32 @!p0 $0x1082;
	s9 =	sld [smem:$0x3FB0]  }
0x2f: {  	lr =	sadd.s32 s0, s3;
	s0 =	sld [smem:$0x3FA7]  }
0x30: {  	s3 =	sld [smem:$0x3FAA]  }
0x31: {  	[smem:$0x3FB3] =	sst s10  }
0x32: {  	s10 =	sld [smem:$0x3FB1];
	_ =	sdelay $0x3  }
0x33: {  	p0 =	seq.s32 s10, $0x1;
	s10 =	sld [smem:$0x3FB3];
	_ =	sdelay $0x3  }
0x34: {  	[smem:$0x3FB3] =	sst s10  }
0x35: {  	s10 =	sld [smem:$0x3FB2];
	_ =	sdelay $0x3  }
0x36: {  	p1 =	seq.s32 s10, $0x1;
	s10 =	sld [smem:$0x3FB3];
	_ =	sdelay $0x3  }
0x37: {  	[smem:$0x3FB3] =	sst s10  }
0x38: {  	s10 =	sld [smem:$0x3FB4]  }
0x39: {  	_ = 	snop;
	(pc) =	sbr.ind lr, $3  }
0x3a: {  	_ = 	snop  }
0x3b: {  	_ = 	snop  }
0x3c: {  	p2 =	seq.s32 s10, $0x1;
	s10 =	sld [smem:$0x3FB3]  }
0x3d: {  	_ =	shalt  }
0x3e: {  	_ =	shalt  }
0x3f: {  	_ =	shalt  }
0x40: {  	_ =	shalt  }
0x41: {  	_ =	shalt  }
0x42: {  	_ =	shalt  }
0x43: {  	_ =	shalt  }
0x44: {  	_ =	shalt  }
0x45: {  	_ =	shalt  }
0x46: {  	_ =	shalt  }
0x47: {  	_ =	shalt  }
0x48: {  	_ =	shalt  }
0x49: {  	_ =	shalt  }
0x4a: {  	_ =	shalt  }
0x4b: {  	_ =	shalt  }
0x4c: {  	_ =	shalt  }
0x4d: {  	_ =	shalt  }
0x4e: {  	_ =	shalt  }
0x4f: {  	_ =	shalt  }
0x50: {  	_ =	shalt  }
0x51: {  	_ =	shalt  }
0x52: {  	_ =	shalt  }
0x53: {  	_ =	shalt  }
0x54: {  	_ =	shalt  }
0x55: {  	_ =	shalt  }
0x56: {  	_ =	shalt  }
0x57: {  	_ =	shalt  }
0x58: {  	_ =	shalt  }
0x59: {  	_ =	shalt  }
0x5a: {  	_ =	shalt  }
0x5b: {  	_ =	shalt  }
0x5c: {  	_ =	shalt  }
0x5d: {  	_ =	shalt  }
0x5e: {  	_ =	shalt  }
0x5f: {  	_ =	shalt  }
0x60: {  	_ =	shalt  }
0x61: {  	_ =	shalt  }
0x62: {  	_ =	shalt  }
0x63: {  	_ =	shalt  }
0x64: {  	_ =	shalt  }
0x65: {  	_ =	shalt  }
0x66: {  	_ =	shalt  }
0x67: {  	_ =	shalt  }
0x68: {  	_ =	shalt  }
0x69: {  	_ =	shalt  }
0x6a: {  	_ =	shalt  }
0x6b: {  	_ =	shalt  }
0x6c: {  	_ =	shalt  }
0x6d: {  	_ =	shalt  }
0x6e: {  	_ =	shalt  }
0x6f: {  	_ =	shalt  }
0x70: {  	_ =	shalt  }
0x71: {  	_ =	shalt  }
0x72: {  	_ =	shalt  }
0x73: {  	_ =	shalt  }
0x74: {  	_ =	shalt  }
0x75: {  	_ =	shalt  }
0x76: {  	_ =	shalt  }
0x77: {  	_ =	shalt  }
0x78: {  	_ =	shalt  }
0x79: {  	_ =	shalt  }
0x7a: {  	_ =	shalt  }
0x7b: {  	_ =	shalt  }
0x7c: {  	_ =	shalt  }
0x7d: {  	_ =	shalt  }
0x7e: {  	_ =	shalt  }
0x7f: {  	_ =	shalt  }
0x80: {  	_ =	shalt  }
0x81: {  	_ =	shalt  }
0x82: {  	_ =	shalt  }
0x83: {  	_ =	shalt  }
0x84: {  	_ =	shalt  }
0x85: {  	_ =	shalt  }
0x86: {  	_ =	shalt  }
0x87: {  	_ =	shalt  }
.Lfunc_end0:
.L_simem_size_0:
called_computation_lowered:
.L_overlay_start_0:
0x88: {  	s2 =	sld [smem:$0x3FD9]  }
0x89: {  	s3 =	sld [smem:$0x3FFE];
	_ =	sdelay $0x1  }
0x8a: {  	s1 =	srdreg.scid  }
0x8b: {  	s0 =	sand.u32 $0x1, s1  }
0x8c: {  	s17 =	sshll.u32 s0, $0xA;
	s2 =	sadd.s32 s3, s2  }
0x8d: {  	s2 =	sadd.s32 s2, s17  }
0x8e: {  	[smem:$0x3FBF] =	sst s2  }
0x8f: {  	_ = 	snop  }
0x90: {  	s2 =	sld [smem:$0x3FD0];
	(tm) =	ssettm $0x1  }
0x91: {  	s18 =	sld [smem:$0x3FFB];
	_ =	sdelay $0x3  }
0x92: {  	_ =	strace s18  }
0x93: {  	s3 =	sld [smem:$0x3FFC];
	_ =	sdelay $0x3  }
0x94: {  	_ =	strace s3  }
0x95: {  	s3 =	sld [smem:$0x3FFD];
	_ =	sdelay $0x3  }
0x96: {  	_ =	strace s3  }
0x97: {  	_ =	strace $0x8FFFFFFF  }
0x98: {  	s19 =	sld [smem:$0x3FDB];
	_ =	sdelay $0x1  }
0x99: {  	s4 =	simm.s32 $_scs_section_size  }
0x9a: {  	s5 =	simm.s32 $_size__tile_overlayer_lowered;
	s6 =	simm.s32 $_tile_overlayer_lowered  }
0x9b: {  	s22 =	simm.s32 $0x1BFF;
	s21 =	sshll.u32 s6, $0x1;
	s3 =	sadd.s32 s4, s19  }
0x9c: {  	s7 =	simm.s32 $0x0;
	s20 =	sshll.u32 s5, $0x1;
	s5 =	sadd.s32 s21, s3  }
0x9d: {  	[timem:s7], [sflag:s22] =	dma.local [hbm:s5], s20  }
0x9e: {  	_ =	swait.ge [sflag:s22], s20  }
0x9f: {  	s4 =	ssub.s32 $0x0, s20;
	[sflag:s22] =	ssyncset.done $0x0  }
0xa0: {  	[sflag:s22] =	ssyncadd.s32 s4;
	_ =	sdelay $0x1  }
0xa1: {  	s23 =	simm.s32 $0x1B8B  }
0xa2: {  	_ =	swait.ge [sflag:s23], $0x1  }
0xa3: {  	[sflag:s23] =	ssyncset.done $0x0  }
0xa4: {  	s25 =	simm.s32 $0x1B8E;
	s24 =	sld [smem:$0x3FFE];
	[sflag:s23] =	ssyncadd.s32 $0xFFFFFFFF  }
0xa5: {  	s26 =	simm.s32 $execute0_lowered;
	[smem:$0x3FD2] =	sst s25  }
0xa6: {  	s5 =	sshll.u32 s26, $0x1;
	_ =	strace $0x80000046;
	[dreg:$0x1] =	wrdreg $0xFFFFFFFF  }
0xa7: {  	s28 =	simm.s32 $_size_execute0_lowered;
	s3 =	sadd.s32 s3, s5;
	[dreg:$0x0] =	wrdreg $0x0  }
0xa8: {  	s5 =	sshll.u32 s28, $0x1;
	[dreg:$0x2] =	wrdreg s3  }
0xa9: {  	[dreg:$0x3] =	wrdreg s5  }
0xaa: {  	[dreg:$0x4] =	wrdreg $0xC0  }
0xab: {  	_ =	task [dreg:s7], $0x5FFFF  }
0xac: {  	[dreg:$0x1] =	wrdreg $0xFFFFFFFF  }
0xad: {  	[dreg:$0x0] =	wrdreg $0x60  }
0xae: {  	[dreg:$0x2] =	wrdreg s24  }
0xaf: {  	[dreg:$0x3] =	wrdreg s2  }
0xb0: {  	[dreg:$0x4] =	wrdreg $0x9  }
0xb1: {  	_ =	task.clear_ibuf [dreg:s7], $0x5FFFF;
	_ =	strace $0x90000046  }
0xb2: {  	s29 =	simm.s32 $0x9;
	_ =	strace $0x80000048  }
0xb3: {  	_ =	swait.ge [sflag:s29], $0x1  }
0xb4: {  	[sflag:s29] =	ssyncadd.s32 $0xFFFFFFFF  }
0xb5: {  	_ =	strace $0x90000048  }
0xb6: {  	_ =	sfence  }
0xb7: {  	s30 =	sld [smem:$0x0];
	_ =	sdelay $0x2  }
0xb8: {  	s31 =	sshll.u32 s1, $0xD;
	s1 =	sshrl.u32 s1, $0x2  }
0xb9: {  	s3 =	sand.u32 $0x4000, s31;
	s1 =	sadd.s32 s1, s30  }
0xba: {  	s0 =	sor.u32 s3, s0;
	s1 =	sshll.u32 s1, $0x11  }
0xbb: {  	s0 =	sor.u32 s1, s0  }
0xbc: {  	s0 =	sadd.s32 $0x8F2B, s0  }
0xbd: {  	[sflag:s0] =	ssyncadd.remote.s32 $0x1  }
0xbe: {  	_ =	sfence.sel $0xFFFF  }
0xbf: {  	[dreg:$0x0] =	wrdreg $0xFFFFFFFF;
	(pc) =	sbr.abs _section_cstart, $3  }
0xc0: {  	[dreg:$0x1] =	wrdreg $0xFFFFFFFF  }
0xc1: {  	_ =	task.clear_ibuf [dreg:s7], $0x2FFFF;
	_ =	strace $0x9FFFFFFF  }
0xc2: {  	(tm) =	ssettm $0x7FFFFFFF  }
0xc3: {  	_ =	shalt  }
tec
execute0_lowered:
.L_overlay_start_1:
0x0: {  	(tag) =	ssettag $0x1  }
0x1: {  	s0 =	rddreg [dreg:$0x0]  }
0x2: {  	s6 =	rddreg [dreg:$0x1]  }
0x3: {  	s3 =	simm.s32 $0x0;
	s1 =	srdreg.scid;
	s4 =	stileid.u32  }
0x4: {  	[smem:$0x7FF] =	sst s3;
	s1 =	sand.u32 $0x1, s1;
	s2 =	sshll.u32 s4, $0x1  }
0x5: {  	s4 =	sshrl.u32 s4, $0x2;
	s5 =	sadd.s32 $0x7A00, s0;
	s7 =	sadd.s32 $0x2FA00, s0  }
0x6: {  	s18 =	sadd.s32 $0x2800, s0;
	_ =	strace $0x80000047;
	[dreg:$0x3] =	wrdreg s5  }
0x7: {  	s8 =	sadd.s32 $0x7800, s0;
	s20 =	sadd.s32 $0x57A00, s0;
	[dreg:$0x4] =	wrdreg s7  }
0x8: {  	s2 =	sor.u32 s1, s2;
	s4 =	smul.u32 $0x9C400, s4;
	[dreg:$0x6] =	wrdreg s8  }
0x9: {  	[dreg:$0x8] =	wrdreg s20;
	s1 =	ssub.s32 $0x2, s1;
	s19 =	smul.u32 $0x1400, s2  }
0xa: {  	[dreg:$0x5] =	wrdreg s18;
	s17 =	sshll.u32 s2, $0x7;
	s22 =	sshrl.u32 s1, $0x1  }
0xb: {  	s5 =	sand.u32 $0x380, s17;
	s28 =	sor.u32 $0x80, s19;
	[dreg:$0x7] =	wrdreg s19  }
0xc: {  	s1 =	ssub.s32 s1, s22;
	s29 =	sor.u32 $0x40, s19;
	[dreg:$0xd] =	wrdreg s28  }
0xd: {  	s4 =	sor.u32 s4, s5;
	s30 =	sor.u32 $0xC0, s19;
	[dreg:$0xe] =	wrdreg s29  }
0xe: {  	s23 =	sshrl.u32 s19, $0x3;
	s31 =	smax.u32 s1, $0x1;
	[dreg:$0xf] =	wrdreg s30  }
0xf: {  	s21 =	sshrl.u32 s4, $0x3;
	s24 =	sadd.s32 s6, s23;
	[dreg:$0x11] =	wrdreg s31  }
0x10: {  	s25 =	sor.u32 $0x8, s23;
	s4 =	sadd.s32 s18, s23;
	[dreg:$0x9] =	wrdreg s24  }
0x11: {  	vm0 =	vcmask $0x3F3C;
	[dreg:$0xa] =	wrdreg s4;
	s26 =	sadd.s32 s6, s25  }
0x12: {  	v0 =	vimm.f32 $0.0e+00;
	s0 =	sadd.s32 s21, s0;
	s2 =	sadd.s32 s18, s25;
	[dreg:$0xb] =	wrdreg s26  }
0x13: {  	v3 =	vlaneseq.u32;
	vm1 =	vmmov $0xff;
	vm2 =	vcmask $0x3F20;
	s21 =	simm.s32 $0x1B880;
	[dreg:$0xc] =	wrdreg s2;
	s0 =	sadd.s32 $0x2D7A00, s0  }
0x14: {  	v1 =	vmul.u32 $0x10, v3;
	v2 =	vand.u32 $0x7, v3;
	v3 =	vshrl.u32 v3, $0x3;
	s26 =	simm.s32 $0x1B900;
	s2 =	simm.s32 $0x0;
	[dreg:$0x10] =	wrdreg s0  }
.LBB2_1:
0x15: {  	[dreg:$0x12] =	wrdreg s2;
	s0 =	simm.s32 $0x0;
	s2 =	simm.s32 $0x200  }
.LBB2_2:
0x16: {  	p0 =	sne.s32 s2, $0x4E000;
	[tilespmem:s0+$0x70] =	vst v0  }
0x17: {  	[tilespmem:s0+$0x0] =	vst v0  }
0x18: {  	[tilespmem:s0+$0x10] =	vst v0  }
.Ltmp0:
0x19: {  	[tilespmem:s0+$0x20] =	vst v0;
	(pc) =	sbr.rel @p0 .LBB2_2-.Ltmp0, $4  }
0x1a: {  	[tilespmem:s0+$0x30] =	vst v0  }
0x1b: {  	[tilespmem:s0+$0x40] =	vst v0  }
0x1c: {  	[tilespmem:s0+$0x50] =	vst v0  }
0x1d: {  	[tilespmem:s0+$0x60] =	vst v0;
	s0 =	sshra.s32 s2, $0x2;
	s2 =	sadd.s32 $0x200, s2  }
0x1e: {  	[tilespmem:s0+$0x70] =	vst v0  }
0x1f: {  	[tilespmem:s0+$0x0] =	vst v0  }
0x20: {  	[tilespmem:s0+$0x10] =	vst v0  }
0x21: {  	[tilespmem:s0+$0x20] =	vst v0  }
0x22: {  	[tilespmem:s0+$0x30] =	vst v0  }
0x23: {  	[tilespmem:s0+$0x40] =	vst v0  }
0x24: {  	[tilespmem:s0+$0x50] =	vst v0;
	s9 =	simm.s32 $0x0  }
0x25: {  	[tilespmem:s0+$0x60] =	vst v0;
	s18 =	rddreg [dreg:$0x6];
	s1 =	simm.s32 $0x1BA80;
	s4 =	simm.s32 $0x5  }
0x26: {  	[tilespmem:s1], [sflag:$0x5] =	stream.linear.gather [hbm4b:s18+s9], $0x80, $0x38;
	[tilespmem:$0x1FD00] =	vst v63  }
0x27: {  	_ =	swait.ge [sflag:s4], $0x80  }
0x28: {  	[sflag:s4] =	ssyncset.done $0x0  }
0x29: {  	s19 =	rddreg [dreg:$0x9];
	[sflag:s4] =	ssyncadd.s32 $0xFFFFFF80  }
0x2a: {  	[tilespmem:s21], [sflag:$0x5] =	stream.linear.gather [hbm4b:s19+s9], $0x40, $0x38;
	[tilespmem:$0x1FD00] =	vst v63  }
0x2b: {  	_ =	swait.ge [sflag:s4], $0x40  }
0x2c: {  	[sflag:s4] =	ssyncset.done $0x0  }
0x2d: {  	s2 =	simm.s32 $0x1B980;
	s20 =	rddreg [dreg:$0xa];
	[sflag:s4] =	ssyncadd.s32 $0xFFFFFFC0  }
0x2e: {  	[tilespmem:s2], [sflag:$0x5] =	stream.linear.gather [hbm4b:s20+s9], $0x40, $0x38;
	[tilespmem:$0x1FD00] =	vst v63  }
0x2f: {  	_ =	swait.ge [sflag:s4], $0x40  }
0x30: {  	s5 =	simm.s32 $0x40;
	[sflag:s4] =	ssyncset.done $0x0  }
0x31: {  	s23 =	simm.s32 $0x13880;
	s22 =	rddreg [dreg:$0x3];
	[sflag:s4] =	ssyncadd.s32 $0xFFFFFFC0  }
0x32: {  	[tilespmem:s23], [sflag:$0x1] =	stream.indirect.gather [hbm4b:s22+s5], $0x80, s21, s5, $0xb8;
	[tilespmem:$0x1FD00] =	vst v63  }
0x33: {  	s6 =	simm.s32 $0x17880;
	s24 =	rddreg [dreg:$0x4]  }
0x34: {  	[tilespmem:s6], [sflag:$0x3] =	stream.indirect.gather [hbm4b:s24+s5], $0x80, s2, s5, $0xb8;
	[tilespmem:$0x1FD00] =	vst v63  }
0x35: {  	s25 =	rddreg [dreg:$0xb]  }
0x36: {  	[tilespmem:s26], [sflag:$0x5] =	stream.linear.gather [hbm4b:s25+s9], $0x40, $0x38;
	[tilespmem:$0x1FD00] =	vst v63  }
0x37: {  	_ =	swait.ge [sflag:s4], $0x40  }
0x38: {  	[sflag:s4] =	ssyncset.done $0x0  }
0x39: {  	s29 =	simm.s32 $0x1BA00;
	s28 =	rddreg [dreg:$0xc];
	[sflag:s4] =	ssyncadd.s32 $0xFFFFFFC0  }
0x3a: {  	[tilespmem:s29], [sflag:$0x5] =	stream.linear.gather [hbm4b:s28+s9], $0x40, $0x38;
	[tilespmem:$0x1FD00] =	vst v63  }
0x3b: {  	_ =	swait.ge [sflag:s4], $0x40  }
0x3c: {  	[sflag:s4] =	ssyncset.done $0x0  }
0x3d: {  	s30 =	simm.s32 $0x15880;
	[sflag:s4] =	ssyncadd.s32 $0xFFFFFFC0  }
0x3e: {  	[tilespmem:s30], [sflag:$0x2] =	stream.indirect.gather [hbm4b:s22+s5], $0x80, s26, s5, $0xb8;
	[tilespmem:$0x1FD00] =	vst v63  }
0x3f: {  	s31 =	simm.s32 $0x19880  }
0x40: {  	[tilespmem:s31], [sflag:$0x4] =	stream.indirect.gather [hbm4b:s24+s5], $0x80, s29, s5, $0xb8;
	[tilespmem:$0x1FD00] =	vst v63  }
.LBB2_4:
0x41: {  	[dreg:$0x13] =	wrdreg s9;
	s0 =	simm.s32 $0x1  }
0x42: {  	_ =	swait.ge [sflag:s0], $0x2000  }
0x43: {  	[sflag:s0] =	ssyncset.done $0x0  }
0x44: {  	s4 =	simm.s32 $0x3;
	[sflag:s0] =	ssyncadd.s32 $0xFFFFE000  }
0x45: {  	_ =	swait.ge [sflag:s4], $0x2000  }
0x46: {  	[sflag:s4] =	ssyncset.done $0x0  }
0x47: {  	s23 =	simm.s32 $0x13900;
	[sflag:s4] =	ssyncadd.s32 $0xFFFFE000  }
0x48: {  	s18 =	simm.s32 $0x17900;
	v6 =	vld [tilespmem:s23+$0x0]  }
0x49: {  	v7 =	vld [tilespmem:s18+$0x0];
	_ =	sdelay $0x1  }
0x4a: {  	v4 =	vld [tilespmem:$0x1BA88]  }
0x4b: {  	v5 =	vld [tilespmem:$0x1BA98];
	_ =	sdelay $0x1  }
0x4c: {  	v6 =	vadd.f32 v7, v6;
	_ =	sdelay $0x1  }
0x4d: {  	v7 =	vand.u32 $0x7FFFFFFF, v6  }
0x4e: {  	v6 =	vmul.f32 v6, v4;
	v7 =	vmul.f32 v7, v5;
	_ =	sdelay $0x1  }
0x4f: {  	v6 =	vadd.f32 v7, v6;
	_ =	sdelay $0x1  }
0x50: {  	v7 =	vld [tilespmem:s18+$0xFFFFFF80];
	(xrf2) =	vadd.scan.msk.f32 $0xffff, v6  }
0x51: {  	v6 =	vld [tilespmem:s23+$0xFFFFFF80]  }
0x52: {  	s5 =	simm.s32 $0x8  }
0x53: {  	v8 =	vmov s5  }
0x54: {  	v8 =	vand.u32 $0xFFFFFFF8, v8  }
0x55: {  	v8 =	vbroadcast v8, $0x0  }
0x56: {  	v6 =	vadd.f32 v7, v6;
	_ =	sdelay $0x1  }
0x57: {  	v7 =	vand.u32 $0x7FFFFFFF, v6  }
0x58: {  	v6 =	vmul.f32 v6, v4;
	v7 =	vmul.f32 v7, v5  }
0x59: {  	s22 =	simm.s32 $0x1BB00;
	v9, _, _ =	vpop (xrf2)  }
0x5a: {  	v6 =	vadd.f32 v7, v6;
	[tilespmem:v8+s22+$0x0] =	vst.idx.msk vm0, v9  }
0x5b: {  	v7 =	vld [tilespmem:s23+$0x10]  }
0x5c: {  	(xrf2) =	vadd.scan.msk.f32 $0xffff, v6;
	v6 =	vld [tilespmem:s18+$0x10];
	_ =	sdelay $0x1  }
0x5d: {  	s6 =	simm.s32 $0x0  }
0x5e: {  	v8 =	vmov s6  }
0x5f: {  	v8 =	vand.u32 $0xFFFFFFF0, v8  }
0x60: {  	v8 =	vbroadcast v8, $0x0;
	v6 =	vadd.f32 v6, v7;
	_ =	sdelay $0x1  }
0x61: {  	v7 =	vand.u32 $0x7FFFFFFF, v6  }
0x62: {  	v6 =	vmul.f32 v6, v4;
	v7 =	vmul.f32 v7, v5;
	_ =	sdelay $0x1  }
0x63: {  	v9, _, _ =	vpop (xrf2);
	v6 =	vadd.f32 v7, v6  }
0x64: {  	[tilespmem:v8+s22+$0x0] =	vst.idx.msk vm0, v9  }
0x65: {  	v7 =	vld [tilespmem:s23+$0xFFFFFF90];
	(xrf2) =	vadd.scan.msk.f32 $0xffff, v6  }
0x66: {  	v6 =	vld [tilespmem:s18+$0xFFFFFF90]  }
0x67: {  	s7 =	simm.s32 $0x9  }
0x68: {  	v8 =	vmov s7  }
0x69: {  	v8 =	vand.u32 $0xFFFFFFF9, v8  }
0x6a: {  	v8 =	vbroadcast v8, $0x0  }
0x6b: {  	v6 =	vadd.f32 v6, v7  }
0x6c: {  	s11 =	simm.s32 $0x17A00  }
0x6d: {  	s10 =	simm.s32 $0x13A00;
	v10 =	vld [tilespmem:s11+$0x0];
	v7 =	vand.u32 $0x7FFFFFFF, v6  }
0x6e: {  	v9 =	vld [tilespmem:s10+$0x0];
	v6 =	vmul.f32 v6, v4;
	v7 =	vmul.f32 v7, v5  }
0x6f: {  	v11, _, _ =	vpop (xrf2)  }
0x70: {  	v6 =	vadd.f32 v7, v6;
	[tilespmem:v8+s22+$0x0] =	vst.idx.msk vm0, v11  }
0x71: {  	v7 =	vld [tilespmem:s23+$0x20]  }
0x72: {  	(xrf2) =	vadd.scan.msk.f32 $0xffff, v6;
	v6 =	vld [tilespmem:s18+$0x20]  }
0x73: {  	v8 =	vadd.f32 v10, v9  }
0x74: {  	s8 =	simm.s32 $0x1  }
0x75: {  	v9 =	vmov s8;
	v10 =	vand.u32 $0x7FFFFFFF, v8  }
0x76: {  	v9 =	vand.u32 $0xFFFFFFF1, v9;
	v8 =	vmul.f32 v8, v4;
	v10 =	vmul.f32 v10, v5  }
0x77: {  	v9 =	vbroadcast v9, $0x0;
	v6 =	vadd.f32 v6, v7  }
0x78: {  	v7 =	vadd.f32 v10, v8  }
0x79: {  	v8 =	vand.u32 $0x7FFFFFFF, v6  }
0x7a: {  	v6 =	vmul.f32 v6, v4;
	(xrf2) =	vadd.scan.msk.f32 $0xffff, v7;
	v8 =	vmul.f32 v8, v5;
	_ =	sdelay $0x1  }
0x7b: {  	s9 =	simm.s32 $0x18;
	v7 =	vld [tilespmem:s11+$0xFFFFFF80];
	v10, _, _ =	vpop (xrf2);
	v6 =	vadd.f32 v8, v6  }
0x7c: {  	v8 =	vld [tilespmem:s10+$0xFFFFFF80];
	[tilespmem:v9+s22+$0x0] =	vst.idx.msk vm0, v10;
	v9 =	vmov s9  }
0x7d: {  	v10 =	vld [tilespmem:s23+$0xFFFFFFA0];
	v9 =	vand.u32 $0xFFFFFFF8, v9;
	(xrf2) =	vadd.scan.msk.f32 $0xffff, v6  }
0x7e: {  	v6 =	vld [tilespmem:s18+$0xFFFFFFA0];
	v9 =	vbroadcast v9, $0x0  }
0x7f: {  	s12 =	simm.s32 $0xA  }
0x80: {  	v11 =	vmov s12  }
0x81: {  	v7 =	vadd.f32 v7, v8;
	v8 =	vand.u32 $0xFFFFFFFA, v11  }
0x82: {  	v8 =	vbroadcast v8, $0x0  }
0x83: {  	v11 =	vand.u32 $0x7FFFFFFF, v7;
	v6 =	vadd.f32 v6, v10;
	v10, _, _ =	vpop (xrf2)  }
0x84: {  	v7 =	vmul.f32 v7, v4;
	v11 =	vmul.f32 v11, v5;
	[tilespmem:v9+s22+$0x0] =	vst.idx.msk vm0, v10  }
0x85: {  	v9 =	vand.u32 $0x7FFFFFFF, v6;
	v10 =	vld [tilespmem:s10+$0x10]  }
0x86: {  	v6 =	vmul.f32 v6, v4;
	v7 =	vadd.f32 v11, v7;
	v9 =	vmul.f32 v9, v5;
	v11 =	vld [tilespmem:s11+$0x10]  }
0x87: {  	v12, _, _ =	vpop (xrf2)  }
0x88: {  	(xrf2) =	vadd.scan.msk.f32 $0xffff, v7;
	v6 =	vadd.f32 v9, v6;
	[tilespmem:v8+s22+$0x0] =	vst.idx.msk vm0, v12  }
0x89: {  	v7 =	vld [tilespmem:s23+$0x30]  }
0x8a: {  	s13 =	simm.s32 $0x10;
	(xrf2) =	vadd.scan.msk.f32 $0xffff, v6;
	v6 =	vld [tilespmem:s18+$0x30]  }
0x8b: {  	v8 =	vmov s13;
	v9 =	vadd.f32 v11, v10  }
0x8c: {  	s14 =	simm.s32 $0x2;
	v8 =	vand.u32 $0xFFFFFFF0, v8  }
0x8d: {  	v10 =	vmov s14;
	v8 =	vbroadcast v8, $0x0;
	v11 =	vand.u32 $0x7FFFFFFF, v9  }
0x8e: {  	v10 =	vand.u32 $0xFFFFFFF2, v10;
	v11 =	vmul.f32 v11, v5  }
0x8f: {  	v9 =	vmul.f32 v9, v4;
	v10 =	vbroadcast v10, $0x0;
	v6 =	vadd.f32 v6, v7;
	_ =	sdelay $0x1  }
0x90: {  	v7 =	vadd.f32 v11, v9;
	v9 =	vand.u32 $0x7FFFFFFF, v6  }
0x91: {  	v6 =	vmul.f32 v6, v4;
	v11, _, _ =	vpop (xrf2);
	v9 =	vmul.f32 v9, v5  }
0x92: {  	(xrf2) =	vadd.scan.msk.f32 $0xffff, v7;
	[tilespmem:v8+s22+$0x0] =	vst.idx.msk vm0, v11  }
0x93: {  	v7 =	vld [tilespmem:s10+$0xFFFFFF90];
	v8, _, _ =	vpop (xrf2);
	v6 =	vadd.f32 v9, v6  }
0x94: {  	s15 =	simm.s32 $0x19;
	v9 =	vld [tilespmem:s11+$0xFFFFFF90];
	[tilespmem:v10+s22+$0x0] =	vst.idx.msk vm0, v8  }
0x95: {  	v8 =	vmov s15;
	v10 =	vld [tilespmem:s23+$0xFFFFFFB0];
	(xrf2) =	vadd.scan.msk.f32 $0xffff, v6  }
0x96: {  	v6 =	vand.u32 $0xFFFFFFF9, v8;
	v8 =	vld [tilespmem:s18+$0xFFFFFFB0]  }
0x97: {  	s16 =	simm.s32 $0xB;
	v6 =	vbroadcast v6, $0x0  }
0x98: {  	v11 =	vmov s16  }
0x99: {  	v7 =	vadd.f32 v9, v7;
	v9 =	vand.u32 $0xFFFFFFFB, v11  }
0x9a: {  	s7 =	simm.s32 $0x17B00;
	v9 =	vbroadcast v9, $0x0  }
0x9b: {  	s28 =	simm.s32 $0x13B00;
	v13 =	vld [tilespmem:s7+$0x0];
	v11 =	vand.u32 $0x7FFFFFFF, v7;
	v8 =	vadd.f32 v8, v10  }
0x9c: {  	v12 =	vld [tilespmem:s28+$0x0];
	v7 =	vmul.f32 v7, v4;
	v10, _, _ =	vpop (xrf2);
	v11 =	vmul.f32 v11, v5  }
0x9d: {  	[tilespmem:v6+s22+$0x0] =	vst.idx.msk vm0, v10;
	v6 =	vand.u32 $0x7FFFFFFF, v8  }
0x9e: {  	v8 =	vmul.f32 v8, v4;
	v10 =	vld [tilespmem:s10+$0x20];
	v7 =	vadd.f32 v11, v7;
	v6 =	vmul.f32 v6, v5  }
0x9f: {  	v11 =	vld [tilespmem:s11+$0x20];
	v14, _, _ =	vpop (xrf2)  }
0xa0: {  	(xrf2) =	vadd.scan.msk.f32 $0xffff, v7;
	v6 =	vadd.f32 v6, v8;
	[tilespmem:v9+s22+$0x0] =	vst.idx.msk vm0, v14  }
0xa1: {  	v7 =	vadd.f32 v13, v12;
	v8 =	vld [tilespmem:s23+$0x40]  }
0xa2: {  	s19 =	simm.s32 $0x11;
	(xrf2) =	vadd.scan.msk.f32 $0xffff, v6;
	v6 =	vld [tilespmem:s18+$0x40]  }
0xa3: {  	v12 =	vmov s19;
	v13 =	vand.u32 $0x7FFFFFFF, v7;
	v7 =	vmul.f32 v7, v4  }
0xa4: {  	s17 =	simm.s32 $0x3;
	v10 =	vadd.f32 v11, v10;
	v11 =	vand.u32 $0xFFFFFFF1, v12;
	v12 =	vmul.f32 v13, v5  }
0xa5: {  	v9 =	vmov s17;
	v11 =	vbroadcast v11, $0x0  }
0xa6: {  	v9 =	vand.u32 $0xFFFFFFF3, v9;
	v13 =	vand.u32 $0x7FFFFFFF, v10;
	v7 =	vadd.f32 v12, v7  }
0xa7: {  	v10 =	vmul.f32 v10, v4;
	v12 =	vmul.f32 v13, v5;
	v6 =	vadd.f32 v6, v8  }
0xa8: {  	v9 =	vbroadcast v9, $0x0;
	(xrf2) =	vadd.scan.msk.f32 $0xffff, v7  }
0xa9: {  	v8 =	vld [tilespmem:s7+$0xFFFFFF80];
	v7 =	vadd.f32 v12, v10;
	v10 =	vand.u32 $0x7FFFFFFF, v6  }
0xaa: {  	s20 =	simm.s32 $0x28;
	v12 =	vld [tilespmem:s28+$0xFFFFFF80];
	v6 =	vmul.f32 v6, v4;
	v13, _, _ =	vpop (xrf2);
	v10 =	vmul.f32 v10, v5  }
0xab: {  	(xrf2) =	vadd.scan.msk.f32 $0xffff, v7;
	v7 =	vmov s20;
	[tilespmem:v11+s22+$0x0] =	vst.idx.msk vm0, v13  }
0xac: {  	v7 =	vand.u32 $0xFFFFFFF8, v7;
	v11 =	vld [tilespmem:s10+$0xFFFFFFA0];
	v6 =	vadd.f32 v10, v6  }
0xad: {  	v13, _, _ =	vpop (xrf2);
	v10 =	vld [tilespmem:s11+$0xFFFFFFA0];
	v7 =	vbroadcast v7, $0x0  }
0xae: {  	s24 =	simm.s32 $0x1A;
	[tilespmem:v9+s22+$0x0] =	vst.idx.msk vm0, v13;
	(xrf2) =	vadd.scan.msk.f32 $0xffff, v6  }
0xaf: {  	s25 =	simm.s32 $0xC;
	v9 =	vmov s24;
	v8 =	vadd.f32 v8, v12;
	v13 =	vld [tilespmem:s23+$0xFFFFFFC0]  }
0xb0: {  	v14 =	vmov s25;
	v6 =	vand.u32 $0xFFFFFFFA, v9;
	v9 =	vld [tilespmem:s18+$0xFFFFFFC0]  }
0xb1: {  	v6 =	vbroadcast v6, $0x0;
	v12 =	vmul.f32 v8, v4;
	v8 =	vand.u32 $0x7FFFFFFF, v8  }
0xb2: {  	v14 =	vand.u32 $0xFFFFFFFC, v14;
	v8 =	vmul.f32 v8, v5;
	v10 =	vadd.f32 v10, v11;
	v11, _, _ =	vpop (xrf2)  }
0xb3: {  	[tilespmem:v7+s22+$0x0] =	vst.idx.msk vm0, v11;
	v7 =	vbroadcast v14, $0x0  }
0xb4: {  	v8 =	vadd.f32 v8, v12;
	v12 =	vld [tilespmem:s28+$0x10]  }
0xb5: {  	v11 =	vand.u32 $0x7FFFFFFF, v10;
	v9 =	vadd.f32 v9, v13;
	v13 =	vld [tilespmem:s7+$0x10]  }
0xb6: {  	v10 =	vmul.f32 v10, v4;
	v14, _, _ =	vpop (xrf2);
	v11 =	vmul.f32 v11, v5  }
0xb7: {  	(xrf2) =	vadd.scan.msk.f32 $0xffff, v8;
	[tilespmem:v6+s22+$0x0] =	vst.idx.msk vm0, v14  }
0xb8: {  	v8 =	vand.u32 $0x7FFFFFFF, v9;
	v6 =	vld [tilespmem:s10+$0x30];
	v10 =	vadd.f32 v11, v10;
	v14, _, _ =	vpop (xrf2)  }
0xb9: {  	s31 =	simm.s32 $0x20;
	s1 =	simm.s32 $0x5;
	v9 =	vmul.f32 v9, v4;
	v11 =	vld [tilespmem:s11+$0x30];
	v8 =	vmul.f32 v8, v5;
	[tilespmem:v7+s22+$0x0] =	vst.idx.msk vm0, v14  }
0xba: {  	s2 =	simm.s32 $0x4;
	v15 =	vmov s31;
	(xrf2) =	vadd.scan.msk.f32 $0xffff, v10;
	v10 =	vadd.f32 v13, v12;
	v13 =	vmov s1;
	v12 =	vld [tilespmem:s23+$0x50]  }
0xbb: {  	v7 =	vadd.f32 v8, v9;
	v8 =	vmov s2;
	v9 =	vand.u32 $0xFFFFFFF0, v15;
	v14 =	vld [tilespmem:s18+$0x50]  }
0xbc: {  	s4 =	simm.s32 $0x12;
	v13 =	vand.u32 $0xFFFFFFF5, v13;
	v8 =	vand.u32 $0xFFFFFFF4, v8;
	v9 =	vbroadcast v9, $0x0  }
0xbd: {  	v15 =	vand.u32 $0x7FFFFFFF, v10;
	v10 =	vmul.f32 v10, v4;
	(xrf2) =	vadd.scan.msk.f32 $0xffff, v7;
	v7 =	vmov s4  }
0xbe: {  	v6 =	vadd.f32 v11, v6;
	v11 =	vmul.f32 v15, v5;
	v7 =	vand.u32 $0xFFFFFFF2, v7  }
0xbf: {  	v8 =	vbroadcast v8, $0x0;
	v7 =	vbroadcast v7, $0x0  }
0xc0: {  	s5 =	simm.s32 $0x6;
	v15 =	vand.u32 $0x7FFFFFFF, v6;
	v10 =	vadd.f32 v11, v10;
	v12 =	vadd.f32 v14, v12  }
0xc1: {  	v6 =	vmul.f32 v6, v4;
	v11 =	vbroadcast v13, $0x0;
	v13, _, _ =	vpop (xrf2);
	v14 =	vmov s5  }
0xc2: {  	v15 =	vmul.f32 v15, v5;
	[tilespmem:v9+s22+$0x0] =	vst.idx.msk vm0, v13;
	v9 =	vand.u32 $0xFFFFFFF6, v14;
	v14 =	vand.u32 $0x7FFFFFFF, v12  }
0xc3: {  	s6 =	simm.s32 $0x7;
	(xrf2) =	vadd.scan.msk.f32 $0xffff, v10;
	v13 =	vld [tilespmem:s28+$0xFFFFFF90];
	v14 =	vmul.f32 v14, v5  }
0xc4: {  	v10 =	vmov s6;
	v6 =	vadd.f32 v15, v6;
	v15 =	vld [tilespmem:s7+$0xFFFFFF90];
	v16, _, _ =	vpop (xrf2)  }
0xc5: {  	s8 =	simm.s32 $0x29;
	v10 =	vand.u32 $0xFFFFFFF7, v10;
	v12 =	vmul.f32 v12, v4;
	[tilespmem:v7+s22+$0x0] =	vst.idx.msk vm0, v16  }
0xc6: {  	s9 =	simm.s32 $0x13;
	v17 =	vbroadcast v9, $0x0;
	(xrf2) =	vadd.scan.msk.f32 $0xffff, v6;
	v6 =	vbroadcast v10, $0x0;
	v7 =	vmov s8;
	v10 =	vld [tilespmem:s10+$0xFFFFFFB0]  }
0xc7: {  	s4 =	simm.s32 $0x15;
	v9 =	vmov s9;
	v12 =	vadd.f32 v14, v12;
	v7 =	vand.u32 $0xFFFFFFF9, v7;
	v16 =	vld [tilespmem:s11+$0xFFFFFFB0];
	v14, _, _ =	vpop (xrf2)  }
0xc8: {  	s12 =	simm.s32 $0x1B;
	s13 =	simm.s32 $0x14;
	v18 =	vmov s4;
	v9 =	vand.u32 $0xFFFFFFF3, v9;
	v7 =	vbroadcast v7, $0x0;
	[tilespmem:v8+s22+$0x0] =	vst.idx.msk vm0, v14  }
0xc9: {  	(xrf2) =	vadd.scan.msk.f32 $0xffff, v12;
	v13 =	vadd.f32 v15, v13;
	v8 =	vmov s12;
	v14 =	vmov s13;
	v19 =	vld [tilespmem:s23+$0xFFFFFFD0]  }
0xca: {  	s14 =	simm.s32 $0xD;
	v15 =	vbroadcast v9, $0x0;
	s13 =	simm.s32 $0x13C00;
	v8 =	vand.u32 $0xFFFFFFFB, v8;
	v12 =	vand.u32 $0xFFFFFFF4, v14;
	v14 =	vld [tilespmem:s18+$0xFFFFFFD0]  }
0xcb: {  	v9 =	vand.u32 $0xFFFFFFF5, v18;
	v18 =	vmov s14;
	s12 =	simm.s32 $0x17C00;
	v20 =	vld [tilespmem:s13+$0x0];
	v8 =	vbroadcast v8, $0x0  }
0xcc: {  	v21 =	vmul.f32 v13, v4;
	v13 =	vand.u32 $0x7FFFFFFF, v13;
	v22 =	vld [tilespmem:s12+$0x0];
	v10 =	vadd.f32 v16, v10  }
0xcd: {  	v23 =	vand.u32 $0xFFFFFFFD, v18;
	v13 =	vmul.f32 v13, v5;
	v16, _, _ =	vpop (xrf2)  }
0xce: {  	[tilespmem:v7+s22+$0x0] =	vst.idx.msk vm0, v16;
	v7 =	vbroadcast v23, $0x0;
	v16 =	vand.u32 $0x7FFFFFFF, v10  }
0xcf: {  	v13 =	vadd.f32 v13, v21;
	v10 =	vmul.f32 v10, v4;
	v23 =	vld [tilespmem:s28+$0x20];
	v16 =	vmul.f32 v16, v5  }
0xd0: {  	v21, _, _ =	vpop (xrf2);
	v14 =	vadd.f32 v14, v19;
	v19 =	vld [tilespmem:s7+$0x20]  }
0xd1: {  	s16 =	simm.s32 $0x17;
	s17 =	simm.s32 $0x21;
	(xrf2) =	vadd.scan.msk.f32 $0xffff, v13;
	v13 =	vadd.f32 v22, v20;
	v10 =	vadd.f32 v16, v10;
	[tilespmem:v8+s22+$0x0] =	vst.idx.msk vm0, v21  }
0xd2: {  	v8 =	vmov s16;
	v21 =	vmov s17;
	v16 =	vand.u32 $0x7FFFFFFF, v14;
	v20 =	vld [tilespmem:s10+$0x40]  }
0xd3: {  	v14 =	vmul.f32 v14, v4;
	v25 =	vand.u32 $0x7FFFFFFF, v13;
	v22 =	vld [tilespmem:s11+$0x40];
	v24, _, _ =	vpop (xrf2);
	v16 =	vmul.f32 v16, v5  }
0xd4: {  	(xrf2) =	vadd.scan.msk.f32 $0xffff, v10;
	v10 =	vmul.f32 v25, v5;
	[tilespmem:v7+s22+$0x0] =	vst.idx.msk vm0, v24;
	v7 =	vmul.f32 v13, v4  }
0xd5: {  	v13 =	vand.u32 $0xFFFFFFF1, v21;
	v14 =	vadd.f32 v16, v14;
	v16 =	vadd.f32 v19, v23;
	v19 =	vld [tilespmem:s23+$0x60]  }
0xd6: {  	s19 =	simm.s32 $0x22;
	v8 =	vand.u32 $0xFFFFFFF7, v8;
	v13 =	vbroadcast v13, $0x0;
	v21 =	vld [tilespmem:s18+$0x60]  }
0xd7: {  	v23 =	vld [tilespmem:s12+$0xFFFFFF80];
	v7 =	vadd.f32 v10, v7;
	v10 =	vmov s19;
	(xrf2) =	vadd.scan.msk.f32 $0xffff, v14;
	v14 =	vand.u32 $0x7FFFFFFF, v16  }
0xd8: {  	v16 =	vmul.f32 v16, v4;
	v20 =	vadd.f32 v22, v20;
	v22 =	vld [tilespmem:s13+$0xFFFFFF80];
	v24 =	vmul.f32 v14, v5  }
0xd9: {  	v10 =	vand.u32 $0xFFFFFFF2, v10;
	(xrf2) =	vadd.scan.msk.f32 $0xffff, v7;
	v7 =	vbroadcast v8, $0x0  }
0xda: {  	v14 =	vbroadcast v10, $0x0;
	v8 =	vand.u32 $0x7FFFFFFF, v20;
	v10 =	vadd.f32 v24, v16  }
0xdb: {  	s24 =	simm.s32 $0x38;
	v16 =	vmul.f32 v20, v4;
	v19 =	vadd.f32 v21, v19;
	v8 =	vmul.f32 v8, v5  }
0xdc: {  	v25 =	vmov s24  }
0xdd: {  	v24, _, _ =	vpop (xrf2);
	(xrf2) =	vadd.scan.msk.f32 $0xffff, v10;
	v21 =	vand.u32 $0x7FFFFFFF, v19;
	v8 =	vadd.f32 v8, v16;
	v10 =	vadd.f32 v23, v22  }
0xde: {  	v19 =	vmul.f32 v19, v4;
	[tilespmem:v13+s22+$0x0] =	vst.idx.msk vm0, v24;
	v13 =	vand.u32 $0xFFFFFFF8, v25;
	v21 =	vmul.f32 v21, v5  }
0xdf: {  	s25 =	simm.s32 $0x2A;
	v22, _, _ =	vpop (xrf2);
	v16 =	vld [tilespmem:s28+$0xFFFFFFA0];
	v13 =	vbroadcast v13, $0x0;
	(xrf2) =	vadd.scan.msk.f32 $0xffff, v8;
	v8 =	vmul.f32 v10, v4;
	v10 =	vand.u32 $0x7FFFFFFF, v10  }
0xe0: {  	v23 =	vld [tilespmem:s7+$0xFFFFFFA0];
	[tilespmem:v15+s22+$0x0] =	vst.idx.msk vm0, v22;
	v15 =	vmov s25;
	v10 =	vmul.f32 v10, v5  }
0xe1: {  	v22 =	vld [tilespmem:s10+$0xFFFFFFC0];
	v15 =	vand.u32 $0xFFFFFFFA, v15;
	v19 =	vadd.f32 v21, v19  }
0xe2: {  	s31 =	simm.s32 $0x1C;
	s1 =	simm.s32 $0x24;
	v21 =	vld [tilespmem:s11+$0xFFFFFFC0];
	v15 =	vbroadcast v15, $0x0  }
0xe3: {  	v26 =	vmov s1;
	s5 =	simm.s32 $0xE;
	v24 =	vmov s31;
	v25, _, _ =	vpop (xrf2);
	(xrf2) =	vadd.scan.msk.f32 $0xffff, v19;
	v8 =	vadd.f32 v10, v8  }
0xe4: {  	v19 =	vand.u32 $0xFFFFFFFC, v24;
	v24 =	vand.u32 $0xFFFFFFF4, v26;
	v26 =	vmov s5;
	v10, _, _ =	vpop (xrf2)  }
0xe5: {  	v16 =	vadd.f32 v23, v16;
	(xrf2) =	vadd.scan.msk.f32 $0xffff, v8;
	[tilespmem:v13+s22+$0x0] =	vst.idx.msk vm0, v10;
	v10 =	vbroadcast v19, $0x0  }
0xe6: {  	v26 =	vand.u32 $0xFFFFFFFE, v26;
	v23 =	vld [tilespmem:s13+$0x10]  }
0xe7: {  	s4 =	simm.s32 $0x30;
	v21 =	vadd.f32 v21, v22;
	v8 =	vmul.f32 v16, v4;
	v16 =	vand.u32 $0x7FFFFFFF, v16;
	v27 =	vld [tilespmem:s12+$0x10];
	v28, _, _ =	vpop (xrf2)  }
0xe8: {  	v19 =	vmov s4;
	v16 =	vmul.f32 v16, v5;
	[tilespmem:v15+s22+$0x0] =	vst.idx.msk vm0, v28;
	v15 =	vbroadcast v26, $0x0  }
0xe9: {  	s6 =	simm.s32 $0x26;
	v19 =	vand.u32 $0xFFFFFFF0, v19;
	v22 =	vand.u32 $0x7FFFFFFF, v21  }
0xea: {  	v19 =	vbroadcast v19, $0x0;
	v28 =	vmov s6;
	v8 =	vadd.f32 v16, v8;
	v16 =	vld [tilespmem:s28+$0x30];
	v26, _, _ =	vpop (xrf2)  }
0xeb: {  	s9 =	simm.s32 $0x31;
	v21 =	vmul.f32 v21, v4;
	v22 =	vmul.f32 v22, v5;
	v29 =	vld [tilespmem:s7+$0x30];
	[tilespmem:v10+s22+$0x0] =	vst.idx.msk vm0, v26  }
0xec: {  	s8 =	simm.s32 $0x27;
	(xrf2) =	vadd.scan.msk.f32 $0xffff, v8;
	v8 =	vadd.f32 v27, v23;
	v27 =	vmov s9;
	v23 =	vld [tilespmem:s10+$0x50]  }
0xed: {  	v21 =	vadd.f32 v22, v21;
	v10 =	vand.u32 $0xFFFFFFF6, v28;
	v26 =	vmov s8;
	v28, _, _ =	vpop (xrf2);
	v22 =	vld [tilespmem:s11+$0x50]  }
0xee: {  	v26 =	vand.u32 $0xFFFFFFF7, v26;
	v30 =	vand.u32 $0x7FFFFFFF, v8;
	[tilespmem:v15+s22+$0x0] =	vst.idx.msk vm0, v28;
	v15 =	vmul.f32 v8, v4  }
0xef: {  	s14 =	simm.s32 $0x32;
	(xrf2) =	vadd.scan.msk.f32 $0xffff, v21;
	v21 =	vand.u32 $0xFFFFFFF1, v27;
	v8 =	vbroadcast v26, $0x0;
	v28 =	vmul.f32 v30, v5;
	v26 =	vld [tilespmem:s23+$0x70];
	v27, _, _ =	vpop (xrf2)  }
0xf0: {  	s15 =	simm.s32 $0x16;
	v18 =	vbroadcast v9, $0x0;
	v16 =	vadd.f32 v29, v16;
	v29 =	vmov s14;
	v30 =	vld [tilespmem:s18+$0x70];
	[tilespmem:v19+s22+$0x0] =	vst.idx.msk vm0, v27  }
0xf1: {  	v9 =	vmov s15;
	s15 =	simm.s32 $0x33;
	v19 =	vand.u32 $0xFFFFFFF2, v29;
	v15 =	vadd.f32 v28, v15;
	v28 =	vld [tilespmem:s13+$0xFFFFFF90]  }
0xf2: {  	v27 =	vand.u32 $0x7FFFFFFF, v16;
	v29 =	vld [tilespmem:s12+$0xFFFFFF90];
	v22 =	vadd.f32 v22, v23;
	v23 =	vmov s15  }
0xf3: {  	[tilespmem:v11+s22+$0x0] =	vst.idx.msk vm0, v25;
	v16 =	vmul.f32 v16, v4;
	v27 =	vmul.f32 v27, v5;
	v11 =	vand.u32 $0xFFFFFFF3, v23  }
0xf4: {  	v12 =	vbroadcast v12, $0x0;
	(xrf2) =	vadd.scan.msk.f32 $0xffff, v15;
	v15 =	vand.u32 $0x7FFFFFFF, v22  }
0xf5: {  	s16 =	simm.s32 $0x39;
	v23 =	vadd.f32 v27, v16;
	v22 =	vmul.f32 v22, v4;
	v15 =	vmul.f32 v15, v5  }
0xf6: {  	v27 =	vmov s16;
	v16 =	vbroadcast v11, $0x0;
	v26 =	vadd.f32 v30, v26;
	v11, _, _ =	vpop (xrf2)  }
0xf7: {  	v25 =	vld [tilespmem:s23+$0xFFFFFFE0];
	(xrf2) =	vadd.scan.msk.f32 $0xffff, v23;
	v23 =	vadd.f32 v29, v28;
	[tilespmem:v14+s22+$0x0] =	vst.idx.msk vm0, v11;
	v11 =	vadd.f32 v15, v22  }
0xf8: {  	v30 =	vld [tilespmem:s18+$0xFFFFFFE0];
	v14 =	vand.u32 $0xFFFFFFF9, v27;
	v22 =	vand.u32 $0x7FFFFFFF, v26;
	v26 =	vmul.f32 v26, v4  }
0xf9: {  	v28, _, _ =	vpop (xrf2);
	v15 =	vld [tilespmem:s28+$0xFFFFFFB0];
	v14 =	vbroadcast v14, $0x0;
	v22 =	vmul.f32 v22, v5  }
0xfa: {  	s20 =	simm.s32 $0x23;
	s17 =	simm.s32 $0x2B;
	v27 =	vld [tilespmem:s7+$0xFFFFFFB0];
	[tilespmem:v12+s22+$0x0] =	vst.idx.msk vm0, v28;
	(xrf2) =	vadd.scan.msk.f32 $0xffff, v11;
	v11 =	vand.u32 $0x7FFFFFFF, v23;
	v23 =	vmul.f32 v23, v4  }
0xfb: {  	v20 =	vmov s20;
	v12 =	vmov s17;
	v28 =	vld [tilespmem:s10+$0xFFFFFFD0]  }
0xfc: {  	s20 =	simm.s32 $0x1D;
	v12 =	vand.u32 $0xFFFFFFFB, v12;
	v11 =	vmul.f32 v11, v5;
	v22 =	vadd.f32 v22, v26;
	v26 =	vld [tilespmem:s11+$0xFFFFFFD0]  }
0xfd: {  	s19 =	simm.s32 $0x34;
	v31 =	vmov s20;
	v21 =	vbroadcast v21, $0x0;
	s17 =	simm.s32 $0x13D00;
	v12 =	vbroadcast v12, $0x0  }
0xfe: {  	s16 =	simm.s32 $0x17D00;
	v29 =	vmov s19;
	v25 =	vadd.f32 v30, v25;
	v30 =	vld [tilespmem:s17+$0x0];
	v11 =	vadd.f32 v11, v23;
	(xrf2) =	vadd.scan.msk.f32 $0xffff, v22;
	v23, _, _ =	vpop (xrf2)  }
0xff: {  	v22 =	vld [tilespmem:s16+$0x0];
	v27 =	vadd.f32 v27, v15;
	v15 =	vand.u32 $0xFFFFFFFD, v31;
	[tilespmem:v14+s22+$0x0] =	vst.idx.msk vm0, v23;
	v23 =	vand.u32 $0xFFFFFFF4, v29  }
0x100: {  	(xrf2) =	vadd.scan.msk.f32 $0xffff, v11;
	v11 =	vbroadcast v15, $0x0;
	v29 =	vld [tilespmem:s13+$0x20];
	v15 =	vbroadcast v23, $0x0  }
0x101: {  	s25 =	simm.s32 $0x36;
	v23 =	vand.u32 $0x7FFFFFFF, v25;
	v31 =	vand.u32 $0x7FFFFFFF, v27;
	v32 =	vld [tilespmem:s12+$0x20];
	v26 =	vadd.f32 v26, v28  }
0x102: {  	v27 =	vmul.f32 v27, v4;
	v33, _, _ =	vpop (xrf2);
	v28 =	vmov s25;
	v31 =	vmul.f32 v31, v5  }
0x103: {  	v25 =	vmul.f32 v25, v4;
	v23 =	vmul.f32 v23, v5;
	[tilespmem:v12+s22+$0x0] =	vst.idx.msk vm0, v33;
	v28 =	vand.u32 $0xFFFFFFF6, v28  }
0x104: {  	v22 =	vadd.f32 v22, v30;
	v30 =	vld [tilespmem:s28+$0x40];
	v12 =	vadd.f32 v31, v27;
	v27 =	vand.u32 $0x7FFFFFFF, v26  }
0x105: {  	v23 =	vadd.f32 v23, v25;
	v25 =	vmul.f32 v26, v4;
	v31 =	vld [tilespmem:s7+$0x40];
	v26, _, _ =	vpop (xrf2);
	v27 =	vmul.f32 v27, v5  }
0x106: {  	v34 =	vld [tilespmem:s16+$0xFFFFFF80];
	(xrf2) =	vadd.scan.msk.f32 $0xffff, v12;
	v12 =	vand.u32 $0x7FFFFFFF, v22;
	[tilespmem:v11+s22+$0x0] =	vst.idx.msk vm0, v26;
	v11 =	vadd.f32 v32, v29  }
0x107: {  	v22 =	vmul.f32 v22, v4;
	v25 =	vadd.f32 v27, v25;
	v12 =	vmul.f32 v12, v5;
	v27 =	vld [tilespmem:s10+$0x60]  }
0x108: {  	v20 =	vand.u32 $0xFFFFFFF3, v20;
	(xrf2) =	vadd.scan.msk.f32 $0xffff, v23;
	v23 =	vld [tilespmem:s11+$0x60]  }
0x109: {  	v42 =	vld [tilespmem:s17+$0xFFFFFF80];
	v29 =	vand.u32 $0x7FFFFFFF, v11;
	v26, _, _ =	vpop (xrf2);
	v11 =	vmul.f32 v11, v4;
	(xrf2) =	vadd.scan.msk.f32 $0xffff, v25;
	v22 =	vadd.f32 v12, v22  }
0x10a: {  	s31 =	simm.s32 $0x37;
	v25 =	vmul.f32 v29, v5;
	v12 =	vbroadcast v28, $0x0;
	v29 =	vadd.f32 v31, v30;
	v28, _, _ =	vpop (xrf2)  }
0x10b: {  	s1 =	simm.s32 $0x48;
	v20 =	vbroadcast v20, $0x0;
	v30 =	vmov s31;
	[tilespmem:v21+s22+$0x0] =	vst.idx.msk vm0, v28  }
0x10c: {  	(xrf2) =	vadd.scan.msk.f32 $0xffff, v22;
	v11 =	vadd.f32 v25, v11;
	v25 =	vmov s1;
	v28 =	vand.u32 $0x7FFFFFFF, v29;
	v22 =	vld [tilespmem:s13+$0xFFFFFFA0]  }
0x10d: {  	s2 =	simm.s32 $0x25;
	v29 =	vmul.f32 v29, v4;
	v31 =	vld [tilespmem:s12+$0xFFFFFFA0];
	v28 =	vmul.f32 v28, v5;
	v23 =	vadd.f32 v23, v27  }
0x10e: {  	v13 =	vmov s2;
	v21 =	vadd.f32 v34, v42;
	v25 =	vand.u32 $0xFFFFFFF8, v25;
	(xrf2) =	vadd.scan.msk.f32 $0xffff, v11  }
0x10f: {  	v11 =	vand.u32 $0xFFFFFFF7, v30;
	v28 =	vadd.f32 v28, v29;
	v29 =	vand.u32 $0x7FFFFFFF, v23  }
0x110: {  	s2 =	simm.s32 $0x3A;
	v27 =	vand.u32 $0x7FFFFFFF, v21;
	v23 =	vmul.f32 v23, v4;
	v29 =	vmul.f32 v29, v5;
	v30, _, _ =	vpop (xrf2)  }
0x111: {  	v43 =	vmov s2;
	v25 =	vbroadcast v25, $0x0;
	[tilespmem:v20+s22+$0x0] =	vst.idx.msk vm0, v30;
	v20 =	vmul.f32 v27, v5  }
0x112: {  	(xrf2) =	vadd.scan.msk.f32 $0xffff, v28;
	v27 =	vand.u32 $0xFFFFFFFA, v43;
	v30, _, _ =	vpop (xrf2);
	v23 =	vadd.f32 v29, v23;
	v22 =	vadd.f32 v31, v22  }
0x113: {  	v21 =	vmul.f32 v21, v4;
	v27 =	vbroadcast v27, $0x0;
	v44, _, _ =	vpop (xrf2)  }
0x114: {  	s6 =	simm.s32 $0x2C;
	[tilespmem:v18+s22+$0x0] =	vst.idx.msk vm0, v44;
	v18 =	vand.u32 $0x7FFFFFFF, v22;
	v22 =	vmul.f32 v22, v4  }
0x115: {  	v9 =	vand.u32 $0xFFFFFFF6, v9;
	v29 =	vld [tilespmem:s28+$0xFFFFFFC0];
	v20 =	vadd.f32 v20, v21;
	v21 =	vmov s6  }
0x116: {  	v9 =	vbroadcast v9, $0x0;
	v45 =	vld [tilespmem:s7+$0xFFFFFFC0];
	(xrf2) =	vadd.scan.msk.f32 $0xffff, v23;
	v21 =	vand.u32 $0xFFFFFFFC, v21;
	v23, _, _ =	vpop (xrf2);
	v18 =	vmul.f32 v18, v5  }
0x117: {  	s5 =	simm.s32 $0x40;
	v24 =	vbroadcast v24, $0x0;
	(xrf2) =	vadd.scan.msk.f32 $0xffff, v20;
	v20 =	vbroadcast v21, $0x0;
	[tilespmem:v25+s22+$0x0] =	vst.idx.msk vm0, v23  }
0x118: {  	v13 =	vand.u32 $0xFFFFFFF5, v13;
	s8 =	simm.s32 $0x1E;
	s14 =	simm.s32 $0x42;
	v31 =	vmov s5;
	v25 =	vld [tilespmem:s17+$0x10];
	v18 =	vadd.f32 v18, v22;
	v22, _, _ =	vpop (xrf2)  }
0x119: {  	v13 =	vbroadcast v13, $0x0;
	v21 =	vmov s8;
	v35 =	vld [tilespmem:s16+$0x10];
	[tilespmem:v27+s22+$0x0] =	vst.idx.msk vm0, v22;
	v27 =	vmov s14  }
0x11a: {  	[tilespmem:v17+s22+$0x0] =	vst.idx.msk vm0, v30;
	v21 =	vand.u32 $0xFFFFFFFE, v21;
	(xrf2) =	vadd.scan.msk.f32 $0xffff, v18;
	v18 =	vand.u32 $0xFFFFFFF2, v27  }
0x11b: {  	s24 =	simm.s32 $0x35;
	v38 =	vld [tilespmem:s18+$0xFFFFFFF0];
	v36 =	vbroadcast v21, $0x0;
	v21 =	vbroadcast v18, $0x0;
	v18 =	vadd.f32 v45, v29  }
0x11c: {  	v10 =	vbroadcast v10, $0x0;
	v14 =	vmov s24;
	v31 =	vand.u32 $0xFFFFFFF0, v31;
	v32 =	vld [tilespmem:s10+$0xFFFFFFE0];
	v47, _, _ =	vpop (xrf2)  }
0x11d: {  	v14 =	vand.u32 $0xFFFFFFF5, v14;
	v31 =	vbroadcast v31, $0x0;
	v37 =	vld [tilespmem:s13+$0x30];
	[tilespmem:v20+s22+$0x0] =	vst.idx.msk vm0, v47;
	v48 =	vand.u32 $0x7FFFFFFF, v18  }
0x11e: {  	s24 =	simm.s32 $0x47;
	v27 =	vld [tilespmem:s12+$0x30];
	v25 =	vadd.f32 v35, v25;
	v18 =	vmul.f32 v18, v4;
	v20 =	vmul.f32 v48, v5  }
0x11f: {  	s9 =	simm.s32 $0x41;
	v19 =	vbroadcast v19, $0x0;
	v57 =	vmov s24;
	v14 =	vbroadcast v14, $0x0;
	v46 =	vld [tilespmem:s11+$0xFFFFFFE0]  }
0x120: {  	s20 =	simm.s32 $0x45;
	v23 =	vmov s9;
	v29 =	vld [tilespmem:s23+$0xFFFFFFF0];
	v18 =	vadd.f32 v20, v18;
	v20 =	vand.u32 $0x7FFFFFFF, v25  }
0x121: {  	s4 =	simm.s32 $0xF;
	v30 =	vmov s20;
	v22 =	vand.u32 $0xFFFFFFF1, v23;
	v33 =	vld [tilespmem:s28+$0x50];
	v49, _, _ =	vpop (xrf2);
	v20 =	vmul.f32 v20, v5  }
0x122: {  	s15 =	simm.s32 $0x43;
	v28 =	vmov s4;
	v30 =	vand.u32 $0xFFFFFFF5, v30;
	v23 =	vbroadcast v22, $0x0;
	v50 =	vld [tilespmem:s7+$0x50];
	[tilespmem:v36+s22+$0x0] =	vst.idx.msk vm0, v49  }
0x123: {  	v22 =	vmov s15;
	v27 =	vadd.f32 v27, v37;
	v36 =	vld [tilespmem:s10+$0x70];
	v52, _, _ =	vpop (xrf2);
	v25 =	vmul.f32 v25, v4  }
0x124: {  	v32 =	vadd.f32 v46, v32;
	v17 =	vand.u32 $0xFFFFFFF3, v22;
	[tilespmem:v31+s22+$0x0] =	vst.idx.msk vm0, v52;
	v31 =	vld [tilespmem:s11+$0x70];
	(xrf2) =	vadd.scan.msk.f32 $0xffff, v18  }
0x125: {  	v22 =	vbroadcast v17, $0x0;
	v53 =	vand.u32 $0x7FFFFFFF, v27;
	v54 =	vld [tilespmem:s17+$0xFFFFFF90];
	v18 =	vadd.f32 v20, v25;
	v20, _, _ =	vpop (xrf2)  }
0x126: {  	v51 =	vand.u32 $0x7FFFFFFF, v32;
	v27 =	vmul.f32 v27, v4;
	v39 =	vld [tilespmem:s16+$0xFFFFFF90];
	v37 =	vmul.f32 v53, v5;
	[tilespmem:v19+s22+$0x0] =	vst.idx.msk vm0, v20  }
0x127: {  	s23 =	simm.s32 $0x46;
	v32 =	vmul.f32 v32, v4;
	v34 =	vmul.f32 v51, v5;
	v33 =	vadd.f32 v50, v33;
	(xrf2) =	vadd.scan.msk.f32 $0xffff, v18;
	v18 =	vld [tilespmem:s13+$0xFFFFFFB0]  }
0x128: {  	v29 =	vadd.f32 v38, v29;
	v25 =	vmov s23;
	v27 =	vadd.f32 v37, v27;
	v56 =	vld [tilespmem:s12+$0xFFFFFFB0]  }
0x129: {  	v55 =	vand.u32 $0x7FFFFFFF, v33;
	v31 =	vadd.f32 v31, v36;
	v19 =	vand.u32 $0xFFFFFFF6, v25  }
0x12a: {  	v25 =	vadd.f32 v34, v32;
	(xrf2) =	vadd.scan.msk.f32 $0xffff, v27;
	v27 =	vmul.f32 v33, v4;
	v32 =	vmul.f32 v55, v5  }
0x12b: {  	v20 =	vbroadcast v30, $0x0;
	v30 =	vand.u32 $0x7FFFFFFF, v29;
	v29 =	vmul.f32 v29, v4  }
0x12c: {  	[tilespmem:v28+s22+$0x0] =	vst.idx.msk vm0, v26;
	v58 =	vadd.f32 v39, v54;
	v59 =	vand.u32 $0x7FFFFFFF, v31;
	v27 =	vadd.f32 v32, v27  }
0x12d: {  	v31 =	vmul.f32 v31, v4;
	v32 =	vmul.f32 v59, v5;
	v34 =	vadd.f32 v56, v18  }
0x12e: {  	v26 =	vmul.f32 v30, v5;
	v60 =	vand.u32 $0x7FFFFFFF, v58;
	v35 =	vmul.f32 v58, v4;
	(xrf2) =	vadd.scan.msk.f32 $0xffff, v27;
	v28, _, _ =	vpop (xrf2)  }
0x12f: {  	s25 =	simm.s32 $0x49;
	s31 =	simm.s32 $0x3B;
	v36 =	vmul.f32 v60, v5;
	v30 =	vadd.f32 v32, v31;
	[tilespmem:v24+s22+$0x0] =	vst.idx.msk vm0, v28;
	v31 =	vand.u32 $0x7FFFFFFF, v34  }
0x130: {  	v27 =	vmov s25;
	v28 =	vld [tilespmem:s28+$0xFFFFFFD0];
	v63 =	vmul.f32 v31, v5;
	v31 =	vmov s31  }
0x131: {  	s19 =	simm.s32 $0x44;
	(xrf2) =	vadd.scan.msk.f32 $0xffff, v30;
	v24 =	vadd.f32 v26, v29;
	v26 =	vand.u32 $0xFFFFFFF9, v27;
	v27 =	vand.u32 $0xFFFFFFFB, v31;
	v31 =	vld [tilespmem:s7+$0xFFFFFFD0]  }
0x132: {  	s29 =	simm.s32 $0x2F;
	s30 =	simm.s32 $0x1BB00;
	s0 =	simm.s32 $0x8;
	v17 =	vmov s19;
	v61 =	vadd.f32 v36, v35;
	v30 =	vbroadcast v26, $0x0  }
0x133: {  	s2 =	simm.s32 $0x4F;
	v11 =	vbroadcast v11, $0x0;
	s4 =	simm.s32 $0x2D;
	s18 =	simm.s32 $0x1F;
	v17 =	vand.u32 $0xFFFFFFF4, v17;
	v62 =	vmul.f32 v34, v4  }
0x134: {  	s8 =	simm.s32 $0x17D00;
	s9 =	simm.s32 $0x1BB00;
	s14 =	simm.s32 $0x1BB00;
	v17 =	vbroadcast v17, $0x0;
	v33 =	vand.u32 $0xFFFFFFF7, v57;
	v19 =	vbroadcast v19, $0x0;
	v29, _, _ =	vpop (xrf2);
	(xrf2) =	vadd.scan.msk.f32 $0xffff, v61  }
0x135: {  	s15 =	simm.s32 $0x1BB00;
	s19 =	simm.s32 $0x13E00;
	s23 =	simm.s32 $0x3F;
	v18 =	vbroadcast v33, $0x0;
	v32 =	vadd.f32 v63, v62;
	v26 =	vbroadcast v27, $0x0;
	v27, _, _ =	vpop (xrf2)  }
.LBB2_5:
0x136: {  	v33 =	vld [tilespmem:s19+$0x0];
	s16 =	sadd.s32 $0x100, s16;
	v28 =	vadd.f32 v31, v28;
	v37 =	vmov s4  }
0x137: {  	v34 =	vld [tilespmem:s16+$0x0];
	(xrf2) =	vadd.scan.msk.f32 $0xffff, v32;
	v36 =	vand.u32 $0xFFFFFFFD, v37;
	v32 =	vmov s18;
	s18 =	smov.u32 s29;
	s29 =	smov.u32 s23;
	s23 =	smov.u32 s2  }
0x138: {  	v35 =	vld [tilespmem:s16+$0xFFFFFF80];
	[tilespmem:v30+s22+$0x0] =	vst.idx.msk vm0, v29;
	v29 =	vmul.f32 v28, v4;
	v28 =	vand.u32 $0x7FFFFFFF, v28;
	v30 =	vbroadcast v36, $0x0;
	v31, _, _ =	vpop (xrf2)  }
0x139: {  	v36 =	vld [tilespmem:s17+$0x20];
	v28 =	vmul.f32 v28, v5  }
0x13a: {  	v37 =	vld [tilespmem:s8+$0x20];
	(xrf2) =	vadd.scan.msk.f32 $0xffff, v25  }
0x13b: {  	v25 =	vld [tilespmem:s19+$0xFFFFFF80];
	[tilespmem:v26+s9+$0x0] =	vst.idx.msk vm0, v27;
	v26 =	vadd.f32 v28, v29;
	v27, _, _ =	vpop (xrf2)  }
0x13c: {  	v28 =	vadd.f32 v34, v33;
	v29 =	vld [tilespmem:s13+$0x40];
	[tilespmem:v32+s14+$0x0] =	vst.idx.msk vm0, v27  }
0x13d: {  	v27 =	vld [tilespmem:s12+$0x40];
	(xrf2) =	vadd.scan.msk.f32 $0xffff, v26  }
0x13e: {  	v26 =	vand.u32 $0x7FFFFFFF, v28;
	v32, _, _ =	vpop (xrf2);
	[tilespmem:v30+s15+$0x0] =	vst.idx.msk vm0, v31  }
0x13f: {  	v28 =	vmul.f32 v28, v4;
	v26 =	vmul.f32 v26, v5;
	v30 =	vadd.f32 v37, v36;
	v31 =	vld [tilespmem:s28+$0x60]  }
0x140: {  	v25 =	vadd.f32 v35, v25;
	[tilespmem:v23+s22+$0x0] =	vst.idx.msk vm0, v32;
	v23 =	vld [tilespmem:s7+$0x60];
	(xrf2) =	vadd.scan.msk.f32 $0xffff, v24  }
0x141: {  	v24 =	vadd.f32 v26, v28;
	v26 =	vld [tilespmem:s17+$0xFFFFFFA0];
	v28 =	vand.u32 $0x7FFFFFFF, v30;
	v32, _, _ =	vpop (xrf2)  }
0x142: {  	s2 =	sadd.s32 $0x10, s2;
	v30 =	vmul.f32 v30, v4;
	v33 =	vld [tilespmem:s8+$0xFFFFFFA0];
	v28 =	vmul.f32 v28, v5;
	v27 =	vadd.f32 v27, v29  }
0x143: {  	s25 =	sadd.s32 $0xFFFFFFF1, s2;
	s1 =	sadd.s32 $0xFFFFFFF2, s2;
	s4 =	sadd.s32 $0xFFFFFFF9, s2;
	v29 =	vmul.f32 v25, v4;
	v25 =	vand.u32 $0x7FFFFFFF, v25;
	(xrf2) =	vadd.scan.msk.f32 $0xffff, v24;
	[tilespmem:v16+s9+$0x0] =	vst.idx.msk vm0, v32;
	v16 =	vmovc v22  }
0x144: {  	s31 =	sadd.s32 $0xFFFFFFF3, s2;
	s5 =	sadd.s32 $0xFFFFFFF4, s2;
	s6 =	sadd.s32 $0xFFFFFFF5, s2;
	v22 =	vmov s4;
	v24 =	vadd.f32 v28, v30;
	v28 =	vld [tilespmem:s13+$0xFFFFFFC0];
	v30 =	vand.u32 $0x7FFFFFFF, v27;
	v32, _, _ =	vpop (xrf2)  }
0x145: {  	s20 =	sadd.s32 $0xFFFFFFF7, s2;
	s24 =	sadd.s32 $0xFFFFFFF8, s2;
	s4 =	sadd.s32 $0xFFFFFFF6, s2;
	v27 =	vmul.f32 v27, v4;
	v34 =	vld [tilespmem:s12+$0xFFFFFFC0];
	v35 =	vmul.f32 v30, v5;
	v23 =	vadd.f32 v23, v31  }
0x146: {  	v25 =	vmul.f32 v25, v5;
	v22 =	vand.u32 $0xFFFFFFF8, v22;
	v31 =	vmov s25;
	(xrf2) =	vadd.scan.msk.f32 $0xffff, v24  }
0x147: {  	v22 =	vbroadcast v22, $0x0;
	v24 =	vadd.f32 v35, v27;
	v27 =	vand.u32 $0x7FFFFFFF, v23;
	v30, _, _ =	vpop (xrf2);
	[tilespmem:v9+s14+$0x0] =	vst.idx.msk vm0, v32  }
0x148: {  	v25 =	vadd.f32 v25, v29;
	s25 =	sadd.s32 $0xFFFFFFFB, s23;
	v23 =	vmul.f32 v23, v4;
	v9 =	vmovc v10;
	v27 =	vmul.f32 v27, v5;
	v29 =	vld [tilespmem:s10+$0xFFFFFFF0];
	s10 =	smov.u32 s28;
	s28 =	smov.u32 s13  }
0x149: {  	v31 =	vand.u32 $0xFFFFFFF0, v31;
	v32 =	vmov s1;
	v35 =	vmov s25;
	v10 =	vmovc v12;
	(xrf2) =	vadd.scan.msk.f32 $0xffff, v24;
	v24 =	vld [tilespmem:s11+$0xFFFFFFF0];
	s11 =	smov.u32 s7;
	s7 =	smov.u32 s12;
	s12 =	smov.u32 s8  }
0x14a: {  	v31 =	vbroadcast v31, $0x0;
	v12 =	vand.u32 $0xFFFFFFFA, v35;
	s13 =	smov.u32 s17;
	s17 =	smov.u32 s19;
	s8 =	smov.u32 s16;
	[tilespmem:v13+s15+$0x0] =	vst.idx.msk vm0, v30;
	v27 =	vadd.f32 v27, v23;
	v13, _, _ =	vpop (xrf2)  }
0x14b: {  	v26 =	vadd.f32 v33, v26;
	s1 =	sadd.s32 $0xFFFFFFFD, s29;
	v23 =	vand.u32 $0xFFFFFFF1, v32;
	v30 =	vbroadcast v12, $0x0;
	v32 =	vld [tilespmem:s10+$0xFFFFFFE0];
	[tilespmem:v6+s30+$0x0] =	vst.idx.msk vm0, v13;
	v13 =	vmovc v14;
	s30 =	smov.u32 s14;
	s14 =	smov.u32 s15  }
0x14c: {  	v36 =	vmov s1;
	v23 =	vbroadcast v23, $0x0;
	v6 =	vmov s31;
	v14 =	vmovc v20;
	s15 =	smov.u32 s9;
	s9 =	smov.u32 s22;
	v33 =	vld [tilespmem:s11+$0xFFFFFFE0];
	(xrf2) =	vadd.scan.msk.f32 $0xffff, v27  }
0x14d: {  	s0 =	sadd.s32 $0x2, s0;
	v35 =	vand.u32 $0xFFFFFFFC, v36;
	v27 =	vmul.f32 v26, v4;
	v26 =	vand.u32 $0x7FFFFFFF, v26;
	v20, _, _ =	vpop (xrf2)  }
0x14e: {  	p0 =	slt.u32 s0, $0x3E;
	s1 =	sadd.s32 $0xFFFFFFFF, s18;
	v12 =	vmovc v19;
	v37 =	vand.u32 $0xFFFFFFF2, v6;
	[tilespmem:v22+s22+$0x0] =	vst.idx.msk vm0, v20;
	v20 =	vmul.f32 v26, v5;
	v26 =	vbroadcast v35, $0x0  }
0x14f: {  	v19 =	vmov s5;
	v35 =	vbroadcast v37, $0x0;
	v22 =	vmov s1;
	v6 =	vmovc v7;
	v36 =	vld [tilespmem:s19+$0x10];
	(xrf2) =	vadd.scan.msk.f32 $0xffff, v25  }
0x150: {  	v37 =	vand.u32 $0xFFFFFFF3, v19;
	v19 =	vld [tilespmem:s16+$0x10];
	v20 =	vadd.f32 v20, v27;
	v25, _, _ =	vpop (xrf2);
	v27 =	vand.u32 $0xFFFFFFFE, v22  }
0x151: {  	v7 =	vmovc v8;
	v22 =	vbroadcast v37, $0x0;
	v37 =	vadd.f32 v34, v28;
	[tilespmem:v30+s9+$0x0] =	vst.idx.msk vm0, v25;
	v27 =	vbroadcast v27, $0x0  }
0x152: {  	v8 =	vmovc v11;
	v28 =	vmov s6;
	v30 =	vmov s4;
	v32 =	vadd.f32 v33, v32;
	v34 =	vld [tilespmem:s13+$0x30];
	(xrf2) =	vadd.scan.msk.f32 $0xffff, v20  }
0x153: {  	v39 =	vand.u32 $0xFFFFFFF4, v28;
	v40 =	vmul.f32 v37, v4;
	v20 =	vand.u32 $0x7FFFFFFF, v37;
	v28 =	vld [tilespmem:s12+$0x30];
	v25, _, _ =	vpop (xrf2)  }
0x154: {  	v11 =	vmovc v18;
	v37 =	vbroadcast v39, $0x0;
	v30 =	vand.u32 $0xFFFFFFF5, v30;
	v38 =	vmul.f32 v20, v5;
	[tilespmem:v26+s15+$0x0] =	vst.idx.msk vm0, v25  }
0x155: {  	v20 =	vbroadcast v30, $0x0;
	v18 =	vadd.f32 v19, v36;
	v26 =	vld [tilespmem:s28+$0x50];
	v19 =	vand.u32 $0x7FFFFFFF, v32  }
0x156: {  	v25 =	vadd.f32 v38, v40;
	v32 =	vmul.f32 v32, v4;
	v30 =	vld [tilespmem:s7+$0x50];
	v19 =	vmul.f32 v19, v5;
	v33, _, _ =	vpop (xrf2)  }
0x157: {  	v24 =	vadd.f32 v24, v29;
	v36 =	vmov s20;
	v38 =	vand.u32 $0x7FFFFFFF, v18;
	[tilespmem:v27+s14+$0x0] =	vst.idx.msk vm0, v33  }
0x158: {  	v18 =	vmul.f32 v18, v4;
	v27 =	vmul.f32 v38, v5;
	v28 =	vadd.f32 v28, v34;
	(xrf2) =	vadd.scan.msk.f32 $0xffff, v25;
	v29 =	vld [tilespmem:s10+$0x70]  }
0x159: {  	v33 =	vand.u32 $0xFFFFFFF6, v36;
	v36 =	vand.u32 $0x7FFFFFFF, v24;
	v25 =	vadd.f32 v19, v32;
	v34, _, _ =	vpop (xrf2);
	v32 =	vld [tilespmem:s11+$0x70]  }
0x15a: {  	v19 =	vbroadcast v33, $0x0;
	[tilespmem:v31+s22+$0x0] =	vst.idx.msk vm0, v34;
	v34 =	vadd.f32 v27, v18;
	v27 =	vand.u32 $0x7FFFFFFF, v28  }
0x15b: {  	v28 =	vmul.f32 v28, v4;
	v31 =	vld [tilespmem:s19+$0xFFFFFF90];
	v27 =	vmul.f32 v27, v5;
	v26 =	vadd.f32 v30, v26  }
0x15c: {  	v24 =	vmul.f32 v24, v4;
	v33 =	vmov s24;
	v30 =	vld [tilespmem:s16+$0xFFFFFF90];
	(xrf2) =	vadd.scan.msk.f32 $0xffff, v34;
	v18, _, _ =	vpop (xrf2);
	v34 =	vmul.f32 v36, v5  }
0x15d: {  	v33 =	vand.u32 $0xFFFFFFF7, v33;
	[tilespmem:v21+s9+$0x0] =	vst.idx.msk vm0, v18;
	v27 =	vadd.f32 v27, v28;
	v18 =	vand.u32 $0x7FFFFFFF, v26;
	v21 =	vmovc v35  }
0x15e: {  	v26 =	vmul.f32 v26, v4;
	v28 =	vld [tilespmem:s13+$0xFFFFFFB0];
	v35 =	vmul.f32 v18, v5;
	v29 =	vadd.f32 v32, v29  }
0x15f: {  	v18 =	vbroadcast v33, $0x0;
	v24 =	vadd.f32 v34, v24;
	v32 =	vld [tilespmem:s12+$0xFFFFFFB0];
	(xrf2) =	vadd.scan.msk.f32 $0xffff, v27  }
0x160: {  	v26 =	vadd.f32 v35, v26;
	v27 =	vand.u32 $0x7FFFFFFF, v29  }
0x161: {  	v29 =	vmul.f32 v29, v4;
	v30 =	vadd.f32 v30, v31;
	v27 =	vmul.f32 v27, v5  }
0x162: {  	v31, _, _ =	vpop (xrf2);
	(xrf2) =	vadd.scan.msk.f32 $0xffff, v26  }
0x163: {  	s1 =	sadd.s32 $0xFFFFFFFA, s2;
	v26 =	vmul.f32 v30, v4;
	v30 =	vand.u32 $0x7FFFFFFF, v30;
	[tilespmem:v15+s15+$0x0] =	vst.idx.msk vm0, v31;
	v27 =	vadd.f32 v27, v29  }
0x164: {  	v15 =	vmovc v17;
	v17 =	vmovc v37;
	v33 =	vmul.f32 v30, v5;
	v30 =	vmov s1;
	v32 =	vadd.f32 v32, v28;
	v28 =	vld [tilespmem:s28+$0xFFFFFFD0]  }
.Ltmp1:
0x165: {  	v30 =	vand.u32 $0xFFFFFFF9, v30;
	v31 =	vld [tilespmem:s7+$0xFFFFFFD0];
	(xrf2) =	vadd.scan.msk.f32 $0xffff, v27;
	(pc) =	sbr.rel @p0 .LBB2_5-.Ltmp1, $4  }
0x166: {  	s1 =	sadd.s32 $0xFFFFFFFC, s23;
	v26 =	vadd.f32 v33, v26;
	v30 =	vbroadcast v30, $0x0;
	v29, _, _ =	vpop (xrf2);
	v27 =	vand.u32 $0x7FFFFFFF, v32  }
0x167: {  	v32 =	vmul.f32 v32, v4;
	v33 =	vmov s1;
	v34 =	vmul.f32 v27, v5  }
0x168: {  	(xrf2) =	vadd.scan.msk.f32 $0xffff, v26;
	v26 =	vand.u32 $0xFFFFFFFB, v33  }
0x169: {  	s4 =	sadd.s32 $0xFFFFFFFE, s29;
	s19 =	sadd.s32 $0x100, s19;
	v32 =	vadd.f32 v34, v32;
	v26 =	vbroadcast v26, $0x0;
	v27, _, _ =	vpop (xrf2)  }
0x16a: {  	_ =	sdelay $0x4  }
0x16b: {  	[tilespmem:v30+s22+$0x0] =	vst.idx.msk vm0, v29  }
0x16c: {  	v29 =	vld [tilespmem:s17+$0x20]  }
0x16d: {  	v30 =	vld [tilespmem:s8+$0x20];
	_ =	sdelay $0x2  }
0x16e: {  	v28 =	vadd.f32 v31, v28;
	_ =	sdelay $0x1  }
0x16f: {  	v31 =	vand.u32 $0x7FFFFFFF, v28;
	v29 =	vadd.f32 v30, v29  }
0x170: {  	v28 =	vmul.f32 v28, v4;
	v37 =	vmul.f32 v31, v5  }
0x171: {  	v38 =	vand.u32 $0x7FFFFFFF, v29  }
0x172: {  	(xrf2) =	vadd.scan.msk.f32 $0xffff, v32;
	v28 =	vadd.f32 v37, v28;
	v29 =	vmul.f32 v29, v4;
	v39 =	vmul.f32 v38, v5  }
0x173: {  	v40 =	vmov s4;
	(xrf2) =	vadd.scan.msk.f32 $0xffff, v25  }
0x174: {  	v41 =	vand.u32 $0xFFFFFFFD, v40;
	(xrf2) =	vadd.scan.msk.f32 $0xffff, v28;
	v42 =	vadd.f32 v39, v29  }
0x175: {  	v25 =	vbroadcast v41, $0x0;
	(xrf2) =	vadd.scan.msk.f32 $0xffff, v24  }
0x176: {  	(xrf2) =	vadd.scan.msk.f32 $0xffff, v42;
	_ =	sdelay $0x1  }
0x177: {  	s0 =	sadd.s32 $0xFFFFFFFB, s2  }
0x178: {  	[tilespmem:v26+s9+$0x0] =	vst.idx.msk vm0, v27;
	v44 =	vmov s0;
	v43, _, _ =	vpop (xrf2)  }
0x179: {  	v27 =	vld [tilespmem:s13+$0x40];
	v26 =	vand.u32 $0xFFFFFFFA, v44;
	v24, _, _ =	vpop (xrf2)  }
0x17a: {  	v45 =	vld [tilespmem:s12+$0x40];
	v47 =	vbroadcast v26, $0x0;
	[tilespmem:v25+s15+$0x0] =	vst.idx.msk vm0, v43;
	v46, _, _ =	vpop (xrf2)  }
0x17b: {  	v48 =	vld [tilespmem:s28+$0x60];
	v49, _, _ =	vpop (xrf2)  }
0x17c: {  	v50 =	vld [tilespmem:s7+$0x60];
	[tilespmem:v23+s22+$0x0] =	vst.idx.msk vm0, v46;
	v51, _, _ =	vpop (xrf2)  }
0x17d: {  	v52 =	vld [tilespmem:s17+$0xFFFFFFA0];
	v53, _, _ =	vpop (xrf2)  }
0x17e: {  	v33 =	vld [tilespmem:s8+$0xFFFFFFA0];
	[tilespmem:v16+s9+$0x0] =	vst.idx.msk vm0, v49;
	v16, _, _ =	vpop (xrf2)  }
0x17f: {  	v27 =	vadd.f32 v45, v27;
	v28 =	vld [tilespmem:s13+$0xFFFFFFC0];
	v54, _, _ =	vpop (xrf2)  }
0x180: {  	v34 =	vld [tilespmem:s12+$0xFFFFFFC0];
	[tilespmem:v47+s22+$0x0] =	vst.idx.msk vm0, v54  }
0x181: {  	v55 =	vand.u32 $0x7FFFFFFF, v27;
	v23 =	vadd.f32 v50, v48;
	v56 =	vld [tilespmem:s17+$0x30]  }
0x182: {  	v27 =	vmul.f32 v27, v4;
	v25 =	vmul.f32 v55, v5;
	v29 =	vld [tilespmem:s8+$0x30]  }
0x183: {  	v31 =	vadd.f32 v33, v52;
	v57 =	vand.u32 $0x7FFFFFFF, v23  }
0x184: {  	v25 =	vadd.f32 v25, v27;
	v23 =	vmul.f32 v23, v4;
	v58 =	vmul.f32 v57, v5  }
0x185: {  	v59 =	vand.u32 $0x7FFFFFFF, v31;
	v28 =	vadd.f32 v34, v28  }
0x186: {  	s5 =	sadd.s32 $0xFFFFFFFD, s23;
	(xrf2) =	vadd.scan.msk.f32 $0xffff, v25;
	v60 =	vmul.f32 v31, v4;
	v23 =	vadd.f32 v58, v23;
	v61 =	vmul.f32 v59, v5  }
0x187: {  	v62 =	vmov s5;
	v63 =	vand.u32 $0x7FFFFFFF, v28;
	v26 =	vadd.f32 v29, v56  }
0x188: {  	v37 =	vmul.f32 v28, v4;
	(xrf2) =	vadd.scan.msk.f32 $0xffff, v23;
	v36 =	vadd.f32 v61, v60;
	v38 =	vmul.f32 v63, v5  }
0x189: {  	v39 =	vand.u32 $0xFFFFFFFC, v62;
	v29 =	vand.u32 $0x7FFFFFFF, v26  }
0x18a: {  	s6 =	sadd.s32 $0xFFFFFFFF, s29;
	(xrf2) =	vadd.scan.msk.f32 $0xffff, v36;
	v40 =	vadd.f32 v38, v37;
	v41 =	vmul.f32 v26, v4;
	v42 =	vmul.f32 v29, v5  }
0x18b: {  	v44 =	vmov s6;
	v43 =	vbroadcast v39, $0x0  }
0x18c: {  	v28 =	vand.u32 $0xFFFFFFFE, v44;
	(xrf2) =	vadd.scan.msk.f32 $0xffff, v40;
	v45 =	vadd.f32 v42, v41  }
0x18d: {  	[tilespmem:v9+s14+$0x0] =	vst.idx.msk vm0, v51;
	v46 =	vbroadcast v28, $0x0  }
0x18e: {  	v48 =	vld [tilespmem:s11+$0xFFFFFFF0];
	[tilespmem:v13+s15+$0x0] =	vst.idx.msk vm0, v53;
	(xrf2) =	vadd.scan.msk.f32 $0xffff, v45  }
0x18f: {  	v13 =	vld [tilespmem:s28+$0xFFFFFFE0]  }
0x190: {  	s16 =	sadd.s32 $0xFFFFFFFC, s2;
	v50 =	vld [tilespmem:s7+$0xFFFFFFE0];
	v49, _, _ =	vpop (xrf2)  }
0x191: {  	v51 =	vmov s16;
	v47 =	vld [tilespmem:s10+$0xFFFFFFF0];
	[tilespmem:v43+s9+$0x0] =	vst.idx.msk vm0, v49  }
0x192: {  	v27 =	vld [tilespmem:s13+$0x50];
	v52, _, _ =	vpop (xrf2);
	v26 =	vand.u32 $0xFFFFFFFB, v51  }
0x193: {  	v53 =	vld [tilespmem:s12+$0x50];
	[tilespmem:v46+s15+$0x0] =	vst.idx.msk vm0, v52;
	v54 =	vbroadcast v26, $0x0  }
0x194: {  	v55 =	vld [tilespmem:s28+$0x70];
	v56, _, _ =	vpop (xrf2)  }
0x195: {  	v57 =	vld [tilespmem:s7+$0x70];
	[tilespmem:v21+s22+$0x0] =	vst.idx.msk vm0, v56  }
0x196: {  	v21 =	vld [tilespmem:s17+$0xFFFFFFB0];
	v58, _, _ =	vpop (xrf2)  }
0x197: {  	v29 =	vld [tilespmem:s8+$0xFFFFFFB0];
	[tilespmem:v15+s9+$0x0] =	vst.idx.msk vm0, v58  }
0x198: {  	v13 =	vadd.f32 v50, v13;
	v23 =	vadd.f32 v48, v47;
	v28 =	vld [tilespmem:s13+$0xFFFFFFD0];
	v60, _, _ =	vpop (xrf2)  }
0x199: {  	v62 =	vadd.f32 v53, v27;
	v61 =	vld [tilespmem:s12+$0xFFFFFFD0];
	[tilespmem:v54+s22+$0x0] =	vst.idx.msk vm0, v60  }
0x19a: {  	v59 =	vand.u32 $0x7FFFFFFF, v13;
	v13 =	vmul.f32 v13, v4;
	v36 =	vand.u32 $0x7FFFFFFF, v23;
	v63 =	vld [tilespmem:s17+$0x40]  }
0x19b: {  	v23 =	vmul.f32 v23, v4;
	v38 =	vand.u32 $0x7FFFFFFF, v62;
	v26 =	vadd.f32 v57, v55;
	v37 =	vld [tilespmem:s8+$0x40]  }
0x19c: {  	v9 =	vmul.f32 v62, v4;
	v39 =	vmul.f32 v38, v5;
	v21 =	vadd.f32 v29, v21  }
0x19d: {  	v15 =	vmul.f32 v59, v5;
	v40 =	vand.u32 $0x7FFFFFFF, v26;
	v26 =	vmul.f32 v26, v4  }
0x19e: {  	v31 =	vmul.f32 v40, v5;
	v41 =	vand.u32 $0x7FFFFFFF, v21;
	v25 =	vadd.f32 v61, v28  }
0x19f: {  	v9 =	vadd.f32 v39, v9;
	v21 =	vmul.f32 v21, v4;
	v42 =	vmul.f32 v41, v5  }
0x1a0: {  	v26 =	vadd.f32 v31, v26;
	v43 =	vand.u32 $0x7FFFFFFF, v25;
	v27 =	vadd.f32 v37, v63  }
0x1a1: {  	(xrf2) =	vadd.scan.msk.f32 $0xffff, v9;
	v45 =	vmul.f32 v25, v4;
	v44 =	vadd.f32 v42, v21;
	v46 =	vmul.f32 v43, v5  }
0x1a2: {  	v13 =	vadd.f32 v15, v13;
	v15 =	vmul.f32 v36, v5;
	(xrf2) =	vadd.scan.msk.f32 $0xffff, v26;
	v47 =	vand.u32 $0x7FFFFFFF, v27  }
0x1a3: {  	(xrf2) =	vadd.scan.msk.f32 $0xffff, v44;
	v48 =	vadd.f32 v46, v45;
	v49 =	vmul.f32 v27, v4;
	v50 =	vmul.f32 v47, v5  }
0x1a4: {  	v15 =	vadd.f32 v15, v23;
	(xrf2) =	vadd.scan.msk.f32 $0xffff, v13  }
0x1a5: {  	s19 =	sadd.s32 $0xFFFFFFFE, s23;
	(xrf2) =	vadd.scan.msk.f32 $0xffff, v48;
	v51 =	vadd.f32 v50, v49  }
0x1a6: {  	v52 =	vmov s19;
	(xrf2) =	vadd.scan.msk.f32 $0xffff, v15  }
0x1a7: {  	v13 =	vand.u32 $0xFFFFFFFD, v52;
	(xrf2) =	vadd.scan.msk.f32 $0xffff, v51  }
0x1a8: {  	v13 =	vbroadcast v13, $0x0  }
0x1a9: {  	s20 =	sadd.s32 $0xFFFFFFFD, s2  }
0x1aa: {  	v53 =	vmov s20  }
0x1ab: {  	v55 =	vand.u32 $0xFFFFFFFC, v53;
	v54, _, _ =	vpop (xrf2)  }
0x1ac: {  	v21 =	vbroadcast v55, $0x0;
	v9, _, _ =	vpop (xrf2)  }
0x1ad: {  	v56, _, _ =	vpop (xrf2)  }
0x1ae: {  	[tilespmem:v13+s9+$0x0] =	vst.idx.msk vm0, v54;
	v57, _, _ =	vpop (xrf2)  }
0x1af: {  	v58 =	vld [tilespmem:s13+$0x60];
	v59, _, _ =	vpop (xrf2)  }
0x1b0: {  	v60 =	vld [tilespmem:s12+$0x60];
	[tilespmem:v22+s22+$0x0] =	vst.idx.msk vm0, v56;
	v13, _, _ =	vpop (xrf2)  }
0x1b1: {  	v22 =	vld [tilespmem:s17+$0xFFFFFFC0];
	v61, _, _ =	vpop (xrf2)  }
0x1b2: {  	v62 =	vld [tilespmem:s8+$0xFFFFFFC0];
	[tilespmem:v21+s22+$0x0] =	vst.idx.msk vm0, v61  }
0x1b3: {  	v21 =	vld [tilespmem:s17+$0x50]  }
0x1b4: {  	v23 =	vld [tilespmem:s8+$0x50]  }
0x1b5: {  	v25 =	vadd.f32 v60, v58;
	_ =	sdelay $0x1  }
0x1b6: {  	v27 =	vand.u32 $0x7FFFFFFF, v25;
	v22 =	vadd.f32 v62, v22  }
0x1b7: {  	v25 =	vmul.f32 v25, v4;
	v27 =	vmul.f32 v27, v5  }
0x1b8: {  	v28 =	vand.u32 $0x7FFFFFFF, v22;
	v21 =	vadd.f32 v23, v21  }
0x1b9: {  	v63 =	vadd.f32 v27, v25;
	v22 =	vmul.f32 v22, v4;
	v30 =	vmul.f32 v28, v5  }
0x1ba: {  	v31 =	vand.u32 $0x7FFFFFFF, v21  }
0x1bb: {  	(xrf2) =	vadd.scan.msk.f32 $0xffff, v63;
	v22 =	vadd.f32 v30, v22;
	v21 =	vmul.f32 v21, v4;
	v32 =	vmul.f32 v31, v5;
	_ =	sdelay $0x1  }
0x1bc: {  	s24 =	sadd.s32 $0xFFFFFFFF, s23;
	(xrf2) =	vadd.scan.msk.f32 $0xffff, v22;
	v21 =	vadd.f32 v32, v21  }
0x1bd: {  	v33 =	vmov s24  }
0x1be: {  	v22 =	vand.u32 $0xFFFFFFFE, v33;
	(xrf2) =	vadd.scan.msk.f32 $0xffff, v21  }
0x1bf: {  	v34 =	vbroadcast v22, $0x0  }
0x1c0: {  	s25 =	sadd.s32 $0xFFFFFFFE, s2  }
0x1c1: {  	v35 =	vmov s25;
	[tilespmem:v10+s15+$0x0] =	vst.idx.msk vm0, v57  }
0x1c2: {  	v10 =	vand.u32 $0xFFFFFFFD, v35;
	v15 =	vld [tilespmem:s28+$0xFFFFFFF0]  }
0x1c3: {  	v36 =	vld [tilespmem:s7+$0xFFFFFFF0];
	[tilespmem:v14+s9+$0x0] =	vst.idx.msk vm0, v59;
	v10 =	vbroadcast v10, $0x0  }
0x1c4: {  	v14 =	vld [tilespmem:s13+$0xFFFFFFE0];
	v37, _, _ =	vpop (xrf2)  }
0x1c5: {  	v38 =	vld [tilespmem:s12+$0xFFFFFFE0];
	[tilespmem:v34+s9+$0x0] =	vst.idx.msk vm0, v37  }
0x1c6: {  	v40 =	vld [tilespmem:s12+$0x70];
	v39, _, _ =	vpop (xrf2)  }
0x1c7: {  	[tilespmem:v17+s22+$0x0] =	vst.idx.msk vm0, v39;
	v21 =	vld [tilespmem:s13+$0x70]  }
0x1c8: {  	v17 =	vld [tilespmem:s17+$0xFFFFFFD0];
	v41, _, _ =	vpop (xrf2)  }
0x1c9: {  	v42 =	vld [tilespmem:s8+$0xFFFFFFD0];
	[tilespmem:v10+s22+$0x0] =	vst.idx.msk vm0, v41  }
0x1ca: {  	v44 =	vld [tilespmem:s17+$0x60]  }
0x1cb: {  	v15 =	vadd.f32 v36, v15;
	v43 =	vadd.f32 v38, v14;
	v23 =	vld [tilespmem:s8+$0x60]  }
0x1cc: {  	v21 =	vadd.f32 v40, v21  }
0x1cd: {  	v46 =	vand.u32 $0x7FFFFFFF, v15;
	v15 =	vmul.f32 v15, v4;
	v25 =	vand.u32 $0x7FFFFFFF, v43  }
0x1ce: {  	v25 =	vmul.f32 v25, v5;
	v17 =	vadd.f32 v42, v17;
	v45 =	vand.u32 $0x7FFFFFFF, v21  }
0x1cf: {  	v21 =	vmul.f32 v21, v4;
	v22 =	vmul.f32 v45, v5  }
0x1d0: {  	v47 =	vand.u32 $0x7FFFFFFF, v17;
	v10 =	vmul.f32 v43, v4;
	v14 =	vadd.f32 v23, v44  }
0x1d1: {  	v17 =	vmul.f32 v17, v4;
	v48 =	vmul.f32 v47, v5;
	v21 =	vadd.f32 v22, v21  }
0x1d2: {  	v49 =	vmul.f32 v46, v5;
	v10 =	vadd.f32 v25, v10;
	v50 =	vand.u32 $0x7FFFFFFF, v14  }
0x1d3: {  	v17 =	vadd.f32 v48, v17;
	(xrf2) =	vadd.scan.msk.f32 $0xffff, v21;
	v14 =	vmul.f32 v14, v4;
	v51 =	vmul.f32 v50, v5  }
0x1d4: {  	v15 =	vadd.f32 v49, v15;
	(xrf2) =	vadd.scan.msk.f32 $0xffff, v10  }
0x1d5: {  	(xrf2) =	vadd.scan.msk.f32 $0xffff, v17;
	v52 =	vadd.f32 v51, v14  }
0x1d6: {  	(xrf2) =	vadd.scan.msk.f32 $0xffff, v15  }
0x1d7: {  	(xrf2) =	vadd.scan.msk.f32 $0xffff, v52;
	_ =	sdelay $0x1  }
0x1d8: {  	s31 =	sadd.s32 $0xFFFFFFFF, s2  }
0x1d9: {  	v53 =	vmov s31  }
0x1da: {  	v10 =	vand.u32 $0xFFFFFFFE, v53  }
0x1db: {  	v10 =	vbroadcast v10, $0x0  }
0x1dc: {  	v54, _, _ =	vpop (xrf2)  }
0x1dd: {  	v55, _, _ =	vpop (xrf2)  }
0x1de: {  	v17, _, _ =	vpop (xrf2)  }
0x1df: {  	v56, _, _ =	vpop (xrf2)  }
0x1e0: {  	[tilespmem:v20+s22+$0x0] =	vst.idx.msk vm0, v17;
	v57, _, _ =	vpop (xrf2)  }
0x1e1: {  	v20 =	vld [tilespmem:s17+$0xFFFFFFE0];
	[tilespmem:v10+s22+$0x0] =	vst.idx.msk vm0, v57  }
0x1e2: {  	v10 =	vld [tilespmem:s17+$0x70]  }
0x1e3: {  	v17 =	vld [tilespmem:s8+$0x70]  }
0x1e4: {  	v58 =	vld [tilespmem:s8+$0xFFFFFFE0];
	_ =	sdelay $0x3  }
0x1e5: {  	v10 =	vadd.f32 v17, v10  }
0x1e6: {  	v59 =	vadd.f32 v58, v20  }
0x1e7: {  	v60 =	vand.u32 $0x7FFFFFFF, v10  }
0x1e8: {  	v22 =	vand.u32 $0x7FFFFFFF, v59;
	v10 =	vmul.f32 v10, v4;
	v20 =	vmul.f32 v60, v5  }
0x1e9: {  	v22 =	vmul.f32 v22, v5;
	v17 =	vmul.f32 v59, v4  }
0x1ea: {  	v10 =	vadd.f32 v20, v10  }
0x1eb: {  	v17 =	vadd.f32 v22, v17  }
0x1ec: {  	(xrf2) =	vadd.scan.msk.f32 $0xffff, v10  }
0x1ed: {  	(xrf2) =	vadd.scan.msk.f32 $0xffff, v17;
	_ =	sdelay $0x8  }
0x1ee: {  	[tilespmem:v12+s9+$0x0] =	vst.idx.msk vm0, v55;
	v10, _, _ =	vpop (xrf2)  }
0x1ef: {  	v12 =	vld [tilespmem:s13+$0xFFFFFFF0];
	v61, _, _ =	vpop (xrf2)  }
0x1f0: {  	v62 =	vld [tilespmem:s12+$0xFFFFFFF0];
	[tilespmem:v19+s22+$0x0] =	vst.idx.msk vm0, v61  }
0x1f1: {  	v15 =	vld [tilespmem:s17+$0xFFFFFFF0]  }
0x1f2: {  	v19 =	vld [tilespmem:s8+$0xFFFFFFF0];
	_ =	sdelay $0x3  }
0x1f3: {  	v12 =	vadd.f32 v62, v12  }
0x1f4: {  	v15 =	vadd.f32 v19, v15  }
0x1f5: {  	v17 =	vand.u32 $0x7FFFFFFF, v12  }
0x1f6: {  	v12 =	vmul.f32 v12, v4;
	v17 =	vmul.f32 v17, v5;
	v19 =	vand.u32 $0x7FFFFFFF, v15  }
0x1f7: {  	v4 =	vmul.f32 v15, v4;
	v5 =	vmul.f32 v19, v5  }
0x1f8: {  	v12 =	vadd.f32 v17, v12  }
0x1f9: {  	v4 =	vadd.f32 v5, v4  }
0x1fa: {  	(xrf2) =	vadd.scan.msk.f32 $0xffff, v12  }
0x1fb: {  	v63 =	vmov s18;
	(xrf2) =	vadd.scan.msk.f32 $0xffff, v4;
	_ =	sdelay $0x1  }
0x1fc: {  	[tilespmem:v6+s30+$0x0] =	vst.idx.msk vm0, v16;
	v6 =	vmov s2  }
0x1fd: {  	v5 =	vmov s29  }
0x1fe: {  	[tilespmem:v7+s14+$0x0] =	vst.idx.msk vm0, v13;
	v4 =	vmov s23  }
0x1ff: {  	[tilespmem:v63+s14+$0x0] =	vst.idx.msk vm0, v24  }
0x200: {  	[tilespmem:v8+s15+$0x0] =	vst.idx.msk vm0, v56  }
0x201: {  	p0 =	por $0x0, $0x0;
	[tilespmem:v6+s22+$0x0] =	vst.idx.msk vm0, v10  }
.Ltmp2:
0x202: {  	[tilespmem:v5+s15+$0x0] =	vst.idx.msk vm0, v9;
	(pc) =	sbr.rel @p0 .LBB2_8-.Ltmp2, $4  }
0x203: {  	[tilespmem:v4+s9+$0x0] =	vst.idx.msk vm0, v54;
	v4, _, _ =	vpop (xrf2)  }
0x204: {  	[tilespmem:v11+s9+$0x0] =	vst.idx.msk vm0, v4;
	v4, _, _ =	vpop (xrf2)  }
0x205: {  	s0 =	simm.s32 $0x0;
	[tilespmem:v18+s22+$0x0] =	vst.idx.msk vm0, v4  }
0x206: {  	s5 =	simm.s32 $0x1BD00;
	s2 =	simm.s32 $0x10;
	v4 =	vld [tilespmem:s22+$0x0];
	s6 =	rddreg [dreg:$0x13]  }
.LBB2_7:
0x207: {  	p0 =	seq.s32 s2, $0x1F0;
	_ =	sdelay $0x3  }
0x208: {  	v4 =	vmul.f32 $1.442695020e+00, v4;
	_ =	sdelay $0x1  }
0x209: {  	(erf) = vpow2.f32 v4  }
0x20a: {  	v4 =	vmov s0;
	s0 =	smov.u32 s2  }
0x20b: {  	v4 =	vshll.u32 v4, $0x4  }
0x20c: {  	v4 =	vor.u32 v1, v4  }
0x20d: {  	v4 =	vand.u32 $0x1F80, v4  }
0x20e: {  	v4 =	vor.u32 v2, v4;
	_ =	sdelay $0x1  }
.Ltmp3:
0x20f: {  	(pc) =	sbr.rel @!p0 .LBB2_7-.Ltmp3, $4  }
0x210: {  	_ = 	snop  }
0x211: {  	v5 =	vpop (erf)  }
0x212: {  	s22 =	sadd.s32 $0x10, s22;
	[tilespmem:v4+s5+$0x0] =	vst.idx.msk $0xffff, v5  }
0x213: {  	s2 =	sadd.s32 $0x10, s2;
	v4 =	vld [tilespmem:s22+$0x0]  }
.LBB2_8:
0x214: {  	_ =	sdelay $0x3  }
0x215: {  	v4 =	vmul.f32 $1.442695020e+00, v4;
	_ =	sdelay $0x1  }
0x216: {  	(erf) = vpow2.f32 v4  }
0x217: {  	v4 =	vmov s0  }
0x218: {  	v4 =	vshll.u32 v4, $0x4  }
0x219: {  	v4 =	vor.u32 v1, v4  }
0x21a: {  	v4 =	vand.u32 $0x1F80, v4  }
0x21b: {  	v4 =	vor.u32 v2, v4;
	_ =	sdelay $0x3  }
0x21c: {  	s1 =	simm.s32 $0x0;
	v5 =	vpop (erf)  }
0x21d: {  	[tilespmem:v4+s5+$0x0] =	vst.idx.msk $0xffff, v5;
	v5 =	vmov s1  }
0x21e: {  	v6 =	vor.u32 $0x1, v5  }
0x21f: {  	s9 =	sshll.u32 s6, $0x7;
	s22 =	rddreg [dreg:$0x7]  }
0x220: {  	v7 =	vor.u32 s1, v3;
	s0 =	sadd.s32 s22, s9  }
0x221: {  	[dreg:$0x14] =	wrdreg s0  }
0x222: {  	v5 =	vld.idx.msk [tilespmem:v5+s21+$0x0], $0xffff  }
0x223: {  	v6 =	vld.idx.msk [tilespmem:v6+s21+$0x0], $0xffff;
	_ =	sdelay $0x1  }
0x224: {  	v8 =	vld.idx.msk [tilespmem:v7+s21+$0x0], $0xffff;
	v7 =	vshll.u32 v7, $0x7  }
0x225: {  	v7 =	vor.u32 v2, v7  }
0x226: {  	v4 =	vmov s0  }
0x227: {  	v9 =	vor.u32 s1, v4;
	vm3 =	vne.s32 v5, v6  }
0x228: {  	vm4 =	vlt.u32 v9, $0x27100;
	vm5 =	veq.s32 v5, v6;
	vm3 =	vmor vm3, vm1  }
0x229: {  	v5 =	vshll.u32 v8, $0x3;
	vm5 =	vmand vm4, vm5;
	vm3 =	vmand vm4, vm3  }
0x22a: {  	s23 =	simm.s32 $0x2;
	v6 =	vld.idx.msk [tilespmem:v7+s5+$0x0], $0xffff;
	v5 =	vor.u32 v2, v5;
	vm4 =	vmand vm5, vm2  }
0x22b: {  	v7 =	vmov s23  }
0x22c: {  	v8 =	vor.u32 $0x1, v7;
	_ =	sdelay $0x2  }
0x22d: {  	v9 =	vor.u32 s23, v3;
	[tilespmem:v5+s3+$0x0] =	vst.idx.add.f32.msk vm3, v6  }
0x22e: {  	[tilespmem:v5+s3+$0x0] =	vst.idx.add.f32.msk vm4, v6  }
0x22f: {  	v5 =	vld.idx.msk [tilespmem:v8+s21+$0x0], $0xffff  }
0x230: {  	v6 =	vld.idx.msk [tilespmem:v7+s21+$0x0], $0xffff;
	_ =	sdelay $0x1  }
0x231: {  	v7 =	vshll.u32 v9, $0x7;
	v8 =	vld.idx.msk [tilespmem:v9+s21+$0x0], $0xffff  }
0x232: {  	v7 =	vor.u32 v2, v7;
	_ =	sdelay $0x1  }
0x233: {  	v9 =	vor.u32 s23, v4;
	vm3 =	vne.s32 v6, v5  }
0x234: {  	vm4 =	vlt.u32 v9, $0x27100;
	vm5 =	veq.s32 v6, v5;
	vm3 =	vmor vm3, vm1  }
0x235: {  	v5 =	vshll.u32 v8, $0x3;
	vm5 =	vmand vm4, vm5;
	vm3 =	vmand vm4, vm3  }
0x236: {  	v6 =	vld.idx.msk [tilespmem:v7+s5+$0x0], $0xffff;
	v5 =	vor.u32 v2, v5;
	vm4 =	vmand vm5, vm2  }
0x237: {  	s24 =	simm.s32 $0x4  }
0x238: {  	v7 =	vmov s24  }
0x239: {  	v8 =	vor.u32 $0x1, v7  }
0x23a: {  	v9 =	vor.u32 s24, v3  }
0x23b: {  	[tilespmem:v5+s3+$0x0] =	vst.idx.add.f32.msk vm3, v6  }
0x23c: {  	[tilespmem:v5+s3+$0x0] =	vst.idx.add.f32.msk vm4, v6  }
0x23d: {  	v5 =	vld.idx.msk [tilespmem:v7+s21+$0x0], $0xffff  }
0x23e: {  	v6 =	vld.idx.msk [tilespmem:v8+s21+$0x0], $0xffff  }
0x23f: {  	v7 =	vshll.u32 v9, $0x7;
	v8 =	vld.idx.msk [tilespmem:v9+s21+$0x0], $0xffff  }
0x240: {  	v7 =	vor.u32 v2, v7;
	_ =	sdelay $0x1  }
0x241: {  	v9 =	vor.u32 s24, v4  }
0x242: {  	vm4 =	vlt.u32 v9, $0x27100  }
0x243: {  	s25 =	simm.s32 $0x10;
	vm3 =	vne.s32 v5, v6;
	v8 =	vshll.u32 v8, $0x3;
	vm5 =	veq.s32 v5, v6  }
0x244: {  	vm3 =	vmor vm3, vm1;
	v5 =	vld.idx.msk [tilespmem:v7+s5+$0x0], $0xffff;
	v6 =	vor.u32 v2, v8;
	v7 =	vmov s25  }
0x245: {  	vm3 =	vmand vm4, vm3;
	vm4 =	vmand vm4, vm5;
	v8 =	vor.u32 $0x1, v7  }
0x246: {  	vm4 =	vmand vm4, vm2;
	_ =	sdelay $0x1  }
0x247: {  	v9 =	vor.u32 s25, v3  }
0x248: {  	s2 =	simm.s32 $0x6;
	v7 =	vld.idx.msk [tilespmem:v7+s21+$0x0], $0xffff  }
0x249: {  	v10 =	vmov s2;
	v8 =	vld.idx.msk [tilespmem:v8+s21+$0x0], $0xffff  }
0x24a: {  	v11 =	vor.u32 $0x1, v10;
	[tilespmem:v6+s3+$0x0] =	vst.idx.add.f32.msk vm3, v5  }
0x24b: {  	[tilespmem:v6+s3+$0x0] =	vst.idx.add.f32.msk vm4, v5  }
0x24c: {  	v5 =	vor.u32 s2, v3;
	v6 =	vld.idx.msk [tilespmem:v9+s21+$0x0], $0xffff;
	v9 =	vshll.u32 v9, $0x7  }
0x24d: {  	v9 =	vor.u32 v2, v9  }
0x24e: {  	v12 =	vor.u32 s25, v4;
	v10 =	vld.idx.msk [tilespmem:v10+s21+$0x0], $0xffff  }
0x24f: {  	vm3 =	vlt.u32 v12, $0x27100;
	v11 =	vld.idx.msk [tilespmem:v11+s21+$0x0], $0xffff;
	vm4 =	veq.s32 v7, v8;
	vm5 =	vne.s32 v7, v8  }
0x250: {  	v7 =	vshll.u32 v5, $0x7;
	vm5 =	vmor vm5, vm1;
	vm4 =	vmand vm3, vm4  }
0x251: {  	v7 =	vor.u32 v2, v7;
	v5 =	vld.idx.msk [tilespmem:v5+s21+$0x0], $0xffff;
	v6 =	vshll.u32 v6, $0x3;
	vm3 =	vmand vm3, vm5  }
0x252: {  	s28 =	simm.s32 $0x12;
	vm4 =	vmand vm4, vm2;
	v8 =	vld.idx.msk [tilespmem:v9+s5+$0x0], $0xffff;
	v6 =	vor.u32 v2, v6  }
0x253: {  	v9 =	vmov s28  }
0x254: {  	vm5 =	veq.s32 v10, v11;
	vm6 =	vne.s32 v10, v11;
	v11 =	vor.u32 $0x1, v9  }
0x255: {  	v10 =	vor.u32 s2, v4  }
0x256: {  	vm7 =	vlt.u32 v10, $0x27100;
	vm6 =	vmor vm6, vm1;
	v10 =	vor.u32 s28, v3;
	v7 =	vld.idx.msk [tilespmem:v7+s5+$0x0], $0xffff  }
0x257: {  	vm6 =	vmand vm7, vm6;
	vm5 =	vmand vm7, vm5;
	v5 =	vshll.u32 v5, $0x3;
	[tilespmem:v6+s3+$0x0] =	vst.idx.add.f32.msk vm3, v8  }
0x258: {  	v5 =	vor.u32 v2, v5;
	vm3 =	vmand vm5, vm2;
	[tilespmem:v6+s3+$0x0] =	vst.idx.add.f32.msk vm4, v8  }
0x259: {  	s29 =	simm.s32 $0x8;
	v6 =	vld.idx.msk [tilespmem:v11+s21+$0x0], $0xffff  }
0x25a: {  	v8 =	vmov s29;
	v9 =	vld.idx.msk [tilespmem:v9+s21+$0x0], $0xffff  }
0x25b: {  	v11 =	vor.u32 $0x1, v8;
	v61 =	vld.idx.msk [tilespmem:v10+s21+$0x0], $0xffff  }
0x25c: {  	v13 =	vor.u32 s29, v3;
	v10 =	vshll.u32 v10, $0x7  }
0x25d: {  	v10 =	vor.u32 v2, v10;
	[tilespmem:v5+s3+$0x0] =	vst.idx.add.f32.msk vm6, v7  }
0x25e: {  	[tilespmem:v5+s3+$0x0] =	vst.idx.add.f32.msk vm3, v7;
	v5 =	vor.u32 s28, v4  }
0x25f: {  	v7 =	vld.idx.msk [tilespmem:v8+s21+$0x0], $0xffff;
	v8 =	vshll.u32 v13, $0x7;
	vm3 =	vlt.u32 v5, $0x27100;
	vm4 =	vne.s32 v9, v6  }
0x260: {  	v5 =	vld.idx.msk [tilespmem:v11+s21+$0x0], $0xffff;
	vm5 =	veq.s32 v9, v6;
	v6 =	vshll.u32 v61, $0x3;
	vm4 =	vmor vm4, vm1  }
0x261: {  	v9 =	vld.idx.msk [tilespmem:v13+s21+$0x0], $0xffff;
	vm5 =	vmand vm3, vm5;
	v8 =	vor.u32 v2, v8;
	vm3 =	vmand vm3, vm4  }
0x262: {  	v10 =	vld.idx.msk [tilespmem:v10+s5+$0x0], $0xffff;
	v6 =	vor.u32 v2, v6;
	vm4 =	vmand vm5, vm2  }
0x263: {  	s30 =	simm.s32 $0x14;
	v11 =	vor.u32 s29, v4  }
0x264: {  	vm5 =	vlt.u32 v11, $0x27100;
	v11 =	vmov s30  }
0x265: {  	vm6 =	veq.s32 v7, v5;
	vm7 =	vne.s32 v7, v5;
	v5 =	vor.u32 $0x1, v11  }
0x266: {  	v9 =	vshll.u32 v9, $0x3;
	vm7 =	vmor vm7, vm1;
	v7 =	vld.idx.msk [tilespmem:v8+s5+$0x0], $0xffff  }
0x267: {  	vm6 =	vmand vm5, vm6;
	v8 =	vor.u32 s30, v3;
	vm5 =	vmand vm5, vm7;
	[tilespmem:v6+s3+$0x0] =	vst.idx.add.f32.msk vm3, v10  }
0x268: {  	v9 =	vor.u32 v2, v9;
	vm3 =	vmand vm6, vm2;
	[tilespmem:v6+s3+$0x0] =	vst.idx.add.f32.msk vm4, v10  }
0x269: {  	s31 =	simm.s32 $0xA;
	v6 =	vld.idx.msk [tilespmem:v11+s21+$0x0], $0xffff  }
0x26a: {  	v10 =	vmov s31;
	v11 =	vld.idx.msk [tilespmem:v5+s21+$0x0], $0xffff  }
0x26b: {  	v62 =	vor.u32 $0x1, v10  }
0x26c: {  	v14 =	vor.u32 s31, v3;
	v5 =	vshll.u32 v8, $0x7;
	v63 =	vld.idx.msk [tilespmem:v8+s21+$0x0], $0xffff  }
0x26d: {  	v15 =	vor.u32 v2, v5;
	[tilespmem:v9+s3+$0x0] =	vst.idx.add.f32.msk vm5, v7  }
0x26e: {  	[tilespmem:v9+s3+$0x0] =	vst.idx.add.f32.msk vm3, v7;
	v7 =	vshll.u32 v14, $0x7  }
0x26f: {  	v9 =	vor.u32 s30, v4;
	v7 =	vor.u32 v2, v7;
	v8 =	vld.idx.msk [tilespmem:v10+s21+$0x0], $0xffff;
	vm4 =	vne.s32 v6, v11  }
0x270: {  	vm3 =	veq.s32 v6, v11;
	vm5 =	vlt.u32 v9, $0x27100;
	v9 =	vld.idx.msk [tilespmem:v62+s21+$0x0], $0xffff;
	vm4 =	vmor vm4, vm1  }
0x271: {  	s7 =	simm.s32 $0x2E;
	v6 =	vld.idx.msk [tilespmem:v14+s21+$0x0], $0xffff;
	vm3 =	vmand vm5, vm3;
	v11 =	vshll.u32 v63, $0x3;
	vm4 =	vmand vm5, vm4  }
0x272: {  	s4 =	simm.s32 $0x16;
	s0 =	simm.s32 $0xE;
	s2 =	simm.s32 $0x1E;
	v5 =	vor.u32 s31, v4;
	v10 =	vld.idx.msk [tilespmem:v15+s5+$0x0], $0xffff;
	v11 =	vor.u32 v2, v11;
	vm3 =	vmand vm3, vm2  }
.LBB2_9:
0x273: {  	s1 =	sadd.s32 $0xFFFFFFF2, s7  }
0x274: {  	p0 =	sne.s32 s7, $0x3E;
	v12 =	vmov s4;
	v7 =	vld.idx.msk [tilespmem:v7+s5+$0x0], $0xffff;
	s8 =	smov.u32 s7;
	s7 =	sadd.s32 $0x10, s7  }
0x275: {  	v13 =	vmov s1;
	v14 =	vor.u32 s1, v4;
	v15 =	vor.u32 $0x1, v12  }
0x276: {  	vm5 =	veq.s32 v8, v9;
	vm6 =	vne.s32 v8, v9;
	v16 =	vor.u32 $0x1, v13  }
0x277: {  	vm6 =	vmor vm6, vm1;
	[tilespmem:v11+s3+$0x0] =	vst.idx.add.f32.msk vm4, v10;
	vm4 =	vlt.u32 v5, $0x27100  }
0x278: {  	v5 =	vor.u32 s1, v3;
	[tilespmem:v11+s3+$0x0] =	vst.idx.add.f32.msk vm3, v10;
	vm3 =	vmand vm4, vm5  }
0x279: {  	v8 =	vor.u32 s4, v3;
	v6 =	vshll.u32 v6, $0x3;
	vm4 =	vmand vm4, vm6;
	v9 =	vld.idx.msk [tilespmem:v12+s21+$0x0], $0xffff  }
0x27a: {  	v6 =	vor.u32 v2, v6;
	v10 =	vshll.u32 v8, $0x7;
	vm3 =	vmand vm3, vm2;
	v11 =	vld.idx.msk [tilespmem:v15+s21+$0x0], $0xffff  }
0x27b: {  	s1 =	sadd.s32 $0xFFFFFFFE, s0;
	v12 =	vld.idx.msk [tilespmem:v13+s21+$0x0], $0xffff  }
0x27c: {  	v15 =	vmov s1;
	v13 =	vld.idx.msk [tilespmem:v16+s21+$0x0], $0xffff;
	v16 =	vor.u32 s1, v4  }
0x27d: {  	v18 =	vor.u32 $0x1, v15;
	v17 =	vld.idx.msk [tilespmem:v5+s21+$0x0], $0xffff  }
0x27e: {  	v19 =	vor.u32 s1, v3;
	v5 =	vshll.u32 v5, $0x7;
	v8 =	vld.idx.msk [tilespmem:v8+s21+$0x0], $0xffff  }
0x27f: {  	v20 =	vshll.u32 v19, $0x7;
	v5 =	vor.u32 v2, v5;
	[tilespmem:v6+s3+$0x0] =	vst.idx.add.f32.msk vm4, v7  }
0x280: {  	vm4 =	veq.s32 v9, v11;
	vm5 =	vne.s32 v9, v11;
	v9 =	vor.u32 s4, v4;
	[tilespmem:v6+s3+$0x0] =	vst.idx.add.f32.msk vm3, v7  }
0x281: {  	vm3 =	vlt.u32 v14, $0x27100;
	vm6 =	vlt.u32 v9, $0x27100;
	vm5 =	vmor vm5, vm1;
	v6 =	vld.idx.msk [tilespmem:v15+s21+$0x0], $0xffff  }
0x282: {  	v7 =	vor.u32 v2, v20;
	vm7 =	veq.s32 v12, v13;
	vm8 =	vne.s32 v12, v13;
	v9 =	vld.idx.msk [tilespmem:v18+s21+$0x0], $0xffff  }
0x283: {  	v10 =	vor.u32 v2, v10;
	vm8 =	vmor vm8, vm1;
	vm7 =	vmand vm3, vm7;
	v11 =	vld.idx.msk [tilespmem:v19+s21+$0x0], $0xffff  }
0x284: {  	v12 =	vshll.u32 v17, $0x3;
	vm8 =	vmand vm3, vm8;
	v8 =	vshll.u32 v8, $0x3;
	v5 =	vld.idx.msk [tilespmem:v5+s5+$0x0], $0xffff  }
0x285: {  	s1 =	sadd.s32 $0xFFFFFFF4, s8;
	v12 =	vor.u32 v2, v12;
	vm7 =	vmand vm7, vm2;
	vm3 =	vmand vm6, vm5  }
0x286: {  	v14 =	vor.u32 s1, v4;
	v13 =	vmov s1  }
0x287: {  	v15 =	vor.u32 $0x1, v13;
	vm5 =	vlt.u32 v16, $0x27100;
	v7 =	vld.idx.msk [tilespmem:v7+s5+$0x0], $0xffff  }
0x288: {  	vm4 =	vmand vm6, vm4;
	vm6 =	veq.s32 v6, v9;
	vm9 =	vne.s32 v6, v9  }
0x289: {  	v6 =	vor.u32 s1, v3;
	vm9 =	vmor vm9, vm1;
	v9 =	vld.idx.msk [tilespmem:v10+s5+$0x0], $0xffff;
	v10 =	vshll.u32 v11, $0x3  }
0x28a: {  	vm4 =	vmand vm4, vm2;
	v8 =	vor.u32 v2, v8;
	v11 =	vshll.u32 v6, $0x7;
	[tilespmem:v12+s3+$0x0] =	vst.idx.add.f32.msk vm8, v5  }
0x28b: {  	s1 =	sadd.s32 $0xFFFFFFFA, s2;
	vm6 =	vmand vm5, vm6;
	[tilespmem:v12+s3+$0x0] =	vst.idx.add.f32.msk vm7, v5  }
0x28c: {  	v12 =	vmov s1;
	v5 =	vld.idx.msk [tilespmem:v15+s21+$0x0], $0xffff;
	v15 =	vor.u32 s1, v4  }
0x28d: {  	v16 =	vor.u32 $0x1, v12;
	v13 =	vld.idx.msk [tilespmem:v13+s21+$0x0], $0xffff  }
0x28e: {  	v17 =	vor.u32 s1, v3;
	vm5 =	vmand vm5, vm9;
	v6 =	vld.idx.msk [tilespmem:v6+s21+$0x0], $0xffff  }
0x28f: {  	v18 =	vshll.u32 v17, $0x7;
	v10 =	vor.u32 v2, v10;
	[tilespmem:v8+s3+$0x0] =	vst.idx.add.f32.msk vm3, v9  }
0x290: {  	v11 =	vor.u32 v2, v11;
	vm3 =	vmand vm6, vm2;
	[tilespmem:v8+s3+$0x0] =	vst.idx.add.f32.msk vm4, v9  }
0x291: {  	v8 =	vld.idx.msk [tilespmem:v12+s21+$0x0], $0xffff  }
0x292: {  	vm4 =	vlt.u32 v14, $0x27100;
	v14 =	vor.u32 s0, v3;
	v12 =	vmov s0;
	v9 =	vld.idx.msk [tilespmem:v16+s21+$0x0], $0xffff  }
0x293: {  	vm6 =	veq.s32 v13, v5;
	vm7 =	vne.s32 v13, v5;
	v13 =	vor.u32 $0x1, v12;
	v5 =	vld.idx.msk [tilespmem:v17+s21+$0x0], $0xffff  }
0x294: {  	v6 =	vshll.u32 v6, $0x3;
	vm7 =	vmor vm7, vm1;
	vm6 =	vmand vm4, vm6;
	[tilespmem:v10+s3+$0x0] =	vst.idx.add.f32.msk vm5, v7  }
0x295: {  	v16 =	vor.u32 v2, v18;
	v17 =	vshll.u32 v14, $0x7;
	vm4 =	vmand vm4, vm7;
	v11 =	vld.idx.msk [tilespmem:v11+s5+$0x0], $0xffff  }
0x296: {  	v6 =	vor.u32 v2, v6;
	vm5 =	vmand vm6, vm2;
	[tilespmem:v10+s3+$0x0] =	vst.idx.add.f32.msk vm3, v7  }
0x297: {  	s1 =	sadd.s32 $0xFFFFFFF6, s8;
	vm3 =	vlt.u32 v15, $0x27100;
	v7 =	vld.idx.msk [tilespmem:v12+s21+$0x0], $0xffff  }
0x298: {  	v10 =	vmov s1;
	vm6 =	veq.s32 v8, v9;
	vm7 =	vne.s32 v8, v9;
	v8 =	vld.idx.msk [tilespmem:v13+s21+$0x0], $0xffff  }
0x299: {  	v9 =	vor.u32 $0x1, v10;
	vm7 =	vmor vm7, vm1;
	vm6 =	vmand vm3, vm6;
	v12 =	vld.idx.msk [tilespmem:v14+s21+$0x0], $0xffff  }
0x29a: {  	v15 =	vor.u32 v2, v17;
	v13 =	vor.u32 s1, v4;
	v14 =	vld.idx.msk [tilespmem:v16+s5+$0x0], $0xffff  }
0x29b: {  	v5 =	vshll.u32 v5, $0x3;
	vm3 =	vmand vm3, vm7;
	v16 =	vor.u32 s1, v3;
	[tilespmem:v6+s3+$0x0] =	vst.idx.add.f32.msk vm4, v11  }
0x29c: {  	vm4 =	vmand vm6, vm2;
	[tilespmem:v6+s3+$0x0] =	vst.idx.add.f32.msk vm5, v11;
	v6 =	vshll.u32 v16, $0x7;
	v11 =	vor.u32 v2, v5  }
0x29d: {  	s1 =	sadd.s32 $0xFFFFFFFC, s2;
	v5 =	vor.u32 s0, v4;
	s0 =	smov.u32 s2;
	s2 =	smov.u32 s8;
	v10 =	vld.idx.msk [tilespmem:v10+s21+$0x0], $0xffff  }
0x29e: {  	v17 =	vmov s1;
	vm5 =	veq.s32 v7, v8;
	vm6 =	vne.s32 v7, v8;
	v9 =	vld.idx.msk [tilespmem:v9+s21+$0x0], $0xffff  }
0x29f: {  	v18 =	vor.u32 $0x1, v17;
	vm7 =	vlt.u32 v5, $0x27100;
	vm6 =	vmor vm6, vm1;
	v15 =	vld.idx.msk [tilespmem:v15+s5+$0x0], $0xffff  }
0x2a0: {  	v19 =	vor.u32 s1, v3;
	v5 =	vor.u32 s1, v4;
	vm5 =	vmand vm7, vm5;
	v16 =	vld.idx.msk [tilespmem:v16+s21+$0x0], $0xffff  }
0x2a1: {  	v20 =	vor.u32 v2, v6;
	v6 =	vshll.u32 v12, $0x3;
	vm6 =	vmand vm7, vm6;
	[tilespmem:v11+s3+$0x0] =	vst.idx.add.f32.msk vm3, v14  }
0x2a2: {  	v7 =	vshll.u32 v19, $0x7;
	v12 =	vor.u32 v2, v6;
	vm5 =	vmand vm5, vm2;
	[tilespmem:v11+s3+$0x0] =	vst.idx.add.f32.msk vm4, v14  }
0x2a3: {  	v7 =	vor.u32 v2, v7;
	v8 =	vld.idx.msk [tilespmem:v17+s21+$0x0], $0xffff  }
.Ltmp4:
0x2a4: {  	vm7 =	vlt.u32 v13, $0x27100;
	vm3 =	veq.s32 v10, v9;
	vm4 =	vne.s32 v10, v9;
	v9 =	vld.idx.msk [tilespmem:v18+s21+$0x0], $0xffff;
	(pc) =	sbr.rel @p0 .LBB2_9-.Ltmp4, $4  }
0x2a5: {  	vm4 =	vmor vm4, vm1;
	vm3 =	vmand vm7, vm3;
	v6 =	vld.idx.msk [tilespmem:v19+s21+$0x0], $0xffff  }
0x2a6: {  	v11 =	vshll.u32 v16, $0x3;
	vm4 =	vmand vm7, vm4;
	v10 =	vld.idx.msk [tilespmem:v20+s5+$0x0], $0xffff  }
0x2a7: {  	vm3 =	vmand vm3, vm2;
	v11 =	vor.u32 v2, v11;
	[tilespmem:v12+s3+$0x0] =	vst.idx.add.f32.msk vm6, v15  }
0x2a8: {  	s4 =	sadd.s32 $0xFFFFFFF8, s2;
	[tilespmem:v12+s3+$0x0] =	vst.idx.add.f32.msk vm5, v15  }
0x2a9: {  	_ =	sdelay $0x1  }
0x2aa: {  	v12 =	vmov s4  }
0x2ab: {  	v13 =	vor.u32 $0x1, v12;
	_ =	sdelay $0x1  }
0x2ac: {  	v14 =	vor.u32 s4, v3;
	[tilespmem:v11+s3+$0x0] =	vst.idx.add.f32.msk vm4, v10  }
0x2ad: {  	[tilespmem:v11+s3+$0x0] =	vst.idx.add.f32.msk vm3, v10  }
0x2ae: {  	v10 =	vld.idx.msk [tilespmem:v12+s21+$0x0], $0xffff  }
0x2af: {  	v11 =	vld.idx.msk [tilespmem:v13+s21+$0x0], $0xffff;
	_ =	sdelay $0x1  }
0x2b0: {  	v12 =	vshll.u32 v14, $0x7;
	v13 =	vld.idx.msk [tilespmem:v14+s21+$0x0], $0xffff  }
0x2b1: {  	v12 =	vor.u32 v2, v12;
	_ =	sdelay $0x1  }
0x2b2: {  	v14 =	vor.u32 s4, v4;
	vm3 =	vne.s32 v10, v11  }
0x2b3: {  	vm5 =	vlt.u32 v14, $0x27100;
	vm15 =	veq.s32 v10, v11;
	vm3 =	vmor vm3, vm1  }
0x2b4: {  	v10 =	vshll.u32 v13, $0x3;
	vm4 =	vmand vm5, vm15;
	vm3 =	vmand vm5, vm3  }
0x2b5: {  	v11 =	vld.idx.msk [tilespmem:v12+s5+$0x0], $0xffff;
	v10 =	vor.u32 v2, v10;
	vm4 =	vmand vm4, vm2  }
0x2b6: {  	s1 =	sadd.s32 $0xFFFFFFFA, s2  }
0x2b7: {  	v12 =	vmov s1  }
0x2b8: {  	v13 =	vor.u32 $0x1, v12;
	_ =	sdelay $0x1  }
0x2b9: {  	v14 =	vor.u32 s1, v3;
	[tilespmem:v10+s3+$0x0] =	vst.idx.add.f32.msk vm3, v11  }
0x2ba: {  	[tilespmem:v10+s3+$0x0] =	vst.idx.add.f32.msk vm4, v11  }
0x2bb: {  	v10 =	vld.idx.msk [tilespmem:v12+s21+$0x0], $0xffff  }
0x2bc: {  	v11 =	vld.idx.msk [tilespmem:v13+s21+$0x0], $0xffff;
	_ =	sdelay $0x1  }
0x2bd: {  	v12 =	vshll.u32 v14, $0x7;
	v13 =	vld.idx.msk [tilespmem:v14+s21+$0x0], $0xffff  }
0x2be: {  	v12 =	vor.u32 v2, v12;
	_ =	sdelay $0x1  }
0x2bf: {  	v14 =	vor.u32 s1, v4;
	vm3 =	vne.s32 v10, v11  }
0x2c0: {  	vm8 =	vlt.u32 v14, $0x27100;
	vm9 =	veq.s32 v10, v11;
	vm3 =	vmor vm3, vm1  }
0x2c1: {  	v10 =	vshll.u32 v13, $0x3;
	vm5 =	vmand vm8, vm9;
	vm3 =	vmand vm8, vm3  }
0x2c2: {  	v11 =	vld.idx.msk [tilespmem:v12+s5+$0x0], $0xffff;
	v10 =	vor.u32 v2, v10;
	vm10 =	vmand vm5, vm2  }
0x2c3: {  	s4 =	sadd.s32 $0xFFFFFFFC, s2  }
0x2c4: {  	v12 =	vmov s4  }
0x2c5: {  	v13 =	vor.u32 $0x1, v12;
	_ =	sdelay $0x1  }
0x2c6: {  	v14 =	vor.u32 s4, v3;
	[tilespmem:v10+s3+$0x0] =	vst.idx.add.f32.msk vm3, v11  }
0x2c7: {  	vm3 =	vne.s32 v8, v9;
	[tilespmem:v10+s3+$0x0] =	vst.idx.add.f32.msk vm10, v11  }
0x2c8: {  	vm11 =	veq.s32 v8, v9;
	vm12 =	vlt.u32 v5, $0x27100;
	vm3 =	vmor vm3, vm1;
	v5 =	vld.idx.msk [tilespmem:v12+s21+$0x0], $0xffff  }
0x2c9: {  	v6 =	vshll.u32 v6, $0x3;
	vm4 =	vmand vm12, vm11;
	vm3 =	vmand vm12, vm3;
	v8 =	vld.idx.msk [tilespmem:v13+s21+$0x0], $0xffff  }
0x2ca: {  	v7 =	vld.idx.msk [tilespmem:v7+s5+$0x0], $0xffff;
	v6 =	vor.u32 v2, v6;
	vm4 =	vmand vm4, vm2  }
0x2cb: {  	s7 =	sadd.s32 $0xFFFFFFFE, s0;
	v9 =	vshll.u32 v14, $0x7;
	v10 =	vld.idx.msk [tilespmem:v14+s21+$0x0], $0xffff  }
0x2cc: {  	v11 =	vmov s7;
	v9 =	vor.u32 v2, v9  }
0x2cd: {  	v12 =	vor.u32 $0x1, v11  }
0x2ce: {  	v13 =	vor.u32 s7, v3;
	v14 =	vor.u32 s4, v4;
	vm13 =	vne.s32 v5, v8  }
0x2cf: {  	vm6 =	vlt.u32 v14, $0x27100;
	[tilespmem:v6+s3+$0x0] =	vst.idx.add.f32.msk vm3, v7;
	vm3 =	veq.s32 v5, v8;
	vm5 =	vmor vm13, vm1  }
0x2d0: {  	v5 =	vshll.u32 v10, $0x3;
	[tilespmem:v6+s3+$0x0] =	vst.idx.add.f32.msk vm4, v7;
	vm3 =	vmand vm6, vm3;
	vm14 =	vmand vm6, vm5  }
0x2d1: {  	v6 =	vld.idx.msk [tilespmem:v9+s5+$0x0], $0xffff;
	v5 =	vor.u32 v2, v5;
	vm3 =	vmand vm3, vm2  }
0x2d2: {  	s8 =	sadd.s32 $0xFFFFFFFE, s2;
	v7 =	vld.idx.msk [tilespmem:v11+s21+$0x0], $0xffff  }
0x2d3: {  	v9 =	vmov s8;
	v8 =	vld.idx.msk [tilespmem:v12+s21+$0x0], $0xffff  }
0x2d4: {  	v10 =	vshll.u32 v13, $0x7;
	v11 =	vor.u32 $0x1, v9  }
0x2d5: {  	v10 =	vor.u32 v2, v10;
	v12 =	vld.idx.msk [tilespmem:v13+s21+$0x0], $0xffff  }
0x2d6: {  	v13 =	vor.u32 s8, v3;
	[tilespmem:v5+s3+$0x0] =	vst.idx.add.f32.msk vm14, v6  }
0x2d7: {  	[tilespmem:v5+s3+$0x0] =	vst.idx.add.f32.msk vm3, v6  }
0x2d8: {  	v5 =	vor.u32 s7, v4;
	vm3 =	vne.s32 v7, v8;
	v6 =	vld.idx.msk [tilespmem:v9+s21+$0x0], $0xffff  }
0x2d9: {  	vm15 =	vlt.u32 v5, $0x27100;
	vm3 =	vmor vm3, vm1;
	v5 =	vld.idx.msk [tilespmem:v11+s21+$0x0], $0xffff  }
0x2da: {  	vm8 =	veq.s32 v7, v8;
	v7 =	vshll.u32 v12, $0x3;
	v9 =	vld.idx.msk [tilespmem:v10+s5+$0x0], $0xffff;
	vm3 =	vmand vm15, vm3  }
0x2db: {  	v8 =	vshll.u32 v13, $0x7;
	v7 =	vor.u32 v2, v7;
	v10 =	vld.idx.msk [tilespmem:v13+s21+$0x0], $0xffff;
	vm4 =	vmand vm15, vm8  }
0x2dc: {  	v14 =	vor.u32 s8, v4;
	v8 =	vor.u32 v2, v8;
	vm4 =	vmand vm4, vm2  }
0x2dd: {  	vm10 =	vlt.u32 v14, $0x27100  }
0x2de: {  	v12 =	vor.u32 s0, v3;
	v11 =	vmov s0;
	vm9 =	vne.s32 v6, v5  }
0x2df: {  	v13 =	vor.u32 $0x1, v11;
	vm7 =	veq.s32 v6, v5;
	vm5 =	vmor vm9, vm1  }
0x2e0: {  	v5 =	vshll.u32 v10, $0x3;
	[tilespmem:v7+s3+$0x0] =	vst.idx.add.f32.msk vm3, v9;
	vm3 =	vmand vm10, vm7;
	vm5 =	vmand vm10, vm5  }
0x2e1: {  	v6 =	vld.idx.msk [tilespmem:v8+s5+$0x0], $0xffff;
	v5 =	vor.u32 v2, v5;
	vm3 =	vmand vm3, vm2  }
0x2e2: {  	[tilespmem:v7+s3+$0x0] =	vst.idx.add.f32.msk vm4, v9  }
0x2e3: {  	v8 =	vmov s2;
	v7 =	vld.idx.msk [tilespmem:v11+s21+$0x0], $0xffff  }
0x2e4: {  	v10 =	vor.u32 $0x1, v8;
	v9 =	vld.idx.msk [tilespmem:v13+s21+$0x0], $0xffff  }
0x2e5: {  	v11 =	vld.idx.msk [tilespmem:v12+s21+$0x0], $0xffff  }
0x2e6: {  	v13 =	vor.u32 s2, v3;
	[tilespmem:v5+s3+$0x0] =	vst.idx.add.f32.msk vm5, v6  }
0x2e7: {  	[tilespmem:v5+s3+$0x0] =	vst.idx.add.f32.msk vm3, v6;
	v6 =	vshll.u32 v12, $0x7  }
0x2e8: {  	v5 =	vld.idx.msk [tilespmem:v8+s21+$0x0], $0xffff;
	v6 =	vor.u32 v2, v6  }
0x2e9: {  	vm3 =	veq.s32 v7, v9;
	v8 =	vld.idx.msk [tilespmem:v10+s21+$0x0], $0xffff  }
0x2ea: {  	vm11 =	vne.s32 v7, v9;
	v7 =	vshll.u32 v13, $0x7;
	v10 =	vor.u32 s0, v4  }
0x2eb: {  	v9 =	vld.idx.msk [tilespmem:v13+s21+$0x0], $0xffff;
	vm4 =	vmor vm11, vm1;
	v7 =	vor.u32 v2, v7;
	vm12 =	vlt.u32 v10, $0x27100  }
0x2ec: {  	v10 =	vshll.u32 v11, $0x3;
	vm3 =	vmand vm12, vm3;
	vm4 =	vmand vm12, vm4  }
0x2ed: {  	v10 =	vor.u32 v2, v10;
	vm3 =	vmand vm3, vm2;
	v6 =	vld.idx.msk [tilespmem:v6+s5+$0x0], $0xffff  }
0x2ee: {  	v4 =	vor.u32 s2, v4;
	vm13 =	vne.s32 v5, v8  }
0x2ef: {  	vm15 =	vlt.u32 v4, $0x27100;
	vm14 =	veq.s32 v5, v8;
	vm5 =	vmor vm13, vm1  }
0x2f0: {  	v4 =	vshll.u32 v9, $0x3;
	vm6 =	vmand vm15, vm14;
	vm5 =	vmand vm15, vm5  }
0x2f1: {  	v5 =	vld.idx.msk [tilespmem:v7+s5+$0x0], $0xffff;
	v4 =	vor.u32 v2, v4;
	vm6 =	vmand vm6, vm2  }
0x2f2: {  	[tilespmem:v10+s3+$0x0] =	vst.idx.add.f32.msk vm4, v6  }
0x2f3: {  	[tilespmem:v10+s3+$0x0] =	vst.idx.add.f32.msk vm3, v6  }
0x2f4: {  	p0 =	seq.s32 s6, $0x27;
	s0 =	rddreg [dreg:$0xd]  }
0x2f5: {  	[dreg:$0x15] =	wrdreg s9;
	s0 =	sadd.s32 @!p0 s9, s0  }
0x2f6: {  	s1 =	rddreg [dreg:$0x1];
	[tilespmem:v4+s3+$0x0] =	vst.idx.add.f32.msk vm5, v5;
	s0 =	sshrl.u32 @!p0 s0, $0x3  }
0x2f7: {  	s4 =	simm.s32 @!p0 $0x1B880;
	s2 =	simm.s32 @!p0 $0x0;
	[tilespmem:v4+s3+$0x0] =	vst.idx.add.f32.msk vm6, v5;
	s1 =	sadd.s32 @!p0 s1, s0  }
0x2f8: {  	[tilespmem:s4], [sflag:$0x5] =	stream.linear.gather @!p0 [hbm4b:s1+s2], $0x40, $0x38;
	[tilespmem:$0x1FD00] =	vst v63  }
0x2f9: {  	s1 =	simm.s32 @!p0 $0x5  }
0x2fa: {  	_ =	swait.ge @!p0 [sflag:s1], $0x40  }
0x2fb: {  	[sflag:s1] =	ssyncset.done @!p0 $0x0;
	s5 =	rddreg [dreg:$0x5]  }
0x2fc: {  	[sflag:s1] =	ssyncadd.s32 @!p0 $0xFFFFFFC0;
	s0 =	sadd.s32 @!p0 s5, s0;
	s5 =	simm.s32 @!p0 $0x1B980  }
0x2fd: {  	[tilespmem:s5], [sflag:$0x5] =	stream.linear.gather @!p0 [hbm4b:s0+s2], $0x40, $0x38;
	[tilespmem:$0x1FD00] =	vst v63  }
0x2fe: {  	_ =	swait.ge @!p0 [sflag:s1], $0x40  }
0x2ff: {  	s0 =	simm.s32 @!p0 $0x40;
	[sflag:s1] =	ssyncset.done @!p0 $0x0  }
0x300: {  	s2 =	rddreg [dreg:$0x3];
	[sflag:s1] =	ssyncadd.s32 @!p0 $0xFFFFFFC0;
	s1 =	simm.s32 @!p0 $0x13880  }
0x301: {  	[tilespmem:s1], [sflag:$0x1] =	stream.indirect.gather @!p0 [hbm4b:s2+s0], $0x80, s4, s0, $0xb8;
	[tilespmem:$0x1FD00] =	vst v63  }
0x302: {  	s9 =	simm.s32 $0x2;
	s1 =	simm.s32 @!p0 $0x17880;
	s2 =	rddreg [dreg:$0x4]  }
0x303: {  	[tilespmem:s1], [sflag:$0x3] =	stream.indirect.gather @!p0 [hbm4b:s2+s0], $0x80, s5, s0, $0xb8;
	[tilespmem:$0x1FD00] =	vst v63  }
0x304: {  	_ =	swait.ge [sflag:s9], $0x2000  }
0x305: {  	[sflag:s9] =	ssyncset.done $0x0  }
0x306: {  	s10 =	simm.s32 $0x4;
	[sflag:s9] =	ssyncadd.s32 $0xFFFFE000  }
0x307: {  	_ =	swait.ge [sflag:s10], $0x2000  }
0x308: {  	[sflag:s10] =	ssyncset.done $0x0  }
0x309: {  	s30 =	simm.s32 $0x15900;
	[sflag:s10] =	ssyncadd.s32 $0xFFFFE000  }
0x30a: {  	s23 =	simm.s32 $0x19900;
	v6 =	vld [tilespmem:s30+$0x0]  }
0x30b: {  	v7 =	vld [tilespmem:s23+$0x0];
	_ =	sdelay $0x1  }
0x30c: {  	v4 =	vld [tilespmem:$0x1BA88]  }
0x30d: {  	v5 =	vld [tilespmem:$0x1BA98];
	_ =	sdelay $0x1  }
0x30e: {  	v6 =	vadd.f32 v7, v6;
	_ =	sdelay $0x1  }
0x30f: {  	v7 =	vand.u32 $0x7FFFFFFF, v6  }
0x310: {  	v6 =	vmul.f32 v6, v4;
	v7 =	vmul.f32 v7, v5;
	_ =	sdelay $0x1  }
0x311: {  	v6 =	vadd.f32 v7, v6;
	_ =	sdelay $0x1  }
0x312: {  	v7 =	vld [tilespmem:s23+$0xFFFFFF80];
	(xrf2) =	vadd.scan.msk.f32 $0xffff, v6  }
0x313: {  	v6 =	vld [tilespmem:s30+$0xFFFFFF80]  }
0x314: {  	s11 =	simm.s32 $0x8  }
0x315: {  	v8 =	vmov s11  }
0x316: {  	v8 =	vand.u32 $0xFFFFFFF8, v8  }
0x317: {  	v8 =	vbroadcast v8, $0x0  }
0x318: {  	v6 =	vadd.f32 v7, v6;
	_ =	sdelay $0x1  }
0x319: {  	v7 =	vand.u32 $0x7FFFFFFF, v6  }
0x31a: {  	v6 =	vmul.f32 v6, v4;
	v7 =	vmul.f32 v7, v5  }
0x31b: {  	s28 =	simm.s32 $0x1BB00;
	v9, _, _ =	vpop (xrf2)  }
0x31c: {  	v6 =	vadd.f32 v7, v6;
	[tilespmem:v8+s28+$0x0] =	vst.idx.msk vm0, v9  }
0x31d: {  	v7 =	vld [tilespmem:s30+$0x10]  }
0x31e: {  	(xrf2) =	vadd.scan.msk.f32 $0xffff, v6;
	v6 =	vld [tilespmem:s23+$0x10];
	_ =	sdelay $0x1  }
0x31f: {  	s12 =	simm.s32 $0x0  }
0x320: {  	v8 =	vmov s12  }
0x321: {  	v8 =	vand.u32 $0xFFFFFFF0, v8  }
0x322: {  	v8 =	vbroadcast v8, $0x0;
	v6 =	vadd.f32 v6, v7;
	_ =	sdelay $0x1  }
0x323: {  	v7 =	vand.u32 $0x7FFFFFFF, v6  }
0x324: {  	v6 =	vmul.f32 v6, v4;
	v7 =	vmul.f32 v7, v5;
	_ =	sdelay $0x1  }
0x325: {  	v9, _, _ =	vpop (xrf2);
	v6 =	vadd.f32 v7, v6  }
0x326: {  	[tilespmem:v8+s28+$0x0] =	vst.idx.msk vm0, v9  }
0x327: {  	v7 =	vld [tilespmem:s30+$0xFFFFFF90];
	(xrf2) =	vadd.scan.msk.f32 $0xffff, v6  }
0x328: {  	v6 =	vld [tilespmem:s23+$0xFFFFFF90]  }
0x329: {  	s13 =	simm.s32 $0x9  }
0x32a: {  	v8 =	vmov s13  }
0x32b: {  	v8 =	vand.u32 $0xFFFFFFF9, v8  }
0x32c: {  	v8 =	vbroadcast v8, $0x0  }
0x32d: {  	v6 =	vadd.f32 v6, v7  }
0x32e: {  	s12 =	simm.s32 $0x19A00  }
0x32f: {  	s11 =	simm.s32 $0x15A00;
	v10 =	vld [tilespmem:s12+$0x0];
	v7 =	vand.u32 $0x7FFFFFFF, v6  }
0x330: {  	v9 =	vld [tilespmem:s11+$0x0];
	v6 =	vmul.f32 v6, v4;
	v7 =	vmul.f32 v7, v5  }
0x331: {  	v11, _, _ =	vpop (xrf2)  }
0x332: {  	v6 =	vadd.f32 v7, v6;
	[tilespmem:v8+s28+$0x0] =	vst.idx.msk vm0, v11  }
0x333: {  	v7 =	vld [tilespmem:s30+$0x20]  }
0x334: {  	(xrf2) =	vadd.scan.msk.f32 $0xffff, v6;
	v6 =	vld [tilespmem:s23+$0x20]  }
0x335: {  	v8 =	vadd.f32 v10, v9  }
0x336: {  	s14 =	simm.s32 $0x1  }
0x337: {  	v9 =	vmov s14;
	v10 =	vand.u32 $0x7FFFFFFF, v8  }
0x338: {  	v9 =	vand.u32 $0xFFFFFFF1, v9;
	v8 =	vmul.f32 v8, v4;
	v10 =	vmul.f32 v10, v5  }
0x339: {  	v9 =	vbroadcast v9, $0x0;
	v6 =	vadd.f32 v6, v7  }
0x33a: {  	v7 =	vadd.f32 v10, v8  }
0x33b: {  	v8 =	vand.u32 $0x7FFFFFFF, v6  }
0x33c: {  	v6 =	vmul.f32 v6, v4;
	(xrf2) =	vadd.scan.msk.f32 $0xffff, v7;
	v8 =	vmul.f32 v8, v5;
	_ =	sdelay $0x1  }
0x33d: {  	s15 =	simm.s32 $0x18;
	v7 =	vld [tilespmem:s12+$0xFFFFFF80];
	v10, _, _ =	vpop (xrf2);
	v6 =	vadd.f32 v8, v6  }
0x33e: {  	v8 =	vld [tilespmem:s11+$0xFFFFFF80];
	[tilespmem:v9+s28+$0x0] =	vst.idx.msk vm0, v10;
	v9 =	vmov s15  }
0x33f: {  	v10 =	vld [tilespmem:s30+$0xFFFFFFA0];
	v9 =	vand.u32 $0xFFFFFFF8, v9;
	(xrf2) =	vadd.scan.msk.f32 $0xffff, v6  }
0x340: {  	v6 =	vld [tilespmem:s23+$0xFFFFFFA0];
	v9 =	vbroadcast v9, $0x0  }
0x341: {  	s16 =	simm.s32 $0xA  }
0x342: {  	v11 =	vmov s16  }
0x343: {  	v7 =	vadd.f32 v7, v8;
	v8 =	vand.u32 $0xFFFFFFFA, v11  }
0x344: {  	v8 =	vbroadcast v8, $0x0  }
0x345: {  	v11 =	vand.u32 $0x7FFFFFFF, v7;
	v6 =	vadd.f32 v6, v10;
	v10, _, _ =	vpop (xrf2)  }
0x346: {  	v7 =	vmul.f32 v7, v4;
	v11 =	vmul.f32 v11, v5;
	[tilespmem:v9+s28+$0x0] =	vst.idx.msk vm0, v10  }
0x347: {  	v9 =	vand.u32 $0x7FFFFFFF, v6;
	v10 =	vld [tilespmem:s11+$0x10]  }
0x348: {  	v6 =	vmul.f32 v6, v4;
	v7 =	vadd.f32 v11, v7;
	v9 =	vmul.f32 v9, v5;
	v11 =	vld [tilespmem:s12+$0x10]  }
0x349: {  	v12, _, _ =	vpop (xrf2)  }
0x34a: {  	(xrf2) =	vadd.scan.msk.f32 $0xffff, v7;
	v6 =	vadd.f32 v9, v6;
	[tilespmem:v8+s28+$0x0] =	vst.idx.msk vm0, v12  }
0x34b: {  	v7 =	vld [tilespmem:s30+$0x30]  }
0x34c: {  	s17 =	simm.s32 $0x10;
	(xrf2) =	vadd.scan.msk.f32 $0xffff, v6;
	v6 =	vld [tilespmem:s23+$0x30]  }
0x34d: {  	v8 =	vmov s17;
	v9 =	vadd.f32 v11, v10  }
0x34e: {  	s18 =	simm.s32 $0x2;
	v8 =	vand.u32 $0xFFFFFFF0, v8  }
0x34f: {  	v10 =	vmov s18;
	v8 =	vbroadcast v8, $0x0;
	v11 =	vand.u32 $0x7FFFFFFF, v9  }
0x350: {  	v10 =	vand.u32 $0xFFFFFFF2, v10;
	v11 =	vmul.f32 v11, v5  }
0x351: {  	v9 =	vmul.f32 v9, v4;
	v10 =	vbroadcast v10, $0x0;
	v6 =	vadd.f32 v6, v7;
	_ =	sdelay $0x1  }
0x352: {  	v7 =	vadd.f32 v11, v9;
	v9 =	vand.u32 $0x7FFFFFFF, v6  }
0x353: {  	v6 =	vmul.f32 v6, v4;
	v11, _, _ =	vpop (xrf2);
	v9 =	vmul.f32 v9, v5  }
0x354: {  	(xrf2) =	vadd.scan.msk.f32 $0xffff, v7;
	[tilespmem:v8+s28+$0x0] =	vst.idx.msk vm0, v11  }
0x355: {  	v7 =	vld [tilespmem:s11+$0xFFFFFF90];
	v8, _, _ =	vpop (xrf2);
	v6 =	vadd.f32 v9, v6  }
0x356: {  	s19 =	simm.s32 $0x19;
	v9 =	vld [tilespmem:s12+$0xFFFFFF90];
	[tilespmem:v10+s28+$0x0] =	vst.idx.msk vm0, v8  }
0x357: {  	v8 =	vmov s19;
	v10 =	vld [tilespmem:s30+$0xFFFFFFB0];
	(xrf2) =	vadd.scan.msk.f32 $0xffff, v6  }
0x358: {  	v6 =	vand.u32 $0xFFFFFFF9, v8;
	v8 =	vld [tilespmem:s23+$0xFFFFFFB0]  }
0x359: {  	s20 =	simm.s32 $0xB;
	v6 =	vbroadcast v6, $0x0  }
0x35a: {  	v11 =	vmov s20  }
0x35b: {  	v7 =	vadd.f32 v9, v7;
	v9 =	vand.u32 $0xFFFFFFFB, v11  }
0x35c: {  	s10 =	simm.s32 $0x19B00;
	v9 =	vbroadcast v9, $0x0  }
0x35d: {  	s7 =	simm.s32 $0x15B00;
	v13 =	vld [tilespmem:s10+$0x0];
	v11 =	vand.u32 $0x7FFFFFFF, v7;
	v8 =	vadd.f32 v8, v10  }
0x35e: {  	v12 =	vld [tilespmem:s7+$0x0];
	v7 =	vmul.f32 v7, v4;
	v10, _, _ =	vpop (xrf2);
	v11 =	vmul.f32 v11, v5  }
0x35f: {  	[tilespmem:v6+s28+$0x0] =	vst.idx.msk vm0, v10;
	v6 =	vand.u32 $0x7FFFFFFF, v8  }
0x360: {  	v8 =	vmul.f32 v8, v4;
	v10 =	vld [tilespmem:s11+$0x20];
	v7 =	vadd.f32 v11, v7;
	v6 =	vmul.f32 v6, v5  }
0x361: {  	v11 =	vld [tilespmem:s12+$0x20];
	v14, _, _ =	vpop (xrf2)  }
0x362: {  	(xrf2) =	vadd.scan.msk.f32 $0xffff, v7;
	v6 =	vadd.f32 v6, v8;
	[tilespmem:v9+s28+$0x0] =	vst.idx.msk vm0, v14  }
0x363: {  	v7 =	vadd.f32 v13, v12;
	v8 =	vld [tilespmem:s30+$0x40]  }
0x364: {  	s24 =	simm.s32 $0x11;
	(xrf2) =	vadd.scan.msk.f32 $0xffff, v6;
	v6 =	vld [tilespmem:s23+$0x40]  }
0x365: {  	v12 =	vmov s24;
	v13 =	vand.u32 $0x7FFFFFFF, v7;
	v7 =	vmul.f32 v7, v4  }
0x366: {  	s22 =	simm.s32 $0x3;
	v10 =	vadd.f32 v11, v10;
	v11 =	vand.u32 $0xFFFFFFF1, v12;
	v12 =	vmul.f32 v13, v5  }
0x367: {  	v9 =	vmov s22;
	v11 =	vbroadcast v11, $0x0  }
0x368: {  	v9 =	vand.u32 $0xFFFFFFF3, v9;
	v13 =	vand.u32 $0x7FFFFFFF, v10;
	v7 =	vadd.f32 v12, v7  }
0x369: {  	v10 =	vmul.f32 v10, v4;
	v12 =	vmul.f32 v13, v5;
	v6 =	vadd.f32 v6, v8  }
0x36a: {  	v9 =	vbroadcast v9, $0x0;
	(xrf2) =	vadd.scan.msk.f32 $0xffff, v7  }
0x36b: {  	v8 =	vld [tilespmem:s10+$0xFFFFFF80];
	v7 =	vadd.f32 v12, v10;
	v10 =	vand.u32 $0x7FFFFFFF, v6  }
0x36c: {  	s25 =	simm.s32 $0x28;
	v12 =	vld [tilespmem:s7+$0xFFFFFF80];
	v6 =	vmul.f32 v6, v4;
	v13, _, _ =	vpop (xrf2);
	v10 =	vmul.f32 v10, v5  }
0x36d: {  	(xrf2) =	vadd.scan.msk.f32 $0xffff, v7;
	v7 =	vmov s25;
	[tilespmem:v11+s28+$0x0] =	vst.idx.msk vm0, v13  }
0x36e: {  	v7 =	vand.u32 $0xFFFFFFF8, v7;
	v11 =	vld [tilespmem:s11+$0xFFFFFFA0];
	v6 =	vadd.f32 v10, v6  }
0x36f: {  	s29 =	simm.s32 $0x1A;
	v13, _, _ =	vpop (xrf2);
	v10 =	vld [tilespmem:s12+$0xFFFFFFA0];
	v7 =	vbroadcast v7, $0x0  }
0x370: {  	[tilespmem:v9+s28+$0x0] =	vst.idx.msk vm0, v13;
	v9 =	vmov s29;
	(xrf2) =	vadd.scan.msk.f32 $0xffff, v6  }
0x371: {  	v8 =	vadd.f32 v8, v12;
	v13 =	vld [tilespmem:s30+$0xFFFFFFC0];
	v6 =	vand.u32 $0xFFFFFFFA, v9  }
0x372: {  	s1 =	simm.s32 $0xC;
	v9 =	vld [tilespmem:s23+$0xFFFFFFC0];
	v6 =	vbroadcast v6, $0x0  }
0x373: {  	v14 =	vmov s1;
	v12 =	vmul.f32 v8, v4;
	v8 =	vand.u32 $0x7FFFFFFF, v8  }
0x374: {  	v14 =	vand.u32 $0xFFFFFFFC, v14;
	v8 =	vmul.f32 v8, v5;
	v10 =	vadd.f32 v10, v11;
	v11, _, _ =	vpop (xrf2)  }
0x375: {  	[tilespmem:v7+s28+$0x0] =	vst.idx.msk vm0, v11;
	v7 =	vbroadcast v14, $0x0  }
0x376: {  	v8 =	vadd.f32 v8, v12;
	v11 =	vand.u32 $0x7FFFFFFF, v10;
	v12 =	vld [tilespmem:s7+$0x10]  }
0x377: {  	v9 =	vadd.f32 v9, v13;
	v10 =	vmul.f32 v10, v4;
	v13 =	vld [tilespmem:s10+$0x10];
	v14, _, _ =	vpop (xrf2);
	v11 =	vmul.f32 v11, v5  }
0x378: {  	(xrf2) =	vadd.scan.msk.f32 $0xffff, v8;
	[tilespmem:v6+s28+$0x0] =	vst.idx.msk vm0, v14  }
0x379: {  	v8 =	vand.u32 $0x7FFFFFFF, v9;
	v6 =	vld [tilespmem:s11+$0x30];
	v10 =	vadd.f32 v11, v10  }
0x37a: {  	s2 =	simm.s32 $0x20;
	v9 =	vmul.f32 v9, v4;
	v11 =	vld [tilespmem:s12+$0x30];
	v8 =	vmul.f32 v8, v5;
	v14, _, _ =	vpop (xrf2)  }
0x37b: {  	v15 =	vmov s2;
	(xrf2) =	vadd.scan.msk.f32 $0xffff, v10;
	[tilespmem:v7+s28+$0x0] =	vst.idx.msk vm0, v14  }
0x37c: {  	s4 =	simm.s32 $0x4;
	s5 =	simm.s32 $0x5;
	v10 =	vadd.f32 v13, v12;
	v7 =	vadd.f32 v8, v9;
	v9 =	vand.u32 $0xFFFFFFF0, v15;
	v12 =	vld [tilespmem:s30+$0x50]  }
0x37d: {  	s6 =	simm.s32 $0x12;
	v13 =	vmov s5;
	v8 =	vmov s4;
	v9 =	vbroadcast v9, $0x0;
	v14 =	vld [tilespmem:s23+$0x50]  }
0x37e: {  	v13 =	vand.u32 $0xFFFFFFF5, v13;
	v15 =	vand.u32 $0x7FFFFFFF, v10;
	(xrf2) =	vadd.scan.msk.f32 $0xffff, v7;
	v7 =	vmov s6  }
0x37f: {  	v10 =	vmul.f32 v10, v4;
	v6 =	vadd.f32 v11, v6;
	v7 =	vand.u32 $0xFFFFFFF2, v7  }
0x380: {  	v8 =	vand.u32 $0xFFFFFFF4, v8;
	v11 =	vmul.f32 v15, v5;
	v7 =	vbroadcast v7, $0x0  }
0x381: {  	v8 =	vbroadcast v8, $0x0;
	v15 =	vand.u32 $0x7FFFFFFF, v6  }
0x382: {  	s8 =	simm.s32 $0x6;
	v10 =	vadd.f32 v11, v10;
	v11 =	vbroadcast v13, $0x0;
	v13, _, _ =	vpop (xrf2);
	v12 =	vadd.f32 v14, v12  }
0x383: {  	s9 =	simm.s32 $0x7;
	v6 =	vmul.f32 v6, v4;
	v15 =	vmul.f32 v15, v5;
	v14 =	vmov s8;
	[tilespmem:v9+s28+$0x0] =	vst.idx.msk vm0, v13  }
0x384: {  	(xrf2) =	vadd.scan.msk.f32 $0xffff, v10;
	v10 =	vmov s9;
	v9 =	vand.u32 $0xFFFFFFF6, v14;
	v13 =	vld [tilespmem:s7+$0xFFFFFF90];
	v14 =	vand.u32 $0x7FFFFFFF, v12  }
0x385: {  	v6 =	vadd.f32 v15, v6;
	v15 =	vld [tilespmem:s10+$0xFFFFFF90];
	v12 =	vmul.f32 v12, v4;
	v16, _, _ =	vpop (xrf2);
	v14 =	vmul.f32 v14, v5  }
0x386: {  	s13 =	simm.s32 $0x29;
	v10 =	vand.u32 $0xFFFFFFF7, v10;
	[tilespmem:v7+s28+$0x0] =	vst.idx.msk vm0, v16  }
0x387: {  	s14 =	simm.s32 $0x13;
	(xrf2) =	vadd.scan.msk.f32 $0xffff, v6;
	v6 =	vbroadcast v10, $0x0;
	v7 =	vmov s13;
	v10 =	vld [tilespmem:s11+$0xFFFFFFB0];
	v12 =	vadd.f32 v14, v12  }
0x388: {  	s17 =	simm.s32 $0x15;
	v17 =	vbroadcast v9, $0x0;
	v9 =	vmov s14;
	v7 =	vand.u32 $0xFFFFFFF9, v7;
	v16 =	vld [tilespmem:s12+$0xFFFFFFB0]  }
0x389: {  	s15 =	simm.s32 $0x1B;
	v18 =	vmov s17;
	s17 =	simm.s32 $0x15C00;
	v9 =	vand.u32 $0xFFFFFFF3, v9;
	v7 =	vbroadcast v7, $0x0;
	v14, _, _ =	vpop (xrf2);
	(xrf2) =	vadd.scan.msk.f32 $0xffff, v12  }
0x38a: {  	s16 =	simm.s32 $0x14;
	v20 =	vld [tilespmem:s17+$0x0];
	v13 =	vadd.f32 v15, v13;
	v15 =	vbroadcast v9, $0x0;
	[tilespmem:v8+s28+$0x0] =	vst.idx.msk vm0, v14;
	v8 =	vmov s15  }
0x38b: {  	s18 =	simm.s32 $0xD;
	v9 =	vand.u32 $0xFFFFFFF5, v18;
	v14 =	vmov s16;
	v19 =	vld [tilespmem:s30+$0xFFFFFFD0];
	v8 =	vand.u32 $0xFFFFFFFB, v8  }
0x38c: {  	s13 =	simm.s32 $0x19C00;
	v18 =	vmov s18;
	v12 =	vand.u32 $0xFFFFFFF4, v14;
	v14 =	vld [tilespmem:s23+$0xFFFFFFD0];
	v8 =	vbroadcast v8, $0x0  }
0x38d: {  	v22 =	vld [tilespmem:s13+$0x0];
	v21 =	vmul.f32 v13, v4;
	v13 =	vand.u32 $0x7FFFFFFF, v13;
	v10 =	vadd.f32 v16, v10  }
0x38e: {  	v23 =	vand.u32 $0xFFFFFFFD, v18;
	v13 =	vmul.f32 v13, v5;
	v16, _, _ =	vpop (xrf2)  }
0x38f: {  	[tilespmem:v7+s28+$0x0] =	vst.idx.msk vm0, v16;
	v7 =	vbroadcast v23, $0x0;
	v16 =	vand.u32 $0x7FFFFFFF, v10  }
0x390: {  	v13 =	vadd.f32 v13, v21;
	v10 =	vmul.f32 v10, v4;
	v23 =	vld [tilespmem:s7+$0x20];
	v16 =	vmul.f32 v16, v5  }
0x391: {  	v21, _, _ =	vpop (xrf2);
	v14 =	vadd.f32 v14, v19;
	v19 =	vld [tilespmem:s10+$0x20]  }
0x392: {  	s20 =	simm.s32 $0x17;
	s22 =	simm.s32 $0x21;
	(xrf2) =	vadd.scan.msk.f32 $0xffff, v13;
	v13 =	vadd.f32 v22, v20;
	v10 =	vadd.f32 v16, v10;
	[tilespmem:v8+s28+$0x0] =	vst.idx.msk vm0, v21  }
0x393: {  	v8 =	vmov s20;
	v21 =	vmov s22;
	v16 =	vand.u32 $0x7FFFFFFF, v14;
	v20 =	vld [tilespmem:s11+$0x40]  }
0x394: {  	v14 =	vmul.f32 v14, v4;
	v25 =	vand.u32 $0x7FFFFFFF, v13;
	v22 =	vld [tilespmem:s12+$0x40];
	v24, _, _ =	vpop (xrf2);
	v16 =	vmul.f32 v16, v5  }
0x395: {  	(xrf2) =	vadd.scan.msk.f32 $0xffff, v10;
	v10 =	vmul.f32 v25, v5;
	[tilespmem:v7+s28+$0x0] =	vst.idx.msk vm0, v24;
	v7 =	vmul.f32 v13, v4  }
0x396: {  	v13 =	vand.u32 $0xFFFFFFF1, v21;
	v14 =	vadd.f32 v16, v14;
	v16 =	vadd.f32 v19, v23;
	v19 =	vld [tilespmem:s30+$0x60]  }
0x397: {  	s24 =	simm.s32 $0x22;
	v8 =	vand.u32 $0xFFFFFFF7, v8;
	v13 =	vbroadcast v13, $0x0;
	v21 =	vld [tilespmem:s23+$0x60]  }
0x398: {  	v23 =	vld [tilespmem:s13+$0xFFFFFF80];
	v7 =	vadd.f32 v10, v7;
	v10 =	vmov s24;
	(xrf2) =	vadd.scan.msk.f32 $0xffff, v14;
	v14 =	vand.u32 $0x7FFFFFFF, v16  }
0x399: {  	v16 =	vmul.f32 v16, v4;
	v20 =	vadd.f32 v22, v20;
	v22 =	vld [tilespmem:s17+$0xFFFFFF80];
	v24 =	vmul.f32 v14, v5  }
0x39a: {  	v10 =	vand.u32 $0xFFFFFFF2, v10;
	(xrf2) =	vadd.scan.msk.f32 $0xffff, v7;
	v7 =	vbroadcast v8, $0x0  }
0x39b: {  	v14 =	vbroadcast v10, $0x0;
	v8 =	vand.u32 $0x7FFFFFFF, v20;
	v10 =	vadd.f32 v24, v16  }
0x39c: {  	s29 =	simm.s32 $0x38;
	v16 =	vmul.f32 v20, v4;
	v19 =	vadd.f32 v21, v19;
	v8 =	vmul.f32 v8, v5  }
0x39d: {  	v25 =	vmov s29  }
0x39e: {  	v24, _, _ =	vpop (xrf2);
	(xrf2) =	vadd.scan.msk.f32 $0xffff, v10;
	v21 =	vand.u32 $0x7FFFFFFF, v19;
	v8 =	vadd.f32 v8, v16;
	v10 =	vadd.f32 v23, v22  }
0x39f: {  	v19 =	vmul.f32 v19, v4;
	[tilespmem:v13+s28+$0x0] =	vst.idx.msk vm0, v24;
	v13 =	vand.u32 $0xFFFFFFF8, v25;
	v21 =	vmul.f32 v21, v5  }
0x3a0: {  	s1 =	simm.s32 $0x2A;
	v22, _, _ =	vpop (xrf2);
	v16 =	vld [tilespmem:s7+$0xFFFFFFA0];
	v13 =	vbroadcast v13, $0x0;
	(xrf2) =	vadd.scan.msk.f32 $0xffff, v8;
	v8 =	vmul.f32 v10, v4;
	v10 =	vand.u32 $0x7FFFFFFF, v10  }
0x3a1: {  	v23 =	vld [tilespmem:s10+$0xFFFFFFA0];
	[tilespmem:v15+s28+$0x0] =	vst.idx.msk vm0, v22;
	v15 =	vmov s1;
	v10 =	vmul.f32 v10, v5  }
0x3a2: {  	v22 =	vld [tilespmem:s11+$0xFFFFFFC0];
	v15 =	vand.u32 $0xFFFFFFFA, v15;
	v19 =	vadd.f32 v21, v19  }
0x3a3: {  	s2 =	simm.s32 $0x1C;
	s4 =	simm.s32 $0x24;
	v21 =	vld [tilespmem:s12+$0xFFFFFFC0];
	v15 =	vbroadcast v15, $0x0  }
0x3a4: {  	v26 =	vmov s4;
	s8 =	simm.s32 $0xE;
	v24 =	vmov s2;
	v25, _, _ =	vpop (xrf2);
	(xrf2) =	vadd.scan.msk.f32 $0xffff, v19;
	v8 =	vadd.f32 v10, v8  }
0x3a5: {  	v19 =	vand.u32 $0xFFFFFFFC, v24;
	v24 =	vand.u32 $0xFFFFFFF4, v26;
	v26 =	vmov s8;
	v10, _, _ =	vpop (xrf2)  }
0x3a6: {  	v16 =	vadd.f32 v23, v16;
	(xrf2) =	vadd.scan.msk.f32 $0xffff, v8;
	[tilespmem:v13+s28+$0x0] =	vst.idx.msk vm0, v10;
	v10 =	vbroadcast v19, $0x0  }
0x3a7: {  	v26 =	vand.u32 $0xFFFFFFFE, v26;
	v23 =	vld [tilespmem:s17+$0x10]  }
0x3a8: {  	s6 =	simm.s32 $0x30;
	v21 =	vadd.f32 v21, v22;
	v8 =	vmul.f32 v16, v4;
	v16 =	vand.u32 $0x7FFFFFFF, v16;
	v27 =	vld [tilespmem:s13+$0x10];
	v28, _, _ =	vpop (xrf2)  }
0x3a9: {  	v19 =	vmov s6;
	v16 =	vmul.f32 v16, v5;
	[tilespmem:v15+s28+$0x0] =	vst.idx.msk vm0, v28;
	v15 =	vbroadcast v26, $0x0  }
0x3aa: {  	s9 =	simm.s32 $0x26;
	v19 =	vand.u32 $0xFFFFFFF0, v19;
	v22 =	vand.u32 $0x7FFFFFFF, v21  }
0x3ab: {  	v19 =	vbroadcast v19, $0x0;
	v28 =	vmov s9;
	v8 =	vadd.f32 v16, v8;
	v16 =	vld [tilespmem:s7+$0x30];
	v26, _, _ =	vpop (xrf2)  }
0x3ac: {  	s15 =	simm.s32 $0x31;
	v21 =	vmul.f32 v21, v4;
	v22 =	vmul.f32 v22, v5;
	v29 =	vld [tilespmem:s10+$0x30];
	[tilespmem:v10+s28+$0x0] =	vst.idx.msk vm0, v26  }
0x3ad: {  	s14 =	simm.s32 $0x27;
	(xrf2) =	vadd.scan.msk.f32 $0xffff, v8;
	v8 =	vadd.f32 v27, v23;
	v27 =	vmov s15;
	v23 =	vld [tilespmem:s11+$0x50]  }
0x3ae: {  	v21 =	vadd.f32 v22, v21;
	v10 =	vand.u32 $0xFFFFFFF6, v28;
	v26 =	vmov s14;
	v28, _, _ =	vpop (xrf2);
	v22 =	vld [tilespmem:s12+$0x50]  }
0x3af: {  	v26 =	vand.u32 $0xFFFFFFF7, v26;
	v30 =	vand.u32 $0x7FFFFFFF, v8;
	[tilespmem:v15+s28+$0x0] =	vst.idx.msk vm0, v28;
	v15 =	vmul.f32 v8, v4  }
0x3b0: {  	s16 =	simm.s32 $0x32;
	(xrf2) =	vadd.scan.msk.f32 $0xffff, v21;
	v21 =	vand.u32 $0xFFFFFFF1, v27;
	v8 =	vbroadcast v26, $0x0;
	v28 =	vmul.f32 v30, v5;
	v26 =	vld [tilespmem:s30+$0x70];
	v27, _, _ =	vpop (xrf2)  }
0x3b1: {  	v16 =	vadd.f32 v29, v16;
	v29 =	vmov s16;
	v30 =	vld [tilespmem:s23+$0x70];
	[tilespmem:v19+s28+$0x0] =	vst.idx.msk vm0, v27  }
0x3b2: {  	s18 =	simm.s32 $0x33;
	v18 =	vbroadcast v9, $0x0;
	v19 =	vand.u32 $0xFFFFFFF2, v29;
	v15 =	vadd.f32 v28, v15;
	v28 =	vld [tilespmem:s17+$0xFFFFFF90]  }
0x3b3: {  	v27 =	vand.u32 $0x7FFFFFFF, v16;
	v29 =	vld [tilespmem:s13+$0xFFFFFF90];
	v22 =	vadd.f32 v22, v23;
	v23 =	vmov s18  }
0x3b4: {  	s19 =	simm.s32 $0x16;
	[tilespmem:v11+s28+$0x0] =	vst.idx.msk vm0, v25;
	v16 =	vmul.f32 v16, v4;
	v27 =	vmul.f32 v27, v5;
	v11 =	vand.u32 $0xFFFFFFF3, v23  }
0x3b5: {  	v9 =	vmov s19;
	v12 =	vbroadcast v12, $0x0;
	(xrf2) =	vadd.scan.msk.f32 $0xffff, v15;
	v15 =	vand.u32 $0x7FFFFFFF, v22  }
0x3b6: {  	s19 =	simm.s32 $0x39;
	v23 =	vadd.f32 v27, v16;
	v22 =	vmul.f32 v22, v4;
	v15 =	vmul.f32 v15, v5  }
0x3b7: {  	v27 =	vmov s19;
	v16 =	vbroadcast v11, $0x0;
	v26 =	vadd.f32 v30, v26;
	v11, _, _ =	vpop (xrf2)  }
0x3b8: {  	v25 =	vld [tilespmem:s30+$0xFFFFFFE0];
	(xrf2) =	vadd.scan.msk.f32 $0xffff, v23;
	v23 =	vadd.f32 v29, v28;
	[tilespmem:v14+s28+$0x0] =	vst.idx.msk vm0, v11;
	v11 =	vadd.f32 v15, v22  }
0x3b9: {  	v30 =	vld [tilespmem:s23+$0xFFFFFFE0];
	v14 =	vand.u32 $0xFFFFFFF9, v27;
	v22 =	vand.u32 $0x7FFFFFFF, v26;
	v26 =	vmul.f32 v26, v4  }
0x3ba: {  	v28, _, _ =	vpop (xrf2);
	v15 =	vld [tilespmem:s7+$0xFFFFFFB0];
	v14 =	vbroadcast v14, $0x0;
	v22 =	vmul.f32 v22, v5  }
0x3bb: {  	s20 =	simm.s32 $0x2B;
	v27 =	vld [tilespmem:s10+$0xFFFFFFB0];
	[tilespmem:v12+s28+$0x0] =	vst.idx.msk vm0, v28;
	(xrf2) =	vadd.scan.msk.f32 $0xffff, v11;
	v11 =	vand.u32 $0x7FFFFFFF, v23;
	v23 =	vmul.f32 v23, v4  }
0x3bc: {  	v12 =	vmov s20;
	v28 =	vld [tilespmem:s11+$0xFFFFFFD0]  }
0x3bd: {  	s24 =	simm.s32 $0x1D;
	v12 =	vand.u32 $0xFFFFFFFB, v12;
	v11 =	vmul.f32 v11, v5;
	v22 =	vadd.f32 v22, v26;
	v26 =	vld [tilespmem:s12+$0xFFFFFFD0]  }
0x3be: {  	s22 =	simm.s32 $0x34;
	v31 =	vmov s24;
	v21 =	vbroadcast v21, $0x0;
	s18 =	simm.s32 $0x15D00;
	v12 =	vbroadcast v12, $0x0  }
0x3bf: {  	s0 =	simm.s32 $0x19D00;
	v29 =	vmov s22;
	v25 =	vadd.f32 v30, v25;
	v30 =	vld [tilespmem:s18+$0x0];
	v11 =	vadd.f32 v11, v23;
	(xrf2) =	vadd.scan.msk.f32 $0xffff, v22;
	v23, _, _ =	vpop (xrf2)  }
0x3c0: {  	s25 =	simm.s32 $0x23;
	v22 =	vld [tilespmem:s0+$0x0];
	v27 =	vadd.f32 v27, v15;
	v15 =	vand.u32 $0xFFFFFFFD, v31;
	[tilespmem:v14+s28+$0x0] =	vst.idx.msk vm0, v23;
	v23 =	vand.u32 $0xFFFFFFF4, v29  }
0x3c1: {  	v20 =	vmov s25;
	(xrf2) =	vadd.scan.msk.f32 $0xffff, v11;
	v11 =	vbroadcast v15, $0x0;
	v29 =	vld [tilespmem:s17+$0x20];
	v15 =	vbroadcast v23, $0x0  }
0x3c2: {  	s29 =	simm.s32 $0x36;
	v23 =	vand.u32 $0x7FFFFFFF, v25;
	v31 =	vand.u32 $0x7FFFFFFF, v27;
	v32 =	vld [tilespmem:s13+$0x20];
	v26 =	vadd.f32 v26, v28  }
0x3c3: {  	v27 =	vmul.f32 v27, v4;
	v33, _, _ =	vpop (xrf2);
	v28 =	vmov s29;
	v31 =	vmul.f32 v31, v5  }
0x3c4: {  	v25 =	vmul.f32 v25, v4;
	v23 =	vmul.f32 v23, v5;
	[tilespmem:v12+s28+$0x0] =	vst.idx.msk vm0, v33;
	v28 =	vand.u32 $0xFFFFFFF6, v28  }
0x3c5: {  	v22 =	vadd.f32 v22, v30;
	v30 =	vld [tilespmem:s7+$0x40];
	v12 =	vadd.f32 v31, v27;
	v27 =	vand.u32 $0x7FFFFFFF, v26  }
0x3c6: {  	v23 =	vadd.f32 v23, v25;
	v25 =	vmul.f32 v26, v4;
	v31 =	vld [tilespmem:s10+$0x40];
	v26, _, _ =	vpop (xrf2);
	v27 =	vmul.f32 v27, v5  }
0x3c7: {  	v34 =	vld [tilespmem:s0+$0xFFFFFF80];
	(xrf2) =	vadd.scan.msk.f32 $0xffff, v12;
	v12 =	vand.u32 $0x7FFFFFFF, v22;
	[tilespmem:v11+s28+$0x0] =	vst.idx.msk vm0, v26;
	v11 =	vadd.f32 v32, v29  }
0x3c8: {  	v22 =	vmul.f32 v22, v4;
	v25 =	vadd.f32 v27, v25;
	v12 =	vmul.f32 v12, v5;
	v27 =	vld [tilespmem:s11+$0x60]  }
0x3c9: {  	v20 =	vand.u32 $0xFFFFFFF3, v20;
	(xrf2) =	vadd.scan.msk.f32 $0xffff, v23;
	v23 =	vld [tilespmem:s12+$0x60]  }
0x3ca: {  	v42 =	vld [tilespmem:s18+$0xFFFFFF80];
	v29 =	vand.u32 $0x7FFFFFFF, v11;
	v26, _, _ =	vpop (xrf2);
	v11 =	vmul.f32 v11, v4;
	(xrf2) =	vadd.scan.msk.f32 $0xffff, v25;
	v22 =	vadd.f32 v12, v22  }
0x3cb: {  	s2 =	simm.s32 $0x37;
	v25 =	vmul.f32 v29, v5;
	v12 =	vbroadcast v28, $0x0;
	v29 =	vadd.f32 v31, v30;
	v28, _, _ =	vpop (xrf2)  }
0x3cc: {  	s4 =	simm.s32 $0x48;
	v20 =	vbroadcast v20, $0x0;
	v30 =	vmov s2;
	[tilespmem:v21+s28+$0x0] =	vst.idx.msk vm0, v28  }
0x3cd: {  	(xrf2) =	vadd.scan.msk.f32 $0xffff, v22;
	v11 =	vadd.f32 v25, v11;
	v25 =	vmov s4;
	v28 =	vand.u32 $0x7FFFFFFF, v29;
	v22 =	vld [tilespmem:s17+$0xFFFFFFA0]  }
0x3ce: {  	s5 =	simm.s32 $0x25;
	v29 =	vmul.f32 v29, v4;
	v31 =	vld [tilespmem:s13+$0xFFFFFFA0];
	v28 =	vmul.f32 v28, v5;
	v23 =	vadd.f32 v23, v27  }
0x3cf: {  	v13 =	vmov s5;
	v21 =	vadd.f32 v34, v42;
	v25 =	vand.u32 $0xFFFFFFF8, v25;
	(xrf2) =	vadd.scan.msk.f32 $0xffff, v11  }
0x3d0: {  	v11 =	vand.u32 $0xFFFFFFF7, v30;
	v28 =	vadd.f32 v28, v29;
	v29 =	vand.u32 $0x7FFFFFFF, v23  }
0x3d1: {  	s5 =	simm.s32 $0x3A;
	v27 =	vand.u32 $0x7FFFFFFF, v21;
	v23 =	vmul.f32 v23, v4;
	v29 =	vmul.f32 v29, v5;
	v30, _, _ =	vpop (xrf2)  }
0x3d2: {  	v43 =	vmov s5;
	v25 =	vbroadcast v25, $0x0;
	[tilespmem:v20+s28+$0x0] =	vst.idx.msk vm0, v30;
	v20 =	vmul.f32 v27, v5  }
0x3d3: {  	(xrf2) =	vadd.scan.msk.f32 $0xffff, v28;
	v27 =	vand.u32 $0xFFFFFFFA, v43;
	v30, _, _ =	vpop (xrf2);
	v23 =	vadd.f32 v29, v23;
	v22 =	vadd.f32 v31, v22  }
0x3d4: {  	v21 =	vmul.f32 v21, v4;
	v27 =	vbroadcast v27, $0x0;
	v44, _, _ =	vpop (xrf2)  }
0x3d5: {  	s9 =	simm.s32 $0x2C;
	[tilespmem:v18+s28+$0x0] =	vst.idx.msk vm0, v44;
	v18 =	vand.u32 $0x7FFFFFFF, v22;
	v22 =	vmul.f32 v22, v4  }
0x3d6: {  	v9 =	vand.u32 $0xFFFFFFF6, v9;
	v29 =	vld [tilespmem:s7+$0xFFFFFFC0];
	v20 =	vadd.f32 v20, v21;
	v21 =	vmov s9  }
0x3d7: {  	v9 =	vbroadcast v9, $0x0;
	v45 =	vld [tilespmem:s10+$0xFFFFFFC0];
	(xrf2) =	vadd.scan.msk.f32 $0xffff, v23;
	v21 =	vand.u32 $0xFFFFFFFC, v21;
	v23, _, _ =	vpop (xrf2);
	v18 =	vmul.f32 v18, v5  }
0x3d8: {  	s8 =	simm.s32 $0x40;
	v24 =	vbroadcast v24, $0x0;
	(xrf2) =	vadd.scan.msk.f32 $0xffff, v20;
	v20 =	vbroadcast v21, $0x0;
	[tilespmem:v25+s28+$0x0] =	vst.idx.msk vm0, v23  }
0x3d9: {  	v13 =	vand.u32 $0xFFFFFFF5, v13;
	s14 =	simm.s32 $0x1E;
	s16 =	simm.s32 $0x42;
	v31 =	vmov s8;
	v25 =	vld [tilespmem:s18+$0x10];
	v18 =	vadd.f32 v18, v22;
	v22, _, _ =	vpop (xrf2)  }
0x3da: {  	v13 =	vbroadcast v13, $0x0;
	v21 =	vmov s14;
	v35 =	vld [tilespmem:s0+$0x10];
	[tilespmem:v27+s28+$0x0] =	vst.idx.msk vm0, v22;
	v27 =	vmov s16  }
0x3db: {  	[tilespmem:v17+s28+$0x0] =	vst.idx.msk vm0, v30;
	v21 =	vand.u32 $0xFFFFFFFE, v21;
	(xrf2) =	vadd.scan.msk.f32 $0xffff, v18;
	v18 =	vand.u32 $0xFFFFFFF2, v27  }
0x3dc: {  	s25 =	simm.s32 $0x35;
	v38 =	vld [tilespmem:s23+$0xFFFFFFF0];
	v36 =	vbroadcast v21, $0x0;
	v21 =	vbroadcast v18, $0x0;
	v18 =	vadd.f32 v45, v29  }
0x3dd: {  	v10 =	vbroadcast v10, $0x0;
	v14 =	vmov s25;
	v31 =	vand.u32 $0xFFFFFFF0, v31;
	v32 =	vld [tilespmem:s11+$0xFFFFFFE0];
	v47, _, _ =	vpop (xrf2)  }
0x3de: {  	v14 =	vand.u32 $0xFFFFFFF5, v14;
	v31 =	vbroadcast v31, $0x0;
	v37 =	vld [tilespmem:s17+$0x30];
	[tilespmem:v20+s28+$0x0] =	vst.idx.msk vm0, v47;
	v48 =	vand.u32 $0x7FFFFFFF, v18  }
0x3df: {  	s24 =	simm.s32 $0x47;
	v27 =	vld [tilespmem:s13+$0x30];
	v25 =	vadd.f32 v35, v25;
	v18 =	vmul.f32 v18, v4;
	v20 =	vmul.f32 v48, v5  }
0x3e0: {  	v57 =	vmov s24;
	s15 =	simm.s32 $0x41;
	v19 =	vbroadcast v19, $0x0;
	v14 =	vbroadcast v14, $0x0;
	v46 =	vld [tilespmem:s12+$0xFFFFFFE0]  }
0x3e1: {  	s22 =	simm.s32 $0x45;
	v23 =	vmov s15;
	v29 =	vld [tilespmem:s30+$0xFFFFFFF0];
	v18 =	vadd.f32 v20, v18;
	v20 =	vand.u32 $0x7FFFFFFF, v25  }
0x3e2: {  	s6 =	simm.s32 $0xF;
	v30 =	vmov s22;
	v22 =	vand.u32 $0xFFFFFFF1, v23;
	v33 =	vld [tilespmem:s7+$0x50];
	v49, _, _ =	vpop (xrf2);
	v20 =	vmul.f32 v20, v5  }
0x3e3: {  	s19 =	simm.s32 $0x43;
	v28 =	vmov s6;
	v30 =	vand.u32 $0xFFFFFFF5, v30;
	v23 =	vbroadcast v22, $0x0;
	v50 =	vld [tilespmem:s10+$0x50];
	[tilespmem:v36+s28+$0x0] =	vst.idx.msk vm0, v49  }
0x3e4: {  	v22 =	vmov s19;
	v27 =	vadd.f32 v27, v37;
	v36 =	vld [tilespmem:s11+$0x70];
	v52, _, _ =	vpop (xrf2);
	v25 =	vmul.f32 v25, v4  }
0x3e5: {  	v32 =	vadd.f32 v46, v32;
	v17 =	vand.u32 $0xFFFFFFF3, v22;
	[tilespmem:v31+s28+$0x0] =	vst.idx.msk vm0, v52;
	v31 =	vld [tilespmem:s12+$0x70];
	(xrf2) =	vadd.scan.msk.f32 $0xffff, v18  }
0x3e6: {  	v22 =	vbroadcast v17, $0x0;
	v53 =	vand.u32 $0x7FFFFFFF, v27;
	v54 =	vld [tilespmem:s18+$0xFFFFFF90];
	v18 =	vadd.f32 v20, v25;
	v20, _, _ =	vpop (xrf2)  }
0x3e7: {  	v51 =	vand.u32 $0x7FFFFFFF, v32;
	v27 =	vmul.f32 v27, v4;
	v39 =	vld [tilespmem:s0+$0xFFFFFF90];
	v37 =	vmul.f32 v53, v5;
	[tilespmem:v19+s28+$0x0] =	vst.idx.msk vm0, v20  }
0x3e8: {  	s23 =	simm.s32 $0x46;
	v32 =	vmul.f32 v32, v4;
	v34 =	vmul.f32 v51, v5;
	v33 =	vadd.f32 v50, v33;
	(xrf2) =	vadd.scan.msk.f32 $0xffff, v18;
	v18 =	vld [tilespmem:s17+$0xFFFFFFB0]  }
0x3e9: {  	v29 =	vadd.f32 v38, v29;
	v25 =	vmov s23;
	v27 =	vadd.f32 v37, v27;
	v56 =	vld [tilespmem:s13+$0xFFFFFFB0]  }
0x3ea: {  	v55 =	vand.u32 $0x7FFFFFFF, v33;
	v31 =	vadd.f32 v31, v36;
	v19 =	vand.u32 $0xFFFFFFF6, v25  }
0x3eb: {  	v25 =	vadd.f32 v34, v32;
	(xrf2) =	vadd.scan.msk.f32 $0xffff, v27;
	v27 =	vmul.f32 v33, v4;
	v32 =	vmul.f32 v55, v5  }
0x3ec: {  	v20 =	vbroadcast v30, $0x0;
	v30 =	vand.u32 $0x7FFFFFFF, v29;
	v29 =	vmul.f32 v29, v4  }
0x3ed: {  	[tilespmem:v28+s28+$0x0] =	vst.idx.msk vm0, v26;
	v58 =	vadd.f32 v39, v54;
	v59 =	vand.u32 $0x7FFFFFFF, v31;
	v27 =	vadd.f32 v32, v27  }
0x3ee: {  	v31 =	vmul.f32 v31, v4;
	v32 =	vmul.f32 v59, v5;
	v34 =	vadd.f32 v56, v18  }
0x3ef: {  	v26 =	vmul.f32 v30, v5;
	v60 =	vand.u32 $0x7FFFFFFF, v58;
	v35 =	vmul.f32 v58, v4;
	(xrf2) =	vadd.scan.msk.f32 $0xffff, v27;
	v28, _, _ =	vpop (xrf2)  }
0x3f0: {  	s25 =	simm.s32 $0x49;
	s29 =	simm.s32 $0x3B;
	v36 =	vmul.f32 v60, v5;
	v30 =	vadd.f32 v32, v31;
	[tilespmem:v24+s28+$0x0] =	vst.idx.msk vm0, v28;
	v31 =	vand.u32 $0x7FFFFFFF, v34  }
0x3f1: {  	v27 =	vmov s25;
	v28 =	vld [tilespmem:s7+$0xFFFFFFD0];
	v63 =	vmul.f32 v31, v5;
	v31 =	vmov s29  }
0x3f2: {  	s20 =	simm.s32 $0x44;
	(xrf2) =	vadd.scan.msk.f32 $0xffff, v30;
	v24 =	vadd.f32 v26, v29;
	v26 =	vand.u32 $0xFFFFFFF9, v27;
	v27 =	vand.u32 $0xFFFFFFFB, v31;
	v31 =	vld [tilespmem:s10+$0xFFFFFFD0]  }
0x3f3: {  	s31 =	simm.s32 $0x19D00;
	s24 =	simm.s32 $0x15E00;
	s2 =	simm.s32 $0x2F;
	v17 =	vmov s20;
	v61 =	vadd.f32 v36, v35;
	v30 =	vbroadcast v26, $0x0  }
0x3f4: {  	s4 =	simm.s32 $0x2D;
	v11 =	vbroadcast v11, $0x0;
	s8 =	simm.s32 $0x1BB00;
	s9 =	simm.s32 $0x4F;
	v17 =	vand.u32 $0xFFFFFFF4, v17;
	v62 =	vmul.f32 v34, v4  }
0x3f5: {  	s14 =	simm.s32 $0x1BB00;
	s15 =	simm.s32 $0x1BB00;
	s16 =	simm.s32 $0x1BB00;
	v17 =	vbroadcast v17, $0x0;
	v33 =	vand.u32 $0xFFFFFFF7, v57;
	v19 =	vbroadcast v19, $0x0;
	v29, _, _ =	vpop (xrf2);
	(xrf2) =	vadd.scan.msk.f32 $0xffff, v61  }
0x3f6: {  	s19 =	simm.s32 $0x8;
	s30 =	simm.s32 $0x3F;
	s23 =	simm.s32 $0x1F;
	v18 =	vbroadcast v33, $0x0;
	v32 =	vadd.f32 v63, v62;
	v26 =	vbroadcast v27, $0x0;
	v27, _, _ =	vpop (xrf2)  }
.LBB2_11:
0x3f7: {  	v33 =	vld [tilespmem:s24+$0x0];
	s0 =	sadd.s32 $0x100, s0;
	v28 =	vadd.f32 v31, v28;
	v37 =	vmov s4  }
0x3f8: {  	v34 =	vld [tilespmem:s0+$0x0];
	(xrf2) =	vadd.scan.msk.f32 $0xffff, v32;
	v36 =	vand.u32 $0xFFFFFFFD, v37;
	v32 =	vmov s23;
	s23 =	smov.u32 s2;
	s2 =	smov.u32 s30;
	s30 =	smov.u32 s9  }
0x3f9: {  	v35 =	vld [tilespmem:s0+$0xFFFFFF80];
	[tilespmem:v30+s28+$0x0] =	vst.idx.msk vm0, v29;
	v29 =	vmul.f32 v28, v4;
	v28 =	vand.u32 $0x7FFFFFFF, v28;
	v30 =	vbroadcast v36, $0x0;
	v31, _, _ =	vpop (xrf2)  }
0x3fa: {  	v36 =	vld [tilespmem:s18+$0x20];
	v28 =	vmul.f32 v28, v5  }
0x3fb: {  	v37 =	vld [tilespmem:s31+$0x20];
	(xrf2) =	vadd.scan.msk.f32 $0xffff, v25  }
0x3fc: {  	v25 =	vld [tilespmem:s24+$0xFFFFFF80];
	[tilespmem:v26+s14+$0x0] =	vst.idx.msk vm0, v27;
	v26 =	vadd.f32 v28, v29;
	v27, _, _ =	vpop (xrf2)  }
0x3fd: {  	v28 =	vadd.f32 v34, v33;
	v29 =	vld [tilespmem:s17+$0x40];
	[tilespmem:v32+s15+$0x0] =	vst.idx.msk vm0, v27  }
0x3fe: {  	v27 =	vld [tilespmem:s13+$0x40];
	(xrf2) =	vadd.scan.msk.f32 $0xffff, v26  }
0x3ff: {  	v26 =	vand.u32 $0x7FFFFFFF, v28;
	v32, _, _ =	vpop (xrf2);
	[tilespmem:v30+s16+$0x0] =	vst.idx.msk vm0, v31  }
0x400: {  	v28 =	vmul.f32 v28, v4;
	v26 =	vmul.f32 v26, v5;
	v30 =	vadd.f32 v37, v36;
	v31 =	vld [tilespmem:s7+$0x60]  }
0x401: {  	v25 =	vadd.f32 v35, v25;
	[tilespmem:v23+s28+$0x0] =	vst.idx.msk vm0, v32;
	v23 =	vld [tilespmem:s10+$0x60];
	(xrf2) =	vadd.scan.msk.f32 $0xffff, v24  }
0x402: {  	v24 =	vadd.f32 v26, v28;
	v26 =	vld [tilespmem:s18+$0xFFFFFFA0];
	v28 =	vand.u32 $0x7FFFFFFF, v30;
	v32, _, _ =	vpop (xrf2)  }
0x403: {  	s9 =	sadd.s32 $0x10, s9;
	v30 =	vmul.f32 v30, v4;
	v33 =	vld [tilespmem:s31+$0xFFFFFFA0];
	v28 =	vmul.f32 v28, v5;
	v27 =	vadd.f32 v27, v29  }
0x404: {  	s1 =	sadd.s32 $0xFFFFFFF1, s9;
	s25 =	sadd.s32 $0xFFFFFFF2, s9;
	s5 =	sadd.s32 $0xFFFFFFF9, s9;
	v29 =	vmul.f32 v25, v4;
	v25 =	vand.u32 $0x7FFFFFFF, v25;
	(xrf2) =	vadd.scan.msk.f32 $0xffff, v24;
	[tilespmem:v16+s14+$0x0] =	vst.idx.msk vm0, v32;
	v16 =	vmovc v22  }
0x405: {  	s22 =	sadd.s32 $0xFFFFFFF3, s9;
	s29 =	sadd.s32 $0xFFFFFFF4, s9;
	s4 =	sadd.s32 $0xFFFFFFF5, s9;
	v22 =	vmov s5;
	v24 =	vadd.f32 v28, v30;
	v28 =	vld [tilespmem:s17+$0xFFFFFFC0];
	v30 =	vand.u32 $0x7FFFFFFF, v27;
	v32, _, _ =	vpop (xrf2)  }
0x406: {  	s6 =	sadd.s32 $0xFFFFFFF7, s9;
	s20 =	sadd.s32 $0xFFFFFFF8, s9;
	s5 =	sadd.s32 $0xFFFFFFF6, s9;
	v27 =	vmul.f32 v27, v4;
	v34 =	vld [tilespmem:s13+$0xFFFFFFC0];
	v35 =	vmul.f32 v30, v5;
	v23 =	vadd.f32 v23, v31  }
0x407: {  	v25 =	vmul.f32 v25, v5;
	v22 =	vand.u32 $0xFFFFFFF8, v22;
	v31 =	vmov s1;
	(xrf2) =	vadd.scan.msk.f32 $0xffff, v24  }
0x408: {  	v22 =	vbroadcast v22, $0x0;
	v24 =	vadd.f32 v35, v27;
	v27 =	vand.u32 $0x7FFFFFFF, v23;
	v30, _, _ =	vpop (xrf2);
	[tilespmem:v9+s15+$0x0] =	vst.idx.msk vm0, v32  }
0x409: {  	v25 =	vadd.f32 v25, v29;
	s1 =	sadd.s32 $0xFFFFFFFB, s30;
	v23 =	vmul.f32 v23, v4;
	v9 =	vmovc v10;
	v27 =	vmul.f32 v27, v5;
	v29 =	vld [tilespmem:s11+$0xFFFFFFF0];
	s11 =	smov.u32 s7;
	s7 =	smov.u32 s17  }
0x40a: {  	v31 =	vand.u32 $0xFFFFFFF0, v31;
	v32 =	vmov s25;
	v35 =	vmov s1;
	v10 =	vmovc v12;
	(xrf2) =	vadd.scan.msk.f32 $0xffff, v24;
	v24 =	vld [tilespmem:s12+$0xFFFFFFF0];
	s12 =	smov.u32 s10;
	s10 =	smov.u32 s13;
	s13 =	smov.u32 s31  }
0x40b: {  	v31 =	vbroadcast v31, $0x0;
	v12 =	vand.u32 $0xFFFFFFFA, v35;
	s17 =	smov.u32 s18;
	s18 =	smov.u32 s24;
	s31 =	smov.u32 s0;
	[tilespmem:v13+s16+$0x0] =	vst.idx.msk vm0, v30;
	v27 =	vadd.f32 v27, v23;
	v13, _, _ =	vpop (xrf2)  }
0x40c: {  	v26 =	vadd.f32 v33, v26;
	s1 =	sadd.s32 $0xFFFFFFFD, s2;
	v23 =	vand.u32 $0xFFFFFFF1, v32;
	v30 =	vbroadcast v12, $0x0;
	v32 =	vld [tilespmem:s11+$0xFFFFFFE0];
	[tilespmem:v6+s8+$0x0] =	vst.idx.msk vm0, v13;
	v13 =	vmovc v14;
	s8 =	smov.u32 s15;
	s15 =	smov.u32 s16  }
0x40d: {  	v36 =	vmov s1;
	v23 =	vbroadcast v23, $0x0;
	v6 =	vmov s22;
	v14 =	vmovc v20;
	s16 =	smov.u32 s14;
	s14 =	smov.u32 s28;
	v33 =	vld [tilespmem:s12+$0xFFFFFFE0];
	(xrf2) =	vadd.scan.msk.f32 $0xffff, v27  }
0x40e: {  	s19 =	sadd.s32 $0x2, s19;
	v35 =	vand.u32 $0xFFFFFFFC, v36;
	v27 =	vmul.f32 v26, v4;
	v26 =	vand.u32 $0x7FFFFFFF, v26;
	v20, _, _ =	vpop (xrf2)  }
0x40f: {  	p1 =	slt.u32 s19, $0x3E;
	s1 =	sadd.s32 $0xFFFFFFFF, s23;
	v12 =	vmovc v19;
	v37 =	vand.u32 $0xFFFFFFF2, v6;
	[tilespmem:v22+s28+$0x0] =	vst.idx.msk vm0, v20;
	v20 =	vmul.f32 v26, v5;
	v26 =	vbroadcast v35, $0x0  }
0x410: {  	v19 =	vmov s29;
	v35 =	vbroadcast v37, $0x0;
	v22 =	vmov s1;
	v6 =	vmovc v7;
	v36 =	vld [tilespmem:s24+$0x10];
	(xrf2) =	vadd.scan.msk.f32 $0xffff, v25  }
0x411: {  	v37 =	vand.u32 $0xFFFFFFF3, v19;
	v19 =	vld [tilespmem:s0+$0x10];
	v20 =	vadd.f32 v20, v27;
	v25, _, _ =	vpop (xrf2);
	v27 =	vand.u32 $0xFFFFFFFE, v22  }
0x412: {  	v7 =	vmovc v8;
	v22 =	vbroadcast v37, $0x0;
	v37 =	vadd.f32 v34, v28;
	[tilespmem:v30+s14+$0x0] =	vst.idx.msk vm0, v25;
	v27 =	vbroadcast v27, $0x0  }
0x413: {  	v8 =	vmovc v11;
	v28 =	vmov s4;
	v30 =	vmov s5;
	v32 =	vadd.f32 v33, v32;
	v34 =	vld [tilespmem:s17+$0x30];
	(xrf2) =	vadd.scan.msk.f32 $0xffff, v20  }
0x414: {  	v39 =	vand.u32 $0xFFFFFFF4, v28;
	v40 =	vmul.f32 v37, v4;
	v20 =	vand.u32 $0x7FFFFFFF, v37;
	v28 =	vld [tilespmem:s13+$0x30];
	v25, _, _ =	vpop (xrf2)  }
0x415: {  	v11 =	vmovc v18;
	v37 =	vbroadcast v39, $0x0;
	v30 =	vand.u32 $0xFFFFFFF5, v30;
	v38 =	vmul.f32 v20, v5;
	[tilespmem:v26+s16+$0x0] =	vst.idx.msk vm0, v25  }
0x416: {  	v20 =	vbroadcast v30, $0x0;
	v18 =	vadd.f32 v19, v36;
	v26 =	vld [tilespmem:s7+$0x50];
	v19 =	vand.u32 $0x7FFFFFFF, v32  }
0x417: {  	v25 =	vadd.f32 v38, v40;
	v32 =	vmul.f32 v32, v4;
	v30 =	vld [tilespmem:s10+$0x50];
	v19 =	vmul.f32 v19, v5;
	v33, _, _ =	vpop (xrf2)  }
0x418: {  	v24 =	vadd.f32 v24, v29;
	v36 =	vmov s6;
	v38 =	vand.u32 $0x7FFFFFFF, v18;
	[tilespmem:v27+s15+$0x0] =	vst.idx.msk vm0, v33  }
0x419: {  	v18 =	vmul.f32 v18, v4;
	v27 =	vmul.f32 v38, v5;
	v28 =	vadd.f32 v28, v34;
	(xrf2) =	vadd.scan.msk.f32 $0xffff, v25;
	v29 =	vld [tilespmem:s11+$0x70]  }
0x41a: {  	v33 =	vand.u32 $0xFFFFFFF6, v36;
	v36 =	vand.u32 $0x7FFFFFFF, v24;
	v25 =	vadd.f32 v19, v32;
	v34, _, _ =	vpop (xrf2);
	v32 =	vld [tilespmem:s12+$0x70]  }
0x41b: {  	v19 =	vbroadcast v33, $0x0;
	[tilespmem:v31+s28+$0x0] =	vst.idx.msk vm0, v34;
	v34 =	vadd.f32 v27, v18;
	v27 =	vand.u32 $0x7FFFFFFF, v28  }
0x41c: {  	v28 =	vmul.f32 v28, v4;
	v31 =	vld [tilespmem:s24+$0xFFFFFF90];
	v27 =	vmul.f32 v27, v5;
	v26 =	vadd.f32 v30, v26  }
0x41d: {  	v24 =	vmul.f32 v24, v4;
	v33 =	vmov s20;
	v30 =	vld [tilespmem:s0+$0xFFFFFF90];
	(xrf2) =	vadd.scan.msk.f32 $0xffff, v34;
	v18, _, _ =	vpop (xrf2);
	v34 =	vmul.f32 v36, v5  }
0x41e: {  	v33 =	vand.u32 $0xFFFFFFF7, v33;
	[tilespmem:v21+s14+$0x0] =	vst.idx.msk vm0, v18;
	v27 =	vadd.f32 v27, v28;
	v18 =	vand.u32 $0x7FFFFFFF, v26;
	v21 =	vmovc v35  }
0x41f: {  	v26 =	vmul.f32 v26, v4;
	v28 =	vld [tilespmem:s17+$0xFFFFFFB0];
	v35 =	vmul.f32 v18, v5;
	v29 =	vadd.f32 v32, v29  }
0x420: {  	v18 =	vbroadcast v33, $0x0;
	v24 =	vadd.f32 v34, v24;
	v32 =	vld [tilespmem:s13+$0xFFFFFFB0];
	(xrf2) =	vadd.scan.msk.f32 $0xffff, v27  }
0x421: {  	v26 =	vadd.f32 v35, v26;
	v27 =	vand.u32 $0x7FFFFFFF, v29  }
0x422: {  	v29 =	vmul.f32 v29, v4;
	v30 =	vadd.f32 v30, v31;
	v27 =	vmul.f32 v27, v5  }
0x423: {  	v31, _, _ =	vpop (xrf2);
	(xrf2) =	vadd.scan.msk.f32 $0xffff, v26  }
0x424: {  	s1 =	sadd.s32 $0xFFFFFFFA, s9;
	v26 =	vmul.f32 v30, v4;
	v30 =	vand.u32 $0x7FFFFFFF, v30;
	[tilespmem:v15+s16+$0x0] =	vst.idx.msk vm0, v31;
	v27 =	vadd.f32 v27, v29  }
0x425: {  	v15 =	vmovc v17;
	v17 =	vmovc v37;
	v33 =	vmul.f32 v30, v5;
	v30 =	vmov s1;
	v32 =	vadd.f32 v32, v28;
	v28 =	vld [tilespmem:s7+$0xFFFFFFD0]  }
.Ltmp5:
0x426: {  	v30 =	vand.u32 $0xFFFFFFF9, v30;
	v31 =	vld [tilespmem:s10+$0xFFFFFFD0];
	(xrf2) =	vadd.scan.msk.f32 $0xffff, v27;
	(pc) =	sbr.rel @p1 .LBB2_11-.Ltmp5, $4  }
0x427: {  	s1 =	sadd.s32 $0xFFFFFFFC, s30;
	v26 =	vadd.f32 v33, v26;
	v30 =	vbroadcast v30, $0x0;
	v29, _, _ =	vpop (xrf2);
	v27 =	vand.u32 $0x7FFFFFFF, v32  }
0x428: {  	v32 =	vmul.f32 v32, v4;
	v33 =	vmov s1;
	v34 =	vmul.f32 v27, v5  }
0x429: {  	(xrf2) =	vadd.scan.msk.f32 $0xffff, v26;
	v26 =	vand.u32 $0xFFFFFFFB, v33  }
0x42a: {  	s4 =	sadd.s32 $0xFFFFFFFE, s2;
	s24 =	sadd.s32 $0x100, s24;
	v32 =	vadd.f32 v34, v32;
	v26 =	vbroadcast v26, $0x0;
	v27, _, _ =	vpop (xrf2)  }
0x42b: {  	_ =	sdelay $0x4  }
0x42c: {  	[tilespmem:v30+s28+$0x0] =	vst.idx.msk vm0, v29  }
0x42d: {  	v29 =	vld [tilespmem:s18+$0x20]  }
0x42e: {  	v30 =	vld [tilespmem:s31+$0x20];
	_ =	sdelay $0x2  }
0x42f: {  	v28 =	vadd.f32 v31, v28;
	_ =	sdelay $0x1  }
0x430: {  	v31 =	vand.u32 $0x7FFFFFFF, v28;
	v29 =	vadd.f32 v30, v29  }
0x431: {  	v28 =	vmul.f32 v28, v4;
	v37 =	vmul.f32 v31, v5  }
0x432: {  	v38 =	vand.u32 $0x7FFFFFFF, v29  }
0x433: {  	(xrf2) =	vadd.scan.msk.f32 $0xffff, v32;
	v28 =	vadd.f32 v37, v28;
	v29 =	vmul.f32 v29, v4;
	v39 =	vmul.f32 v38, v5  }
0x434: {  	v40 =	vmov s4;
	(xrf2) =	vadd.scan.msk.f32 $0xffff, v25  }
0x435: {  	v41 =	vand.u32 $0xFFFFFFFD, v40;
	(xrf2) =	vadd.scan.msk.f32 $0xffff, v28;
	v42 =	vadd.f32 v39, v29  }
0x436: {  	v25 =	vbroadcast v41, $0x0;
	(xrf2) =	vadd.scan.msk.f32 $0xffff, v24  }
0x437: {  	(xrf2) =	vadd.scan.msk.f32 $0xffff, v42;
	_ =	sdelay $0x1  }
0x438: {  	s0 =	sadd.s32 $0xFFFFFFFB, s9  }
0x439: {  	[tilespmem:v26+s14+$0x0] =	vst.idx.msk vm0, v27;
	v44 =	vmov s0;
	v43, _, _ =	vpop (xrf2)  }
0x43a: {  	v27 =	vld [tilespmem:s17+$0x40];
	v26 =	vand.u32 $0xFFFFFFFA, v44;
	v24, _, _ =	vpop (xrf2)  }
0x43b: {  	v45 =	vld [tilespmem:s13+$0x40];
	v47 =	vbroadcast v26, $0x0;
	[tilespmem:v25+s16+$0x0] =	vst.idx.msk vm0, v43;
	v46, _, _ =	vpop (xrf2)  }
0x43c: {  	v48 =	vld [tilespmem:s7+$0x60];
	v49, _, _ =	vpop (xrf2)  }
0x43d: {  	v50 =	vld [tilespmem:s10+$0x60];
	[tilespmem:v23+s28+$0x0] =	vst.idx.msk vm0, v46;
	v51, _, _ =	vpop (xrf2)  }
0x43e: {  	v52 =	vld [tilespmem:s18+$0xFFFFFFA0];
	v53, _, _ =	vpop (xrf2)  }
0x43f: {  	v33 =	vld [tilespmem:s31+$0xFFFFFFA0];
	[tilespmem:v16+s14+$0x0] =	vst.idx.msk vm0, v49;
	v16, _, _ =	vpop (xrf2)  }
0x440: {  	v27 =	vadd.f32 v45, v27;
	v28 =	vld [tilespmem:s17+$0xFFFFFFC0];
	v54, _, _ =	vpop (xrf2)  }
0x441: {  	v34 =	vld [tilespmem:s13+$0xFFFFFFC0];
	[tilespmem:v47+s28+$0x0] =	vst.idx.msk vm0, v54  }
0x442: {  	v55 =	vand.u32 $0x7FFFFFFF, v27;
	v23 =	vadd.f32 v50, v48;
	v56 =	vld [tilespmem:s18+$0x30]  }
0x443: {  	v27 =	vmul.f32 v27, v4;
	v25 =	vmul.f32 v55, v5;
	v29 =	vld [tilespmem:s31+$0x30]  }
0x444: {  	v31 =	vadd.f32 v33, v52;
	v57 =	vand.u32 $0x7FFFFFFF, v23  }
0x445: {  	v25 =	vadd.f32 v25, v27;
	v23 =	vmul.f32 v23, v4;
	v58 =	vmul.f32 v57, v5  }
0x446: {  	v59 =	vand.u32 $0x7FFFFFFF, v31;
	v28 =	vadd.f32 v34, v28  }
0x447: {  	s5 =	sadd.s32 $0xFFFFFFFD, s30;
	(xrf2) =	vadd.scan.msk.f32 $0xffff, v25;
	v60 =	vmul.f32 v31, v4;
	v23 =	vadd.f32 v58, v23;
	v61 =	vmul.f32 v59, v5  }
0x448: {  	v62 =	vmov s5;
	v63 =	vand.u32 $0x7FFFFFFF, v28;
	v26 =	vadd.f32 v29, v56  }
0x449: {  	v37 =	vmul.f32 v28, v4;
	(xrf2) =	vadd.scan.msk.f32 $0xffff, v23;
	v36 =	vadd.f32 v61, v60;
	v38 =	vmul.f32 v63, v5  }
0x44a: {  	v39 =	vand.u32 $0xFFFFFFFC, v62;
	v29 =	vand.u32 $0x7FFFFFFF, v26  }
0x44b: {  	s6 =	sadd.s32 $0xFFFFFFFF, s2;
	(xrf2) =	vadd.scan.msk.f32 $0xffff, v36;
	v40 =	vadd.f32 v38, v37;
	v41 =	vmul.f32 v26, v4;
	v42 =	vmul.f32 v29, v5  }
0x44c: {  	v44 =	vmov s6;
	v43 =	vbroadcast v39, $0x0  }
0x44d: {  	v28 =	vand.u32 $0xFFFFFFFE, v44;
	(xrf2) =	vadd.scan.msk.f32 $0xffff, v40;
	v45 =	vadd.f32 v42, v41  }
0x44e: {  	[tilespmem:v9+s15+$0x0] =	vst.idx.msk vm0, v51;
	v46 =	vbroadcast v28, $0x0  }
0x44f: {  	v48 =	vld [tilespmem:s12+$0xFFFFFFF0];
	[tilespmem:v13+s16+$0x0] =	vst.idx.msk vm0, v53;
	(xrf2) =	vadd.scan.msk.f32 $0xffff, v45  }
0x450: {  	v13 =	vld [tilespmem:s7+$0xFFFFFFE0]  }
0x451: {  	s19 =	sadd.s32 $0xFFFFFFFC, s9;
	v50 =	vld [tilespmem:s10+$0xFFFFFFE0];
	v49, _, _ =	vpop (xrf2)  }
0x452: {  	v51 =	vmov s19;
	v47 =	vld [tilespmem:s11+$0xFFFFFFF0];
	[tilespmem:v43+s14+$0x0] =	vst.idx.msk vm0, v49  }
0x453: {  	v27 =	vld [tilespmem:s17+$0x50];
	v52, _, _ =	vpop (xrf2);
	v26 =	vand.u32 $0xFFFFFFFB, v51  }
0x454: {  	v53 =	vld [tilespmem:s13+$0x50];
	[tilespmem:v46+s16+$0x0] =	vst.idx.msk vm0, v52;
	v54 =	vbroadcast v26, $0x0  }
0x455: {  	v55 =	vld [tilespmem:s7+$0x70];
	v56, _, _ =	vpop (xrf2)  }
0x456: {  	v57 =	vld [tilespmem:s10+$0x70];
	[tilespmem:v21+s28+$0x0] =	vst.idx.msk vm0, v56  }
0x457: {  	v21 =	vld [tilespmem:s18+$0xFFFFFFB0];
	v58, _, _ =	vpop (xrf2)  }
0x458: {  	v29 =	vld [tilespmem:s31+$0xFFFFFFB0];
	[tilespmem:v15+s14+$0x0] =	vst.idx.msk vm0, v58  }
0x459: {  	v13 =	vadd.f32 v50, v13;
	v23 =	vadd.f32 v48, v47;
	v28 =	vld [tilespmem:s17+$0xFFFFFFD0];
	v60, _, _ =	vpop (xrf2)  }
0x45a: {  	v62 =	vadd.f32 v53, v27;
	v61 =	vld [tilespmem:s13+$0xFFFFFFD0];
	[tilespmem:v54+s28+$0x0] =	vst.idx.msk vm0, v60  }
0x45b: {  	v59 =	vand.u32 $0x7FFFFFFF, v13;
	v13 =	vmul.f32 v13, v4;
	v36 =	vand.u32 $0x7FFFFFFF, v23;
	v63 =	vld [tilespmem:s18+$0x40]  }
0x45c: {  	v23 =	vmul.f32 v23, v4;
	v38 =	vand.u32 $0x7FFFFFFF, v62;
	v26 =	vadd.f32 v57, v55;
	v37 =	vld [tilespmem:s31+$0x40]  }
0x45d: {  	v9 =	vmul.f32 v62, v4;
	v39 =	vmul.f32 v38, v5;
	v21 =	vadd.f32 v29, v21  }
0x45e: {  	v15 =	vmul.f32 v59, v5;
	v40 =	vand.u32 $0x7FFFFFFF, v26;
	v26 =	vmul.f32 v26, v4  }
0x45f: {  	v31 =	vmul.f32 v40, v5;
	v41 =	vand.u32 $0x7FFFFFFF, v21;
	v25 =	vadd.f32 v61, v28  }
0x460: {  	v9 =	vadd.f32 v39, v9;
	v21 =	vmul.f32 v21, v4;
	v42 =	vmul.f32 v41, v5  }
0x461: {  	v26 =	vadd.f32 v31, v26;
	v43 =	vand.u32 $0x7FFFFFFF, v25;
	v27 =	vadd.f32 v37, v63  }
0x462: {  	(xrf2) =	vadd.scan.msk.f32 $0xffff, v9;
	v45 =	vmul.f32 v25, v4;
	v44 =	vadd.f32 v42, v21;
	v46 =	vmul.f32 v43, v5  }
0x463: {  	v13 =	vadd.f32 v15, v13;
	v15 =	vmul.f32 v36, v5;
	(xrf2) =	vadd.scan.msk.f32 $0xffff, v26;
	v47 =	vand.u32 $0x7FFFFFFF, v27  }
0x464: {  	(xrf2) =	vadd.scan.msk.f32 $0xffff, v44;
	v48 =	vadd.f32 v46, v45;
	v49 =	vmul.f32 v27, v4;
	v50 =	vmul.f32 v47, v5  }
0x465: {  	v15 =	vadd.f32 v15, v23;
	(xrf2) =	vadd.scan.msk.f32 $0xffff, v13  }
0x466: {  	s20 =	sadd.s32 $0xFFFFFFFE, s30;
	(xrf2) =	vadd.scan.msk.f32 $0xffff, v48;
	v51 =	vadd.f32 v50, v49  }
0x467: {  	v52 =	vmov s20;
	(xrf2) =	vadd.scan.msk.f32 $0xffff, v15  }
0x468: {  	v13 =	vand.u32 $0xFFFFFFFD, v52;
	(xrf2) =	vadd.scan.msk.f32 $0xffff, v51  }
0x469: {  	v13 =	vbroadcast v13, $0x0  }
0x46a: {  	s22 =	sadd.s32 $0xFFFFFFFD, s9  }
0x46b: {  	v53 =	vmov s22  }
0x46c: {  	v55 =	vand.u32 $0xFFFFFFFC, v53;
	v54, _, _ =	vpop (xrf2)  }
0x46d: {  	v21 =	vbroadcast v55, $0x0;
	v9, _, _ =	vpop (xrf2)  }
0x46e: {  	v56, _, _ =	vpop (xrf2)  }
0x46f: {  	[tilespmem:v13+s14+$0x0] =	vst.idx.msk vm0, v54;
	v57, _, _ =	vpop (xrf2)  }
0x470: {  	v58 =	vld [tilespmem:s17+$0x60];
	v59, _, _ =	vpop (xrf2)  }
0x471: {  	v60 =	vld [tilespmem:s13+$0x60];
	[tilespmem:v22+s28+$0x0] =	vst.idx.msk vm0, v56;
	v13, _, _ =	vpop (xrf2)  }
0x472: {  	v22 =	vld [tilespmem:s18+$0xFFFFFFC0];
	v61, _, _ =	vpop (xrf2)  }
0x473: {  	v62 =	vld [tilespmem:s31+$0xFFFFFFC0];
	[tilespmem:v21+s28+$0x0] =	vst.idx.msk vm0, v61  }
0x474: {  	v21 =	vld [tilespmem:s18+$0x50]  }
0x475: {  	v23 =	vld [tilespmem:s31+$0x50]  }
0x476: {  	v25 =	vadd.f32 v60, v58;
	_ =	sdelay $0x1  }
0x477: {  	v27 =	vand.u32 $0x7FFFFFFF, v25;
	v22 =	vadd.f32 v62, v22  }
0x478: {  	v25 =	vmul.f32 v25, v4;
	v27 =	vmul.f32 v27, v5  }
0x479: {  	v28 =	vand.u32 $0x7FFFFFFF, v22;
	v21 =	vadd.f32 v23, v21  }
0x47a: {  	v63 =	vadd.f32 v27, v25;
	v22 =	vmul.f32 v22, v4;
	v30 =	vmul.f32 v28, v5  }
0x47b: {  	v31 =	vand.u32 $0x7FFFFFFF, v21  }
0x47c: {  	(xrf2) =	vadd.scan.msk.f32 $0xffff, v63;
	v22 =	vadd.f32 v30, v22;
	v21 =	vmul.f32 v21, v4;
	v32 =	vmul.f32 v31, v5;
	_ =	sdelay $0x1  }
0x47d: {  	s24 =	sadd.s32 $0xFFFFFFFF, s30;
	(xrf2) =	vadd.scan.msk.f32 $0xffff, v22;
	v21 =	vadd.f32 v32, v21  }
0x47e: {  	v33 =	vmov s24  }
0x47f: {  	v22 =	vand.u32 $0xFFFFFFFE, v33;
	(xrf2) =	vadd.scan.msk.f32 $0xffff, v21  }
0x480: {  	v34 =	vbroadcast v22, $0x0  }
0x481: {  	s25 =	sadd.s32 $0xFFFFFFFE, s9  }
0x482: {  	v35 =	vmov s25;
	[tilespmem:v10+s16+$0x0] =	vst.idx.msk vm0, v57  }
0x483: {  	v10 =	vand.u32 $0xFFFFFFFD, v35;
	v15 =	vld [tilespmem:s7+$0xFFFFFFF0]  }
0x484: {  	v36 =	vld [tilespmem:s10+$0xFFFFFFF0];
	[tilespmem:v14+s14+$0x0] =	vst.idx.msk vm0, v59;
	v10 =	vbroadcast v10, $0x0  }
0x485: {  	v14 =	vld [tilespmem:s17+$0xFFFFFFE0];
	v37, _, _ =	vpop (xrf2)  }
0x486: {  	v38 =	vld [tilespmem:s13+$0xFFFFFFE0];
	[tilespmem:v34+s14+$0x0] =	vst.idx.msk vm0, v37  }
0x487: {  	v40 =	vld [tilespmem:s13+$0x70];
	v39, _, _ =	vpop (xrf2)  }
0x488: {  	[tilespmem:v17+s28+$0x0] =	vst.idx.msk vm0, v39;
	v21 =	vld [tilespmem:s17+$0x70]  }
0x489: {  	v17 =	vld [tilespmem:s18+$0xFFFFFFD0];
	v41, _, _ =	vpop (xrf2)  }
0x48a: {  	v42 =	vld [tilespmem:s31+$0xFFFFFFD0];
	[tilespmem:v10+s28+$0x0] =	vst.idx.msk vm0, v41  }
0x48b: {  	v44 =	vld [tilespmem:s18+$0x60]  }
0x48c: {  	v15 =	vadd.f32 v36, v15;
	v43 =	vadd.f32 v38, v14;
	v23 =	vld [tilespmem:s31+$0x60]  }
0x48d: {  	v21 =	vadd.f32 v40, v21  }
0x48e: {  	v46 =	vand.u32 $0x7FFFFFFF, v15;
	v15 =	vmul.f32 v15, v4;
	v25 =	vand.u32 $0x7FFFFFFF, v43  }
0x48f: {  	v25 =	vmul.f32 v25, v5;
	v17 =	vadd.f32 v42, v17;
	v45 =	vand.u32 $0x7FFFFFFF, v21  }
0x490: {  	v21 =	vmul.f32 v21, v4;
	v22 =	vmul.f32 v45, v5  }
0x491: {  	v47 =	vand.u32 $0x7FFFFFFF, v17;
	v10 =	vmul.f32 v43, v4;
	v14 =	vadd.f32 v23, v44  }
0x492: {  	v17 =	vmul.f32 v17, v4;
	v48 =	vmul.f32 v47, v5;
	v21 =	vadd.f32 v22, v21  }
0x493: {  	v49 =	vmul.f32 v46, v5;
	v10 =	vadd.f32 v25, v10;
	v50 =	vand.u32 $0x7FFFFFFF, v14  }
0x494: {  	v17 =	vadd.f32 v48, v17;
	(xrf2) =	vadd.scan.msk.f32 $0xffff, v21;
	v14 =	vmul.f32 v14, v4;
	v51 =	vmul.f32 v50, v5  }
0x495: {  	v15 =	vadd.f32 v49, v15;
	(xrf2) =	vadd.scan.msk.f32 $0xffff, v10  }
0x496: {  	(xrf2) =	vadd.scan.msk.f32 $0xffff, v17;
	v52 =	vadd.f32 v51, v14  }
0x497: {  	(xrf2) =	vadd.scan.msk.f32 $0xffff, v15  }
0x498: {  	(xrf2) =	vadd.scan.msk.f32 $0xffff, v52;
	_ =	sdelay $0x1  }
0x499: {  	s29 =	sadd.s32 $0xFFFFFFFF, s9  }
0x49a: {  	v53 =	vmov s29  }
0x49b: {  	v10 =	vand.u32 $0xFFFFFFFE, v53  }
0x49c: {  	v10 =	vbroadcast v10, $0x0  }
0x49d: {  	v54, _, _ =	vpop (xrf2)  }
0x49e: {  	v55, _, _ =	vpop (xrf2)  }
0x49f: {  	v17, _, _ =	vpop (xrf2)  }
0x4a0: {  	v56, _, _ =	vpop (xrf2)  }
0x4a1: {  	[tilespmem:v20+s28+$0x0] =	vst.idx.msk vm0, v17;
	v57, _, _ =	vpop (xrf2)  }
0x4a2: {  	v20 =	vld [tilespmem:s18+$0xFFFFFFE0];
	[tilespmem:v10+s28+$0x0] =	vst.idx.msk vm0, v57  }
0x4a3: {  	v10 =	vld [tilespmem:s18+$0x70]  }
0x4a4: {  	v17 =	vld [tilespmem:s31+$0x70]  }
0x4a5: {  	v58 =	vld [tilespmem:s31+$0xFFFFFFE0];
	_ =	sdelay $0x3  }
0x4a6: {  	v10 =	vadd.f32 v17, v10  }
0x4a7: {  	v59 =	vadd.f32 v58, v20  }
0x4a8: {  	v60 =	vand.u32 $0x7FFFFFFF, v10  }
0x4a9: {  	v22 =	vand.u32 $0x7FFFFFFF, v59;
	v10 =	vmul.f32 v10, v4;
	v20 =	vmul.f32 v60, v5  }
0x4aa: {  	v22 =	vmul.f32 v22, v5;
	v17 =	vmul.f32 v59, v4  }
0x4ab: {  	v10 =	vadd.f32 v20, v10  }
0x4ac: {  	v17 =	vadd.f32 v22, v17  }
0x4ad: {  	(xrf2) =	vadd.scan.msk.f32 $0xffff, v10  }
0x4ae: {  	(xrf2) =	vadd.scan.msk.f32 $0xffff, v17;
	_ =	sdelay $0x8  }
0x4af: {  	[tilespmem:v12+s14+$0x0] =	vst.idx.msk vm0, v55;
	v10, _, _ =	vpop (xrf2)  }
0x4b0: {  	v12 =	vld [tilespmem:s17+$0xFFFFFFF0];
	v61, _, _ =	vpop (xrf2)  }
0x4b1: {  	v62 =	vld [tilespmem:s13+$0xFFFFFFF0];
	[tilespmem:v19+s28+$0x0] =	vst.idx.msk vm0, v61  }
0x4b2: {  	v15 =	vld [tilespmem:s18+$0xFFFFFFF0]  }
0x4b3: {  	v19 =	vld [tilespmem:s31+$0xFFFFFFF0];
	_ =	sdelay $0x3  }
0x4b4: {  	v12 =	vadd.f32 v62, v12  }
0x4b5: {  	v15 =	vadd.f32 v19, v15  }
0x4b6: {  	v17 =	vand.u32 $0x7FFFFFFF, v12  }
0x4b7: {  	v12 =	vmul.f32 v12, v4;
	v17 =	vmul.f32 v17, v5;
	v19 =	vand.u32 $0x7FFFFFFF, v15  }
0x4b8: {  	v4 =	vmul.f32 v15, v4;
	v5 =	vmul.f32 v19, v5  }
0x4b9: {  	v12 =	vadd.f32 v17, v12  }
0x4ba: {  	v4 =	vadd.f32 v5, v4  }
0x4bb: {  	(xrf2) =	vadd.scan.msk.f32 $0xffff, v12  }
0x4bc: {  	v63 =	vmov s23;
	(xrf2) =	vadd.scan.msk.f32 $0xffff, v4;
	_ =	sdelay $0x1  }
0x4bd: {  	[tilespmem:v6+s8+$0x0] =	vst.idx.msk vm0, v16;
	v6 =	vmov s9  }
0x4be: {  	v5 =	vmov s2  }
0x4bf: {  	[tilespmem:v7+s15+$0x0] =	vst.idx.msk vm0, v13;
	v4 =	vmov s30  }
0x4c0: {  	[tilespmem:v63+s15+$0x0] =	vst.idx.msk vm0, v24  }
0x4c1: {  	[tilespmem:v8+s16+$0x0] =	vst.idx.msk vm0, v56  }
0x4c2: {  	[tilespmem:v6+s28+$0x0] =	vst.idx.msk vm0, v10  }
0x4c3: {  	p1 =	por $0x0, $0x0;
	[tilespmem:v5+s16+$0x0] =	vst.idx.msk vm0, v9  }
.Ltmp6:
0x4c4: {  	[tilespmem:v4+s14+$0x0] =	vst.idx.msk vm0, v54;
	v4, _, _ =	vpop (xrf2);
	(pc) =	sbr.rel @p1 .LBB2_14-.Ltmp6, $4  }
0x4c5: {  	[tilespmem:v11+s14+$0x0] =	vst.idx.msk vm0, v4;
	v4, _, _ =	vpop (xrf2)  }
0x4c6: {  	[tilespmem:v18+s28+$0x0] =	vst.idx.msk vm0, v4  }
0x4c7: {  	s0 =	simm.s32 $0x0;
	s9 =	rddreg [dreg:$0x13]  }
0x4c8: {  	s6 =	simm.s32 $0x1BD00;
	s2 =	simm.s32 $0x10;
	v4 =	vld [tilespmem:s28+$0x0];
	s5 =	rddreg [dreg:$0x15]  }
.LBB2_13:
0x4c9: {  	p1 =	seq.s32 s2, $0x1F0;
	_ =	sdelay $0x3  }
0x4ca: {  	v4 =	vmul.f32 $1.442695020e+00, v4;
	_ =	sdelay $0x1  }
0x4cb: {  	(erf) = vpow2.f32 v4  }
0x4cc: {  	v4 =	vmov s0;
	s0 =	smov.u32 s2  }
0x4cd: {  	v4 =	vshll.u32 v4, $0x4  }
0x4ce: {  	v4 =	vor.u32 v1, v4  }
0x4cf: {  	v5 =	vor.u32 $0x2000, v2;
	v4 =	vand.u32 $0x1F80, v4  }
0x4d0: {  	v4 =	vor.u32 v5, v4;
	_ =	sdelay $0x1  }
.Ltmp7:
0x4d1: {  	(pc) =	sbr.rel @!p1 .LBB2_13-.Ltmp7, $4  }
0x4d2: {  	_ = 	snop  }
0x4d3: {  	v5 =	vpop (erf)  }
0x4d4: {  	s28 =	sadd.s32 $0x10, s28;
	[tilespmem:v4+s6+$0x0] =	vst.idx.msk $0xffff, v5  }
0x4d5: {  	s2 =	sadd.s32 $0x10, s2;
	v4 =	vld [tilespmem:s28+$0x0]  }
.LBB2_14:
0x4d6: {  	_ =	sdelay $0x3  }
0x4d7: {  	v4 =	vmul.f32 $1.442695020e+00, v4;
	_ =	sdelay $0x1  }
0x4d8: {  	(erf) = vpow2.f32 v4  }
0x4d9: {  	v4 =	vmov s0  }
0x4da: {  	v4 =	vshll.u32 v4, $0x4  }
0x4db: {  	v4 =	vor.u32 v1, v4  }
0x4dc: {  	v5 =	vor.u32 $0x2000, v2;
	v4 =	vand.u32 $0x1F80, v4  }
0x4dd: {  	v4 =	vor.u32 v5, v4;
	_ =	sdelay $0x3  }
0x4de: {  	s28 =	simm.s32 $0x0;
	v5 =	vpop (erf)  }
0x4df: {  	[tilespmem:v4+s6+$0x0] =	vst.idx.msk $0xffff, v5;
	v5 =	vmov s28  }
0x4e0: {  	v6 =	vor.u32 $0x1, v5;
	_ =	sdelay $0x1  }
0x4e1: {  	v7 =	vor.u32 s28, v3;
	_ =	sdelay $0x1  }
0x4e2: {  	v8 =	vmul.u32 $0x80, v3;
	v9 =	vld.idx.msk [tilespmem:v5+s26+$0x0], $0xffff  }
0x4e3: {  	v6 =	vld.idx.msk [tilespmem:v6+s26+$0x0], $0xffff  }
0x4e4: {  	v10 =	vshll.u32 v5, $0x7;
	v5 =	vor.u32 $0x2000, v8  }
0x4e5: {  	s25 =	rddreg [dreg:$0xe];
	v7 =	vld.idx.msk [tilespmem:v7+s26+$0x0], $0xffff;
	v8 =	vadd.s32 v5, v10  }
0x4e6: {  	s0 =	sadd.s32 s5, s25;
	v8 =	vor.u32 v2, v8  }
0x4e7: {  	v4 =	vmov s0  }
0x4e8: {  	v10 =	vor.u32 s28, v4;
	vm3 =	vne.s32 v9, v6  }
0x4e9: {  	vm4 =	vlt.u32 v10, $0x27100;
	vm5 =	veq.s32 v9, v6;
	vm3 =	vmor vm3, vm1  }
0x4ea: {  	v6 =	vshll.u32 v7, $0x3;
	vm3 =	vmand vm4, vm3;
	vm4 =	vmand vm4, vm5  }
0x4eb: {  	v7 =	vld.idx.msk [tilespmem:v8+s6+$0x0], $0xffff;
	v6 =	vor.u32 v2, v6;
	vm4 =	vmand vm4, vm2  }
0x4ec: {  	s29 =	simm.s32 $0x2  }
0x4ed: {  	v8 =	vmov s29  }
0x4ee: {  	v9 =	vor.u32 $0x1, v8;
	_ =	sdelay $0x1  }
0x4ef: {  	v10 =	vor.u32 s29, v3;
	[tilespmem:v6+s3+$0x0] =	vst.idx.add.f32.msk vm3, v7  }
0x4f0: {  	[tilespmem:v6+s3+$0x0] =	vst.idx.add.f32.msk vm4, v7  }
0x4f1: {  	v6 =	vld.idx.msk [tilespmem:v8+s26+$0x0], $0xffff  }
0x4f2: {  	v7 =	vld.idx.msk [tilespmem:v9+s26+$0x0], $0xffff  }
0x4f3: {  	v8 =	vshll.u32 v8, $0x7  }
0x4f4: {  	v9 =	vld.idx.msk [tilespmem:v10+s26+$0x0], $0xffff;
	v8 =	vadd.s32 v5, v8  }
0x4f5: {  	v8 =	vor.u32 v2, v8;
	_ =	sdelay $0x1  }
0x4f6: {  	v10 =	vor.u32 s29, v4;
	vm3 =	vne.s32 v6, v7  }
0x4f7: {  	vm4 =	vlt.u32 v10, $0x27100;
	vm5 =	veq.s32 v6, v7;
	vm3 =	vmor vm3, vm1  }
0x4f8: {  	v6 =	vshll.u32 v9, $0x3;
	vm3 =	vmand vm4, vm3;
	vm4 =	vmand vm4, vm5  }
0x4f9: {  	v6 =	vor.u32 v2, v6;
	v7 =	vld.idx.msk [tilespmem:v8+s6+$0x0], $0xffff;
	vm4 =	vmand vm4, vm2  }
0x4fa: {  	s30 =	simm.s32 $0x4  }
0x4fb: {  	v8 =	vmov s30  }
0x4fc: {  	v9 =	vor.u32 $0x1, v8;
	_ =	sdelay $0x1  }
0x4fd: {  	v10 =	vor.u32 s30, v3;
	[tilespmem:v6+s3+$0x0] =	vst.idx.add.f32.msk vm3, v7  }
0x4fe: {  	[tilespmem:v6+s3+$0x0] =	vst.idx.add.f32.msk vm4, v7  }
0x4ff: {  	v6 =	vld.idx.msk [tilespmem:v8+s26+$0x0], $0xffff  }
0x500: {  	v7 =	vld.idx.msk [tilespmem:v9+s26+$0x0], $0xffff  }
0x501: {  	v8 =	vshll.u32 v8, $0x7  }
0x502: {  	v9 =	vld.idx.msk [tilespmem:v10+s26+$0x0], $0xffff;
	v8 =	vadd.s32 v5, v8  }
0x503: {  	v8 =	vor.u32 v2, v8;
	_ =	sdelay $0x1  }
0x504: {  	v10 =	vor.u32 s30, v4;
	vm3 =	vne.s32 v6, v7  }
0x505: {  	vm4 =	vlt.u32 v10, $0x27100;
	vm5 =	veq.s32 v6, v7;
	vm3 =	vmor vm3, vm1  }
0x506: {  	v6 =	vshll.u32 v9, $0x3;
	vm3 =	vmand vm4, vm3;
	vm4 =	vmand vm4, vm5  }
0x507: {  	v6 =	vor.u32 v2, v6;
	v7 =	vld.idx.msk [tilespmem:v8+s6+$0x0], $0xffff;
	vm4 =	vmand vm4, vm2  }
0x508: {  	s31 =	simm.s32 $0x6  }
0x509: {  	v8 =	vmov s31  }
0x50a: {  	v9 =	vor.u32 $0x1, v8;
	_ =	sdelay $0x1  }
0x50b: {  	v10 =	vor.u32 s31, v3;
	[tilespmem:v6+s3+$0x0] =	vst.idx.add.f32.msk vm3, v7  }
0x50c: {  	[tilespmem:v6+s3+$0x0] =	vst.idx.add.f32.msk vm4, v7  }
0x50d: {  	v6 =	vld.idx.msk [tilespmem:v8+s26+$0x0], $0xffff  }
0x50e: {  	v7 =	vld.idx.msk [tilespmem:v9+s26+$0x0], $0xffff  }
0x50f: {  	v8 =	vshll.u32 v8, $0x7  }
0x510: {  	s1 =	simm.s32 $0x10;
	v9 =	vld.idx.msk [tilespmem:v10+s26+$0x0], $0xffff;
	v8 =	vadd.s32 v5, v8  }
0x511: {  	v11 =	vor.u32 s31, v4;
	v10 =	vmov s1;
	v8 =	vor.u32 v2, v8  }
0x512: {  	v12 =	vor.u32 s1, v3;
	vm3 =	vlt.u32 v11, $0x27100;
	v13 =	vshll.u32 v10, $0x7  }
0x513: {  	v11 =	vor.u32 $0x1, v10;
	v13 =	vadd.s32 v5, v13;
	vm4 =	vne.s32 v6, v7  }
0x514: {  	v13 =	vor.u32 v2, v13;
	vm5 =	veq.s32 v6, v7;
	vm4 =	vmor vm4, vm1  }
0x515: {  	v6 =	vshll.u32 v9, $0x3;
	vm4 =	vmand vm3, vm4;
	vm3 =	vmand vm3, vm5  }
0x516: {  	v6 =	vor.u32 v2, v6;
	v7 =	vld.idx.msk [tilespmem:v8+s6+$0x0], $0xffff;
	vm3 =	vmand vm3, vm2  }
0x517: {  	s8 =	simm.s32 $0x8;
	v12 =	vld.idx.msk [tilespmem:v12+s26+$0x0], $0xffff  }
0x518: {  	v9 =	vld.idx.msk [tilespmem:v10+s26+$0x0], $0xffff;
	v8 =	vmov s8  }
0x519: {  	v10 =	vld.idx.msk [tilespmem:v11+s26+$0x0], $0xffff;
	v14 =	vor.u32 $0x1, v8  }
0x51a: {  	v11 =	vld.idx.msk [tilespmem:v13+s6+$0x0], $0xffff  }
0x51b: {  	v15 =	vor.u32 s8, v3;
	[tilespmem:v6+s3+$0x0] =	vst.idx.add.f32.msk vm4, v7  }
0x51c: {  	v13 =	vshll.u32 v8, $0x7;
	[tilespmem:v6+s3+$0x0] =	vst.idx.add.f32.msk vm3, v7;
	v6 =	vor.u32 s1, v4  }
0x51d: {  	v7 =	vld.idx.msk [tilespmem:v8+s26+$0x0], $0xffff;
	vm4 =	vlt.u32 v6, $0x27100;
	v6 =	vadd.s32 v5, v13  }
0x51e: {  	vm3 =	vne.s32 v9, v10;
	v8 =	vld.idx.msk [tilespmem:v14+s26+$0x0], $0xffff  }
0x51f: {  	v12 =	vshll.u32 v12, $0x3;
	vm5 =	veq.s32 v9, v10;
	vm3 =	vmor vm3, vm1  }
0x520: {  	s2 =	simm.s32 $0xE;
	s7 =	simm.s32 $0x2E;
	s0 =	simm.s32 $0x1E;
	v9 =	vld.idx.msk [tilespmem:v15+s26+$0x0], $0xffff;
	v10 =	vor.u32 v2, v6;
	vm3 =	vmand vm4, vm3;
	vm4 =	vmand vm4, vm5;
	v6 =	vmovc v5  }
.LBB2_15:
0x521: {  	p1 =	sne.s32 s7, $0x3E;
	v12 =	vor.u32 v2, v12;
	vm4 =	vmand vm4, vm2;
	s1 =	sadd.s32 $0xFFFFFFF4, s0  }
0x522: {  	v14 =	vor.u32 s8, v4;
	v13 =	vor.u32 s1, v3  }
0x523: {  	v15 =	vmov s1;
	vm5 =	vne.s32 v7, v8;
	vm6 =	vlt.u32 v14, $0x27100  }
0x524: {  	vm7 =	veq.s32 v7, v8;
	v14 =	vor.u32 $0x1, v15;
	vm5 =	vmor vm5, vm1  }
0x525: {  	v8 =	vshll.u32 v9, $0x3;
	vm5 =	vmand vm6, vm5;
	vm6 =	vmand vm6, vm7;
	v7 =	vld.idx.msk [tilespmem:v10+s6+$0x0], $0xffff  }
0x526: {  	v8 =	vor.u32 v2, v8;
	[tilespmem:v12+s3+$0x0] =	vst.idx.add.f32.msk vm3, v11;
	vm3 =	vmand vm6, vm2  }
0x527: {  	s4 =	sadd.s32 $0xFFFFFFFC, s2;
	[tilespmem:v12+s3+$0x0] =	vst.idx.add.f32.msk vm4, v11  }
0x528: {  	v10 =	vmov s4;
	v9 =	vld.idx.msk [tilespmem:v15+s26+$0x0], $0xffff  }
0x529: {  	v12 =	vor.u32 $0x1, v10;
	v11 =	vld.idx.msk [tilespmem:v14+s26+$0x0], $0xffff  }
0x52a: {  	v14 =	vshll.u32 v15, $0x7;
	v13 =	vld.idx.msk [tilespmem:v13+s26+$0x0], $0xffff  }
0x52b: {  	v15 =	vor.u32 s4, v3;
	v14 =	vadd.s32 v5, v14;
	[tilespmem:v8+s3+$0x0] =	vst.idx.add.f32.msk vm5, v7  }
0x52c: {  	v14 =	vor.u32 v2, v14;
	[tilespmem:v8+s3+$0x0] =	vst.idx.add.f32.msk vm3, v7  }
0x52d: {  	v7 =	vld.idx.msk [tilespmem:v10+s26+$0x0], $0xffff  }
0x52e: {  	v8 =	vor.u32 s1, v4;
	v10 =	vshll.u32 v10, $0x7;
	v12 =	vld.idx.msk [tilespmem:v12+s26+$0x0], $0xffff  }
0x52f: {  	vm4 =	vlt.u32 v8, $0x27100;
	vm3 =	vne.s32 v9, v11;
	v8 =	vadd.s32 v6, v10  }
0x530: {  	vm5 =	veq.s32 v9, v11;
	vm3 =	vmor vm3, vm1;
	v8 =	vor.u32 v2, v8;
	v9 =	vld.idx.msk [tilespmem:v15+s26+$0x0], $0xffff  }
0x531: {  	v11 =	vshll.u32 v13, $0x3;
	vm3 =	vmand vm4, vm3;
	vm4 =	vmand vm4, vm5;
	v10 =	vld.idx.msk [tilespmem:v14+s6+$0x0], $0xffff  }
0x532: {  	s1 =	sadd.s32 $0xFFFFFFF6, s0;
	v11 =	vor.u32 v2, v11;
	vm4 =	vmand vm4, vm2  }
0x533: {  	v13 =	vor.u32 s1, v3;
	v14 =	vor.u32 s4, v4  }
0x534: {  	v15 =	vmov s1;
	vm6 =	vlt.u32 v14, $0x27100;
	vm5 =	vne.s32 v7, v12  }
0x535: {  	v14 =	vor.u32 $0x1, v15;
	vm7 =	veq.s32 v7, v12;
	vm5 =	vmor vm5, vm1  }
0x536: {  	vm5 =	vmand vm6, vm5;
	vm6 =	vmand vm6, vm7;
	v7 =	vld.idx.msk [tilespmem:v8+s6+$0x0], $0xffff;
	v8 =	vshll.u32 v9, $0x3  }
0x537: {  	[tilespmem:v11+s3+$0x0] =	vst.idx.add.f32.msk vm3, v10;
	v8 =	vor.u32 v2, v8;
	vm3 =	vmand vm6, vm2  }
0x538: {  	s4 =	sadd.s32 $0xFFFFFFFE, s2;
	[tilespmem:v11+s3+$0x0] =	vst.idx.add.f32.msk vm4, v10  }
0x539: {  	v10 =	vmov s4;
	v9 =	vld.idx.msk [tilespmem:v15+s26+$0x0], $0xffff  }
0x53a: {  	v12 =	vor.u32 $0x1, v10;
	v11 =	vld.idx.msk [tilespmem:v14+s26+$0x0], $0xffff  }
0x53b: {  	v14 =	vshll.u32 v15, $0x7;
	v13 =	vld.idx.msk [tilespmem:v13+s26+$0x0], $0xffff  }
0x53c: {  	v15 =	vor.u32 s4, v3;
	v14 =	vadd.s32 v5, v14;
	[tilespmem:v8+s3+$0x0] =	vst.idx.add.f32.msk vm5, v7  }
0x53d: {  	v14 =	vor.u32 v2, v14;
	[tilespmem:v8+s3+$0x0] =	vst.idx.add.f32.msk vm3, v7  }
0x53e: {  	v7 =	vld.idx.msk [tilespmem:v10+s26+$0x0], $0xffff  }
0x53f: {  	v8 =	vor.u32 s1, v4;
	v10 =	vshll.u32 v10, $0x7;
	v12 =	vld.idx.msk [tilespmem:v12+s26+$0x0], $0xffff  }
0x540: {  	vm4 =	vlt.u32 v8, $0x27100;
	vm3 =	vne.s32 v9, v11;
	v8 =	vadd.s32 v6, v10  }
0x541: {  	vm5 =	veq.s32 v9, v11;
	vm3 =	vmor vm3, vm1;
	v8 =	vor.u32 v2, v8;
	v9 =	vld.idx.msk [tilespmem:v15+s26+$0x0], $0xffff  }
0x542: {  	v11 =	vshll.u32 v13, $0x3;
	vm3 =	vmand vm4, vm3;
	vm4 =	vmand vm4, vm5;
	v10 =	vld.idx.msk [tilespmem:v14+s6+$0x0], $0xffff  }
0x543: {  	s1 =	sadd.s32 $0xFFFFFFF8, s0;
	v11 =	vor.u32 v2, v11;
	vm4 =	vmand vm4, vm2  }
0x544: {  	v13 =	vor.u32 s1, v3;
	v14 =	vor.u32 s4, v4  }
0x545: {  	v15 =	vmov s1;
	vm6 =	vlt.u32 v14, $0x27100;
	vm5 =	vne.s32 v7, v12  }
0x546: {  	v14 =	vor.u32 $0x1, v15;
	vm7 =	veq.s32 v7, v12;
	vm5 =	vmor vm5, vm1  }
0x547: {  	vm5 =	vmand vm6, vm5;
	vm6 =	vmand vm6, vm7;
	v7 =	vld.idx.msk [tilespmem:v8+s6+$0x0], $0xffff;
	v8 =	vshll.u32 v9, $0x3  }
0x548: {  	[tilespmem:v11+s3+$0x0] =	vst.idx.add.f32.msk vm3, v10;
	v8 =	vor.u32 v2, v8;
	vm3 =	vmand vm6, vm2  }
0x549: {  	[tilespmem:v11+s3+$0x0] =	vst.idx.add.f32.msk vm4, v10  }
0x54a: {  	v10 =	vmov s2;
	v9 =	vld.idx.msk [tilespmem:v15+s26+$0x0], $0xffff  }
0x54b: {  	v12 =	vor.u32 $0x1, v10;
	v11 =	vld.idx.msk [tilespmem:v14+s26+$0x0], $0xffff  }
0x54c: {  	v14 =	vshll.u32 v15, $0x7;
	v15 =	vor.u32 s2, v3;
	v13 =	vld.idx.msk [tilespmem:v13+s26+$0x0], $0xffff  }
0x54d: {  	s4 =	sadd.s32 $0xFFFFFFF2, s7;
	v16 =	vshll.u32 v10, $0x7;
	v14 =	vadd.s32 v5, v14;
	[tilespmem:v8+s3+$0x0] =	vst.idx.add.f32.msk vm5, v7  }
0x54e: {  	v18 =	vor.u32 s1, v4;
	v17 =	vmov s4;
	v14 =	vor.u32 v2, v14;
	[tilespmem:v8+s3+$0x0] =	vst.idx.add.f32.msk vm3, v7  }
0x54f: {  	v7 =	vor.u32 s4, v3;
	v8 =	vshll.u32 v17, $0x7;
	vm3 =	vlt.u32 v18, $0x27100;
	v10 =	vld.idx.msk [tilespmem:v10+s26+$0x0], $0xffff  }
0x550: {  	v16 =	vadd.s32 v6, v16;
	v6 =	vmov v5;
	v18 =	vor.u32 $0x1, v17;
	v12 =	vld.idx.msk [tilespmem:v12+s26+$0x0], $0xffff  }
0x551: {  	v16 =	vor.u32 v2, v16;
	v8 =	vadd.s32 v5, v8;
	vm4 =	vne.s32 v9, v11  }
0x552: {  	v8 =	vor.u32 v2, v8;
	vm5 =	veq.s32 v9, v11;
	vm4 =	vmor vm4, vm1;
	v9 =	vld.idx.msk [tilespmem:v15+s26+$0x0], $0xffff  }
0x553: {  	v11 =	vshll.u32 v13, $0x3;
	vm4 =	vmand vm3, vm4;
	vm3 =	vmand vm3, vm5;
	v14 =	vld.idx.msk [tilespmem:v14+s6+$0x0], $0xffff  }
0x554: {  	vm3 =	vmand vm3, vm2;
	v13 =	vld.idx.msk [tilespmem:v7+s26+$0x0], $0xffff;
	v7 =	vor.u32 v2, v11;
	v11 =	vor.u32 s2, v4;
	s2 =	smov.u32 s0;
	s0 =	smov.u32 s7  }
0x555: {  	v15 =	vld.idx.msk [tilespmem:v17+s26+$0x0], $0xffff;
	s8 =	sadd.s32 $0xFFFFFFFA, s2;
	vm5 =	vlt.u32 v11, $0x27100  }
0x556: {  	vm6 =	vne.s32 v10, v12;
	v17 =	vld.idx.msk [tilespmem:v18+s26+$0x0], $0xffff;
	v18 =	vmov s8;
	v19 =	vor.u32 s8, v3  }
0x557: {  	vm7 =	veq.s32 v10, v12;
	vm6 =	vmor vm6, vm1;
	v11 =	vld.idx.msk [tilespmem:v8+s6+$0x0], $0xffff;
	v8 =	vor.u32 $0x1, v18  }
0x558: {  	v9 =	vshll.u32 v9, $0x3;
	vm6 =	vmand vm5, vm6;
	vm5 =	vmand vm5, vm7;
	v16 =	vld.idx.msk [tilespmem:v16+s6+$0x0], $0xffff  }
0x559: {  	v20 =	vor.u32 v2, v9;
	vm5 =	vmand vm5, vm2;
	[tilespmem:v7+s3+$0x0] =	vst.idx.add.f32.msk vm4, v14  }
0x55a: {  	[tilespmem:v7+s3+$0x0] =	vst.idx.add.f32.msk vm3, v14  }
.Ltmp8:
0x55b: {  	v7 =	vld.idx.msk [tilespmem:v18+s26+$0x0], $0xffff;
	(pc) =	sbr.rel @p1 .LBB2_15-.Ltmp8, $4  }
0x55c: {  	v10 =	vshll.u32 v18, $0x7;
	v9 =	vor.u32 s4, v4;
	v8 =	vld.idx.msk [tilespmem:v8+s26+$0x0], $0xffff  }
0x55d: {  	v10 =	vadd.s32 v6, v10;
	vm4 =	vlt.u32 v9, $0x27100;
	vm3 =	vne.s32 v15, v17;
	v9 =	vld.idx.msk [tilespmem:v19+s26+$0x0], $0xffff  }
0x55e: {  	v10 =	vor.u32 v2, v10;
	vm7 =	veq.s32 v15, v17;
	vm3 =	vmor vm3, vm1;
	[tilespmem:v20+s3+$0x0] =	vst.idx.add.f32.msk vm6, v16  }
0x55f: {  	s7 =	sadd.s32 $0x10, s7;
	v12 =	vshll.u32 v13, $0x3;
	vm3 =	vmand vm4, vm3;
	vm4 =	vmand vm4, vm7;
	[tilespmem:v20+s3+$0x0] =	vst.idx.add.f32.msk vm5, v16  }
0x560: {  	v12 =	vor.u32 v2, v12;
	vm4 =	vmand vm4, vm2  }
0x561: {  	s1 =	sadd.s32 $0xFFFFFFF4, s0  }
0x562: {  	v13 =	vmov s1  }
0x563: {  	v14 =	vor.u32 $0x1, v13;
	_ =	sdelay $0x1  }
0x564: {  	v15 =	vor.u32 s1, v3;
	[tilespmem:v12+s3+$0x0] =	vst.idx.add.f32.msk vm3, v11  }
0x565: {  	[tilespmem:v12+s3+$0x0] =	vst.idx.add.f32.msk vm4, v11  }
0x566: {  	v11 =	vld.idx.msk [tilespmem:v13+s26+$0x0], $0xffff  }
0x567: {  	v12 =	vld.idx.msk [tilespmem:v14+s26+$0x0], $0xffff  }
0x568: {  	v13 =	vshll.u32 v13, $0x7  }
0x569: {  	v29 =	vld.idx.msk [tilespmem:v15+s26+$0x0], $0xffff;
	v13 =	vadd.s32 v5, v13  }
0x56a: {  	v13 =	vor.u32 v2, v13;
	_ =	sdelay $0x1  }
0x56b: {  	v30 =	vor.u32 s1, v4;
	vm3 =	vne.s32 v11, v12  }
0x56c: {  	vm15 =	vlt.u32 v30, $0x27100;
	vm5 =	veq.s32 v11, v12;
	vm3 =	vmor vm3, vm1  }
0x56d: {  	v31 =	vshll.u32 v29, $0x3;
	vm4 =	vmand vm15, vm5;
	vm3 =	vmand vm15, vm3  }
0x56e: {  	v11 =	vor.u32 v2, v31;
	v32 =	vld.idx.msk [tilespmem:v13+s6+$0x0], $0xffff;
	vm4 =	vmand vm4, vm2  }
0x56f: {  	s20 =	sadd.s32 $0xFFFFFFF6, s0  }
0x570: {  	v33 =	vmov s20  }
0x571: {  	v34 =	vor.u32 $0x1, v33;
	_ =	sdelay $0x1  }
0x572: {  	v35 =	vor.u32 s20, v3;
	[tilespmem:v11+s3+$0x0] =	vst.idx.add.f32.msk vm3, v32  }
0x573: {  	[tilespmem:v11+s3+$0x0] =	vst.idx.add.f32.msk vm4, v32  }
0x574: {  	v11 =	vld.idx.msk [tilespmem:v33+s26+$0x0], $0xffff  }
0x575: {  	v12 =	vld.idx.msk [tilespmem:v34+s26+$0x0], $0xffff  }
0x576: {  	v13 =	vshll.u32 v33, $0x7  }
0x577: {  	v13 =	vadd.s32 v5, v13;
	v36 =	vld.idx.msk [tilespmem:v35+s26+$0x0], $0xffff  }
0x578: {  	v13 =	vor.u32 v2, v13;
	_ =	sdelay $0x1  }
0x579: {  	v37 =	vor.u32 s20, v4;
	vm3 =	vne.s32 v11, v12  }
0x57a: {  	vm8 =	vlt.u32 v37, $0x27100;
	vm9 =	veq.s32 v11, v12;
	vm3 =	vmor vm3, vm1  }
0x57b: {  	v38 =	vshll.u32 v36, $0x3;
	vm4 =	vmand vm8, vm9;
	vm3 =	vmand vm8, vm3  }
0x57c: {  	v39 =	vld.idx.msk [tilespmem:v13+s6+$0x0], $0xffff;
	v11 =	vor.u32 v2, v38;
	vm4 =	vmand vm4, vm2  }
0x57d: {  	s22 =	sadd.s32 $0xFFFFFFF8, s0  }
0x57e: {  	v40 =	vmov s22  }
0x57f: {  	v41 =	vor.u32 $0x1, v40;
	_ =	sdelay $0x1  }
0x580: {  	v42 =	vor.u32 s22, v3;
	[tilespmem:v11+s3+$0x0] =	vst.idx.add.f32.msk vm3, v39  }
0x581: {  	[tilespmem:v11+s3+$0x0] =	vst.idx.add.f32.msk vm4, v39  }
0x582: {  	v11 =	vld.idx.msk [tilespmem:v40+s26+$0x0], $0xffff  }
0x583: {  	v12 =	vld.idx.msk [tilespmem:v41+s26+$0x0], $0xffff  }
0x584: {  	v13 =	vshll.u32 v40, $0x7  }
0x585: {  	v13 =	vadd.s32 v5, v13;
	v43 =	vld.idx.msk [tilespmem:v42+s26+$0x0], $0xffff  }
0x586: {  	v13 =	vor.u32 v2, v13;
	_ =	sdelay $0x1  }
0x587: {  	v44 =	vor.u32 s22, v4;
	vm3 =	vne.s32 v11, v12  }
0x588: {  	vm10 =	vlt.u32 v44, $0x27100;
	vm11 =	veq.s32 v11, v12;
	vm3 =	vmor vm3, vm1  }
0x589: {  	v45 =	vshll.u32 v43, $0x3;
	vm4 =	vmand vm10, vm11;
	vm3 =	vmand vm10, vm3  }
0x58a: {  	v46 =	vld.idx.msk [tilespmem:v13+s6+$0x0], $0xffff;
	v11 =	vor.u32 v2, v45;
	vm4 =	vmand vm4, vm2  }
0x58b: {  	s23 =	sadd.s32 $0xFFFFFFFA, s0  }
0x58c: {  	v47 =	vmov s23  }
0x58d: {  	v48 =	vor.u32 $0x1, v47  }
0x58e: {  	v10 =	vld.idx.msk [tilespmem:v10+s6+$0x0], $0xffff  }
0x58f: {  	v49 =	vor.u32 s8, v4;
	vm12 =	vne.s32 v7, v8;
	v16 =	vor.u32 s23, v3;
	[tilespmem:v11+s3+$0x0] =	vst.idx.add.f32.msk vm3, v46  }
0x590: {  	vm6 =	veq.s32 v7, v8;
	vm5 =	vmor vm12, vm1;
	vm3 =	vlt.u32 v49, $0x27100;
	[tilespmem:v11+s3+$0x0] =	vst.idx.add.f32.msk vm4, v46  }
0x591: {  	v50 =	vshll.u32 v9, $0x3;
	vm13 =	vmand vm3, vm5;
	vm3 =	vmand vm3, vm6;
	v51 =	vld.idx.msk [tilespmem:v47+s26+$0x0], $0xffff  }
0x592: {  	v53 =	vshll.u32 v47, $0x7;
	v7 =	vor.u32 v2, v50;
	vm3 =	vmand vm3, vm2;
	v52 =	vld.idx.msk [tilespmem:v48+s26+$0x0], $0xffff  }
0x593: {  	v11 =	vadd.s32 v5, v53  }
0x594: {  	s4 =	sadd.s32 $0xFFFFFFFC, s2;
	v55 =	vld.idx.msk [tilespmem:v16+s26+$0x0], $0xffff;
	v11 =	vor.u32 v2, v11  }
0x595: {  	v54 =	vmov s4  }
0x596: {  	v56 =	vor.u32 $0x1, v54  }
0x597: {  	v57 =	vor.u32 s4, v3;
	v58 =	vor.u32 s23, v4;
	[tilespmem:v7+s3+$0x0] =	vst.idx.add.f32.msk vm13, v10;
	vm14 =	vne.s32 v51, v52  }
0x598: {  	vm15 =	veq.s32 v51, v52;
	[tilespmem:v7+s3+$0x0] =	vst.idx.add.f32.msk vm3, v10;
	vm3 =	vlt.u32 v58, $0x27100;
	vm4 =	vmor vm14, vm1  }
0x599: {  	v59 =	vshll.u32 v55, $0x3;
	v60 =	vld.idx.msk [tilespmem:v11+s6+$0x0], $0xffff;
	vm4 =	vmand vm3, vm4;
	vm3 =	vmand vm3, vm15  }
0x59a: {  	v8 =	vor.u32 v2, v59;
	v7 =	vld.idx.msk [tilespmem:v54+s26+$0x0], $0xffff;
	vm3 =	vmand vm3, vm2  }
0x59b: {  	s24 =	sadd.s32 $0xFFFFFFFC, s0;
	v10 =	vld.idx.msk [tilespmem:v56+s26+$0x0], $0xffff  }
0x59c: {  	v62 =	vmov s24;
	v61 =	vshll.u32 v54, $0x7  }
0x59d: {  	v20 =	vor.u32 $0x1, v62;
	v11 =	vadd.s32 v6, v61;
	v63 =	vld.idx.msk [tilespmem:v57+s26+$0x0], $0xffff  }
0x59e: {  	v11 =	vor.u32 v2, v11  }
0x59f: {  	v21 =	vor.u32 s24, v3;
	[tilespmem:v8+s3+$0x0] =	vst.idx.add.f32.msk vm4, v60  }
0x5a0: {  	v22 =	vor.u32 s4, v4;
	vm8 =	vne.s32 v7, v10;
	[tilespmem:v8+s3+$0x0] =	vst.idx.add.f32.msk vm3, v60  }
0x5a1: {  	vm9 =	veq.s32 v7, v10;
	vm4 =	vmor vm8, vm1;
	vm3 =	vlt.u32 v22, $0x27100;
	v23 =	vld.idx.msk [tilespmem:v62+s26+$0x0], $0xffff  }
0x5a2: {  	v24 =	vshll.u32 v63, $0x3;
	vm4 =	vmand vm3, vm4;
	vm3 =	vmand vm3, vm9;
	v9 =	vld.idx.msk [tilespmem:v20+s26+$0x0], $0xffff  }
0x5a3: {  	v26 =	vshll.u32 v62, $0x7;
	v25 =	vld.idx.msk [tilespmem:v11+s6+$0x0], $0xffff;
	v8 =	vor.u32 v2, v24;
	vm3 =	vmand vm3, vm2  }
0x5a4: {  	v11 =	vadd.s32 v5, v26;
	v27 =	vld.idx.msk [tilespmem:v21+s26+$0x0], $0xffff  }
0x5a5: {  	s25 =	sadd.s32 $0xFFFFFFFE, s2;
	v11 =	vor.u32 v2, v11  }
0x5a6: {  	v28 =	vmov s25;
	v30 =	vor.u32 s25, v3  }
0x5a7: {  	v29 =	vor.u32 $0x1, v28;
	v31 =	vor.u32 s24, v4;
	vm10 =	vne.s32 v23, v9  }
0x5a8: {  	vm11 =	vlt.u32 v31, $0x27100;
	vm12 =	veq.s32 v23, v9;
	[tilespmem:v8+s3+$0x0] =	vst.idx.add.f32.msk vm4, v25;
	vm5 =	vmor vm10, vm1  }
0x5a9: {  	v32 =	vshll.u32 v27, $0x3;
	vm4 =	vmand vm11, vm12;
	[tilespmem:v8+s3+$0x0] =	vst.idx.add.f32.msk vm3, v25;
	vm3 =	vmand vm11, vm5  }
0x5aa: {  	v33 =	vld.idx.msk [tilespmem:v11+s6+$0x0], $0xffff;
	v7 =	vor.u32 v2, v32;
	vm4 =	vmand vm4, vm2  }
0x5ab: {  	s28 =	sadd.s32 $0xFFFFFFFE, s0;
	v34 =	vld.idx.msk [tilespmem:v28+s26+$0x0], $0xffff  }
0x5ac: {  	v37 =	vmov s28;
	v35 =	vshll.u32 v28, $0x7;
	v36 =	vld.idx.msk [tilespmem:v29+s26+$0x0], $0xffff  }
0x5ad: {  	v38 =	vor.u32 $0x1, v37;
	v10 =	vadd.s32 v6, v35  }
0x5ae: {  	v10 =	vor.u32 v2, v10;
	v39 =	vld.idx.msk [tilespmem:v30+s26+$0x0], $0xffff  }
0x5af: {  	v40 =	vor.u32 s28, v3;
	[tilespmem:v7+s3+$0x0] =	vst.idx.add.f32.msk vm3, v33  }
0x5b0: {  	[tilespmem:v7+s3+$0x0] =	vst.idx.add.f32.msk vm4, v33  }
0x5b1: {  	v41 =	vor.u32 s25, v4;
	vm3 =	vne.s32 v34, v36;
	v8 =	vld.idx.msk [tilespmem:v37+s26+$0x0], $0xffff  }
0x5b2: {  	v45 =	vshll.u32 v37, $0x7;
	vm13 =	vlt.u32 v41, $0x27100;
	vm3 =	vmor vm3, vm1;
	v42 =	vld.idx.msk [tilespmem:v38+s26+$0x0], $0xffff  }
0x5b3: {  	v43 =	vld.idx.msk [tilespmem:v10+s6+$0x0], $0xffff;
	vm14 =	veq.s32 v34, v36;
	v44 =	vshll.u32 v39, $0x3;
	vm3 =	vmand vm13, vm3  }
0x5b4: {  	v11 =	vadd.s32 v5, v45;
	vm4 =	vmand vm13, vm14;
	v10 =	vor.u32 v2, v44;
	v46 =	vld.idx.msk [tilespmem:v40+s26+$0x0], $0xffff  }
0x5b5: {  	v11 =	vor.u32 v2, v11;
	vm4 =	vmand vm4, vm2  }
0x5b6: {  	v50 =	vor.u32 s28, v4;
	v47 =	vmov s2  }
0x5b7: {  	v49 =	vor.u32 s2, v3;
	v48 =	vor.u32 $0x1, v47;
	vm15 =	vne.s32 v8, v42  }
0x5b8: {  	vm9 =	vlt.u32 v50, $0x27100;
	vm7 =	veq.s32 v8, v42;
	vm5 =	vmor vm15, vm1  }
0x5b9: {  	v51 =	vshll.u32 v46, $0x3;
	[tilespmem:v10+s3+$0x0] =	vst.idx.add.f32.msk vm3, v43;
	vm10 =	vmand vm9, vm7;
	vm3 =	vmand vm9, vm5  }
0x5ba: {  	v52 =	vld.idx.msk [tilespmem:v11+s6+$0x0], $0xffff;
	v7 =	vor.u32 v2, v51;
	vm5 =	vmand vm10, vm2  }
0x5bb: {  	[tilespmem:v10+s3+$0x0] =	vst.idx.add.f32.msk vm4, v43  }
0x5bc: {  	v53 =	vmov s0;
	v9 =	vld.idx.msk [tilespmem:v47+s26+$0x0], $0xffff  }
0x5bd: {  	v55 =	vor.u32 $0x1, v53;
	v54 =	vld.idx.msk [tilespmem:v48+s26+$0x0], $0xffff  }
0x5be: {  	v56 =	vld.idx.msk [tilespmem:v49+s26+$0x0], $0xffff  }
0x5bf: {  	v58 =	vshll.u32 v47, $0x7;
	v57 =	vor.u32 s0, v3;
	[tilespmem:v7+s3+$0x0] =	vst.idx.add.f32.msk vm3, v52  }
0x5c0: {  	v59 =	vadd.s32 v6, v58;
	[tilespmem:v7+s3+$0x0] =	vst.idx.add.f32.msk vm5, v52  }
0x5c1: {  	v61 =	vshll.u32 v53, $0x7;
	v6 =	vor.u32 v2, v59;
	v8 =	vld.idx.msk [tilespmem:v53+s26+$0x0], $0xffff  }
0x5c2: {  	v5 =	vadd.s32 v5, v61;
	v12 =	vld.idx.msk [tilespmem:v55+s26+$0x0], $0xffff  }
0x5c3: {  	v60 =	vor.u32 s2, v4;
	v5 =	vor.u32 v2, v5;
	vm11 =	vne.s32 v9, v54  }
0x5c4: {  	vm3 =	vlt.u32 v60, $0x27100;
	vm12 =	veq.s32 v9, v54;
	vm4 =	vmor vm11, vm1;
	v62 =	vld.idx.msk [tilespmem:v57+s26+$0x0], $0xffff  }
0x5c5: {  	v63 =	vshll.u32 v56, $0x3;
	vm4 =	vmand vm3, vm4;
	vm3 =	vmand vm3, vm12  }
0x5c6: {  	v6 =	vld.idx.msk [tilespmem:v6+s6+$0x0], $0xffff;
	v9 =	vor.u32 v2, v63;
	vm3 =	vmand vm3, vm2  }
0x5c7: {  	v4 =	vor.u32 s0, v4;
	vm13 =	vne.s32 v8, v12  }
0x5c8: {  	vm14 =	vlt.u32 v4, $0x27100;
	vm15 =	veq.s32 v8, v12;
	vm5 =	vmor vm13, vm1  }
0x5c9: {  	v4 =	vshll.u32 v62, $0x3;
	vm6 =	vmand vm14, vm15;
	vm5 =	vmand vm14, vm5  }
0x5ca: {  	v5 =	vld.idx.msk [tilespmem:v5+s6+$0x0], $0xffff;
	v4 =	vor.u32 v2, v4;
	vm6 =	vmand vm6, vm2  }
0x5cb: {  	[tilespmem:v9+s3+$0x0] =	vst.idx.add.f32.msk vm4, v6  }
0x5cc: {  	[tilespmem:v9+s3+$0x0] =	vst.idx.add.f32.msk vm3, v6  }
0x5cd: {  	s0 =	rddreg [dreg:$0xf]  }
0x5ce: {  	s0 =	sadd.s32 @!p0 s5, s0  }
0x5cf: {  	s1 =	rddreg [dreg:$0x1];
	s0 =	sshrl.u32 @!p0 s0, $0x3;
	[tilespmem:v4+s3+$0x0] =	vst.idx.add.f32.msk vm5, v5  }
0x5d0: {  	s4 =	simm.s32 @!p0 $0x1B900;
	s2 =	simm.s32 @!p0 $0x0;
	s1 =	sadd.s32 @!p0 s1, s0;
	[tilespmem:v4+s3+$0x0] =	vst.idx.add.f32.msk vm6, v5  }
0x5d1: {  	[tilespmem:s4], [sflag:$0x5] =	stream.linear.gather @!p0 [hbm4b:s1+s2], $0x40, $0x38;
	[tilespmem:$0x1FD00] =	vst v63  }
0x5d2: {  	s1 =	simm.s32 @!p0 $0x5  }
0x5d3: {  	_ =	swait.ge @!p0 [sflag:s1], $0x40  }
0x5d4: {  	[sflag:s1] =	ssyncset.done @!p0 $0x0;
	s5 =	rddreg [dreg:$0x5]  }
0x5d5: {  	[sflag:s1] =	ssyncadd.s32 @!p0 $0xFFFFFFC0;
	s0 =	sadd.s32 @!p0 s5, s0;
	s5 =	simm.s32 @!p0 $0x1BA00  }
0x5d6: {  	[tilespmem:s5], [sflag:$0x5] =	stream.linear.gather @!p0 [hbm4b:s0+s2], $0x40, $0x38;
	[tilespmem:$0x1FD00] =	vst v63  }
0x5d7: {  	_ =	swait.ge @!p0 [sflag:s1], $0x40  }
0x5d8: {  	s0 =	simm.s32 @!p0 $0x40;
	[sflag:s1] =	ssyncset.done @!p0 $0x0;
	s2 =	rddreg [dreg:$0x3]  }
0x5d9: {  	s29 =	rddreg [dreg:$0x14];
	[sflag:s1] =	ssyncadd.s32 @!p0 $0xFFFFFFC0;
	s1 =	simm.s32 @!p0 $0x15880  }
0x5da: {  	[tilespmem:s1], [sflag:$0x2] =	stream.indirect.gather @!p0 [hbm4b:s2+s0], $0x80, s4, s0, $0xb8;
	[tilespmem:$0x1FD00] =	vst v63  }
0x5db: {  	s9 =	sadd.s32 $0x1, s9;
	s1 =	simm.s32 @!p0 $0x19880;
	s2 =	rddreg [dreg:$0x4]  }
0x5dc: {  	[tilespmem:s1], [sflag:$0x4] =	stream.indirect.gather @!p0 [hbm4b:s2+s0], $0x80, s5, s0, $0xb8;
	[tilespmem:$0x1FD00] =	vst v63  }
0x5dd: {  	s30 =	rddreg [dreg:$0x8];
	s0 =	sshll.u32 s29, $0x4;
	p0 =	sne.s32 s9, $0x28  }
.Ltmp9:
0x5de: {  	s31 =	simm.s32 $0x5;
	s0 =	sadd.s32 s30, s0;
	(pc) =	sbr.rel @p0 .LBB2_4-.Ltmp9, $4  }
0x5df: {  	[hbm4b:s0+s3] =	stream.linear.scatter [tilespmem:s6], [sflag:$0x5], $0x4000, $0x38;
	[tilespmem:$0x1FD00] =	vst v63  }
0x5e0: {  	_ =	swait.ge [sflag:s31], $0x4000  }
0x5e1: {  	[sflag:s31] =	ssyncset.done $0x0  }
0x5e2: {  	[sflag:s31] =	ssyncadd.s32 $0xFFFFC000  }
0x5e3: {  	s0 =	rddreg [dreg:$0x10]  }
0x5e4: {  	s1 =	simm.s32 $0x80;
	s2 =	simm.s32 $0x400;
	s29 =	simm.s32 $0x5  }
0x5e5: {  	[hbm4b:s0+s1] =	stream.strided.scatter [tilespmem:s3], [sflag:$0x5], $0x13880, s2, s1, $0x38;
	[tilespmem:$0x1FD00] =	vst v63  }
0x5e6: {  	_ =	swait.ge [sflag:s29], $0x13880  }
0x5e7: {  	s30 =	rddreg [dreg:$0x12]  }
0x5e8: {  	s31 =	rddreg [dreg:$0x11];
	s2 =	sadd.s32 $0x1, s30  }
0x5e9: {  	p0 =	sne.s32 s2, s31  }
.Ltmp10:
0x5ea: {  	_ = 	snop;
	(pc) =	sbr.rel @p0 .LBB2_1-.Ltmp10, $3  }
0x5eb: {  	_ =	sdelay $0x1  }
0x5ec: {  	[sflag:s29] =	ssyncset.done $0x0  }
0x5ed: {  	[sflag:s29] =	ssyncadd.s32 $0xFFFEC780  }
0x5ee: {  	_ =	sfence.sel $0x180000  }
0x5ef: {  	[bflag:$0x0] =	sbarrier.arrive $0xFFFF  }
0x5f0: {  	_ =	strace $0x90000047  }
0x5f1: {  	s0 =	stileid.u32;
	[bflag:$0x2] =	sbarrier.arrive $0xFFFF  }
0x5f2: {  	p0 =	sne.s32 s0, $0x0;
	s0 =	rddreg [dreg:$0x2]  }
0x5f3: {  	s0 =	sadd.s32 @!p0 $0x100000, s0  }
0x5f4: {  	[sflag:s0] =	ssyncadd.tile.s32 @!p0 $0x1;
	_ =	shalt  }
.Lfunc_end2:
_tile_overlayer_lowered:
.L_overlay_start_2:
0x5f5: {  	(tag) =	ssettag $0x2  }
0x5f6: {  	s0 =	rddreg [dreg:$0x0];
	s2 =	stileid.u32  }
0x5f7: {  	s1 =	rddreg [dreg:$0x1];
	p0 =	sne.s32 s2, $0x0  }
0x5f8: {  	s3 =	rddreg [dreg:$0x2];
	[bflag:$0x3] =	sbarrier.arrive $0xFFFF;
	s2 =	simm.s32 @!p0 $0x1C05  }
0x5f9: {  	[timem:s3], [sflag:s2] =	dma.local @!p0 [hbm:s0], s1  }
0x5fa: {  	s0 =	simm.s32 @!p0 $0x5  }
0x5fb: {  	_ =	swait.ge @!p0 [sflag:s0], s1  }
0x5fc: {  	s1 =	ssub.s32 @!p0 $0x0, s1;
	[sflag:s0] =	ssyncset.done @!p0 $0x0  }
0x5fd: {  	[sflag:s0] =	ssyncadd.s32 @!p0 s1  }
0x5fe: {  	[bflag:$0x3] =	sbarrier.arrive $0xFFFF  }
0x5ff: {  	_ =	shalt  }

// kernel: kernel.9.cloned.1.call-start
scs
__scs_entry_jumppad:
0x0: {  	(pc) =	sbr.rel $0x88, $3  }
0x1: {  	(tag) =	ssettag $0x0;
	lr =	simm.s32 $0x1  }
0x2: {  	[smem:$0x3F98] =	sst lr;
	_ =	strace $0xD0000000  }
0x3: {  	_ = 	snop  }
0x4: {  	_ = 	snop  }
0x5: {  	_ = 	snop  }
0x6: {  	_ = 	snop  }
0x7: {  	_ = 	snop  }
__scs_overlays_trampoline_lowered:
0x8: {  	[smem:$0x3FA7] =	sst s0  }
0x9: {  	[smem:$0x3FA8] =	sst s1  }
0xa: {  	[smem:$0x3FA9] =	sst s2  }
0xb: {  	[smem:$0x3FAA] =	sst s3  }
0xc: {  	[smem:$0x3FAB] =	sst s4  }
0xd: {  	[smem:$0x3FAC] =	sst s5  }
0xe: {  	[smem:$0x3FAD] =	sst s6  }
0xf: {  	[smem:$0x3FAE] =	sst s7  }
0x10: {  	[smem:$0x3FAF] =	sst s8  }
0x11: {  	[smem:$0x3FB0] =	sst s9;
	s0 =	simm.s32 @!p0 $0x0  }
0x12: {  	s1 =	sld [smem:$0x3F96];
	s0 =	simm.s32 @p0 $0x1  }
0x13: {  	[smem:$0x3FB1] =	sst s0;
	s0 =	simm.s32 @!p1 $0x0  }
0x14: {  	s2 =	sld [smem:$0x3F95];
	s0 =	simm.s32 @p1 $0x1  }
0x15: {  	[smem:$0x3FB2] =	sst s0;
	s0 =	simm.s32 @!p2 $0x0  }
0x16: {  	s3 =	sld [smem:$0x3FDB];
	s0 =	simm.s32 @p2 $0x1  }
0x17: {  	s4 =	simm.s32 $0x1BF5;
	[smem:$0x3FB4] =	sst s0  }
0x18: {  	s0 =	sld [smem:$0x3F97];
	_ =	swait.ge [sflag:s4], $0x0  }
0x19: {  	s7 =	sld [smem:$0x3F98]  }
0x1a: {  	s8 =	sadd.s32 $0xFFFFE003, lr  }
0x1b: {  	s9 =	sadd.s32 $0xFFFFFEF7, lr;
	s5 =	simm.s32 $0xFFFFFFFF;
	p2 =	slt.u32 s8, $0xFFFFF086  }
0x1c: {  	p1 =	slt.u32 s9, $0xF7A;
	s5 =	simm.s32 @!p2 $0x0  }
0x1d: {  	s5 =	simm.s32 @p1 $0x1;
	p0 =	seq.s32 s7, s2  }
0x1e: {  	s7 =	smul.u32 @!p0 $0xF7A, s2;
	p2 =	seq.s32 @!p0 s5, $0x0  }
0x1f: {  	s9 =	smul.u32 $0xF7A, s1;
	s8 =	simm.s32 @!p0 $0x1BF5;
	p2 =	por !p2, p0  }
0x20: {  	[sflag:s8] =	ssyncset.s32 @!p0 $0xFFFFF086;
	s6 =	sadd.s32 @!p0 s3, s7;
	s7 =	simm.s32 @!p0 $0x108  }
0x21: {  	s3 =	sadd.s32 s3, s9;
	s6 =	sadd.s32 @!p0 $0x88, s6;
	s7 =	simm.s32 @p2 $0x1082  }
0x22: {  	[simem:s7], [sflag:s8] =	dma.local @!p0 [hbm:s6], $0xF7A  }
0x23: {  	s9 =	sor.u32 $0xD0000000, s2;
	s6 =	simm.s32 $0x108;
	_ =	swait.ge @!p0 [sflag:s8], $0x0  }
0x24: {  	s3 =	sadd.s32 $0x88, s3;
	s6 =	simm.s32 @!p1 $0x1082;
	[sflag:s4] =	ssyncset.s32 $0xFFFFF086  }
0x25: {  	[simem:s6], [sflag:s4] =	dma.local [hbm:s3], $0xF7A  }
0x26: {  	[smem:$0x3F98] =	sst s1;
	(tag) =	ssettag s2;
	_ =	strace s9  }
0x27: {  	s1 =	sld [smem:$0x3FA8]  }
0x28: {  	s2 =	sld [smem:$0x3FA9]  }
0x29: {  	s4 =	sld [smem:$0x3FAB]  }
0x2a: {  	p0 =	seq.s32 s5, $0x0;
	s5 =	sld [smem:$0x3FAC]  }
0x2b: {  	s6 =	sld [smem:$0x3FAD]  }
0x2c: {  	s7 =	sld [smem:$0x3FAE]  }
0x2d: {  	s3 =	simm.s32 $0x108;
	s8 =	sld [smem:$0x3FAF]  }
0x2e: {  	s3 =	simm.s32 @!p0 $0x1082;
	s9 =	sld [smem:$0x3FB0]  }
0x2f: {  	lr =	sadd.s32 s0, s3;
	s0 =	sld [smem:$0x3FA7]  }
0x30: {  	s3 =	sld [smem:$0x3FAA]  }
0x31: {  	[smem:$0x3FB3] =	sst s10  }
0x32: {  	s10 =	sld [smem:$0x3FB1];
	_ =	sdelay $0x3  }
0x33: {  	p0 =	seq.s32 s10, $0x1;
	s10 =	sld [smem:$0x3FB3];
	_ =	sdelay $0x3  }
0x34: {  	[smem:$0x3FB3] =	sst s10  }
0x35: {  	s10 =	sld [smem:$0x3FB2];
	_ =	sdelay $0x3  }
0x36: {  	p1 =	seq.s32 s10, $0x1;
	s10 =	sld [smem:$0x3FB3];
	_ =	sdelay $0x3  }
0x37: {  	[smem:$0x3FB3] =	sst s10  }
0x38: {  	s10 =	sld [smem:$0x3FB4]  }
0x39: {  	_ = 	snop;
	(pc) =	sbr.ind lr, $3  }
0x3a: {  	_ = 	snop  }
0x3b: {  	_ = 	snop  }
0x3c: {  	p2 =	seq.s32 s10, $0x1;
	s10 =	sld [smem:$0x3FB3]  }
0x3d: {  	_ =	shalt  }
0x3e: {  	_ =	shalt  }
0x3f: {  	_ =	shalt  }
0x40: {  	_ =	shalt  }
0x41: {  	_ =	shalt  }
0x42: {  	_ =	shalt  }
0x43: {  	_ =	shalt  }
0x44: {  	_ =	shalt  }
0x45: {  	_ =	shalt  }
0x46: {  	_ =	shalt  }
0x47: {  	_ =	shalt  }
0x48: {  	_ =	shalt  }
0x49: {  	_ =	shalt  }
0x4a: {  	_ =	shalt  }
0x4b: {  	_ =	shalt  }
0x4c: {  	_ =	shalt  }
0x4d: {  	_ =	shalt  }
0x4e: {  	_ =	shalt  }
0x4f: {  	_ =	shalt  }
0x50: {  	_ =	shalt  }
0x51: {  	_ =	shalt  }
0x52: {  	_ =	shalt  }
0x53: {  	_ =	shalt  }
0x54: {  	_ =	shalt  }
0x55: {  	_ =	shalt  }
0x56: {  	_ =	shalt  }
0x57: {  	_ =	shalt  }
0x58: {  	_ =	shalt  }
0x59: {  	_ =	shalt  }
0x5a: {  	_ =	shalt  }
0x5b: {  	_ =	shalt  }
0x5c: {  	_ =	shalt  }
0x5d: {  	_ =	shalt  }
0x5e: {  	_ =	shalt  }
0x5f: {  	_ =	shalt  }
0x60: {  	_ =	shalt  }
0x61: {  	_ =	shalt  }
0x62: {  	_ =	shalt  }
0x63: {  	_ =	shalt  }
0x64: {  	_ =	shalt  }
0x65: {  	_ =	shalt  }
0x66: {  	_ =	shalt  }
0x67: {  	_ =	shalt  }
0x68: {  	_ =	shalt  }
0x69: {  	_ =	shalt  }
0x6a: {  	_ =	shalt  }
0x6b: {  	_ =	shalt  }
0x6c: {  	_ =	shalt  }
0x6d: {  	_ =	shalt  }
0x6e: {  	_ =	shalt  }
0x6f: {  	_ =	shalt  }
0x70: {  	_ =	shalt  }
0x71: {  	_ =	shalt  }
0x72: {  	_ =	shalt  }
0x73: {  	_ =	shalt  }
0x74: {  	_ =	shalt  }
0x75: {  	_ =	shalt  }
0x76: {  	_ =	shalt  }
0x77: {  	_ =	shalt  }
0x78: {  	_ =	shalt  }
0x79: {  	_ =	shalt  }
0x7a: {  	_ =	shalt  }
0x7b: {  	_ =	shalt  }
0x7c: {  	_ =	shalt  }
0x7d: {  	_ =	shalt  }
0x7e: {  	_ =	shalt  }
0x7f: {  	_ =	shalt  }
0x80: {  	_ =	shalt  }
0x81: {  	_ =	shalt  }
0x82: {  	_ =	shalt  }
0x83: {  	_ =	shalt  }
0x84: {  	_ =	shalt  }
0x85: {  	_ =	shalt  }
0x86: {  	_ =	shalt  }
0x87: {  	_ =	shalt  }
.Lfunc_end0:
.L_simem_size_0:
called_computation.1_lowered:
.L_overlay_start_0:
0x88: {  	s2 =	sld [smem:$0x3FD9]  }
0x89: {  	s3 =	sld [smem:$0x3FFE];
	_ =	sdelay $0x1  }
0x8a: {  	s1 =	srdreg.scid  }
0x8b: {  	s0 =	sand.u32 $0x1, s1  }
0x8c: {  	s17 =	sshll.u32 s0, $0xA;
	s2 =	sadd.s32 s3, s2  }
0x8d: {  	s2 =	sadd.s32 s2, s17  }
0x8e: {  	[smem:$0x3FBF] =	sst s2  }
0x8f: {  	_ = 	snop  }
0x90: {  	s2 =	sld [smem:$0x3FD0];
	(tm) =	ssettm $0x1  }
0x91: {  	s18 =	sld [smem:$0x3FFB];
	_ =	sdelay $0x3  }
0x92: {  	_ =	strace s18  }
0x93: {  	s3 =	sld [smem:$0x3FFC];
	_ =	sdelay $0x3  }
0x94: {  	_ =	strace s3  }
0x95: {  	s3 =	sld [smem:$0x3FFD];
	_ =	sdelay $0x3  }
0x96: {  	_ =	strace s3  }
0x97: {  	_ =	strace $0x8FFFFFFF  }
0x98: {  	s19 =	sld [smem:$0x3FDB];
	_ =	sdelay $0x1  }
0x99: {  	s4 =	simm.s32 $_scs_section_size  }
0x9a: {  	s5 =	simm.s32 $_size__tile_overlayer_lowered;
	s6 =	simm.s32 $_tile_overlayer_lowered  }
0x9b: {  	s22 =	simm.s32 $0x1BFF;
	s21 =	sshll.u32 s6, $0x1;
	s3 =	sadd.s32 s4, s19  }
0x9c: {  	s7 =	simm.s32 $0x0;
	s20 =	sshll.u32 s5, $0x1;
	s5 =	sadd.s32 s21, s3  }
0x9d: {  	[timem:s7], [sflag:s22] =	dma.local [hbm:s5], s20  }
0x9e: {  	_ =	swait.ge [sflag:s22], s20  }
0x9f: {  	s4 =	ssub.s32 $0x0, s20;
	[sflag:s22] =	ssyncset.done $0x0  }
0xa0: {  	[sflag:s22] =	ssyncadd.s32 s4;
	_ =	sdelay $0x1  }
0xa1: {  	s23 =	simm.s32 $0x1B8B  }
0xa2: {  	_ =	swait.ge [sflag:s23], $0x1  }
0xa3: {  	[sflag:s23] =	ssyncset.done $0x0  }
0xa4: {  	s25 =	simm.s32 $0x1B8E;
	s24 =	sld [smem:$0x3FFE];
	[sflag:s23] =	ssyncadd.s32 $0xFFFFFFFF  }
0xa5: {  	s26 =	simm.s32 $execute0_lowered;
	[smem:$0x3FD2] =	sst s25  }
0xa6: {  	s5 =	sshll.u32 s26, $0x1;
	_ =	strace $0x80000049;
	[dreg:$0x1] =	wrdreg $0xFFFFFFFF  }
0xa7: {  	s28 =	simm.s32 $_size_execute0_lowered;
	s3 =	sadd.s32 s3, s5;
	[dreg:$0x0] =	wrdreg $0x0  }
0xa8: {  	s5 =	sshll.u32 s28, $0x1;
	[dreg:$0x2] =	wrdreg s3  }
0xa9: {  	[dreg:$0x3] =	wrdreg s5  }
0xaa: {  	[dreg:$0x4] =	wrdreg $0xC0  }
0xab: {  	_ =	task [dreg:s7], $0x5FFFF  }
0xac: {  	[dreg:$0x1] =	wrdreg $0xFFFFFFFF  }
0xad: {  	[dreg:$0x0] =	wrdreg $0x60  }
0xae: {  	[dreg:$0x2] =	wrdreg s24  }
0xaf: {  	[dreg:$0x3] =	wrdreg s2  }
0xb0: {  	[dreg:$0x4] =	wrdreg $0x9  }
0xb1: {  	_ =	task.clear_ibuf [dreg:s7], $0x5FFFF;
	_ =	strace $0x90000049  }
0xb2: {  	s29 =	simm.s32 $0x9;
	_ =	strace $0x8000004B  }
0xb3: {  	_ =	swait.ge [sflag:s29], $0x1  }
0xb4: {  	[sflag:s29] =	ssyncadd.s32 $0xFFFFFFFF  }
0xb5: {  	_ =	strace $0x9000004B  }
0xb6: {  	_ =	sfence  }
0xb7: {  	s30 =	sld [smem:$0x0];
	_ =	sdelay $0x2  }
0xb8: {  	s31 =	sshll.u32 s1, $0xD;
	s1 =	sshrl.u32 s1, $0x2  }
0xb9: {  	s3 =	sand.u32 $0x4000, s31;
	s1 =	sadd.s32 s1, s30  }
0xba: {  	s0 =	sor.u32 s3, s0;
	s1 =	sshll.u32 s1, $0x11  }
0xbb: {  	s0 =	sor.u32 s1, s0  }
0xbc: {  	s0 =	sadd.s32 $0x8F2B, s0  }
0xbd: {  	[sflag:s0] =	ssyncadd.remote.s32 $0x1  }
0xbe: {  	_ =	sfence.sel $0xFFFF  }
0xbf: {  	[dreg:$0x0] =	wrdreg $0xFFFFFFFF;
	(pc) =	sbr.abs _section_cstart, $3  }
0xc0: {  	[dreg:$0x1] =	wrdreg $0xFFFFFFFF  }
0xc1: {  	_ =	task.clear_ibuf [dreg:s7], $0x2FFFF;
	_ =	strace $0x9FFFFFFF  }
0xc2: {  	(tm) =	ssettm $0x7FFFFFFF  }
0xc3: {  	_ =	shalt  }
tec
execute0_lowered:
.L_overlay_start_1:
0x0: {  	(tag) =	ssettag $0x1  }
0x1: {  	s6 =	rddreg [dreg:$0x0]  }
0x2: {  	s1 =	rddreg [dreg:$0x1]  }
0x3: {  	s0 =	rddreg [dreg:$0x2];
	s2 =	simm.s32 $0x0;
	s3 =	srdreg.scid  }
0x4: {  	s11 =	simm.s32 $0x15880;
	s12 =	simm.s32 $0x0;
	[smem:$0x7FF] =	sst s2  }
0x5: {  	s7 =	sand.u32 $0x1, s3;
	s4 =	sadd.s32 $0x1C00, s6;
	s3 =	stileid.u32  }
0x6: {  	s5 =	sadd.s32 $0x29C00, s6;
	s6 =	sadd.s32 $0x2C400, s6;
	s8 =	ssub.s32 $0x2, s7  }
0x7: {  	_ =	strace $0x8000004A;
	s10 =	sshll.u32 s3, $0x1;
	s9 =	sshrl.u32 s8, $0x1  }
0x8: {  	v0 =	vlaneseq.u32;
	s7 =	sor.u32 s7, s10;
	s10 =	simm.s32 $0x17880;
	s8 =	ssub.s32 s8, s9  }
0x9: {  	v1 =	vand.u32 $0x7, v0;
	s7 =	smul.u32 $0x1400, s7;
	s9 =	simm.s32 $0x1;
	s8 =	smax.u32 s8, $0x1  }
.LBB2_1:
0xa: {  	[tilespmem:s2], [sflag:$0x1] =	stream.linear.gather [hbm4b:s5+s2], $0x13880, $0x38;
	[tilespmem:$0x17C80] =	vst v63  }
0xb: {  	_ =	swait.ge [sflag:s9], $0x13880  }
0xc: {  	[sflag:s9] =	ssyncset.done $0x0  }
0xd: {  	s13 =	simm.s32 $0x0;
	[sflag:s9] =	ssyncadd.s32 $0xFFFEC780  }
.LBB2_2:
0xe: {  	s14 =	sshll.u32 s13, $0xA  }
0xf: {  	s14 =	sadd.s32 s7, s14  }
0x10: {  	s15 =	sshrl.u32 s14, $0x3  }
0x11: {  	s16 =	simm.s32 $0x0;
	s15 =	sadd.s32 s1, s15  }
0x12: {  	v2 =	vmov s16;
	v3 =	vor.u32 s16, v0;
	[tilespmem:s10], [sflag:$0x1] =	stream.linear.gather [hbm4b:s15+s16], $0x400, $0x38;
	[tilespmem:$0x17C80] =	vst v63  }
0x13: {  	v3 =	vshrl.u32 v3, $0x3;
	v2 =	vshrl.u32 v2, $0x3;
	_ =	swait.ge [sflag:s9], $0x400  }
0x14: {  	v3 =	vand.u32 $0x7F, v3;
	v2 =	vand.u32 $0x380, v2;
	[sflag:s9] =	ssyncset.done $0x0  }
0x15: {  	s17 =	simm.s32 $0x13880;
	s29 =	sadd.s32 s4, s14;
	v2 =	vor.u32 v2, v3;
	[sflag:s9] =	ssyncadd.s32 $0xFFFFFC00  }
0x16: {  	[tilespmem:s17], [sflag:$0x1] =	stream.linear.gather [hbm4b:s29+s16], $0x2000, $0x38;
	[tilespmem:$0x17C80] =	vst v63  }
0x17: {  	_ =	swait.ge [sflag:s9], $0x2000  }
0x18: {  	[sflag:s9] =	ssyncset.done $0x0  }
0x19: {  	[sflag:s9] =	ssyncadd.s32 $0xFFFFE000  }
0x1a: {  	v2 =	vld.idx.msk [tilespmem:v2+s10+$0x0], $0xffff;
	_ =	sdelay $0x4  }
0x1b: {  	v2 =	vshll.u32 v2, $0x3  }
0x1c: {  	v2 =	vor.u32 v1, v2;
	_ =	sdelay $0x4  }
0x1d: {  	v2 =	vld.idx.msk [tilespmem:v2+s2+$0x0], $0xffff;
	_ =	sdelay $0x4  }
0x1e: {  	(erf) = vrcp.f32 v2;
	_ =	sdelay $0x2  }
0x1f: {  	s30 =	simm.s32 $0x10  }
0x20: {  	v3 =	vor.u32 s30, v0  }
0x21: {  	v3 =	vshrl.u32 v3, $0x3;
	v4 =	vld [tilespmem:s17+$0x0];
	v2 =	vmov s30  }
0x22: {  	v3 =	vand.u32 $0x7F, v3;
	v2 =	vshrl.u32 v2, $0x3  }
0x23: {  	v2 =	vand.u32 $0x380, v2  }
0x24: {  	v2 =	vor.u32 v2, v3  }
0x25: {  	v3 =	vpop (erf)  }
0x26: {  	v3 =	vmul.f32 v3, v4  }
0x27: {  	s15 =	simm.s32 $0x15880  }
0x28: {  	[tilespmem:s15+$0x0] =	vst v3  }
0x29: {  	v2 =	vld.idx.msk [tilespmem:v2+s10+$0x0], $0xffff;
	_ =	sdelay $0x4  }
0x2a: {  	v2 =	vshll.u32 v2, $0x3  }
0x2b: {  	v2 =	vor.u32 v1, v2;
	_ =	sdelay $0x4  }
0x2c: {  	v2 =	vld.idx.msk [tilespmem:v2+s2+$0x0], $0xffff;
	_ =	sdelay $0x4  }
0x2d: {  	(erf) = vrcp.f32 v2;
	_ =	sdelay $0x3  }
0x2e: {  	s31 =	simm.s32 $0x20;
	s16 =	simm.s32 $0x13890  }
0x2f: {  	s17 =	simm.s32 $0x30;
	v4 =	vor.u32 s31, v0;
	v3 =	vmov s31;
	v2 =	vld [tilespmem:s16+$0x0]  }
.LBB2_3:
0x30: {  	p0 =	sne.s32 s17, $0x1FF0;
	v4 =	vshrl.u32 v4, $0x3;
	v3 =	vshrl.u32 v3, $0x3  }
0x31: {  	v5 =	vand.u32 $0x7F, v4;
	v3 =	vand.u32 $0x380, v3  }
0x32: {  	v3 =	vor.u32 v3, v5  }
0x33: {  	v4 =	vpop (erf)  }
0x34: {  	v2 =	vmul.f32 v4, v2  }
0x35: {  	s15 =	sadd.s32 $0x10, s15  }
0x36: {  	[tilespmem:s15+$0x0] =	vst v2  }
0x37: {  	v2 =	vld.idx.msk [tilespmem:v3+s10+$0x0], $0xffff;
	_ =	sdelay $0x5  }
0x38: {  	v2 =	vshll.u32 v2, $0x3  }
0x39: {  	v2 =	vor.u32 v1, v2;
	_ =	sdelay $0x4  }
0x3a: {  	v2 =	vld.idx.msk [tilespmem:v2+s2+$0x0], $0xffff;
	_ =	sdelay $0x5  }
0x3b: {  	(erf) = vrcp.f32 v2  }
.Ltmp0:
0x3c: {  	(pc) =	sbr.rel @p0 .LBB2_3-.Ltmp0, $3  }
0x3d: {  	_ =	sdelay $0x1  }
0x3e: {  	s16 =	sadd.s32 $0x10, s16  }
0x3f: {  	v4 =	vor.u32 s17, v0;
	v3 =	vmov s17;
	s17 =	sadd.s32 $0x10, s17;
	v2 =	vld [tilespmem:s16+$0x0]  }
0x40: {  	v4 =	vshrl.u32 v4, $0x3;
	v3 =	vshrl.u32 v3, $0x3  }
0x41: {  	v4 =	vand.u32 $0x7F, v4;
	v3 =	vand.u32 $0x380, v3  }
0x42: {  	v3 =	vor.u32 v3, v4  }
0x43: {  	v63 =	vpop (erf)  }
0x44: {  	v2 =	vmul.f32 v63, v2  }
0x45: {  	s15 =	sadd.s32 $0x10, s15  }
0x46: {  	[tilespmem:s15+$0x0] =	vst v2  }
0x47: {  	v2 =	vld.idx.msk [tilespmem:v3+s10+$0x0], $0xffff;
	_ =	sdelay $0x4  }
0x48: {  	v2 =	vshll.u32 v2, $0x3  }
0x49: {  	v2 =	vor.u32 v1, v2;
	_ =	sdelay $0x4  }
0x4a: {  	v2 =	vld.idx.msk [tilespmem:v2+s2+$0x0], $0xffff;
	_ =	sdelay $0x4  }
0x4b: {  	(erf) = vrcp.f32 v2;
	_ =	sdelay $0x3  }
0x4c: {  	s16 =	sadd.s32 $0x10, s16  }
0x4d: {  	v2 =	vld [tilespmem:s16+$0x0];
	_ =	sdelay $0x3  }
0x4e: {  	v3 =	vpop (erf)  }
0x4f: {  	s13 =	sadd.s32 $0x1, s13;
	v2 =	vmul.f32 v3, v2  }
0x50: {  	p0 =	sne.s32 s13, $0x5;
	s15 =	sadd.s32 $0x10, s15  }
.Ltmp1:
0x51: {  	s14 =	sadd.s32 s6, s14;
	[tilespmem:s15+$0x0] =	vst v2;
	(pc) =	sbr.rel @p0 .LBB2_2-.Ltmp1, $4  }
0x52: {  	[hbm4b:s14+s2] =	stream.linear.scatter [tilespmem:s11], [sflag:$0x1], $0x2000, $0x38;
	[tilespmem:$0x17C80] =	vst v63  }
0x53: {  	_ =	swait.ge [sflag:s9], $0x2000  }
0x54: {  	[sflag:s9] =	ssyncset.done $0x0  }
0x55: {  	[sflag:s9] =	ssyncadd.s32 $0xFFFFE000  }
0x56: {  	s12 =	sadd.s32 $0x1, s12  }
0x57: {  	p0 =	sne.s32 s12, s8  }
.Ltmp2:
0x58: {  	_ = 	snop;
	(pc) =	sbr.rel @p0 .LBB2_1-.Ltmp2, $1  }
0x59: {  	_ =	sdelay $0x3  }
0x5a: {  	_ =	sfence.sel $0x180000  }
0x5b: {  	[bflag:$0x0] =	sbarrier.arrive $0xFFFF  }
0x5c: {  	p0 =	sne.s32 s3, $0x0;
	_ =	strace $0x9000004A  }
0x5d: {  	s0 =	sadd.s32 @!p0 $0x100000, s0;
	[bflag:$0x2] =	sbarrier.arrive $0xFFFF  }
0x5e: {  	[sflag:s0] =	ssyncadd.tile.s32 @!p0 $0x1;
	_ =	shalt  }
.Lfunc_end2:
_tile_overlayer_lowered:
.L_overlay_start_2:
0x5f: {  	(tag) =	ssettag $0x2  }
0x60: {  	s0 =	rddreg [dreg:$0x0];
	s2 =	stileid.u32  }
0x61: {  	s1 =	rddreg [dreg:$0x1];
	p0 =	sne.s32 s2, $0x0  }
0x62: {  	s3 =	rddreg [dreg:$0x2];
	[bflag:$0x3] =	sbarrier.arrive $0xFFFF;
	s2 =	simm.s32 @!p0 $0x1C01  }
0x63: {  	[timem:s3], [sflag:s2] =	dma.local @!p0 [hbm:s0], s1  }
0x64: {  	s0 =	simm.s32 @!p0 $0x1  }
0x65: {  	_ =	swait.ge @!p0 [sflag:s0], s1  }
0x66: {  	s1 =	ssub.s32 @!p0 $0x0, s1;
	[sflag:s0] =	ssyncset.done @!p0 $0x0  }
0x67: {  	[sflag:s0] =	ssyncadd.s32 @!p0 s1  }
0x68: {  	[bflag:$0x3] =	sbarrier.arrive $0xFFFF  }
0x69: {  	_ =	shalt  }

</sc_bundles>
